<compile_context>
chip_gen: v7x
topology: tpu7x:2x2x1
jax: 0.10.2.dev20260603
libtpu: 0.0.44.dev20260713+nightly
codegen_flags: <defaults>
</compile_context>

<pallas_src>
import jax
import jax.numpy as jnp
from jax import lax
from jax.experimental import pallas as pl
from jax.experimental.pallas import tpu as pltpu
from jax.experimental.pallas import tpu_sc as plsc

N, E, B, D, H1 = 10000, 100000, 8192, 768, 128
NC, NS, L = 2, 16, 16
N_PAD = 10240
NF = 6
F = D // NF
EB = 128
NBT = 50
E_PAD = NS * NBT * EB
RPT = N_PAD // NS
MB = 512

_MESH = plsc.VectorSubcoreMesh(
    core_axis_name="c", subcore_axis_name="s", num_cores=NC, num_subcores=NS)


def _deg_body(dst3d, deg_hbm, dst_v, ones_v, deg_v, hist_sh):
    cid = lax.axis_index("c")
    sid = lax.axis_index("s")
    for i in range(RPT // L):
        ones_v[pl.ds(L * i, L)] = jnp.full((L,), 1.0, jnp.float32)
    pltpu.sync_copy(ones_v, hist_sh.at[pl.ds(sid * RPT, RPT)])
    pltpu.sync_copy(dst3d.at[sid], dst_v)
    plsc.subcore_barrier()

    @pl.loop(0, NBT)
    def _(b):
        pltpu.sync_copy(ones_v.at[pl.ds(0, EB)],
                        hist_sh.at[dst_v.at[b]], add=True)

    plsc.subcore_barrier()
    @pl.when(cid == 0)
    def _():
        pltpu.sync_copy(hist_sh.at[pl.ds(sid * RPT, RPT)], deg_v)
        pltpu.sync_copy(deg_v, deg_hbm.at[pl.ds(sid * RPT, RPT)])


def _sc_degree(dst3d):
    return pl.kernel(
        _deg_body,
        out_type=jax.ShapeDtypeStruct((N_PAD,), jnp.float32),
        mesh=_MESH,
        scratch_types=[
            pltpu.VMEM((NBT, EB), jnp.int32),
            pltpu.VMEM((RPT,), jnp.float32),
            pltpu.VMEM((RPT,), jnp.float32),
            pltpu.VMEM_SHARED((N_PAD,), jnp.float32),
        ],
    )(dst3d)


NGRP = NBT // 2


def _agg_body(xs_hbm, src3d, dst3d, out_hbm,
              src_v, dst_v, bufs, gsems, ssems, chunk):
    cid = lax.axis_index("c")
    sid = lax.axis_index("s")
    pltpu.sync_copy(src3d.at[sid], src_v)
    pltpu.sync_copy(dst3d.at[sid], dst_v)
    for kk in range(NF // NC):
        k = cid * (NF // NC) + kk

        def _gath(i, j):
            return pltpu.async_copy(xs_hbm.at[k].at[src_v.at[i]],
                                    bufs[j], gsems[j])

        def _gath_wait(i, j):
            pltpu.make_async_copy(xs_hbm.at[k].at[src_v.at[i]],
                                  bufs[j], gsems[j]).wait()

        def _scat(i, j):
            return pltpu.async_copy(bufs[j], chunk.at[dst_v.at[i]],
                                    ssems[j], add=True)

        def _scat_wait(i, j):
            pltpu.make_async_copy(bufs[j], chunk.at[dst_v.at[i]],
                                  ssems[j]).wait()

        _gath(0, 0)
        r0 = sid * RPT
        pltpu.sync_copy(xs_hbm.at[k, pl.ds(r0, RPT)],
                        chunk.at[pl.ds(r0, RPT)])
        plsc.subcore_barrier()

        @pl.loop(0, NGRP)
        def _(g):
            for j in range(2):
                i = 2 * g + j
                jn = (j + 1) % 2
                if j == 0:
                    @pl.when(g > 0)
                    def _():
                        _scat_wait(i - 1, jn)
                    _gath(i + 1, jn)
                else:
                    _scat_wait(i - 1, jn)

                    @pl.when(g < NGRP - 1)
                    def _():
                        _gath(i + 1, jn)
                _gath_wait(i, j)
                _scat(i, j)

        _scat_wait(NBT - 1, 1)
        plsc.subcore_barrier()
        pltpu.sync_copy(chunk.at[pl.ds(r0, RPT)],
                        out_hbm.at[k, pl.ds(r0, RPT)])
        plsc.subcore_barrier()


def _sc_aggregate(xs, src3d, dst3d):
    return pl.kernel(
        _agg_body,
        out_type=jax.ShapeDtypeStruct((NF, N_PAD, F), jnp.float32),
        mesh=_MESH,
        scratch_types=[
            pltpu.VMEM((NBT, EB), jnp.int32),
            pltpu.VMEM((NBT, EB), jnp.int32),
            [pltpu.VMEM((EB, F), jnp.float32) for _ in range(2)],
            [pltpu.SemaphoreType.DMA for _ in range(2)],
            [pltpu.SemaphoreType.DMA for _ in range(2)],
            pltpu.VMEM_SHARED((N_PAD, F), jnp.float32),
        ],
    )(xs, src3d, dst3d)


NBP = B // NS // EB


def _agg_link_body(xs_hbm, src3d, dst3d, dinv_hbm, sn3d, tn3d,
                   ss, st, dsv, dtv,
                   src_v, dst_v, bufs, gsems, ssems, idx_v, dval_v, chunk):
    cid = lax.axis_index("c")
    sid = lax.axis_index("s")
    pltpu.sync_copy(src3d.at[sid], src_v)
    pltpu.sync_copy(dst3d.at[sid], dst_v)
    pltpu.sync_copy(sn3d.at[sid], idx_v.at[pl.ds(0, NBP)])
    pltpu.sync_copy(tn3d.at[sid], idx_v.at[pl.ds(NBP, NBP)])

    @pl.when(cid == 0)
    def _():
        for b in range(NBP):
            pltpu.sync_copy(dinv_hbm.at[idx_v.at[b]], dval_v)
            pltpu.sync_copy(dval_v, dsv.at[pl.ds(sid * NBP * EB + b * EB,
                                                 EB)])

    @pl.when(cid == 1)
    def _():
        for b in range(NBP):
            pltpu.sync_copy(dinv_hbm.at[idx_v.at[NBP + b]], dval_v)
            pltpu.sync_copy(dval_v, dtv.at[pl.ds(sid * NBP * EB + b * EB,
                                                 EB)])

    for kk in range(NF // NC):
        k = cid * (NF // NC) + kk

        def _gath(i, j):
            return pltpu.async_copy(xs_hbm.at[k].at[src_v.at[i]],
                                    bufs[j], gsems[j])

        def _gath_wait(i, j):
            pltpu.make_async_copy(xs_hbm.at[k].at[src_v.at[i]],
                                  bufs[j], gsems[j]).wait()

        def _scat(i, j):
            return pltpu.async_copy(bufs[j], chunk.at[dst_v.at[i]],
                                    ssems[j], add=True)

        def _scat_wait(i, j):
            pltpu.make_async_copy(bufs[j], chunk.at[dst_v.at[i]],
                                  ssems[j]).wait()

        _gath(0, 0)
        r0 = sid * RPT
        pltpu.sync_copy(xs_hbm.at[k, pl.ds(r0, RPT)],
                        chunk.at[pl.ds(r0, RPT)])
        plsc.subcore_barrier()

        @pl.loop(0, NGRP)
        def _(g):
            for j in range(2):
                i = 2 * g + j
                jn = (j + 1) % 2
                if j == 0:
                    @pl.when(g > 0)
                    def _():
                        _scat_wait(i - 1, jn)
                    _gath(i + 1, jn)
                else:
                    _scat_wait(i - 1, jn)

                    @pl.when(g < NGRP - 1)
                    def _():
                        _gath(i + 1, jn)
                _gath_wait(i, j)
                _scat(i, j)

        _scat_wait(NBT - 1, 1)
        plsc.subcore_barrier()
        ub = 0
        for a, rows_out in ((0, ss), (1, st)):
            for b in range(NBP):
                jj = ub % 2
                pltpu.sync_copy(chunk.at[idx_v.at[a * NBP + b]], bufs[jj])
                pltpu.sync_copy(
                    bufs[jj],
                    rows_out.at[k, pl.ds(sid * NBP * EB + b * EB, EB)])
                ub += 1
        plsc.subcore_barrier()


def _sc_agg_link(xs, src3d, dst3d, dinv, sn3d, tn3d):
    return pl.kernel(
        _agg_link_body,
        out_type=(
            jax.ShapeDtypeStruct((NF, B, F), jnp.float32),
            jax.ShapeDtypeStruct((NF, B, F), jnp.float32),
            jax.ShapeDtypeStruct((B,), jnp.float32),
            jax.ShapeDtypeStruct((B,), jnp.float32),
        ),
        mesh=_MESH,
        scratch_types=[
            pltpu.VMEM((NBT, EB), jnp.int32),
            pltpu.VMEM((NBT, EB), jnp.int32),
            [pltpu.VMEM((EB, F), jnp.float32) for _ in range(2)],
            [pltpu.SemaphoreType.DMA for _ in range(2)],
            [pltpu.SemaphoreType.DMA for _ in range(2)],
            pltpu.VMEM((2 * NBP, EB), jnp.int32),
            pltpu.VMEM((EB,), jnp.float32),
            pltpu.VMEM_SHARED((N_PAD, F), jnp.float32),
        ],
    )(xs, src3d, dst3d, dinv, sn3d, tn3d)


def _mm_scale_body(x_ref, w_ref, deg_ref, out_ref, dinv_ref):
    dinv = lax.rsqrt(deg_ref[...])
    dinv_ref[...] = dinv
    acc = jnp.dot(x_ref[...], w_ref[...],
                  preferred_element_type=jnp.float32)
    acc = acc * dinv
    for k in range(NF):
        out_ref[k, :, :] = acc[:, k * F:(k + 1) * F]


def _tc_matmul_scale(x_pad, w, deg_col):
    return pl.pallas_call(
        _mm_scale_body,
        grid=(N_PAD // MB,),
        in_specs=[
            pl.BlockSpec((MB, D), lambda m: (m, 0)),
            pl.BlockSpec((D, D), lambda m: (0, 0)),
            pl.BlockSpec((MB, 1), lambda m: (m, 0)),
        ],
        out_specs=[
            pl.BlockSpec((NF, MB, F), lambda m: (0, m, 0)),
            pl.BlockSpec((MB, 1), lambda m: (m, 0)),
        ],
        out_shape=[
            jax.ShapeDtypeStruct((NF, N_PAD, F), jnp.float32),
            jax.ShapeDtypeStruct((N_PAD, 1), jnp.float32),
        ],
    )(x_pad, w, deg_col)


def _layer2_body(s_ref, dinv_ref, b1_ref, w_ref, out_ref):
    s = jnp.concatenate([s_ref[k] for k in range(NF)], axis=1)
    h = jax.nn.relu(dinv_ref[...] * s + b1_ref[...])
    acc = jnp.dot(h.astype(jnp.bfloat16), w_ref[...],
                  preferred_element_type=jnp.float32)
    acc = acc * dinv_ref[...]
    for k in range(NF):
        out_ref[k, :, :] = acc[:, k * F:(k + 1) * F]


def _tc_layer2(s1, dinv_col, b1_row, w2):
    return pl.pallas_call(
        _layer2_body,
        grid=(N_PAD // MB,),
        in_specs=[
            pl.BlockSpec((NF, MB, F), lambda m: (0, m, 0)),
            pl.BlockSpec((MB, 1), lambda m: (m, 0)),
            pl.BlockSpec((1, D), lambda m: (0, 0)),
            pl.BlockSpec((D, D), lambda m: (0, 0)),
        ],
        out_specs=pl.BlockSpec((NF, MB, F), lambda m: (0, m, 0)),
        out_shape=jax.ShapeDtypeStruct((NF, N_PAD, F), jnp.float32),
    )(s1, dinv_col, b1_row, w2)


def _head_body(ss_ref, st_ref, ds_ref, dt_ref, b2_ref, fc1w_ref, fc1b_ref,
               fc2w_ref, fc2b_ref, out_ref):
    sraw = jnp.concatenate([ss_ref[k] for k in range(NF)], axis=1)
    traw = jnp.concatenate([st_ref[k] for k in range(NF)], axis=1)
    hs = ds_ref[...] * sraw + b2_ref[...]
    ht = dt_ref[...] * traw + b2_ref[...]
    z = hs * ht
    t = jax.nn.relu(
        jnp.dot(z.astype(jnp.bfloat16), fc1w_ref[...],
                preferred_element_type=jnp.float32)
        + fc1b_ref[...])
    logits = jnp.sum(t * fc2w_ref[...], axis=1, keepdims=True) + fc2b_ref[...]
    out_ref[...] = jax.nn.sigmoid(logits)


def _tc_head(ss, st, dsv, dtv, b2_row, fc1_w, fc1_b_row, fc2_w_row, fc2_b):
    return pl.pallas_call(
        _head_body,
        grid=(B // MB,),
        in_specs=[
            pl.BlockSpec((NF, MB, F), lambda m: (0, m, 0)),
            pl.BlockSpec((NF, MB, F), lambda m: (0, m, 0)),
            pl.BlockSpec((MB, 1), lambda m: (m, 0)),
            pl.BlockSpec((MB, 1), lambda m: (m, 0)),
            pl.BlockSpec((1, D), lambda m: (0, 0)),
            pl.BlockSpec((D, H1), lambda m: (0, 0)),
            pl.BlockSpec((1, H1), lambda m: (0, 0)),
            pl.BlockSpec((1, H1), lambda m: (0, 0)),
            pl.BlockSpec((1, 1), lambda m: (0, 0)),
        ],
        out_specs=pl.BlockSpec((MB, 1), lambda m: (m, 0)),
        out_shape=jax.ShapeDtypeStruct((B, 1), jnp.float32),
    )(ss, st, dsv, dtv, b2_row, fc1_w, fc1_b_row, fc2_w_row, fc2_b)


def kernel(x, edge_index, source_node, target_node,
           W1, b1, W2, b2, fc1_w, fc1_b, fc2_w, fc2_b):
    x_pad = jnp.pad(x, ((0, N_PAD - N), (0, 0))).astype(jnp.bfloat16)
    W1 = W1.astype(jnp.bfloat16)
    W2 = W2.astype(jnp.bfloat16)
    fc1_w = fc1_w.astype(jnp.bfloat16)
    ept = E // NS
    pad_t = NBT * EB - ept
    fill = (N + (jnp.arange(NS * pad_t, dtype=jnp.int32) % (N_PAD - N))
            ).reshape(NS, pad_t)

    def _edges3d(v):
        return jnp.concatenate(
            [v.reshape(NS, ept), fill], axis=1).reshape(NS, NBT, EB)

    src3d = _edges3d(edge_index[0])
    dst3d = _edges3d(edge_index[1])
    sn3d = source_node.reshape(NS, NBP, EB)
    tn3d = target_node.reshape(NS, NBP, EB)

    deg = _sc_degree(dst3d)
    xs1, dinv_col = _tc_matmul_scale(x_pad, W1, deg.reshape(N_PAD, 1))
    dinv = dinv_col.reshape(N_PAD)
    s1 = _sc_aggregate(xs1, src3d, dst3d)
    xs2 = _tc_layer2(s1, dinv_col, b1.reshape(1, D), W2)
    ss, st, dsv, dtv = _sc_agg_link(xs2, src3d, dst3d, dinv, sn3d, tn3d)
    out = _tc_head(ss, st, dsv.reshape(B, 1), dtv.reshape(B, 1),
                   b2.reshape(1, D), fc1_w, fc1_b.reshape(1, H1),
                   fc2_w.reshape(1, H1), fc2_b.reshape(1, 1))
    return out.reshape(B)

# --- scband reference (transcript-rebuilt; emitter-appended) ---
"""Pipeline reference for scband-model-64914135712234 (READ-ONLY COPY).

The authoritative reference and input builder live on the scoring server;
editing this copy changes nothing except your own understanding.
"""

import jax, jax.numpy as jnp
import numpy as np

N, E, B, D, H1, = 10000, 100000, 8192, 768, 128

def setup_inputs(seed: int = 0) -> dict:
    key = jax.random.key(seed)
    ks = jax.random.split(key, 12)
    x = jax.random.normal(ks[0], (N, D), dtype=jnp.float32)
    edge_index = jax.random.randint(ks[1], (2, E), 0, N, dtype=jnp.int32)
    source_node = jax.random.randint(ks[2], (B,), 0, N, dtype=jnp.int32)
    target_node = jax.random.randint(ks[3], (B,), 0, N, dtype=jnp.int32)
    W1 = 0.02 * jax.random.normal(ks[4], (D, D), dtype=jnp.float32)
    b1 = jnp.zeros((D,), dtype=jnp.float32)
    W2 = 0.02 * jax.random.normal(ks[5], (D, D), dtype=jnp.float32)
    b2 = jnp.zeros((D,), dtype=jnp.float32)
    fc1_w = 0.02 * jax.random.normal(ks[6], (D, H1), dtype=jnp.float32)
    fc1_b = jnp.zeros((H1,), dtype=jnp.float32)
    fc2_w = 0.02 * jax.random.normal(ks[7], (H1, 1), dtype=jnp.float32)
    fc2_b = jnp.zeros((1,), dtype=jnp.float32)
    return {"x": x, "edge_index": edge_index, "source_node": source_node, "target_node": target_node,
            "W1": W1, "b1": b1, "W2": W2, "b2": b2,
            "fc1_w": fc1_w, "fc1_b": fc1_b, "fc2_w": fc2_w, "fc2_b": fc2_b}

def _gcn_conv(x, edge_index, W, b):
    # PyG GCNConv default: add self-loops, symmetric normalization D^-1/2 (A+I) D^-1/2, linear, bias after aggregation
    n = x.shape[0]
    loop = jnp.arange(n, dtype=edge_index.dtype)
    src = jnp.concatenate([edge_index[0], loop])
    dst = jnp.concatenate([edge_index[1], loop])
    deg = jax.ops.segment_sum(jnp.ones_like(src, dtype=x.dtype), dst, num_segments=n)
    dinv = jnp.where(deg > 0, deg ** -0.5, 0.0)
    norm = dinv[src] * dinv[dst]
    xw = x @ W
    msgs = xw[src] * norm[:, None]
    out = jax.ops.segment_sum(msgs, dst, num_segments=n)
    return out + b

def reference(x, edge_index, source_node, target_node, W1, b1, W2, b2, fc1_w, fc1_b, fc2_w, fc2_b):
    # graph_features (eval mode: dropout is identity)
    h = _gcn_conv(x, edge_index, W1, b1)
    h = jax.nn.relu(h)
    h = _gcn_conv(h, edge_index, W2, b2)
    # link_prediction
    source_h = h[source_node]
    target_h = h[target_node]
    z = source_h * target_h
    z = jax.nn.relu(z @ fc1_w + fc1_b)
    z = z @ fc2_w + fc2_b
    return jax.nn.sigmoid(z.reshape(-1))

if __name__ == "__main__":
    import jax
    _d = setup_inputs()
    print(jax.jit(kernel)(*tuple(_d.values())))

</pallas_src>

<mosaic_0001>
#map = affine_map<(d0, d1) -> (0, 0, 0)>
#map1 = affine_map<(d0, d1) -> (0)>
module attributes {stable_mosaic.version = 14 : i64} {
  func.func @_deg_body(%arg0: i32, %arg1: i32, %arg2: memref<16x50x128xi32, #tpu.memory_space<hbm>>, %arg3: memref<10240xf32, #tpu.memory_space<hbm>>, %arg4: memref<50x128xi32, #tpu.memory_space<vmem>>, %arg5: memref<640xf32, #tpu.memory_space<vmem>>, %arg6: memref<640xf32, #tpu.memory_space<vmem>>, %arg7: memref<10240xf32, #tpu.memory_space<vmem_shared>>) attributes {dimension_semantics = [#tpu.dimension_semantics<core_parallel>, #tpu.dimension_semantics<subcore_parallel>], iteration_bounds = array<i64: 2, 16>, scalar_prefetch = 0 : i64, scratch_operands = 4 : i64, tpu.core_type = #tpu.core_type<sc_vector_subcore>, window_params = [{transform_indices = #map}, {transform_indices = #map1}]} {
    %broadcast_in_dim3A = arith.constant 1.000000e+00 : f32
    %broadcast_in_dim3A_0 = vector.broadcast %broadcast_in_dim3A : f32 to vector<16xf32>
    %swap3A = arith.constant 0 : index
    %swap3A_1 = tpu.vector_load %arg5[%swap3A] {strides = array<i32>} : memref<640xf32, #tpu.memory_space<vmem>>, vector<16xf32>,
    %swap3A_2 = vector.shape_cast %swap3A_1 : vector<16xf32> to vector<16xf32>
    %swap3A_3 = vector.shape_cast %broadcast_in_dim3A_0 : vector<16xf32> to vector<16xf32>
    tpu.vector_store %arg5[%swap3A], %swap3A_3 {strides = array<i32>} : memref<640xf32, #tpu.memory_space<vmem>>, vector<16xf32>,
    %broadcast_in_dim3A_4 = arith.constant 1.000000e+00 : f32
    %broadcast_in_dim3A_5 = vector.broadcast %broadcast_in_dim3A_4 : f32 to vector<16xf32>
    %swap3A_6 = arith.constant 16 : index
    %swap3A_7 = tpu.vector_load %arg5[%swap3A_6] {strides = array<i32>} : memref<640xf32, #tpu.memory_space<vmem>>, vector<16xf32>,
    %swap3A_8 = vector.shape_cast %swap3A_7 : vector<16xf32> to vector<16xf32>
    %swap3A_9 = vector.shape_cast %broadcast_in_dim3A_5 : vector<16xf32> to vector<16xf32>
    tpu.vector_store %arg5[%swap3A_6], %swap3A_9 {strides = array<i32>} : memref<640xf32, #tpu.memory_space<vmem>>, vector<16xf32>,
    %broadcast_in_dim3A_10 = arith.constant 1.000000e+00 : f32
    %broadcast_in_dim3A_11 = vector.broadcast %broadcast_in_dim3A_10 : f32 to vector<16xf32>
    %swap3A_12 = arith.constant 32 : index
    %swap3A_13 = tpu.vector_load %arg5[%swap3A_12] {strides = array<i32>} : memref<640xf32, #tpu.memory_space<vmem>>, vector<16xf32>,
    %swap3A_14 = vector.shape_cast %swap3A_13 : vector<16xf32> to vector<16xf32>
    %swap3A_15 = vector.shape_cast %broadcast_in_dim3A_11 : vector<16xf32> to vector<16xf32>
    tpu.vector_store %arg5[%swap3A_12], %swap3A_15 {strides = array<i32>} : memref<640xf32, #tpu.memory_space<vmem>>, vector<16xf32>,
    %broadcast_in_dim3A_16 = arith.constant 1.000000e+00 : f32
    %broadcast_in_dim3A_17 = vector.broadcast %broadcast_in_dim3A_16 : f32 to vector<16xf32>
    %swap3A_18 = arith.constant 48 : index
    %swap3A_19 = tpu.vector_load %arg5[%swap3A_18] {strides = array<i32>} : memref<640xf32, #tpu.memory_space<vmem>>, vector<16xf32>,
    %swap3A_20 = vector.shape_cast %swap3A_19 : vector<16xf32> to vector<16xf32>
    %swap3A_21 = vector.shape_cast %broadcast_in_dim3A_17 : vector<16xf32> to vector<16xf32>
    tpu.vector_store %arg5[%swap3A_18], %swap3A_21 {strides = array<i32>} : memref<640xf32, #tpu.memory_space<vmem>>, vector<16xf32>,
    %broadcast_in_dim3A_22 = arith.constant 1.000000e+00 : f32
    %broadcast_in_dim3A_23 = vector.broadcast %broadcast_in_dim3A_22 : f32 to vector<16xf32>
    %swap3A_24 = arith.constant 64 : index
    %swap3A_25 = tpu.vector_load %arg5[%swap3A_24] {strides = array<i32>} : memref<640xf32, #tpu.memory_space<vmem>>, vector<16xf32>,
    %swap3A_26 = vector.shape_cast %swap3A_25 : vector<16xf32> to vector<16xf32>
    %swap3A_27 = vector.shape_cast %broadcast_in_dim3A_23 : vector<16xf32> to vector<16xf32>
    tpu.vector_store %arg5[%swap3A_24], %swap3A_27 {strides = array<i32>} : memref<640xf32, #tpu.memory_space<vmem>>, vector<16xf32>,
    %broadcast_in_dim3A_28 = arith.constant 1.000000e+00 : f32
    %broadcast_in_dim3A_29 = vector.broadcast %broadcast_in_dim3A_28 : f32 to vector<16xf32>
    %swap3A_30 = arith.constant 80 : index
    %swap3A_31 = tpu.vector_load %arg5[%swap3A_30] {strides = array<i32>} : memref<640xf32, #tpu.memory_space<vmem>>, vector<16xf32>,
    %swap3A_32 = vector.shape_cast %swap3A_31 : vector<16xf32> to vector<16xf32>
    %swap3A_33 = vector.shape_cast %broadcast_in_dim3A_29 : vector<16xf32> to vector<16xf32>
    tpu.vector_store %arg5[%swap3A_30], %swap3A_33 {strides = array<i32>} : memref<640xf32, #tpu.memory_space<vmem>>, vector<16xf32>,
    %broadcast_in_dim3A_34 = arith.constant 1.000000e+00 : f32
    %broadcast_in_dim3A_35 = vector.broadcast %broadcast_in_dim3A_34 : f32 to vector<16xf32>
    %swap3A_36 = arith.constant 96 : index
    %swap3A_37 = tpu.vector_load %arg5[%swap3A_36] {strides = array<i32>} : memref<640xf32, #tpu.memory_space<vmem>>, vector<16xf32>,
    %swap3A_38 = vector.shape_cast %swap3A_37 : vector<16xf32> to vector<16xf32>
    %swap3A_39 = vector.shape_cast %broadcast_in_dim3A_35 : vector<16xf32> to vector<16xf32>
    tpu.vector_store %arg5[%swap3A_36], %swap3A_39 {strides = array<i32>} : memref<640xf32, #tpu.memory_space<vmem>>, vector<16xf32>,
    %broadcast_in_dim3A_40 = arith.constant 1.000000e+00 : f32
    %broadcast_in_dim3A_41 = vector.broadcast %broadcast_in_dim3A_40 : f32 to vector<16xf32>
    %swap3A_42 = arith.constant 112 : index
    %swap3A_43 = tpu.vector_load %arg5[%swap3A_42] {strides = array<i32>} : memref<640xf32, #tpu.memory_space<vmem>>, vector<16xf32>,
    %swap3A_44 = vector.shape_cast %swap3A_43 : vector<16xf32> to vector<16xf32>
    %swap3A_45 = vector.shape_cast %broadcast_in_dim3A_41 : vector<16xf32> to vector<16xf32>
    tpu.vector_store %arg5[%swap3A_42], %swap3A_45 {strides = array<i32>} : memref<640xf32, #tpu.memory_space<vmem>>, vector<16xf32>,
    %broadcast_in_dim3A_46 = arith.constant 1.000000e+00 : f32
    %broadcast_in_dim3A_47 = vector.broadcast %broadcast_in_dim3A_46 : f32 to vector<16xf32>
    %swap3A_48 = arith.constant 128 : index
    %swap3A_49 = tpu.vector_load %arg5[%swap3A_48] {strides = array<i32>} : memref<640xf32, #tpu.memory_space<vmem>>, vector<16xf32>,
    %swap3A_50 = vector.shape_cast %swap3A_49 : vector<16xf32> to vector<16xf32>
    %swap3A_51 = vector.shape_cast %broadcast_in_dim3A_47 : vector<16xf32> to vector<16xf32>
    tpu.vector_store %arg5[%swap3A_48], %swap3A_51 {strides = array<i32>} : memref<640xf32, #tpu.memory_space<vmem>>, vector<16xf32>,
    %broadcast_in_dim3A_52 = arith.constant 1.000000e+00 : f32
    %broadcast_in_dim3A_53 = vector.broadcast %broadcast_in_dim3A_52 : f32 to vector<16xf32>
    %swap3A_54 = arith.constant 144 : index
    %swap3A_55 = tpu.vector_load %arg5[%swap3A_54] {strides = array<i32>} : memref<640xf32, #tpu.memory_space<vmem>>, vector<16xf32>,
    %swap3A_56 = vector.shape_cast %swap3A_55 : vector<16xf32> to vector<16xf32>
    %swap3A_57 = vector.shape_cast %broadcast_in_dim3A_53 : vector<16xf32> to vector<16xf32>
    tpu.vector_store %arg5[%swap3A_54], %swap3A_57 {strides = array<i32>} : memref<640xf32, #tpu.memory_space<vmem>>, vector<16xf32>,
    %broadcast_in_dim3A_58 = arith.constant 1.000000e+00 : f32
    %broadcast_in_dim3A_59 = vector.broadcast %broadcast_in_dim3A_58 : f32 to vector<16xf32>
    %swap3A_60 = arith.constant 160 : index
    %swap3A_61 = tpu.vector_load %arg5[%swap3A_60] {strides = array<i32>} : memref<640xf32, #tpu.memory_space<vmem>>, vector<16xf32>,
    %swap3A_62 = vector.shape_cast %swap3A_61 : vector<16xf32> to vector<16xf32>
    %swap3A_63 = vector.shape_cast %broadcast_in_dim3A_59 : vector<16xf32> to vector<16xf32>
    tpu.vector_store %arg5[%swap3A_60], %swap3A_63 {strides = array<i32>} : memref<640xf32, #tpu.memory_space<vmem>>, vector<16xf32>,
    %broadcast_in_dim3A_64 = arith.constant 1.000000e+00 : f32
    %broadcast_in_dim3A_65 = vector.broadcast %broadcast_in_dim3A_64 : f32 to vector<16xf32>
    %swap3A_66 = arith.constant 176 : index
    %swap3A_67 = tpu.vector_load %arg5[%swap3A_66] {strides = array<i32>} : memref<640xf32, #tpu.memory_space<vmem>>, vector<16xf32>,
    %swap3A_68 = vector.shape_cast %swap3A_67 : vector<16xf32> to vector<16xf32>
    %swap3A_69 = vector.shape_cast %broadcast_in_dim3A_65 : vector<16xf32> to vector<16xf32>
    tpu.vector_store %arg5[%swap3A_66], %swap3A_69 {strides = array<i32>} : memref<640xf32, #tpu.memory_space<vmem>>, vector<16xf32>,
    %broadcast_in_dim3A_70 = arith.constant 1.000000e+00 : f32
    %broadcast_in_dim3A_71 = vector.broadcast %broadcast_in_dim3A_70 : f32 to vector<16xf32>
    %swap3A_72 = arith.constant 192 : index
    %swap3A_73 = tpu.vector_load %arg5[%swap3A_72] {strides = array<i32>} : memref<640xf32, #tpu.memory_space<vmem>>, vector<16xf32>,
    %swap3A_74 = vector.shape_cast %swap3A_73 : vector<16xf32> to vector<16xf32>
    %swap3A_75 = vector.shape_cast %broadcast_in_dim3A_71 : vector<16xf32> to vector<16xf32>
    tpu.vector_store %arg5[%swap3A_72], %swap3A_75 {strides = array<i32>} : memref<640xf32, #tpu.memory_space<vmem>>, vector<16xf32>,
    %broadcast_in_dim3A_76 = arith.constant 1.000000e+00 : f32
    %broadcast_in_dim3A_77 = vector.broadcast %broadcast_in_dim3A_76 : f32 to vector<16xf32>
    %swap3A_78 = arith.constant 208 : index
    %swap3A_79 = tpu.vector_load %arg5[%swap3A_78] {strides = array<i32>} : memref<640xf32, #tpu.memory_space<vmem>>, vector<16xf32>,
    %swap3A_80 = vector.shape_cast %swap3A_79 : vector<16xf32> to vector<16xf32>
    %swap3A_81 = vector.shape_cast %broadcast_in_dim3A_77 : vector<16xf32> to vector<16xf32>
    tpu.vector_store %arg5[%swap3A_78], %swap3A_81 {strides = array<i32>} : memref<640xf32, #tpu.memory_space<vmem>>, vector<16xf32>,
    %broadcast_in_dim3A_82 = arith.constant 1.000000e+00 : f32
    %broadcast_in_dim3A_83 = vector.broadcast %broadcast_in_dim3A_82 : f32 to vector<16xf32>
    %swap3A_84 = arith.constant 224 : index
    %swap3A_85 = tpu.vector_load %arg5[%swap3A_84] {strides = array<i32>} : memref<640xf32, #tpu.memory_space<vmem>>, vector<16xf32>,
    %swap3A_86 = vector.shape_cast %swap3A_85 : vector<16xf32> to vector<16xf32>
    %swap3A_87 = vector.shape_cast %broadcast_in_dim3A_83 : vector<16xf32> to vector<16xf32>
    tpu.vector_store %arg5[%swap3A_84], %swap3A_87 {strides = array<i32>} : memref<640xf32, #tpu.memory_space<vmem>>, vector<16xf32>,
    %broadcast_in_dim3A_88 = arith.constant 1.000000e+00 : f32
    %broadcast_in_dim3A_89 = vector.broadcast %broadcast_in_dim3A_88 : f32 to vector<16xf32>
    %swap3A_90 = arith.constant 240 : index
    %swap3A_91 = tpu.vector_load %arg5[%swap3A_90] {strides = array<i32>} : memref<640xf32, #tpu.memory_space<vmem>>, vector<16xf32>,
    %swap3A_92 = vector.shape_cast %swap3A_91 : vector<16xf32> to vector<16xf32>
    %swap3A_93 = vector.shape_cast %broadcast_in_dim3A_89 : vector<16xf32> to vector<16xf32>
    tpu.vector_store %arg5[%swap3A_90], %swap3A_93 {strides = array<i32>} : memref<640xf32, #tpu.memory_space<vmem>>, vector<16xf32>,
    %broadcast_in_dim3A_94 = arith.constant 1.000000e+00 : f32
    %broadcast_in_dim3A_95 = vector.broadcast %broadcast_in_dim3A_94 : f32 to vector<16xf32>
    %swap3A_96 = arith.constant 256 : index
    %swap3A_97 = tpu.vector_load %arg5[%swap3A_96] {strides = array<i32>} : memref<640xf32, #tpu.memory_space<vmem>>, vector<16xf32>,
    %swap3A_98 = vector.shape_cast %swap3A_97 : vector<16xf32> to vector<16xf32>
    %swap3A_99 = vector.shape_cast %broadcast_in_dim3A_95 : vector<16xf32> to vector<16xf32>
    tpu.vector_store %arg5[%swap3A_96], %swap3A_99 {strides = array<i32>} : memref<640xf32, #tpu.memory_space<vmem>>, vector<16xf32>,
    %broadcast_in_dim3A_100 = arith.constant 1.000000e+00 : f32
    %broadcast_in_dim3A_101 = vector.broadcast %broadcast_in_dim3A_100 : f32 to vector<16xf32>
    %swap3A_102 = arith.constant 272 : index
    %swap3A_103 = tpu.vector_load %arg5[%swap3A_102] {strides = array<i32>} : memref<640xf32, #tpu.memory_space<vmem>>, vector<16xf32>,
    %swap3A_104 = vector.shape_cast %swap3A_103 : vector<16xf32> to vector<16xf32>
    %swap3A_105 = vector.shape_cast %broadcast_in_dim3A_101 : vector<16xf32> to vector<16xf32>
    tpu.vector_store %arg5[%swap3A_102], %swap3A_105 {strides = array<i32>} : memref<640xf32, #tpu.memory_space<vmem>>, vector<16xf32>,
    %broadcast_in_dim3A_106 = arith.constant 1.000000e+00 : f32
    %broadcast_in_dim3A_107 = vector.broadcast %broadcast_in_dim3A_106 : f32 to vector<16xf32>
    %swap3A_108 = arith.constant 288 : index
    %swap3A_109 = tpu.vector_load %arg5[%swap3A_108] {strides = array<i32>} : memref<640xf32, #tpu.memory_space<vmem>>, vector<16xf32>,
    %swap3A_110 = vector.shape_cast %swap3A_109 : vector<16xf32> to vector<16xf32>
    %swap3A_111 = vector.shape_cast %broadcast_in_dim3A_107 : vector<16xf32> to vector<16xf32>
    tpu.vector_store %arg5[%swap3A_108], %swap3A_111 {strides = array<i32>} : memref<640xf32, #tpu.memory_space<vmem>>, vector<16xf32>,
    %broadcast_in_dim3A_112 = arith.constant 1.000000e+00 : f32
    %broadcast_in_dim3A_113 = vector.broadcast %broadcast_in_dim3A_112 : f32 to vector<16xf32>
    %swap3A_114 = arith.constant 304 : index
    %swap3A_115 = tpu.vector_load %arg5[%swap3A_114] {strides = array<i32>} : memref<640xf32, #tpu.memory_space<vmem>>, vector<16xf32>,
    %swap3A_116 = vector.shape_cast %swap3A_115 : vector<16xf32> to vector<16xf32>
    %swap3A_117 = vector.shape_cast %broadcast_in_dim3A_113 : vector<16xf32> to vector<16xf32>
    tpu.vector_store %arg5[%swap3A_114], %swap3A_117 {strides = array<i32>} : memref<640xf32, #tpu.memory_space<vmem>>, vector<16xf32>,
    %broadcast_in_dim3A_118 = arith.constant 1.000000e+00 : f32
    %broadcast_in_dim3A_119 = vector.broadcast %broadcast_in_dim3A_118 : f32 to vector<16xf32>
    %swap3A_120 = arith.constant 320 : index
    %swap3A_121 = tpu.vector_load %arg5[%swap3A_120] {strides = array<i32>} : memref<640xf32, #tpu.memory_space<vmem>>, vector<16xf32>,
    %swap3A_122 = vector.shape_cast %swap3A_121 : vector<16xf32> to vector<16xf32>
    %swap3A_123 = vector.shape_cast %broadcast_in_dim3A_119 : vector<16xf32> to vector<16xf32>
    tpu.vector_store %arg5[%swap3A_120], %swap3A_123 {strides = array<i32>} : memref<640xf32, #tpu.memory_space<vmem>>, vector<16xf32>,
    %broadcast_in_dim3A_124 = arith.constant 1.000000e+00 : f32
    %broadcast_in_dim3A_125 = vector.broadcast %broadcast_in_dim3A_124 : f32 to vector<16xf32>
    %swap3A_126 = arith.constant 336 : index
    %swap3A_127 = tpu.vector_load %arg5[%swap3A_126] {strides = array<i32>} : memref<640xf32, #tpu.memory_space<vmem>>, vector<16xf32>,
    %swap3A_128 = vector.shape_cast %swap3A_127 : vector<16xf32> to vector<16xf32>
    %swap3A_129 = vector.shape_cast %broadcast_in_dim3A_125 : vector<16xf32> to vector<16xf32>
    tpu.vector_store %arg5[%swap3A_126], %swap3A_129 {strides = array<i32>} : memref<640xf32, #tpu.memory_space<vmem>>, vector<16xf32>,
    %broadcast_in_dim3A_130 = arith.constant 1.000000e+00 : f32
    %broadcast_in_dim3A_131 = vector.broadcast %broadcast_in_dim3A_130 : f32 to vector<16xf32>
    %swap3A_132 = arith.constant 352 : index
    %swap3A_133 = tpu.vector_load %arg5[%swap3A_132] {strides = array<i32>} : memref<640xf32, #tpu.memory_space<vmem>>, vector<16xf32>,
    %swap3A_134 = vector.shape_cast %swap3A_133 : vector<16xf32> to vector<16xf32>
    %swap3A_135 = vector.shape_cast %broadcast_in_dim3A_131 : vector<16xf32> to vector<16xf32>
    tpu.vector_store %arg5[%swap3A_132], %swap3A_135 {strides = array<i32>} : memref<640xf32, #tpu.memory_space<vmem>>, vector<16xf32>,
    %broadcast_in_dim3A_136 = arith.constant 1.000000e+00 : f32
    %broadcast_in_dim3A_137 = vector.broadcast %broadcast_in_dim3A_136 : f32 to vector<16xf32>
    %swap3A_138 = arith.constant 368 : index
    %swap3A_139 = tpu.vector_load %arg5[%swap3A_138] {strides = array<i32>} : memref<640xf32, #tpu.memory_space<vmem>>, vector<16xf32>,
    %swap3A_140 = vector.shape_cast %swap3A_139 : vector<16xf32> to vector<16xf32>
    %swap3A_141 = vector.shape_cast %broadcast_in_dim3A_137 : vector<16xf32> to vector<16xf32>
    tpu.vector_store %arg5[%swap3A_138], %swap3A_141 {strides = array<i32>} : memref<640xf32, #tpu.memory_space<vmem>>, vector<16xf32>,
    %broadcast_in_dim3A_142 = arith.constant 1.000000e+00 : f32
    %broadcast_in_dim3A_143 = vector.broadcast %broadcast_in_dim3A_142 : f32 to vector<16xf32>
    %swap3A_144 = arith.constant 384 : index
    %swap3A_145 = tpu.vector_load %arg5[%swap3A_144] {strides = array<i32>} : memref<640xf32, #tpu.memory_space<vmem>>, vector<16xf32>,
    %swap3A_146 = vector.shape_cast %swap3A_145 : vector<16xf32> to vector<16xf32>
    %swap3A_147 = vector.shape_cast %broadcast_in_dim3A_143 : vector<16xf32> to vector<16xf32>
    tpu.vector_store %arg5[%swap3A_144], %swap3A_147 {strides = array<i32>} : memref<640xf32, #tpu.memory_space<vmem>>, vector<16xf32>,
    %broadcast_in_dim3A_148 = arith.constant 1.000000e+00 : f32
    %broadcast_in_dim3A_149 = vector.broadcast %broadcast_in_dim3A_148 : f32 to vector<16xf32>
    %swap3A_150 = arith.constant 400 : index
    %swap3A_151 = tpu.vector_load %arg5[%swap3A_150] {strides = array<i32>} : memref<640xf32, #tpu.memory_space<vmem>>, vector<16xf32>,
    %swap3A_152 = vector.shape_cast %swap3A_151 : vector<16xf32> to vector<16xf32>
    %swap3A_153 = vector.shape_cast %broadcast_in_dim3A_149 : vector<16xf32> to vector<16xf32>
    tpu.vector_store %arg5[%swap3A_150], %swap3A_153 {strides = array<i32>} : memref<640xf32, #tpu.memory_space<vmem>>, vector<16xf32>,
    %broadcast_in_dim3A_154 = arith.constant 1.000000e+00 : f32
    %broadcast_in_dim3A_155 = vector.broadcast %broadcast_in_dim3A_154 : f32 to vector<16xf32>
    %swap3A_156 = arith.constant 416 : index
    %swap3A_157 = tpu.vector_load %arg5[%swap3A_156] {strides = array<i32>} : memref<640xf32, #tpu.memory_space<vmem>>, vector<16xf32>,
    %swap3A_158 = vector.shape_cast %swap3A_157 : vector<16xf32> to vector<16xf32>
    %swap3A_159 = vector.shape_cast %broadcast_in_dim3A_155 : vector<16xf32> to vector<16xf32>
    tpu.vector_store %arg5[%swap3A_156], %swap3A_159 {strides = array<i32>} : memref<640xf32, #tpu.memory_space<vmem>>, vector<16xf32>,
    %broadcast_in_dim3A_160 = arith.constant 1.000000e+00 : f32
    %broadcast_in_dim3A_161 = vector.broadcast %broadcast_in_dim3A_160 : f32 to vector<16xf32>
    %swap3A_162 = arith.constant 432 : index
    %swap3A_163 = tpu.vector_load %arg5[%swap3A_162] {strides = array<i32>} : memref<640xf32, #tpu.memory_space<vmem>>, vector<16xf32>,
    %swap3A_164 = vector.shape_cast %swap3A_163 : vector<16xf32> to vector<16xf32>
    %swap3A_165 = vector.shape_cast %broadcast_in_dim3A_161 : vector<16xf32> to vector<16xf32>
    tpu.vector_store %arg5[%swap3A_162], %swap3A_165 {strides = array<i32>} : memref<640xf32, #tpu.memory_space<vmem>>, vector<16xf32>,
    %broadcast_in_dim3A_166 = arith.constant 1.000000e+00 : f32
    %broadcast_in_dim3A_167 = vector.broadcast %broadcast_in_dim3A_166 : f32 to vector<16xf32>
    %swap3A_168 = arith.constant 448 : index
    %swap3A_169 = tpu.vector_load %arg5[%swap3A_168] {strides = array<i32>} : memref<640xf32, #tpu.memory_space<vmem>>, vector<16xf32>,
    %swap3A_170 = vector.shape_cast %swap3A_169 : vector<16xf32> to vector<16xf32>
    %swap3A_171 = vector.shape_cast %broadcast_in_dim3A_167 : vector<16xf32> to vector<16xf32>
    tpu.vector_store %arg5[%swap3A_168], %swap3A_171 {strides = array<i32>} : memref<640xf32, #tpu.memory_space<vmem>>, vector<16xf32>,
    %broadcast_in_dim3A_172 = arith.constant 1.000000e+00 : f32
    %broadcast_in_dim3A_173 = vector.broadcast %broadcast_in_dim3A_172 : f32 to vector<16xf32>
    %swap3A_174 = arith.constant 464 : index
    %swap3A_175 = tpu.vector_load %arg5[%swap3A_174] {strides = array<i32>} : memref<640xf32, #tpu.memory_space<vmem>>, vector<16xf32>,
    %swap3A_176 = vector.shape_cast %swap3A_175 : vector<16xf32> to vector<16xf32>
    %swap3A_177 = vector.shape_cast %broadcast_in_dim3A_173 : vector<16xf32> to vector<16xf32>
    tpu.vector_store %arg5[%swap3A_174], %swap3A_177 {strides = array<i32>} : memref<640xf32, #tpu.memory_space<vmem>>, vector<16xf32>,
    %broadcast_in_dim3A_178 = arith.constant 1.000000e+00 : f32
    %broadcast_in_dim3A_179 = vector.broadcast %broadcast_in_dim3A_178 : f32 to vector<16xf32>
    %swap3A_180 = arith.constant 480 : index
    %swap3A_181 = tpu.vector_load %arg5[%swap3A_180] {strides = array<i32>} : memref<640xf32, #tpu.memory_space<vmem>>, vector<16xf32>,
    %swap3A_182 = vector.shape_cast %swap3A_181 : vector<16xf32> to vector<16xf32>
    %swap3A_183 = vector.shape_cast %broadcast_in_dim3A_179 : vector<16xf32> to vector<16xf32>
    tpu.vector_store %arg5[%swap3A_180], %swap3A_183 {strides = array<i32>} : memref<640xf32, #tpu.memory_space<vmem>>, vector<16xf32>,
    %broadcast_in_dim3A_184 = arith.constant 1.000000e+00 : f32
    %broadcast_in_dim3A_185 = vector.broadcast %broadcast_in_dim3A_184 : f32 to vector<16xf32>
    %swap3A_186 = arith.constant 496 : index
    %swap3A_187 = tpu.vector_load %arg5[%swap3A_186] {strides = array<i32>} : memref<640xf32, #tpu.memory_space<vmem>>, vector<16xf32>,
    %swap3A_188 = vector.shape_cast %swap3A_187 : vector<16xf32> to vector<16xf32>
    %swap3A_189 = vector.shape_cast %broadcast_in_dim3A_185 : vector<16xf32> to vector<16xf32>
    tpu.vector_store %arg5[%swap3A_186], %swap3A_189 {strides = array<i32>} : memref<640xf32, #tpu.memory_space<vmem>>, vector<16xf32>,
    %broadcast_in_dim3A_190 = arith.constant 1.000000e+00 : f32
    %broadcast_in_dim3A_191 = vector.broadcast %broadcast_in_dim3A_190 : f32 to vector<16xf32>
    %swap3A_192 = arith.constant 512 : index
    %swap3A_193 = tpu.vector_load %arg5[%swap3A_192] {strides = array<i32>} : memref<640xf32, #tpu.memory_space<vmem>>, vector<16xf32>,
    %swap3A_194 = vector.shape_cast %swap3A_193 : vector<16xf32> to vector<16xf32>
    %swap3A_195 = vector.shape_cast %broadcast_in_dim3A_191 : vector<16xf32> to vector<16xf32>
    tpu.vector_store %arg5[%swap3A_192], %swap3A_195 {strides = array<i32>} : memref<640xf32, #tpu.memory_space<vmem>>, vector<16xf32>,
    %broadcast_in_dim3A_196 = arith.constant 1.000000e+00 : f32
    %broadcast_in_dim3A_197 = vector.broadcast %broadcast_in_dim3A_196 : f32 to vector<16xf32>
    %swap3A_198 = arith.constant 528 : index
    %swap3A_199 = tpu.vector_load %arg5[%swap3A_198] {strides = array<i32>} : memref<640xf32, #tpu.memory_space<vmem>>, vector<16xf32>,
    %swap3A_200 = vector.shape_cast %swap3A_199 : vector<16xf32> to vector<16xf32>
    %swap3A_201 = vector.shape_cast %broadcast_in_dim3A_197 : vector<16xf32> to vector<16xf32>
    tpu.vector_store %arg5[%swap3A_198], %swap3A_201 {strides = array<i32>} : memref<640xf32, #tpu.memory_space<vmem>>, vector<16xf32>,
    %broadcast_in_dim3A_202 = arith.constant 1.000000e+00 : f32
    %broadcast_in_dim3A_203 = vector.broadcast %broadcast_in_dim3A_202 : f32 to vector<16xf32>
    %swap3A_204 = arith.constant 544 : index
    %swap3A_205 = tpu.vector_load %arg5[%swap3A_204] {strides = array<i32>} : memref<640xf32, #tpu.memory_space<vmem>>, vector<16xf32>,
    %swap3A_206 = vector.shape_cast %swap3A_205 : vector<16xf32> to vector<16xf32>
    %swap3A_207 = vector.shape_cast %broadcast_in_dim3A_203 : vector<16xf32> to vector<16xf32>
    tpu.vector_store %arg5[%swap3A_204], %swap3A_207 {strides = array<i32>} : memref<640xf32, #tpu.memory_space<vmem>>, vector<16xf32>,
    %broadcast_in_dim3A_208 = arith.constant 1.000000e+00 : f32
    %broadcast_in_dim3A_209 = vector.broadcast %broadcast_in_dim3A_208 : f32 to vector<16xf32>
    %swap3A_210 = arith.constant 560 : index
    %swap3A_211 = tpu.vector_load %arg5[%swap3A_210] {strides = array<i32>} : memref<640xf32, #tpu.memory_space<vmem>>, vector<16xf32>,
    %swap3A_212 = vector.shape_cast %swap3A_211 : vector<16xf32> to vector<16xf32>
    %swap3A_213 = vector.shape_cast %broadcast_in_dim3A_209 : vector<16xf32> to vector<16xf32>
    tpu.vector_store %arg5[%swap3A_210], %swap3A_213 {strides = array<i32>} : memref<640xf32, #tpu.memory_space<vmem>>, vector<16xf32>,
    %broadcast_in_dim3A_214 = arith.constant 1.000000e+00 : f32
    %broadcast_in_dim3A_215 = vector.broadcast %broadcast_in_dim3A_214 : f32 to vector<16xf32>
    %swap3A_216 = arith.constant 576 : index
    %swap3A_217 = tpu.vector_load %arg5[%swap3A_216] {strides = array<i32>} : memref<640xf32, #tpu.memory_space<vmem>>, vector<16xf32>,
    %swap3A_218 = vector.shape_cast %swap3A_217 : vector<16xf32> to vector<16xf32>
    %swap3A_219 = vector.shape_cast %broadcast_in_dim3A_215 : vector<16xf32> to vector<16xf32>
    tpu.vector_store %arg5[%swap3A_216], %swap3A_219 {strides = array<i32>} : memref<640xf32, #tpu.memory_space<vmem>>, vector<16xf32>,
    %broadcast_in_dim3A_220 = arith.constant 1.000000e+00 : f32
    %broadcast_in_dim3A_221 = vector.broadcast %broadcast_in_dim3A_220 : f32 to vector<16xf32>
    %swap3A_222 = arith.constant 592 : index
    %swap3A_223 = tpu.vector_load %arg5[%swap3A_222] {strides = array<i32>} : memref<640xf32, #tpu.memory_space<vmem>>, vector<16xf32>,
    %swap3A_224 = vector.shape_cast %swap3A_223 : vector<16xf32> to vector<16xf32>
    %swap3A_225 = vector.shape_cast %broadcast_in_dim3A_221 : vector<16xf32> to vector<16xf32>
    tpu.vector_store %arg5[%swap3A_222], %swap3A_225 {strides = array<i32>} : memref<640xf32, #tpu.memory_space<vmem>>, vector<16xf32>,
    %broadcast_in_dim3A_226 = arith.constant 1.000000e+00 : f32
    %broadcast_in_dim3A_227 = vector.broadcast %broadcast_in_dim3A_226 : f32 to vector<16xf32>
    %swap3A_228 = arith.constant 608 : index
    %swap3A_229 = tpu.vector_load %arg5[%swap3A_228] {strides = array<i32>} : memref<640xf32, #tpu.memory_space<vmem>>, vector<16xf32>,
    %swap3A_230 = vector.shape_cast %swap3A_229 : vector<16xf32> to vector<16xf32>
    %swap3A_231 = vector.shape_cast %broadcast_in_dim3A_227 : vector<16xf32> to vector<16xf32>
    tpu.vector_store %arg5[%swap3A_228], %swap3A_231 {strides = array<i32>} : memref<640xf32, #tpu.memory_space<vmem>>, vector<16xf32>,
    %broadcast_in_dim3A_232 = arith.constant 1.000000e+00 : f32
    %broadcast_in_dim3A_233 = vector.broadcast %broadcast_in_dim3A_232 : f32 to vector<16xf32>
    %swap3A_234 = arith.constant 624 : index
    %swap3A_235 = tpu.vector_load %arg5[%swap3A_234] {strides = array<i32>} : memref<640xf32, #tpu.memory_space<vmem>>, vector<16xf32>,
    %swap3A_236 = vector.shape_cast %swap3A_235 : vector<16xf32> to vector<16xf32>
    %swap3A_237 = vector.shape_cast %broadcast_in_dim3A_233 : vector<16xf32> to vector<16xf32>
    tpu.vector_store %arg5[%swap3A_234], %swap3A_237 {strides = array<i32>} : memref<640xf32, #tpu.memory_space<vmem>>, vector<16xf32>,
    %mul3A = arith.constant 640 : i32
    %mul3A_238 = arith.muli %arg1, %mul3A : i32
    "tpu.region"() ({
      %run_scoped3A = tpu.sem_alloc : memref<!tpu.dma_semaphore, #tpu.memory_space<semaphore_mem>>
      %dma_start3A = tpu.memref_slice %arg7[%mul3A_238] : memref<10240xf32, #tpu.memory_space<vmem_shared>> -> memref<640xf32, #tpu.memory_space<vmem_shared>>
      %dma_start3A_246 = tpu.memref_slice %arg7[%mul3A_238] : memref<10240xf32, #tpu.memory_space<vmem_shared>> -> memref<640xf32, #tpu.memory_space<vmem_shared>>
      tpu.enqueue_dma source(%arg5 : memref<640xf32, #tpu.memory_space<vmem>>) target(%dma_start3A_246 : memref<640xf32, #tpu.memory_space<vmem_shared>>) target_semaphore(%run_scoped3A : memref<!tpu.dma_semaphore, #tpu.memory_space<semaphore_mem>>)
      %dma_wait3A = tpu.memref_slice %arg7[%mul3A_238] : memref<10240xf32, #tpu.memory_space<vmem_shared>> -> memref<640xf32, #tpu.memory_space<vmem_shared>>
      %dma_wait3A_247 = tpu.memref_slice %arg7[%mul3A_238] : memref<10240xf32, #tpu.memory_space<vmem_shared>> -> memref<640xf32, #tpu.memory_space<vmem_shared>>
      tpu.wait_dma2 semaphore(%run_scoped3A : memref<!tpu.dma_semaphore, #tpu.memory_space<semaphore_mem>>) src(%arg5 : memref<640xf32, #tpu.memory_space<vmem>>) dst(%dma_wait3A_247 : memref<640xf32, #tpu.memory_space<vmem_shared>>)
      tpu.yield
    }) : () -> ()
    "tpu.region"() ({
      %run_scoped3A = tpu.sem_alloc : memref<!tpu.dma_semaphore, #tpu.memory_space<semaphore_mem>>
      %dma_start3A = arith.constant 0 : i32
      %dma_start3A_246 = arith.constant 0 : i32
      %dma_start3A_247 = tpu.memref_slice %arg2[%arg1, %dma_start3A, %dma_start3A_246] : memref<16x50x128xi32, #tpu.memory_space<hbm>> -> memref<1x50x128xi32, #tpu.memory_space<hbm>>
      %dma_start3A_248 = tpu.memref_squeeze %dma_start3A_247 : memref<1x50x128xi32, #tpu.memory_space<hbm>> -> memref<50x128xi32, #tpu.memory_space<hbm>>
      %dma_start3A_249 = arith.constant 0 : i32
      %dma_start3A_250 = arith.constant 0 : i32
      %dma_start3A_251 = tpu.memref_slice %arg2[%arg1, %dma_start3A_249, %dma_start3A_250] : memref<16x50x128xi32, #tpu.memory_space<hbm>> -> memref<1x50x128xi32, #tpu.memory_space<hbm>>
      %dma_start3A_252 = tpu.memref_squeeze %dma_start3A_251 : memref<1x50x128xi32, #tpu.memory_space<hbm>> -> memref<50x128xi32, #tpu.memory_space<hbm>>
      tpu.enqueue_dma source(%dma_start3A_252 : memref<50x128xi32, #tpu.memory_space<hbm>>) target(%arg4 : memref<50x128xi32, #tpu.memory_space<vmem>>) target_semaphore(%run_scoped3A : memref<!tpu.dma_semaphore, #tpu.memory_space<semaphore_mem>>)
      %dma_wait3A = arith.constant 0 : i32
      %dma_wait3A_253 = arith.constant 0 : i32
      %dma_wait3A_254 = tpu.memref_slice %arg2[%arg1, %dma_wait3A, %dma_wait3A_253] : memref<16x50x128xi32, #tpu.memory_space<hbm>> -> memref<1x50x128xi32, #tpu.memory_space<hbm>>
      %dma_wait3A_255 = tpu.memref_squeeze %dma_wait3A_254 : memref<1x50x128xi32, #tpu.memory_space<hbm>> -> memref<50x128xi32, #tpu.memory_space<hbm>>
      %dma_wait3A_256 = arith.constant 0 : i32
      %dma_wait3A_257 = arith.constant 0 : i32
      %dma_wait3A_258 = tpu.memref_slice %arg2[%arg1, %dma_wait3A_256, %dma_wait3A_257] : memref<16x50x128xi32, #tpu.memory_space<hbm>> -> memref<1x50x128xi32, #tpu.memory_space<hbm>>
      %dma_wait3A_259 = tpu.memref_squeeze %dma_wait3A_258 : memref<1x50x128xi32, #tpu.memory_space<hbm>> -> memref<50x128xi32, #tpu.memory_space<hbm>>
      tpu.wait_dma2 semaphore(%run_scoped3A : memref<!tpu.dma_semaphore, #tpu.memory_space<semaphore_mem>>) src(%dma_wait3A_259 : memref<50x128xi32, #tpu.memory_space<hbm>>) dst(%arg4 : memref<50x128xi32, #tpu.memory_space<vmem>>)
      tpu.yield
    }) : () -> ()
    %barrier3A = arith.constant 0 : index
    tpu.barrier barrier_id(%barrier3A)
    %scan3A = arith.constant 0 : i32
    %scan3A_239 = arith.constant 50 : i32
    %scan3A_240 = arith.addi %scan3A, %scan3A_239 : i32
    %scan3A_241 = arith.constant 1 : i32
    scf.for %scan3A_246 = %scan3A to %scan3A_240 step %scan3A_241  : i32 {
      %mul3A_247 = arith.constant 1 : i32
      %mul3A_248 = arith.muli %scan3A_246, %mul3A_247 : i32
      %add3A = arith.constant 0 : i32
      %add3A_249 = arith.addi %add3A, %mul3A_248 : i32
      "tpu.region"() ({
        %run_scoped3A = tpu.sem_alloc : memref<!tpu.dma_semaphore, #tpu.memory_space<semaphore_mem>>
        %dma_start3A = arith.constant 0 : i32
        %dma_start3A_250 = tpu.memref_slice %arg5[%dma_start3A] : memref<640xf32, #tpu.memory_space<vmem>> -> memref<128xf32, #tpu.memory_space<vmem>>
        %dma_start3A_251 = arith.constant 0 : i32
        %dma_start3A_252 = tpu.memref_slice %arg4[%add3A_249, %dma_start3A_251] : memref<50x128xi32, #tpu.memory_space<vmem>> -> memref<1x128xi32, #tpu.memory_space<vmem>>
        %dma_start3A_253 = tpu.memref_squeeze %dma_start3A_252 : memref<1x128xi32, #tpu.memory_space<vmem>> -> memref<128xi32, #tpu.memory_space<vmem>>
        %dma_start3A_254 = arith.constant 0 : i32
        %dma_start3A_255 = tpu.memref_slice %arg7[%dma_start3A_254] : memref<10240xf32, #tpu.memory_space<vmem_shared>> -> memref<10240xf32, #tpu.memory_space<vmem_shared>>
        tpu.enqueue_indirect_dma source(%dma_start3A_250 : memref<128xf32, #tpu.memory_space<vmem>>) target(%dma_start3A_255 : memref<10240xf32, #tpu.memory_space<vmem_shared>>) offsets(%dma_start3A_253 : memref<128xi32, #tpu.memory_space<vmem>>) semaphore(%run_scoped3A : memref<!tpu.dma_semaphore, #tpu.memory_space<semaphore_mem>>) {add = true}
        %dma_wait3A = arith.constant 0 : i32
        %dma_wait3A_256 = tpu.memref_slice %arg5[%dma_wait3A] : memref<640xf32, #tpu.memory_space<vmem>> -> memref<128xf32, #tpu.memory_space<vmem>>
        %dma_wait3A_257 = arith.constant 0 : i32
        %dma_wait3A_258 = tpu.memref_slice %arg4[%add3A_249, %dma_wait3A_257] : memref<50x128xi32, #tpu.memory_space<vmem>> -> memref<1x128xi32, #tpu.memory_space<vmem>>
        %dma_wait3A_259 = tpu.memref_squeeze %dma_wait3A_258 : memref<1x128xi32, #tpu.memory_space<vmem>> -> memref<128xi32, #tpu.memory_space<vmem>>
        %dma_wait3A_260 = arith.constant 0 : i32
        %dma_wait3A_261 = tpu.memref_slice %arg7[%dma_wait3A_260] : memref<10240xf32, #tpu.memory_space<vmem_shared>> -> memref<10240xf32, #tpu.memory_space<vmem_shared>>
        tpu.wait_indirect_dma semaphore(%run_scoped3A : memref<!tpu.dma_semaphore, #tpu.memory_space<semaphore_mem>>) src(%dma_wait3A_256 : memref<128xf32, #tpu.memory_space<vmem>>) dst(%dma_wait3A_261 : memref<10240xf32, #tpu.memory_space<vmem_shared>>)
        tpu.yield
      }) : () -> ()
    }
    %scan3A_242 = arith.constant 50 : i32
    %barrier3A_243 = arith.constant 0 : index
    tpu.barrier barrier_id(%barrier3A_243)
    %eq3A = arith.constant 0 : i32
    %eq3A_244 = arith.cmpi eq, %arg0, %eq3A : i32
    %convert_element_type3A = arith.extui %eq3A_244 : i1 to i32
    %cond3A = arith.constant 0 : i32
    %cond3A_245 = arith.cmpi ne, %convert_element_type3A, %cond3A : i32
    scf.if %cond3A_245 {
      %mul3A_246 = arith.constant 640 : i32
      %mul3A_247 = arith.muli %arg1, %mul3A_246 : i32
      "tpu.region"() ({
        %run_scoped3A = tpu.sem_alloc : memref<!tpu.dma_semaphore, #tpu.memory_space<semaphore_mem>>
        %dma_start3A = tpu.memref_slice %arg7[%mul3A_247] : memref<10240xf32, #tpu.memory_space<vmem_shared>> -> memref<640xf32, #tpu.memory_space<vmem_shared>>
        %dma_start3A_250 = tpu.memref_slice %arg7[%mul3A_247] : memref<10240xf32, #tpu.memory_space<vmem_shared>> -> memref<640xf32, #tpu.memory_space<vmem_shared>>
        tpu.enqueue_dma source(%dma_start3A_250 : memref<640xf32, #tpu.memory_space<vmem_shared>>) target(%arg6 : memref<640xf32, #tpu.memory_space<vmem>>) target_semaphore(%run_scoped3A : memref<!tpu.dma_semaphore, #tpu.memory_space<semaphore_mem>>)
        %dma_wait3A = tpu.memref_slice %arg7[%mul3A_247] : memref<10240xf32, #tpu.memory_space<vmem_shared>> -> memref<640xf32, #tpu.memory_space<vmem_shared>>
        %dma_wait3A_251 = tpu.memref_slice %arg7[%mul3A_247] : memref<10240xf32, #tpu.memory_space<vmem_shared>> -> memref<640xf32, #tpu.memory_space<vmem_shared>>
        tpu.wait_dma2 semaphore(%run_scoped3A : memref<!tpu.dma_semaphore, #tpu.memory_space<semaphore_mem>>) src(%dma_wait3A_251 : memref<640xf32, #tpu.memory_space<vmem_shared>>) dst(%arg6 : memref<640xf32, #tpu.memory_space<vmem>>)
        tpu.yield
      }) : () -> ()
      %mul3A_248 = arith.constant 640 : i32
      %mul3A_249 = arith.muli %arg1, %mul3A_248 : i32
      "tpu.region"() ({
        %run_scoped3A = tpu.sem_alloc : memref<!tpu.dma_semaphore, #tpu.memory_space<semaphore_mem>>
        %dma_start3A = tpu.memref_slice %arg3[%mul3A_249] : memref<10240xf32, #tpu.memory_space<hbm>> -> memref<640xf32, #tpu.memory_space<hbm>>
        %dma_start3A_250 = tpu.memref_slice %arg3[%mul3A_249] : memref<10240xf32, #tpu.memory_space<hbm>> -> memref<640xf32, #tpu.memory_space<hbm>>
        tpu.enqueue_dma source(%arg6 : memref<640xf32, #tpu.memory_space<vmem>>) target(%dma_start3A_250 : memref<640xf32, #tpu.memory_space<hbm>>) target_semaphore(%run_scoped3A : memref<!tpu.dma_semaphore, #tpu.memory_space<semaphore_mem>>)
        %dma_wait3A = tpu.memref_slice %arg3[%mul3A_249] : memref<10240xf32, #tpu.memory_space<hbm>> -> memref<640xf32, #tpu.memory_space<hbm>>
        %dma_wait3A_251 = tpu.memref_slice %arg3[%mul3A_249] : memref<10240xf32, #tpu.memory_space<hbm>> -> memref<640xf32, #tpu.memory_space<hbm>>
        tpu.wait_dma2 semaphore(%run_scoped3A : memref<!tpu.dma_semaphore, #tpu.memory_space<semaphore_mem>>) src(%arg6 : memref<640xf32, #tpu.memory_space<vmem>>) dst(%dma_wait3A_251 : memref<640xf32, #tpu.memory_space<hbm>>)
        tpu.yield
      }) : () -> ()
    } else {
    }
    return
  }
}

#map = affine_map<(d0, d1) -> (0, 0, 0)>
#map1 = affine_map<(d0, d1) -> (0)>
module attributes {stable_mosaic.version = 14 : i64} {
  func.func @_agg_link_body(%arg0: i32, %arg1: i32, %arg2: memref<6x10240x128xf32, #tpu.memory_space<hbm>>, %arg3: memref<16x50x128xi32, #tpu.memory_space<hbm>>, %arg4: memref<16x50x128xi32, #tpu.memory_space<hbm>>, %arg5: memref<10240xf32, #tpu.memory_space<hbm>>, %arg6: memref<16x4x128xi32, #tpu.memory_space<hbm>>, %arg7: memref<16x4x128xi32, #tpu.memory_space<hbm>>, %arg8: memref<6x8192x128xf32, #tpu.memory_space<hbm>>, %arg9: memref<6x8192x128xf32, #tpu.memory_space<hbm>>, %arg10: memref<8192xf32, #tpu.memory_space<hbm>>, %arg11: memref<8192xf32, #tpu.memory_space<hbm>>, %arg12: memref<50x128xi32, #tpu.memory_space<vmem>>, %arg13: memref<50x128xi32, #tpu.memory_space<vmem>>, %arg14: memref<128x128xf32, #tpu.memory_space<vmem>>, %arg15: memref<128x128xf32, #tpu.memory_space<vmem>>, %arg16: memref<!tpu.dma_semaphore, #tpu.memory_space<semaphore_mem>>, %arg17: memref<!tpu.dma_semaphore, #tpu.memory_space<semaphore_mem>>, %arg18: memref<!tpu.dma_semaphore, #tpu.memory_space<semaphore_mem>>, %arg19: memref<!tpu.dma_semaphore, #tpu.memory_space<semaphore_mem>>, %arg20: memref<8x128xi32, #tpu.memory_space<vmem>>, %arg21: memref<128xf32, #tpu.memory_space<vmem>>, %arg22: memref<10240x128xf32, #tpu.memory_space<vmem_shared>>) attributes {dimension_semantics = [#tpu.dimension_semantics<core_parallel>, #tpu.dimension_semantics<subcore_parallel>], iteration_bounds = array<i64: 2, 16>, scalar_prefetch = 0 : i64, scratch_operands = 11 : i64, tpu.core_type = #tpu.core_type<sc_vector_subcore>, window_params = [{transform_indices = #map}, {transform_indices = #map}, {transform_indices = #map}, {transform_indices = #map1}, {transform_indices = #map}, {transform_indices = #map}, {transform_indices = #map}, {transform_indices = #map}, {transform_indices = #map1}, {transform_indices = #map1}]} {
    "tpu.region"() ({
      %run_scoped3A_264 = tpu.sem_alloc : memref<!tpu.dma_semaphore, #tpu.memory_space<semaphore_mem>>
      %dma_start3A_265 = arith.constant 0 : i32
      %dma_start3A_266 = arith.constant 0 : i32
      %dma_start3A_267 = tpu.memref_slice %arg3[%arg1, %dma_start3A_265, %dma_start3A_266] : memref<16x50x128xi32, #tpu.memory_space<hbm>> -> memref<1x50x128xi32, #tpu.memory_space<hbm>>
      %dma_start3A_268 = tpu.memref_squeeze %dma_start3A_267 : memref<1x50x128xi32, #tpu.memory_space<hbm>> -> memref<50x128xi32, #tpu.memory_space<hbm>>
      %dma_start3A_269 = arith.constant 0 : i32
      %dma_start3A_270 = arith.constant 0 : i32
      %dma_start3A_271 = tpu.memref_slice %arg3[%arg1, %dma_start3A_269, %dma_start3A_270] : memref<16x50x128xi32, #tpu.memory_space<hbm>> -> memref<1x50x128xi32, #tpu.memory_space<hbm>>
      %dma_start3A_272 = tpu.memref_squeeze %dma_start3A_271 : memref<1x50x128xi32, #tpu.memory_space<hbm>> -> memref<50x128xi32, #tpu.memory_space<hbm>>
      tpu.enqueue_dma source(%dma_start3A_272 : memref<50x128xi32, #tpu.memory_space<hbm>>) target(%arg12 : memref<50x128xi32, #tpu.memory_space<vmem>>) target_semaphore(%run_scoped3A_264 : memref<!tpu.dma_semaphore, #tpu.memory_space<semaphore_mem>>)
      %dma_wait3A_273 = arith.constant 0 : i32
      %dma_wait3A_274 = arith.constant 0 : i32
      %dma_wait3A_275 = tpu.memref_slice %arg3[%arg1, %dma_wait3A_273, %dma_wait3A_274] : memref<16x50x128xi32, #tpu.memory_space<hbm>> -> memref<1x50x128xi32, #tpu.memory_space<hbm>>
      %dma_wait3A_276 = tpu.memref_squeeze %dma_wait3A_275 : memref<1x50x128xi32, #tpu.memory_space<hbm>> -> memref<50x128xi32, #tpu.memory_space<hbm>>
      %dma_wait3A_277 = arith.constant 0 : i32
      %dma_wait3A_278 = arith.constant 0 : i32
      %dma_wait3A_279 = tpu.memref_slice %arg3[%arg1, %dma_wait3A_277, %dma_wait3A_278] : memref<16x50x128xi32, #tpu.memory_space<hbm>> -> memref<1x50x128xi32, #tpu.memory_space<hbm>>
      %dma_wait3A_280 = tpu.memref_squeeze %dma_wait3A_279 : memref<1x50x128xi32, #tpu.memory_space<hbm>> -> memref<50x128xi32, #tpu.memory_space<hbm>>
      tpu.wait_dma2 semaphore(%run_scoped3A_264 : memref<!tpu.dma_semaphore, #tpu.memory_space<semaphore_mem>>) src(%dma_wait3A_280 : memref<50x128xi32, #tpu.memory_space<hbm>>) dst(%arg12 : memref<50x128xi32, #tpu.memory_space<vmem>>)
      tpu.yield
    }) : () -> ()
    "tpu.region"() ({
      %run_scoped3A_264 = tpu.sem_alloc : memref<!tpu.dma_semaphore, #tpu.memory_space<semaphore_mem>>
      %dma_start3A_265 = arith.constant 0 : i32
      %dma_start3A_266 = arith.constant 0 : i32
      %dma_start3A_267 = tpu.memref_slice %arg4[%arg1, %dma_start3A_265, %dma_start3A_266] : memref<16x50x128xi32, #tpu.memory_space<hbm>> -> memref<1x50x128xi32, #tpu.memory_space<hbm>>
      %dma_start3A_268 = tpu.memref_squeeze %dma_start3A_267 : memref<1x50x128xi32, #tpu.memory_space<hbm>> -> memref<50x128xi32, #tpu.memory_space<hbm>>
      %dma_start3A_269 = arith.constant 0 : i32
      %dma_start3A_270 = arith.constant 0 : i32
      %dma_start3A_271 = tpu.memref_slice %arg4[%arg1, %dma_start3A_269, %dma_start3A_270] : memref<16x50x128xi32, #tpu.memory_space<hbm>> -> memref<1x50x128xi32, #tpu.memory_space<hbm>>
      %dma_start3A_272 = tpu.memref_squeeze %dma_start3A_271 : memref<1x50x128xi32, #tpu.memory_space<hbm>> -> memref<50x128xi32, #tpu.memory_space<hbm>>
      tpu.enqueue_dma source(%dma_start3A_272 : memref<50x128xi32, #tpu.memory_space<hbm>>) target(%arg13 : memref<50x128xi32, #tpu.memory_space<vmem>>) target_semaphore(%run_scoped3A_264 : memref<!tpu.dma_semaphore, #tpu.memory_space<semaphore_mem>>)
      %dma_wait3A_273 = arith.constant 0 : i32
      %dma_wait3A_274 = arith.constant 0 : i32
      %dma_wait3A_275 = tpu.memref_slice %arg4[%arg1, %dma_wait3A_273, %dma_wait3A_274] : memref<16x50x128xi32, #tpu.memory_space<hbm>> -> memref<1x50x128xi32, #tpu.memory_space<hbm>>
      %dma_wait3A_276 = tpu.memref_squeeze %dma_wait3A_275 : memref<1x50x128xi32, #tpu.memory_space<hbm>> -> memref<50x128xi32, #tpu.memory_space<hbm>>
      %dma_wait3A_277 = arith.constant 0 : i32
      %dma_wait3A_278 = arith.constant 0 : i32
      %dma_wait3A_279 = tpu.memref_slice %arg4[%arg1, %dma_wait3A_277, %dma_wait3A_278] : memref<16x50x128xi32, #tpu.memory_space<hbm>> -> memref<1x50x128xi32, #tpu.memory_space<hbm>>
      %dma_wait3A_280 = tpu.memref_squeeze %dma_wait3A_279 : memref<1x50x128xi32, #tpu.memory_space<hbm>> -> memref<50x128xi32, #tpu.memory_space<hbm>>
      tpu.wait_dma2 semaphore(%run_scoped3A_264 : memref<!tpu.dma_semaphore, #tpu.memory_space<semaphore_mem>>) src(%dma_wait3A_280 : memref<50x128xi32, #tpu.memory_space<hbm>>) dst(%arg13 : memref<50x128xi32, #tpu.memory_space<vmem>>)
      tpu.yield
    }) : () -> ()
    "tpu.region"() ({
      %run_scoped3A_264 = tpu.sem_alloc : memref<!tpu.dma_semaphore, #tpu.memory_space<semaphore_mem>>
      %dma_start3A_265 = arith.constant 0 : i32
      %dma_start3A_266 = arith.constant 0 : i32
      %dma_start3A_267 = tpu.memref_slice %arg20[%dma_start3A_265, %dma_start3A_266] : memref<8x128xi32, #tpu.memory_space<vmem>> -> memref<4x128xi32, #tpu.memory_space<vmem>>
      %dma_start3A_268 = arith.constant 0 : i32
      %dma_start3A_269 = arith.constant 0 : i32
      %dma_start3A_270 = tpu.memref_slice %arg6[%arg1, %dma_start3A_268, %dma_start3A_269] : memref<16x4x128xi32, #tpu.memory_space<hbm>> -> memref<1x4x128xi32, #tpu.memory_space<hbm>>
      %dma_start3A_271 = tpu.memref_squeeze %dma_start3A_270 : memref<1x4x128xi32, #tpu.memory_space<hbm>> -> memref<4x128xi32, #tpu.memory_space<hbm>>
      %dma_start3A_272 = arith.constant 0 : i32
      %dma_start3A_273 = arith.constant 0 : i32
      %dma_start3A_274 = tpu.memref_slice %arg20[%dma_start3A_272, %dma_start3A_273] : memref<8x128xi32, #tpu.memory_space<vmem>> -> memref<4x128xi32, #tpu.memory_space<vmem>>
      %dma_start3A_275 = arith.constant 0 : i32
      %dma_start3A_276 = arith.constant 0 : i32
      %dma_start3A_277 = tpu.memref_slice %arg6[%arg1, %dma_start3A_275, %dma_start3A_276] : memref<16x4x128xi32, #tpu.memory_space<hbm>> -> memref<1x4x128xi32, #tpu.memory_space<hbm>>
      %dma_start3A_278 = tpu.memref_squeeze %dma_start3A_277 : memref<1x4x128xi32, #tpu.memory_space<hbm>> -> memref<4x128xi32, #tpu.memory_space<hbm>>
      tpu.enqueue_dma source(%dma_start3A_278 : memref<4x128xi32, #tpu.memory_space<hbm>>) target(%dma_start3A_274 : memref<4x128xi32, #tpu.memory_space<vmem>>) target_semaphore(%run_scoped3A_264 : memref<!tpu.dma_semaphore, #tpu.memory_space<semaphore_mem>>)
      %dma_wait3A_279 = arith.constant 0 : i32
      %dma_wait3A_280 = arith.constant 0 : i32
      %dma_wait3A_281 = tpu.memref_slice %arg20[%dma_wait3A_279, %dma_wait3A_280] : memref<8x128xi32, #tpu.memory_space<vmem>> -> memref<4x128xi32, #tpu.memory_space<vmem>>
      %dma_wait3A_282 = arith.constant 0 : i32
      %dma_wait3A_283 = arith.constant 0 : i32
      %dma_wait3A_284 = tpu.memref_slice %arg6[%arg1, %dma_wait3A_282, %dma_wait3A_283] : memref<16x4x128xi32, #tpu.memory_space<hbm>> -> memref<1x4x128xi32, #tpu.memory_space<hbm>>
      %dma_wait3A_285 = tpu.memref_squeeze %dma_wait3A_284 : memref<1x4x128xi32, #tpu.memory_space<hbm>> -> memref<4x128xi32, #tpu.memory_space<hbm>>
      %dma_wait3A_286 = arith.constant 0 : i32
      %dma_wait3A_287 = arith.constant 0 : i32
      %dma_wait3A_288 = tpu.memref_slice %arg20[%dma_wait3A_286, %dma_wait3A_287] : memref<8x128xi32, #tpu.memory_space<vmem>> -> memref<4x128xi32, #tpu.memory_space<vmem>>
      %dma_wait3A_289 = arith.constant 0 : i32
      %dma_wait3A_290 = arith.constant 0 : i32
      %dma_wait3A_291 = tpu.memref_slice %arg6[%arg1, %dma_wait3A_289, %dma_wait3A_290] : memref<16x4x128xi32, #tpu.memory_space<hbm>> -> memref<1x4x128xi32, #tpu.memory_space<hbm>>
      %dma_wait3A_292 = tpu.memref_squeeze %dma_wait3A_291 : memref<1x4x128xi32, #tpu.memory_space<hbm>> -> memref<4x128xi32, #tpu.memory_space<hbm>>
      tpu.wait_dma2 semaphore(%run_scoped3A_264 : memref<!tpu.dma_semaphore, #tpu.memory_space<semaphore_mem>>) src(%dma_wait3A_292 : memref<4x128xi32, #tpu.memory_space<hbm>>) dst(%dma_wait3A_288 : memref<4x128xi32, #tpu.memory_space<vmem>>)
      tpu.yield
    }) : () -> ()
    "tpu.region"() ({
      %run_scoped3A_264 = tpu.sem_alloc : memref<!tpu.dma_semaphore, #tpu.memory_space<semaphore_mem>>
      %dma_start3A_265 = arith.constant 4 : i32
      %dma_start3A_266 = arith.constant 0 : i32
      %dma_start3A_267 = tpu.memref_slice %arg20[%dma_start3A_265, %dma_start3A_266] : memref<8x128xi32, #tpu.memory_space<vmem>> -> memref<4x128xi32, #tpu.memory_space<vmem>>
      %dma_start3A_268 = arith.constant 0 : i32
      %dma_start3A_269 = arith.constant 0 : i32
      %dma_start3A_270 = tpu.memref_slice %arg7[%arg1, %dma_start3A_268, %dma_start3A_269] : memref<16x4x128xi32, #tpu.memory_space<hbm>> -> memref<1x4x128xi32, #tpu.memory_space<hbm>>
      %dma_start3A_271 = tpu.memref_squeeze %dma_start3A_270 : memref<1x4x128xi32, #tpu.memory_space<hbm>> -> memref<4x128xi32, #tpu.memory_space<hbm>>
      %dma_start3A_272 = arith.constant 4 : i32
      %dma_start3A_273 = arith.constant 0 : i32
      %dma_start3A_274 = tpu.memref_slice %arg20[%dma_start3A_272, %dma_start3A_273] : memref<8x128xi32, #tpu.memory_space<vmem>> -> memref<4x128xi32, #tpu.memory_space<vmem>>
      %dma_start3A_275 = arith.constant 0 : i32
      %dma_start3A_276 = arith.constant 0 : i32
      %dma_start3A_277 = tpu.memref_slice %arg7[%arg1, %dma_start3A_275, %dma_start3A_276] : memref<16x4x128xi32, #tpu.memory_space<hbm>> -> memref<1x4x128xi32, #tpu.memory_space<hbm>>
      %dma_start3A_278 = tpu.memref_squeeze %dma_start3A_277 : memref<1x4x128xi32, #tpu.memory_space<hbm>> -> memref<4x128xi32, #tpu.memory_space<hbm>>
      tpu.enqueue_dma source(%dma_start3A_278 : memref<4x128xi32, #tpu.memory_space<hbm>>) target(%dma_start3A_274 : memref<4x128xi32, #tpu.memory_space<vmem>>) target_semaphore(%run_scoped3A_264 : memref<!tpu.dma_semaphore, #tpu.memory_space<semaphore_mem>>)
      %dma_wait3A_279 = arith.constant 4 : i32
      %dma_wait3A_280 = arith.constant 0 : i32
      %dma_wait3A_281 = tpu.memref_slice %arg20[%dma_wait3A_279, %dma_wait3A_280] : memref<8x128xi32, #tpu.memory_space<vmem>> -> memref<4x128xi32, #tpu.memory_space<vmem>>
      %dma_wait3A_282 = arith.constant 0 : i32
      %dma_wait3A_283 = arith.constant 0 : i32
      %dma_wait3A_284 = tpu.memref_slice %arg7[%arg1, %dma_wait3A_282, %dma_wait3A_283] : memref<16x4x128xi32, #tpu.memory_space<hbm>> -> memref<1x4x128xi32, #tpu.memory_space<hbm>>
      %dma_wait3A_285 = tpu.memref_squeeze %dma_wait3A_284 : memref<1x4x128xi32, #tpu.memory_space<hbm>> -> memref<4x128xi32, #tpu.memory_space<hbm>>
      %dma_wait3A_286 = arith.constant 4 : i32
      %dma_wait3A_287 = arith.constant 0 : i32
      %dma_wait3A_288 = tpu.memref_slice %arg20[%dma_wait3A_286, %dma_wait3A_287] : memref<8x128xi32, #tpu.memory_space<vmem>> -> memref<4x128xi32, #tpu.memory_space<vmem>>
      %dma_wait3A_289 = arith.constant 0 : i32
      %dma_wait3A_290 = arith.constant 0 : i32
      %dma_wait3A_291 = tpu.memref_slice %arg7[%arg1, %dma_wait3A_289, %dma_wait3A_290] : memref<16x4x128xi32, #tpu.memory_space<hbm>> -> memref<1x4x128xi32, #tpu.memory_space<hbm>>
      %dma_wait3A_292 = tpu.memref_squeeze %dma_wait3A_291 : memref<1x4x128xi32, #tpu.memory_space<hbm>> -> memref<4x128xi32, #tpu.memory_space<hbm>>
      tpu.wait_dma2 semaphore(%run_scoped3A_264 : memref<!tpu.dma_semaphore, #tpu.memory_space<semaphore_mem>>) src(%dma_wait3A_292 : memref<4x128xi32, #tpu.memory_space<hbm>>) dst(%dma_wait3A_288 : memref<4x128xi32, #tpu.memory_space<vmem>>)
      tpu.yield
    }) : () -> ()
    %eq3A = arith.constant 0 : i32
    %eq3A_0 = arith.cmpi eq, %arg0, %eq3A : i32
    %convert_element_type3A = arith.extui %eq3A_0 : i1 to i32
    %cond3A = arith.constant 0 : i32
    %cond3A_1 = arith.cmpi ne, %convert_element_type3A, %cond3A : i32
    scf.if %cond3A_1 {
      %run_scoped3A_264 = arith.constant 0 : i32
      "tpu.region"() ({
        %run_scoped3A_292 = tpu.sem_alloc : memref<!tpu.dma_semaphore, #tpu.memory_space<semaphore_mem>>
        %dma_start3A_293 = arith.constant 0 : i32
        %dma_start3A_294 = tpu.memref_slice %arg20[%run_scoped3A_264, %dma_start3A_293] : memref<8x128xi32, #tpu.memory_space<vmem>> -> memref<1x128xi32, #tpu.memory_space<vmem>>
        %dma_start3A_295 = tpu.memref_squeeze %dma_start3A_294 : memref<1x128xi32, #tpu.memory_space<vmem>> -> memref<128xi32, #tpu.memory_space<vmem>>
        %dma_start3A_296 = arith.constant 0 : i32
        %dma_start3A_297 = tpu.memref_slice %arg5[%dma_start3A_296] : memref<10240xf32, #tpu.memory_space<hbm>> -> memref<10240xf32, #tpu.memory_space<hbm>>
        tpu.enqueue_indirect_dma source(%dma_start3A_297 : memref<10240xf32, #tpu.memory_space<hbm>>) target(%arg21 : memref<128xf32, #tpu.memory_space<vmem>>) offsets(%dma_start3A_295 : memref<128xi32, #tpu.memory_space<vmem>>) semaphore(%run_scoped3A_292 : memref<!tpu.dma_semaphore, #tpu.memory_space<semaphore_mem>>)
        %dma_wait3A_298 = arith.constant 0 : i32
        %dma_wait3A_299 = tpu.memref_slice %arg20[%run_scoped3A_264, %dma_wait3A_298] : memref<8x128xi32, #tpu.memory_space<vmem>> -> memref<1x128xi32, #tpu.memory_space<vmem>>
        %dma_wait3A_300 = tpu.memref_squeeze %dma_wait3A_299 : memref<1x128xi32, #tpu.memory_space<vmem>> -> memref<128xi32, #tpu.memory_space<vmem>>
        %dma_wait3A_301 = arith.constant 0 : i32
        %dma_wait3A_302 = tpu.memref_slice %arg5[%dma_wait3A_301] : memref<10240xf32, #tpu.memory_space<hbm>> -> memref<10240xf32, #tpu.memory_space<hbm>>
        tpu.wait_indirect_dma semaphore(%run_scoped3A_292 : memref<!tpu.dma_semaphore, #tpu.memory_space<semaphore_mem>>) src(%dma_wait3A_302 : memref<10240xf32, #tpu.memory_space<hbm>>) dst(%arg21 : memref<128xf32, #tpu.memory_space<vmem>>)
        tpu.yield
      }) : () -> ()
      %mul3A_265 = arith.constant 4 : i32
      %mul3A_266 = arith.muli %arg1, %mul3A_265 : i32
      %mul3A_267 = arith.constant 128 : i32
      %mul3A_268 = arith.muli %mul3A_266, %mul3A_267 : i32
      %add3A_269 = arith.constant 0 : i32
      %add3A_270 = arith.addi %mul3A_268, %add3A_269 : i32
      "tpu.region"() ({
        %run_scoped3A_292 = tpu.sem_alloc : memref<!tpu.dma_semaphore, #tpu.memory_space<semaphore_mem>>
        %dma_start3A_293 = tpu.memref_slice %arg10[%add3A_270] : memref<8192xf32, #tpu.memory_space<hbm>> -> memref<128xf32, #tpu.memory_space<hbm>>
        %dma_start3A_294 = tpu.memref_slice %arg10[%add3A_270] : memref<8192xf32, #tpu.memory_space<hbm>> -> memref<128xf32, #tpu.memory_space<hbm>>
        tpu.enqueue_dma source(%arg21 : memref<128xf32, #tpu.memory_space<vmem>>) target(%dma_start3A_294 : memref<128xf32, #tpu.memory_space<hbm>>) target_semaphore(%run_scoped3A_292 : memref<!tpu.dma_semaphore, #tpu.memory_space<semaphore_mem>>)
        %dma_wait3A_295 = tpu.memref_slice %arg10[%add3A_270] : memref<8192xf32, #tpu.memory_space<hbm>> -> memref<128xf32, #tpu.memory_space<hbm>>
        %dma_wait3A_296 = tpu.memref_slice %arg10[%add3A_270] : memref<8192xf32, #tpu.memory_space<hbm>> -> memref<128xf32, #tpu.memory_space<hbm>>
        tpu.wait_dma2 semaphore(%run_scoped3A_292 : memref<!tpu.dma_semaphore, #tpu.memory_space<semaphore_mem>>) src(%arg21 : memref<128xf32, #tpu.memory_space<vmem>>) dst(%dma_wait3A_296 : memref<128xf32, #tpu.memory_space<hbm>>)
        tpu.yield
      }) : () -> ()
      %run_scoped3A_271 = arith.constant 1 : i32
      "tpu.region"() ({
        %run_scoped3A_292 = tpu.sem_alloc : memref<!tpu.dma_semaphore, #tpu.memory_space<semaphore_mem>>
        %dma_start3A_293 = arith.constant 0 : i32
        %dma_start3A_294 = tpu.memref_slice %arg20[%run_scoped3A_271, %dma_start3A_293] : memref<8x128xi32, #tpu.memory_space<vmem>> -> memref<1x128xi32, #tpu.memory_space<vmem>>
        %dma_start3A_295 = tpu.memref_squeeze %dma_start3A_294 : memref<1x128xi32, #tpu.memory_space<vmem>> -> memref<128xi32, #tpu.memory_space<vmem>>
        %dma_start3A_296 = arith.constant 0 : i32
        %dma_start3A_297 = tpu.memref_slice %arg5[%dma_start3A_296] : memref<10240xf32, #tpu.memory_space<hbm>> -> memref<10240xf32, #tpu.memory_space<hbm>>
        tpu.enqueue_indirect_dma source(%dma_start3A_297 : memref<10240xf32, #tpu.memory_space<hbm>>) target(%arg21 : memref<128xf32, #tpu.memory_space<vmem>>) offsets(%dma_start3A_295 : memref<128xi32, #tpu.memory_space<vmem>>) semaphore(%run_scoped3A_292 : memref<!tpu.dma_semaphore, #tpu.memory_space<semaphore_mem>>)
        %dma_wait3A_298 = arith.constant 0 : i32
        %dma_wait3A_299 = tpu.memref_slice %arg20[%run_scoped3A_271, %dma_wait3A_298] : memref<8x128xi32, #tpu.memory_space<vmem>> -> memref<1x128xi32, #tpu.memory_space<vmem>>
        %dma_wait3A_300 = tpu.memref_squeeze %dma_wait3A_299 : memref<1x128xi32, #tpu.memory_space<vmem>> -> memref<128xi32, #tpu.memory_space<vmem>>
        %dma_wait3A_301 = arith.constant 0 : i32
        %dma_wait3A_302 = tpu.memref_slice %arg5[%dma_wait3A_301] : memref<10240xf32, #tpu.memory_space<hbm>> -> memref<10240xf32, #tpu.memory_space<hbm>>
        tpu.wait_indirect_dma semaphore(%run_scoped3A_292 : memref<!tpu.dma_semaphore, #tpu.memory_space<semaphore_mem>>) src(%dma_wait3A_302 : memref<10240xf32, #tpu.memory_space<hbm>>) dst(%arg21 : memref<128xf32, #tpu.memory_space<vmem>>)
        tpu.yield
      }) : () -> ()
      %mul3A_272 = arith.constant 4 : i32
      %mul3A_273 = arith.muli %arg1, %mul3A_272 : i32
      %mul3A_274 = arith.constant 128 : i32
      %mul3A_275 = arith.muli %mul3A_273, %mul3A_274 : i32
      %add3A_276 = arith.constant 128 : i32
      %add3A_277 = arith.addi %mul3A_275, %add3A_276 : i32
      "tpu.region"() ({
        %run_scoped3A_292 = tpu.sem_alloc : memref<!tpu.dma_semaphore, #tpu.memory_space<semaphore_mem>>
        %dma_start3A_293 = tpu.memref_slice %arg10[%add3A_277] : memref<8192xf32, #tpu.memory_space<hbm>> -> memref<128xf32, #tpu.memory_space<hbm>>
        %dma_start3A_294 = tpu.memref_slice %arg10[%add3A_277] : memref<8192xf32, #tpu.memory_space<hbm>> -> memref<128xf32, #tpu.memory_space<hbm>>
        tpu.enqueue_dma source(%arg21 : memref<128xf32, #tpu.memory_space<vmem>>) target(%dma_start3A_294 : memref<128xf32, #tpu.memory_space<hbm>>) target_semaphore(%run_scoped3A_292 : memref<!tpu.dma_semaphore, #tpu.memory_space<semaphore_mem>>)
        %dma_wait3A_295 = tpu.memref_slice %arg10[%add3A_277] : memref<8192xf32, #tpu.memory_space<hbm>> -> memref<128xf32, #tpu.memory_space<hbm>>
        %dma_wait3A_296 = tpu.memref_slice %arg10[%add3A_277] : memref<8192xf32, #tpu.memory_space<hbm>> -> memref<128xf32, #tpu.memory_space<hbm>>
        tpu.wait_dma2 semaphore(%run_scoped3A_292 : memref<!tpu.dma_semaphore, #tpu.memory_space<semaphore_mem>>) src(%arg21 : memref<128xf32, #tpu.memory_space<vmem>>) dst(%dma_wait3A_296 : memref<128xf32, #tpu.memory_space<hbm>>)
        tpu.yield
      }) : () -> ()
      %run_scoped3A_278 = arith.constant 2 : i32
      "tpu.region"() ({
        %run_scoped3A_292 = tpu.sem_alloc : memref<!tpu.dma_semaphore, #tpu.memory_space<semaphore_mem>>
        %dma_start3A_293 = arith.constant 0 : i32
        %dma_start3A_294 = tpu.memref_slice %arg20[%run_scoped3A_278, %dma_start3A_293] : memref<8x128xi32, #tpu.memory_space<vmem>> -> memref<1x128xi32, #tpu.memory_space<vmem>>
        %dma_start3A_295 = tpu.memref_squeeze %dma_start3A_294 : memref<1x128xi32, #tpu.memory_space<vmem>> -> memref<128xi32, #tpu.memory_space<vmem>>
        %dma_start3A_296 = arith.constant 0 : i32
        %dma_start3A_297 = tpu.memref_slice %arg5[%dma_start3A_296] : memref<10240xf32, #tpu.memory_space<hbm>> -> memref<10240xf32, #tpu.memory_space<hbm>>
        tpu.enqueue_indirect_dma source(%dma_start3A_297 : memref<10240xf32, #tpu.memory_space<hbm>>) target(%arg21 : memref<128xf32, #tpu.memory_space<vmem>>) offsets(%dma_start3A_295 : memref<128xi32, #tpu.memory_space<vmem>>) semaphore(%run_scoped3A_292 : memref<!tpu.dma_semaphore, #tpu.memory_space<semaphore_mem>>)
        %dma_wait3A_298 = arith.constant 0 : i32
        %dma_wait3A_299 = tpu.memref_slice %arg20[%run_scoped3A_278, %dma_wait3A_298] : memref<8x128xi32, #tpu.memory_space<vmem>> -> memref<1x128xi32, #tpu.memory_space<vmem>>
        %dma_wait3A_300 = tpu.memref_squeeze %dma_wait3A_299 : memref<1x128xi32, #tpu.memory_space<vmem>> -> memref<128xi32, #tpu.memory_space<vmem>>
        %dma_wait3A_301 = arith.constant 0 : i32
        %dma_wait3A_302 = tpu.memref_slice %arg5[%dma_wait3A_301] : memref<10240xf32, #tpu.memory_space<hbm>> -> memref<10240xf32, #tpu.memory_space<hbm>>
        tpu.wait_indirect_dma semaphore(%run_scoped3A_292 : memref<!tpu.dma_semaphore, #tpu.memory_space<semaphore_mem>>) src(%dma_wait3A_302 : memref<10240xf32, #tpu.memory_space<hbm>>) dst(%arg21 : memref<128xf32, #tpu.memory_space<vmem>>)
        tpu.yield
      }) : () -> ()
      %mul3A_279 = arith.constant 4 : i32
      %mul3A_280 = arith.muli %arg1, %mul3A_279 : i32
      %mul3A_281 = arith.constant 128 : i32
      %mul3A_282 = arith.muli %mul3A_280, %mul3A_281 : i32
      %add3A_283 = arith.constant 256 : i32
      %add3A_284 = arith.addi %mul3A_282, %add3A_283 : i32
      "tpu.region"() ({
        %run_scoped3A_292 = tpu.sem_alloc : memref<!tpu.dma_semaphore, #tpu.memory_space<semaphore_mem>>
        %dma_start3A_293 = tpu.memref_slice %arg10[%add3A_284] : memref<8192xf32, #tpu.memory_space<hbm>> -> memref<128xf32, #tpu.memory_space<hbm>>
        %dma_start3A_294 = tpu.memref_slice %arg10[%add3A_284] : memref<8192xf32, #tpu.memory_space<hbm>> -> memref<128xf32, #tpu.memory_space<hbm>>
        tpu.enqueue_dma source(%arg21 : memref<128xf32, #tpu.memory_space<vmem>>) target(%dma_start3A_294 : memref<128xf32, #tpu.memory_space<hbm>>) target_semaphore(%run_scoped3A_292 : memref<!tpu.dma_semaphore, #tpu.memory_space<semaphore_mem>>)
        %dma_wait3A_295 = tpu.memref_slice %arg10[%add3A_284] : memref<8192xf32, #tpu.memory_space<hbm>> -> memref<128xf32, #tpu.memory_space<hbm>>
        %dma_wait3A_296 = tpu.memref_slice %arg10[%add3A_284] : memref<8192xf32, #tpu.memory_space<hbm>> -> memref<128xf32, #tpu.memory_space<hbm>>
        tpu.wait_dma2 semaphore(%run_scoped3A_292 : memref<!tpu.dma_semaphore, #tpu.memory_space<semaphore_mem>>) src(%arg21 : memref<128xf32, #tpu.memory_space<vmem>>) dst(%dma_wait3A_296 : memref<128xf32, #tpu.memory_space<hbm>>)
        tpu.yield
      }) : () -> ()
      %run_scoped3A_285 = arith.constant 3 : i32
      "tpu.region"() ({
        %run_scoped3A_292 = tpu.sem_alloc : memref<!tpu.dma_semaphore, #tpu.memory_space<semaphore_mem>>
        %dma_start3A_293 = arith.constant 0 : i32
        %dma_start3A_294 = tpu.memref_slice %arg20[%run_scoped3A_285, %dma_start3A_293] : memref<8x128xi32, #tpu.memory_space<vmem>> -> memref<1x128xi32, #tpu.memory_space<vmem>>
        %dma_start3A_295 = tpu.memref_squeeze %dma_start3A_294 : memref<1x128xi32, #tpu.memory_space<vmem>> -> memref<128xi32, #tpu.memory_space<vmem>>
        %dma_start3A_296 = arith.constant 0 : i32
        %dma_start3A_297 = tpu.memref_slice %arg5[%dma_start3A_296] : memref<10240xf32, #tpu.memory_space<hbm>> -> memref<10240xf32, #tpu.memory_space<hbm>>
        tpu.enqueue_indirect_dma source(%dma_start3A_297 : memref<10240xf32, #tpu.memory_space<hbm>>) target(%arg21 : memref<128xf32, #tpu.memory_space<vmem>>) offsets(%dma_start3A_295 : memref<128xi32, #tpu.memory_space<vmem>>) semaphore(%run_scoped3A_292 : memref<!tpu.dma_semaphore, #tpu.memory_space<semaphore_mem>>)
        %dma_wait3A_298 = arith.constant 0 : i32
        %dma_wait3A_299 = tpu.memref_slice %arg20[%run_scoped3A_285, %dma_wait3A_298] : memref<8x128xi32, #tpu.memory_space<vmem>> -> memref<1x128xi32, #tpu.memory_space<vmem>>
        %dma_wait3A_300 = tpu.memref_squeeze %dma_wait3A_299 : memref<1x128xi32, #tpu.memory_space<vmem>> -> memref<128xi32, #tpu.memory_space<vmem>>
        %dma_wait3A_301 = arith.constant 0 : i32
        %dma_wait3A_302 = tpu.memref_slice %arg5[%dma_wait3A_301] : memref<10240xf32, #tpu.memory_space<hbm>> -> memref<10240xf32, #tpu.memory_space<hbm>>
        tpu.wait_indirect_dma semaphore(%run_scoped3A_292 : memref<!tpu.dma_semaphore, #tpu.memory_space<semaphore_mem>>) src(%dma_wait3A_302 : memref<10240xf32, #tpu.memory_space<hbm>>) dst(%arg21 : memref<128xf32, #tpu.memory_space<vmem>>)
        tpu.yield
      }) : () -> ()
      %mul3A_286 = arith.constant 4 : i32
      %mul3A_287 = arith.muli %arg1, %mul3A_286 : i32
      %mul3A_288 = arith.constant 128 : i32
      %mul3A_289 = arith.muli %mul3A_287, %mul3A_288 : i32
      %add3A_290 = arith.constant 384 : i32
      %add3A_291 = arith.addi %mul3A_289, %add3A_290 : i32
      "tpu.region"() ({
        %run_scoped3A_292 = tpu.sem_alloc : memref<!tpu.dma_semaphore, #tpu.memory_space<semaphore_mem>>
        %dma_start3A_293 = tpu.memref_slice %arg10[%add3A_291] : memref<8192xf32, #tpu.memory_space<hbm>> -> memref<128xf32, #tpu.memory_space<hbm>>
        %dma_start3A_294 = tpu.memref_slice %arg10[%add3A_291] : memref<8192xf32, #tpu.memory_space<hbm>> -> memref<128xf32, #tpu.memory_space<hbm>>
        tpu.enqueue_dma source(%arg21 : memref<128xf32, #tpu.memory_space<vmem>>) target(%dma_start3A_294 : memref<128xf32, #tpu.memory_space<hbm>>) target_semaphore(%run_scoped3A_292 : memref<!tpu.dma_semaphore, #tpu.memory_space<semaphore_mem>>)
        %dma_wait3A_295 = tpu.memref_slice %arg10[%add3A_291] : memref<8192xf32, #tpu.memory_space<hbm>> -> memref<128xf32, #tpu.memory_space<hbm>>
        %dma_wait3A_296 = tpu.memref_slice %arg10[%add3A_291] : memref<8192xf32, #tpu.memory_space<hbm>> -> memref<128xf32, #tpu.memory_space<hbm>>
        tpu.wait_dma2 semaphore(%run_scoped3A_292 : memref<!tpu.dma_semaphore, #tpu.memory_space<semaphore_mem>>) src(%arg21 : memref<128xf32, #tpu.memory_space<vmem>>) dst(%dma_wait3A_296 : memref<128xf32, #tpu.memory_space<hbm>>)
        tpu.yield
      }) : () -> ()
    } else {
    }
    %eq3A_2 = arith.constant 1 : i32
    %eq3A_3 = arith.cmpi eq, %arg0, %eq3A_2 : i32
    %convert_element_type3A_4 = arith.extui %eq3A_3 : i1 to i32
    %cond3A_5 = arith.constant 0 : i32
    %cond3A_6 = arith.cmpi ne, %convert_element_type3A_4, %cond3A_5 : i32
    scf.if %cond3A_6 {
      %run_scoped3A_264 = arith.constant 4 : i32
      "tpu.region"() ({
        %run_scoped3A_292 = tpu.sem_alloc : memref<!tpu.dma_semaphore, #tpu.memory_space<semaphore_mem>>
        %dma_start3A_293 = arith.constant 0 : i32
        %dma_start3A_294 = tpu.memref_slice %arg20[%run_scoped3A_264, %dma_start3A_293] : memref<8x128xi32, #tpu.memory_space<vmem>> -> memref<1x128xi32, #tpu.memory_space<vmem>>
        %dma_start3A_295 = tpu.memref_squeeze %dma_start3A_294 : memref<1x128xi32, #tpu.memory_space<vmem>> -> memref<128xi32, #tpu.memory_space<vmem>>
        %dma_start3A_296 = arith.constant 0 : i32
        %dma_start3A_297 = tpu.memref_slice %arg5[%dma_start3A_296] : memref<10240xf32, #tpu.memory_space<hbm>> -> memref<10240xf32, #tpu.memory_space<hbm>>
        tpu.enqueue_indirect_dma source(%dma_start3A_297 : memref<10240xf32, #tpu.memory_space<hbm>>) target(%arg21 : memref<128xf32, #tpu.memory_space<vmem>>) offsets(%dma_start3A_295 : memref<128xi32, #tpu.memory_space<vmem>>) semaphore(%run_scoped3A_292 : memref<!tpu.dma_semaphore, #tpu.memory_space<semaphore_mem>>)
        %dma_wait3A_298 = arith.constant 0 : i32
        %dma_wait3A_299 = tpu.memref_slice %arg20[%run_scoped3A_264, %dma_wait3A_298] : memref<8x128xi32, #tpu.memory_space<vmem>> -> memref<1x128xi32, #tpu.memory_space<vmem>>
        %dma_wait3A_300 = tpu.memref_squeeze %dma_wait3A_299 : memref<1x128xi32, #tpu.memory_space<vmem>> -> memref<128xi32, #tpu.memory_space<vmem>>
        %dma_wait3A_301 = arith.constant 0 : i32
        %dma_wait3A_302 = tpu.memref_slice %arg5[%dma_wait3A_301] : memref<10240xf32, #tpu.memory_space<hbm>> -> memref<10240xf32, #tpu.memory_space<hbm>>
        tpu.wait_indirect_dma semaphore(%run_scoped3A_292 : memref<!tpu.dma_semaphore, #tpu.memory_space<semaphore_mem>>) src(%dma_wait3A_302 : memref<10240xf32, #tpu.memory_space<hbm>>) dst(%arg21 : memref<128xf32, #tpu.memory_space<vmem>>)
        tpu.yield
      }) : () -> ()
      %mul3A_265 = arith.constant 4 : i32
      %mul3A_266 = arith.muli %arg1, %mul3A_265 : i32
      %mul3A_267 = arith.constant 128 : i32
      %mul3A_268 = arith.muli %mul3A_266, %mul3A_267 : i32
      %add3A_269 = arith.constant 0 : i32
      %add3A_270 = arith.addi %mul3A_268, %add3A_269 : i32
      "tpu.region"() ({
        %run_scoped3A_292 = tpu.sem_alloc : memref<!tpu.dma_semaphore, #tpu.memory_space<semaphore_mem>>
        %dma_start3A_293 = tpu.memref_slice %arg11[%add3A_270] : memref<8192xf32, #tpu.memory_space<hbm>> -> memref<128xf32, #tpu.memory_space<hbm>>
        %dma_start3A_294 = tpu.memref_slice %arg11[%add3A_270] : memref<8192xf32, #tpu.memory_space<hbm>> -> memref<128xf32, #tpu.memory_space<hbm>>
        tpu.enqueue_dma source(%arg21 : memref<128xf32, #tpu.memory_space<vmem>>) target(%dma_start3A_294 : memref<128xf32, #tpu.memory_space<hbm>>) target_semaphore(%run_scoped3A_292 : memref<!tpu.dma_semaphore, #tpu.memory_space<semaphore_mem>>)
        %dma_wait3A_295 = tpu.memref_slice %arg11[%add3A_270] : memref<8192xf32, #tpu.memory_space<hbm>> -> memref<128xf32, #tpu.memory_space<hbm>>
        %dma_wait3A_296 = tpu.memref_slice %arg11[%add3A_270] : memref<8192xf32, #tpu.memory_space<hbm>> -> memref<128xf32, #tpu.memory_space<hbm>>
        tpu.wait_dma2 semaphore(%run_scoped3A_292 : memref<!tpu.dma_semaphore, #tpu.memory_space<semaphore_mem>>) src(%arg21 : memref<128xf32, #tpu.memory_space<vmem>>) dst(%dma_wait3A_296 : memref<128xf32, #tpu.memory_space<hbm>>)
        tpu.yield
      }) : () -> ()
      %run_scoped3A_271 = arith.constant 5 : i32
      "tpu.region"() ({
        %run_scoped3A_292 = tpu.sem_alloc : memref<!tpu.dma_semaphore, #tpu.memory_space<semaphore_mem>>
        %dma_start3A_293 = arith.constant 0 : i32
        %dma_start3A_294 = tpu.memref_slice %arg20[%run_scoped3A_271, %dma_start3A_293] : memref<8x128xi32, #tpu.memory_space<vmem>> -> memref<1x128xi32, #tpu.memory_space<vmem>>
        %dma_start3A_295 = tpu.memref_squeeze %dma_start3A_294 : memref<1x128xi32, #tpu.memory_space<vmem>> -> memref<128xi32, #tpu.memory_space<vmem>>
        %dma_start3A_296 = arith.constant 0 : i32
        %dma_start3A_297 = tpu.memref_slice %arg5[%dma_start3A_296] : memref<10240xf32, #tpu.memory_space<hbm>> -> memref<10240xf32, #tpu.memory_space<hbm>>
        tpu.enqueue_indirect_dma source(%dma_start3A_297 : memref<10240xf32, #tpu.memory_space<hbm>>) target(%arg21 : memref<128xf32, #tpu.memory_space<vmem>>) offsets(%dma_start3A_295 : memref<128xi32, #tpu.memory_space<vmem>>) semaphore(%run_scoped3A_292 : memref<!tpu.dma_semaphore, #tpu.memory_space<semaphore_mem>>)
        %dma_wait3A_298 = arith.constant 0 : i32
        %dma_wait3A_299 = tpu.memref_slice %arg20[%run_scoped3A_271, %dma_wait3A_298] : memref<8x128xi32, #tpu.memory_space<vmem>> -> memref<1x128xi32, #tpu.memory_space<vmem>>
        %dma_wait3A_300 = tpu.memref_squeeze %dma_wait3A_299 : memref<1x128xi32, #tpu.memory_space<vmem>> -> memref<128xi32, #tpu.memory_space<vmem>>
        %dma_wait3A_301 = arith.constant 0 : i32
        %dma_wait3A_302 = tpu.memref_slice %arg5[%dma_wait3A_301] : memref<10240xf32, #tpu.memory_space<hbm>> -> memref<10240xf32, #tpu.memory_space<hbm>>
        tpu.wait_indirect_dma semaphore(%run_scoped3A_292 : memref<!tpu.dma_semaphore, #tpu.memory_space<semaphore_mem>>) src(%dma_wait3A_302 : memref<10240xf32, #tpu.memory_space<hbm>>) dst(%arg21 : memref<128xf32, #tpu.memory_space<vmem>>)
        tpu.yield
      }) : () -> ()
      %mul3A_272 = arith.constant 4 : i32
      %mul3A_273 = arith.muli %arg1, %mul3A_272 : i32
      %mul3A_274 = arith.constant 128 : i32
      %mul3A_275 = arith.muli %mul3A_273, %mul3A_274 : i32
      %add3A_276 = arith.constant 128 : i32
      %add3A_277 = arith.addi %mul3A_275, %add3A_276 : i32
      "tpu.region"() ({
        %run_scoped3A_292 = tpu.sem_alloc : memref<!tpu.dma_semaphore, #tpu.memory_space<semaphore_mem>>
        %dma_start3A_293 = tpu.memref_slice %arg11[%add3A_277] : memref<8192xf32, #tpu.memory_space<hbm>> -> memref<128xf32, #tpu.memory_space<hbm>>
        %dma_start3A_294 = tpu.memref_slice %arg11[%add3A_277] : memref<8192xf32, #tpu.memory_space<hbm>> -> memref<128xf32, #tpu.memory_space<hbm>>
        tpu.enqueue_dma source(%arg21 : memref<128xf32, #tpu.memory_space<vmem>>) target(%dma_start3A_294 : memref<128xf32, #tpu.memory_space<hbm>>) target_semaphore(%run_scoped3A_292 : memref<!tpu.dma_semaphore, #tpu.memory_space<semaphore_mem>>)
        %dma_wait3A_295 = tpu.memref_slice %arg11[%add3A_277] : memref<8192xf32, #tpu.memory_space<hbm>> -> memref<128xf32, #tpu.memory_space<hbm>>
        %dma_wait3A_296 = tpu.memref_slice %arg11[%add3A_277] : memref<8192xf32, #tpu.memory_space<hbm>> -> memref<128xf32, #tpu.memory_space<hbm>>
        tpu.wait_dma2 semaphore(%run_scoped3A_292 : memref<!tpu.dma_semaphore, #tpu.memory_space<semaphore_mem>>) src(%arg21 : memref<128xf32, #tpu.memory_space<vmem>>) dst(%dma_wait3A_296 : memref<128xf32, #tpu.memory_space<hbm>>)
        tpu.yield
      }) : () -> ()
      %run_scoped3A_278 = arith.constant 6 : i32
      "tpu.region"() ({
        %run_scoped3A_292 = tpu.sem_alloc : memref<!tpu.dma_semaphore, #tpu.memory_space<semaphore_mem>>
        %dma_start3A_293 = arith.constant 0 : i32
        %dma_start3A_294 = tpu.memref_slice %arg20[%run_scoped3A_278, %dma_start3A_293] : memref<8x128xi32, #tpu.memory_space<vmem>> -> memref<1x128xi32, #tpu.memory_space<vmem>>
        %dma_start3A_295 = tpu.memref_squeeze %dma_start3A_294 : memref<1x128xi32, #tpu.memory_space<vmem>> -> memref<128xi32, #tpu.memory_space<vmem>>
        %dma_start3A_296 = arith.constant 0 : i32
        %dma_start3A_297 = tpu.memref_slice %arg5[%dma_start3A_296] : memref<10240xf32, #tpu.memory_space<hbm>> -> memref<10240xf32, #tpu.memory_space<hbm>>
        tpu.enqueue_indirect_dma source(%dma_start3A_297 : memref<10240xf32, #tpu.memory_space<hbm>>) target(%arg21 : memref<128xf32, #tpu.memory_space<vmem>>) offsets(%dma_start3A_295 : memref<128xi32, #tpu.memory_space<vmem>>) semaphore(%run_scoped3A_292 : memref<!tpu.dma_semaphore, #tpu.memory_space<semaphore_mem>>)
        %dma_wait3A_298 = arith.constant 0 : i32
        %dma_wait3A_299 = tpu.memref_slice %arg20[%run_scoped3A_278, %dma_wait3A_298] : memref<8x128xi32, #tpu.memory_space<vmem>> -> memref<1x128xi32, #tpu.memory_space<vmem>>
        %dma_wait3A_300 = tpu.memref_squeeze %dma_wait3A_299 : memref<1x128xi32, #tpu.memory_space<vmem>> -> memref<128xi32, #tpu.memory_space<vmem>>
        %dma_wait3A_301 = arith.constant 0 : i32
        %dma_wait3A_302 = tpu.memref_slice %arg5[%dma_wait3A_301] : memref<10240xf32, #tpu.memory_space<hbm>> -> memref<10240xf32, #tpu.memory_space<hbm>>
        tpu.wait_indirect_dma semaphore(%run_scoped3A_292 : memref<!tpu.dma_semaphore, #tpu.memory_space<semaphore_mem>>) src(%dma_wait3A_302 : memref<10240xf32, #tpu.memory_space<hbm>>) dst(%arg21 : memref<128xf32, #tpu.memory_space<vmem>>)
        tpu.yield
      }) : () -> ()
      %mul3A_279 = arith.constant 4 : i32
      %mul3A_280 = arith.muli %arg1, %mul3A_279 : i32
      %mul3A_281 = arith.constant 128 : i32
      %mul3A_282 = arith.muli %mul3A_280, %mul3A_281 : i32
      %add3A_283 = arith.constant 256 : i32
      %add3A_284 = arith.addi %mul3A_282, %add3A_283 : i32
      "tpu.region"() ({
        %run_scoped3A_292 = tpu.sem_alloc : memref<!tpu.dma_semaphore, #tpu.memory_space<semaphore_mem>>
        %dma_start3A_293 = tpu.memref_slice %arg11[%add3A_284] : memref<8192xf32, #tpu.memory_space<hbm>> -> memref<128xf32, #tpu.memory_space<hbm>>
        %dma_start3A_294 = tpu.memref_slice %arg11[%add3A_284] : memref<8192xf32, #tpu.memory_space<hbm>> -> memref<128xf32, #tpu.memory_space<hbm>>
        tpu.enqueue_dma source(%arg21 : memref<128xf32, #tpu.memory_space<vmem>>) target(%dma_start3A_294 : memref<128xf32, #tpu.memory_space<hbm>>) target_semaphore(%run_scoped3A_292 : memref<!tpu.dma_semaphore, #tpu.memory_space<semaphore_mem>>)
        %dma_wait3A_295 = tpu.memref_slice %arg11[%add3A_284] : memref<8192xf32, #tpu.memory_space<hbm>> -> memref<128xf32, #tpu.memory_space<hbm>>
        %dma_wait3A_296 = tpu.memref_slice %arg11[%add3A_284] : memref<8192xf32, #tpu.memory_space<hbm>> -> memref<128xf32, #tpu.memory_space<hbm>>
        tpu.wait_dma2 semaphore(%run_scoped3A_292 : memref<!tpu.dma_semaphore, #tpu.memory_space<semaphore_mem>>) src(%arg21 : memref<128xf32, #tpu.memory_space<vmem>>) dst(%dma_wait3A_296 : memref<128xf32, #tpu.memory_space<hbm>>)
        tpu.yield
      }) : () -> ()
      %run_scoped3A_285 = arith.constant 7 : i32
      "tpu.region"() ({
        %run_scoped3A_292 = tpu.sem_alloc : memref<!tpu.dma_semaphore, #tpu.memory_space<semaphore_mem>>
        %dma_start3A_293 = arith.constant 0 : i32
        %dma_start3A_294 = tpu.memref_slice %arg20[%run_scoped3A_285, %dma_start3A_293] : memref<8x128xi32, #tpu.memory_space<vmem>> -> memref<1x128xi32, #tpu.memory_space<vmem>>
        %dma_start3A_295 = tpu.memref_squeeze %dma_start3A_294 : memref<1x128xi32, #tpu.memory_space<vmem>> -> memref<128xi32, #tpu.memory_space<vmem>>
        %dma_start3A_296 = arith.constant 0 : i32
        %dma_start3A_297 = tpu.memref_slice %arg5[%dma_start3A_296] : memref<10240xf32, #tpu.memory_space<hbm>> -> memref<10240xf32, #tpu.memory_space<hbm>>
        tpu.enqueue_indirect_dma source(%dma_start3A_297 : memref<10240xf32, #tpu.memory_space<hbm>>) target(%arg21 : memref<128xf32, #tpu.memory_space<vmem>>) offsets(%dma_start3A_295 : memref<128xi32, #tpu.memory_space<vmem>>) semaphore(%run_scoped3A_292 : memref<!tpu.dma_semaphore, #tpu.memory_space<semaphore_mem>>)
        %dma_wait3A_298 = arith.constant 0 : i32
        %dma_wait3A_299 = tpu.memref_slice %arg20[%run_scoped3A_285, %dma_wait3A_298] : memref<8x128xi32, #tpu.memory_space<vmem>> -> memref<1x128xi32, #tpu.memory_space<vmem>>
        %dma_wait3A_300 = tpu.memref_squeeze %dma_wait3A_299 : memref<1x128xi32, #tpu.memory_space<vmem>> -> memref<128xi32, #tpu.memory_space<vmem>>
        %dma_wait3A_301 = arith.constant 0 : i32
        %dma_wait3A_302 = tpu.memref_slice %arg5[%dma_wait3A_301] : memref<10240xf32, #tpu.memory_space<hbm>> -> memref<10240xf32, #tpu.memory_space<hbm>>
        tpu.wait_indirect_dma semaphore(%run_scoped3A_292 : memref<!tpu.dma_semaphore, #tpu.memory_space<semaphore_mem>>) src(%dma_wait3A_302 : memref<10240xf32, #tpu.memory_space<hbm>>) dst(%arg21 : memref<128xf32, #tpu.memory_space<vmem>>)
        tpu.yield
      }) : () -> ()
      %mul3A_286 = arith.constant 4 : i32
      %mul3A_287 = arith.muli %arg1, %mul3A_286 : i32
      %mul3A_288 = arith.constant 128 : i32
      %mul3A_289 = arith.muli %mul3A_287, %mul3A_288 : i32
      %add3A_290 = arith.constant 384 : i32
      %add3A_291 = arith.addi %mul3A_289, %add3A_290 : i32
      "tpu.region"() ({
        %run_scoped3A_292 = tpu.sem_alloc : memref<!tpu.dma_semaphore, #tpu.memory_space<semaphore_mem>>
        %dma_start3A_293 = tpu.memref_slice %arg11[%add3A_291] : memref<8192xf32, #tpu.memory_space<hbm>> -> memref<128xf32, #tpu.memory_space<hbm>>
        %dma_start3A_294 = tpu.memref_slice %arg11[%add3A_291] : memref<8192xf32, #tpu.memory_space<hbm>> -> memref<128xf32, #tpu.memory_space<hbm>>
        tpu.enqueue_dma source(%arg21 : memref<128xf32, #tpu.memory_space<vmem>>) target(%dma_start3A_294 : memref<128xf32, #tpu.memory_space<hbm>>) target_semaphore(%run_scoped3A_292 : memref<!tpu.dma_semaphore, #tpu.memory_space<semaphore_mem>>)
        %dma_wait3A_295 = tpu.memref_slice %arg11[%add3A_291] : memref<8192xf32, #tpu.memory_space<hbm>> -> memref<128xf32, #tpu.memory_space<hbm>>
        %dma_wait3A_296 = tpu.memref_slice %arg11[%add3A_291] : memref<8192xf32, #tpu.memory_space<hbm>> -> memref<128xf32, #tpu.memory_space<hbm>>
        tpu.wait_dma2 semaphore(%run_scoped3A_292 : memref<!tpu.dma_semaphore, #tpu.memory_space<semaphore_mem>>) src(%arg21 : memref<128xf32, #tpu.memory_space<vmem>>) dst(%dma_wait3A_296 : memref<128xf32, #tpu.memory_space<hbm>>)
        tpu.yield
      }) : () -> ()
    } else {
    }
    %mul3A = arith.constant 3 : i32
    %mul3A_7 = arith.muli %arg0, %mul3A : i32
    %add3A = arith.constant 0 : i32
    %add3A_8 = arith.addi %mul3A_7, %add3A : i32
    %dma_start3A = arith.constant 0 : i32
    %dma_start3A_9 = arith.constant 0 : i32
    %dma_start3A_10 = tpu.memref_slice %arg12[%dma_start3A, %dma_start3A_9] : memref<50x128xi32, #tpu.memory_space<vmem>> -> memref<1x128xi32, #tpu.memory_space<vmem>>
    %dma_start3A_11 = tpu.memref_squeeze %dma_start3A_10 : memref<1x128xi32, #tpu.memory_space<vmem>> -> memref<128xi32, #tpu.memory_space<vmem>>
    %dma_start3A_12 = arith.constant 0 : i32
    %dma_start3A_13 = arith.constant 0 : i32
    %dma_start3A_14 = tpu.memref_slice %arg2[%add3A_8, %dma_start3A_12, %dma_start3A_13] : memref<6x10240x128xf32, #tpu.memory_space<hbm>> -> memref<1x10240x128xf32, #tpu.memory_space<hbm>>
    %dma_start3A_15 = tpu.memref_squeeze %dma_start3A_14 : memref<1x10240x128xf32, #tpu.memory_space<hbm>> -> memref<10240x128xf32, #tpu.memory_space<hbm>>
    %dma_start3A_16 = arith.constant 0 : i32
    %dma_start3A_17 = arith.constant 0 : i32
    %dma_start3A_18 = tpu.memref_slice %dma_start3A_15[%dma_start3A_16, %dma_start3A_17] : memref<10240x128xf32, #tpu.memory_space<hbm>> -> memref<10240x128xf32, #tpu.memory_space<hbm>>
    tpu.enqueue_indirect_dma source(%dma_start3A_18 : memref<10240x128xf32, #tpu.memory_space<hbm>>) target(%arg14 : memref<128x128xf32, #tpu.memory_space<vmem>>) offsets(%dma_start3A_11 : memref<128xi32, #tpu.memory_space<vmem>>) semaphore(%arg16 : memref<!tpu.dma_semaphore, #tpu.memory_space<semaphore_mem>>)
    %mul3A_19 = arith.constant 640 : i32
    %mul3A_20 = arith.muli %arg1, %mul3A_19 : i32
    "tpu.region"() ({
      %run_scoped3A_264 = tpu.sem_alloc : memref<!tpu.dma_semaphore, #tpu.memory_space<semaphore_mem>>
      %dma_start3A_265 = arith.constant 0 : i32
      %dma_start3A_266 = tpu.memref_slice %arg22[%mul3A_20, %dma_start3A_265] : memref<10240x128xf32, #tpu.memory_space<vmem_shared>> -> memref<640x128xf32, #tpu.memory_space<vmem_shared>>
      %dma_start3A_267 = arith.constant 0 : i32
      %dma_start3A_268 = tpu.memref_slice %arg2[%add3A_8, %mul3A_20, %dma_start3A_267] : memref<6x10240x128xf32, #tpu.memory_space<hbm>> -> memref<1x640x128xf32, #tpu.memory_space<hbm>>
      %dma_start3A_269 = tpu.memref_squeeze %dma_start3A_268 : memref<1x640x128xf32, #tpu.memory_space<hbm>> -> memref<640x128xf32, #tpu.memory_space<hbm>>
      tpu.enqueue_dma source(%dma_start3A_269 : memref<640x128xf32, #tpu.memory_space<hbm>>) target(%dma_start3A_266 : memref<640x128xf32, #tpu.memory_space<vmem_shared>>) target_semaphore(%run_scoped3A_264 : memref<!tpu.dma_semaphore, #tpu.memory_space<semaphore_mem>>)
      %dma_wait3A_270 = arith.constant 0 : i32
      %dma_wait3A_271 = tpu.memref_slice %arg22[%mul3A_20, %dma_wait3A_270] : memref<10240x128xf32, #tpu.memory_space<vmem_shared>> -> memref<640x128xf32, #tpu.memory_space<vmem_shared>>
      %dma_wait3A_272 = arith.constant 0 : i32
      %dma_wait3A_273 = tpu.memref_slice %arg2[%add3A_8, %mul3A_20, %dma_wait3A_272] : memref<6x10240x128xf32, #tpu.memory_space<hbm>> -> memref<1x640x128xf32, #tpu.memory_space<hbm>>
      %dma_wait3A_274 = tpu.memref_squeeze %dma_wait3A_273 : memref<1x640x128xf32, #tpu.memory_space<hbm>> -> memref<640x128xf32, #tpu.memory_space<hbm>>
      tpu.wait_dma2 semaphore(%run_scoped3A_264 : memref<!tpu.dma_semaphore, #tpu.memory_space<semaphore_mem>>) src(%dma_wait3A_274 : memref<640x128xf32, #tpu.memory_space<hbm>>) dst(%dma_wait3A_271 : memref<640x128xf32, #tpu.memory_space<vmem_shared>>)
      tpu.yield
    }) : () -> ()
    %barrier3A = arith.constant 0 : index
    tpu.barrier barrier_id(%barrier3A)
    %scan3A = arith.constant 0 : i32
    %scan3A_21 = arith.constant 25 : i32
    %scan3A_22 = arith.addi %scan3A, %scan3A_21 : i32
    %scan3A_23 = arith.constant 1 : i32
    scf.for %scan3A_264 = %scan3A to %scan3A_22 step %scan3A_23  : i32 {
      %mul3A_265 = arith.constant 1 : i32
      %mul3A_266 = arith.muli %scan3A_264, %mul3A_265 : i32
      %add3A_267 = arith.constant 0 : i32
      %add3A_268 = arith.addi %add3A_267, %mul3A_266 : i32
      %mul3A_269 = arith.constant 2 : i32
      %mul3A_270 = arith.muli %mul3A_269, %add3A_268 : i32
      %add3A_271 = arith.constant 0 : i32
      %add3A_272 = arith.addi %mul3A_270, %add3A_271 : i32
      %gt3A = arith.constant 0 : i32
      %gt3A_273 = arith.cmpi sgt, %add3A_268, %gt3A : i32
      %convert_element_type3A_274 = arith.extui %gt3A_273 : i1 to i32
      %cond3A_275 = arith.constant 0 : i32
      %cond3A_276 = arith.cmpi ne, %convert_element_type3A_274, %cond3A_275 : i32
      scf.if %cond3A_276 {
        %sub3A_336 = arith.constant 1 : i32
        %sub3A_337 = arith.subi %add3A_272, %sub3A_336 : i32
        %dma_wait3A_338 = arith.constant 0 : i32
        %dma_wait3A_339 = tpu.memref_slice %arg13[%sub3A_337, %dma_wait3A_338] : memref<50x128xi32, #tpu.memory_space<vmem>> -> memref<1x128xi32, #tpu.memory_space<vmem>>
        %dma_wait3A_340 = tpu.memref_squeeze %dma_wait3A_339 : memref<1x128xi32, #tpu.memory_space<vmem>> -> memref<128xi32, #tpu.memory_space<vmem>>
        %dma_wait3A_341 = arith.constant 0 : i32
        %dma_wait3A_342 = arith.constant 0 : i32
        %dma_wait3A_343 = tpu.memref_slice %arg22[%dma_wait3A_341, %dma_wait3A_342] : memref<10240x128xf32, #tpu.memory_space<vmem_shared>> -> memref<10240x128xf32, #tpu.memory_space<vmem_shared>>
        tpu.wait_indirect_dma semaphore(%arg19 : memref<!tpu.dma_semaphore, #tpu.memory_space<semaphore_mem>>) src(%arg15 : memref<128x128xf32, #tpu.memory_space<vmem>>) dst(%dma_wait3A_343 : memref<10240x128xf32, #tpu.memory_space<vmem_shared>>)
      } else {
      }
      %add3A_277 = arith.constant 1 : i32
      %add3A_278 = arith.addi %add3A_272, %add3A_277 : i32
      %dma_start3A_279 = arith.constant 0 : i32
      %dma_start3A_280 = tpu.memref_slice %arg12[%add3A_278, %dma_start3A_279] : memref<50x128xi32, #tpu.memory_space<vmem>> -> memref<1x128xi32, #tpu.memory_space<vmem>>
      %dma_start3A_281 = tpu.memref_squeeze %dma_start3A_280 : memref<1x128xi32, #tpu.memory_space<vmem>> -> memref<128xi32, #tpu.memory_space<vmem>>
      %dma_start3A_282 = arith.constant 0 : i32
      %dma_start3A_283 = arith.constant 0 : i32
      %dma_start3A_284 = tpu.memref_slice %arg2[%add3A_8, %dma_start3A_282, %dma_start3A_283] : memref<6x10240x128xf32, #tpu.memory_space<hbm>> -> memref<1x10240x128xf32, #tpu.memory_space<hbm>>
      %dma_start3A_285 = tpu.memref_squeeze %dma_start3A_284 : memref<1x10240x128xf32, #tpu.memory_space<hbm>> -> memref<10240x128xf32, #tpu.memory_space<hbm>>
      %dma_start3A_286 = arith.constant 0 : i32
      %dma_start3A_287 = arith.constant 0 : i32
      %dma_start3A_288 = tpu.memref_slice %dma_start3A_285[%dma_start3A_286, %dma_start3A_287] : memref<10240x128xf32, #tpu.memory_space<hbm>> -> memref<10240x128xf32, #tpu.memory_space<hbm>>
      tpu.enqueue_indirect_dma source(%dma_start3A_288 : memref<10240x128xf32, #tpu.memory_space<hbm>>) target(%arg15 : memref<128x128xf32, #tpu.memory_space<vmem>>) offsets(%dma_start3A_281 : memref<128xi32, #tpu.memory_space<vmem>>) semaphore(%arg17 : memref<!tpu.dma_semaphore, #tpu.memory_space<semaphore_mem>>)
      %dma_wait3A_289 = arith.constant 0 : i32
      %dma_wait3A_290 = tpu.memref_slice %arg12[%add3A_272, %dma_wait3A_289] : memref<50x128xi32, #tpu.memory_space<vmem>> -> memref<1x128xi32, #tpu.memory_space<vmem>>
      %dma_wait3A_291 = tpu.memref_squeeze %dma_wait3A_290 : memref<1x128xi32, #tpu.memory_space<vmem>> -> memref<128xi32, #tpu.memory_space<vmem>>
      %dma_wait3A_292 = arith.constant 0 : i32
      %dma_wait3A_293 = arith.constant 0 : i32
      %dma_wait3A_294 = tpu.memref_slice %arg2[%add3A_8, %dma_wait3A_292, %dma_wait3A_293] : memref<6x10240x128xf32, #tpu.memory_space<hbm>> -> memref<1x10240x128xf32, #tpu.memory_space<hbm>>
      %dma_wait3A_295 = tpu.memref_squeeze %dma_wait3A_294 : memref<1x10240x128xf32, #tpu.memory_space<hbm>> -> memref<10240x128xf32, #tpu.memory_space<hbm>>
      %dma_wait3A_296 = arith.constant 0 : i32
      %dma_wait3A_297 = arith.constant 0 : i32
      %dma_wait3A_298 = tpu.memref_slice %dma_wait3A_295[%dma_wait3A_296, %dma_wait3A_297] : memref<10240x128xf32, #tpu.memory_space<hbm>> -> memref<10240x128xf32, #tpu.memory_space<hbm>>
      tpu.wait_indirect_dma semaphore(%arg16 : memref<!tpu.dma_semaphore, #tpu.memory_space<semaphore_mem>>) src(%dma_wait3A_298 : memref<10240x128xf32, #tpu.memory_space<hbm>>) dst(%arg14 : memref<128x128xf32, #tpu.memory_space<vmem>>)
      %dma_start3A_299 = arith.constant 0 : i32
      %dma_start3A_300 = tpu.memref_slice %arg13[%add3A_272, %dma_start3A_299] : memref<50x128xi32, #tpu.memory_space<vmem>> -> memref<1x128xi32, #tpu.memory_space<vmem>>
      %dma_start3A_301 = tpu.memref_squeeze %dma_start3A_300 : memref<1x128xi32, #tpu.memory_space<vmem>> -> memref<128xi32, #tpu.memory_space<vmem>>
      %dma_start3A_302 = arith.constant 0 : i32
      %dma_start3A_303 = arith.constant 0 : i32
      %dma_start3A_304 = tpu.memref_slice %arg22[%dma_start3A_302, %dma_start3A_303] : memref<10240x128xf32, #tpu.memory_space<vmem_shared>> -> memref<10240x128xf32, #tpu.memory_space<vmem_shared>>
      tpu.enqueue_indirect_dma source(%arg14 : memref<128x128xf32, #tpu.memory_space<vmem>>) target(%dma_start3A_304 : memref<10240x128xf32, #tpu.memory_space<vmem_shared>>) offsets(%dma_start3A_301 : memref<128xi32, #tpu.memory_space<vmem>>) semaphore(%arg18 : memref<!tpu.dma_semaphore, #tpu.memory_space<semaphore_mem>>) {add = true}
      %mul3A_305 = arith.constant 2 : i32
      %mul3A_306 = arith.muli %mul3A_305, %add3A_268 : i32
      %add3A_307 = arith.constant 1 : i32
      %add3A_308 = arith.addi %mul3A_306, %add3A_307 : i32
      %sub3A = arith.constant 1 : i32
      %sub3A_309 = arith.subi %add3A_308, %sub3A : i32
      %dma_wait3A_310 = arith.constant 0 : i32
      %dma_wait3A_311 = tpu.memref_slice %arg13[%sub3A_309, %dma_wait3A_310] : memref<50x128xi32, #tpu.memory_space<vmem>> -> memref<1x128xi32, #tpu.memory_space<vmem>>
      %dma_wait3A_312 = tpu.memref_squeeze %dma_wait3A_311 : memref<1x128xi32, #tpu.memory_space<vmem>> -> memref<128xi32, #tpu.memory_space<vmem>>
      %dma_wait3A_313 = arith.constant 0 : i32
      %dma_wait3A_314 = arith.constant 0 : i32
      %dma_wait3A_315 = tpu.memref_slice %arg22[%dma_wait3A_313, %dma_wait3A_314] : memref<10240x128xf32, #tpu.memory_space<vmem_shared>> -> memref<10240x128xf32, #tpu.memory_space<vmem_shared>>
      tpu.wait_indirect_dma semaphore(%arg18 : memref<!tpu.dma_semaphore, #tpu.memory_space<semaphore_mem>>) src(%arg14 : memref<128x128xf32, #tpu.memory_space<vmem>>) dst(%dma_wait3A_315 : memref<10240x128xf32, #tpu.memory_space<vmem_shared>>)
      %lt3A = arith.constant 24 : i32
      %lt3A_316 = arith.cmpi slt, %add3A_268, %lt3A : i32
      %convert_element_type3A_317 = arith.extui %lt3A_316 : i1 to i32
      %cond3A_318 = arith.constant 0 : i32
      %cond3A_319 = arith.cmpi ne, %convert_element_type3A_317, %cond3A_318 : i32
      scf.if %cond3A_319 {
        %add3A_336 = arith.constant 1 : i32
        %add3A_337 = arith.addi %add3A_308, %add3A_336 : i32
        %dma_start3A_338 = arith.constant 0 : i32
        %dma_start3A_339 = tpu.memref_slice %arg12[%add3A_337, %dma_start3A_338] : memref<50x128xi32, #tpu.memory_space<vmem>> -> memref<1x128xi32, #tpu.memory_space<vmem>>
        %dma_start3A_340 = tpu.memref_squeeze %dma_start3A_339 : memref<1x128xi32, #tpu.memory_space<vmem>> -> memref<128xi32, #tpu.memory_space<vmem>>
        %dma_start3A_341 = arith.constant 0 : i32
        %dma_start3A_342 = arith.constant 0 : i32
        %dma_start3A_343 = tpu.memref_slice %arg2[%add3A_8, %dma_start3A_341, %dma_start3A_342] : memref<6x10240x128xf32, #tpu.memory_space<hbm>> -> memref<1x10240x128xf32, #tpu.memory_space<hbm>>
        %dma_start3A_344 = tpu.memref_squeeze %dma_start3A_343 : memref<1x10240x128xf32, #tpu.memory_space<hbm>> -> memref<10240x128xf32, #tpu.memory_space<hbm>>
        %dma_start3A_345 = arith.constant 0 : i32
        %dma_start3A_346 = arith.constant 0 : i32
        %dma_start3A_347 = tpu.memref_slice %dma_start3A_344[%dma_start3A_345, %dma_start3A_346] : memref<10240x128xf32, #tpu.memory_space<hbm>> -> memref<10240x128xf32, #tpu.memory_space<hbm>>
        tpu.enqueue_indirect_dma source(%dma_start3A_347 : memref<10240x128xf32, #tpu.memory_space<hbm>>) target(%arg14 : memref<128x128xf32, #tpu.memory_space<vmem>>) offsets(%dma_start3A_340 : memref<128xi32, #tpu.memory_space<vmem>>) semaphore(%arg16 : memref<!tpu.dma_semaphore, #tpu.memory_space<semaphore_mem>>)
      } else {
      }
      %dma_wait3A_320 = arith.constant 0 : i32
      %dma_wait3A_321 = tpu.memref_slice %arg12[%add3A_308, %dma_wait3A_320] : memref<50x128xi32, #tpu.memory_space<vmem>> -> memref<1x128xi32, #tpu.memory_space<vmem>>
      %dma_wait3A_322 = tpu.memref_squeeze %dma_wait3A_321 : memref<1x128xi32, #tpu.memory_space<vmem>> -> memref<128xi32, #tpu.memory_space<vmem>>
      %dma_wait3A_323 = arith.constant 0 : i32
      %dma_wait3A_324 = arith.constant 0 : i32
      %dma_wait3A_325 = tpu.memref_slice %arg2[%add3A_8, %dma_wait3A_323, %dma_wait3A_324] : memref<6x10240x128xf32, #tpu.memory_space<hbm>> -> memref<1x10240x128xf32, #tpu.memory_space<hbm>>
      %dma_wait3A_326 = tpu.memref_squeeze %dma_wait3A_325 : memref<1x10240x128xf32, #tpu.memory_space<hbm>> -> memref<10240x128xf32, #tpu.memory_space<hbm>>
      %dma_wait3A_327 = arith.constant 0 : i32
      %dma_wait3A_328 = arith.constant 0 : i32
      %dma_wait3A_329 = tpu.memref_slice %dma_wait3A_326[%dma_wait3A_327, %dma_wait3A_328] : memref<10240x128xf32, #tpu.memory_space<hbm>> -> memref<10240x128xf32, #tpu.memory_space<hbm>>
      tpu.wait_indirect_dma semaphore(%arg17 : memref<!tpu.dma_semaphore, #tpu.memory_space<semaphore_mem>>) src(%dma_wait3A_329 : memref<10240x128xf32, #tpu.memory_space<hbm>>) dst(%arg15 : memref<128x128xf32, #tpu.memory_space<vmem>>)
      %dma_start3A_330 = arith.constant 0 : i32
      %dma_start3A_331 = tpu.memref_slice %arg13[%add3A_308, %dma_start3A_330] : memref<50x128xi32, #tpu.memory_space<vmem>> -> memref<1x128xi32, #tpu.memory_space<vmem>>
      %dma_start3A_332 = tpu.memref_squeeze %dma_start3A_331 : memref<1x128xi32, #tpu.memory_space<vmem>> -> memref<128xi32, #tpu.memory_space<vmem>>
      %dma_start3A_333 = arith.constant 0 : i32
      %dma_start3A_334 = arith.constant 0 : i32
      %dma_start3A_335 = tpu.memref_slice %arg22[%dma_start3A_333, %dma_start3A_334] : memref<10240x128xf32, #tpu.memory_space<vmem_shared>> -> memref<10240x128xf32, #tpu.memory_space<vmem_shared>>
      tpu.enqueue_indirect_dma source(%arg15 : memref<128x128xf32, #tpu.memory_space<vmem>>) target(%dma_start3A_335 : memref<10240x128xf32, #tpu.memory_space<vmem_shared>>) offsets(%dma_start3A_332 : memref<128xi32, #tpu.memory_space<vmem>>) semaphore(%arg19 : memref<!tpu.dma_semaphore, #tpu.memory_space<semaphore_mem>>) {add = true}
    }
    %scan3A_24 = arith.constant 25 : i32
    %dma_wait3A = arith.constant 49 : i32
    %dma_wait3A_25 = arith.constant 0 : i32
    %dma_wait3A_26 = tpu.memref_slice %arg13[%dma_wait3A, %dma_wait3A_25] : memref<50x128xi32, #tpu.memory_space<vmem>> -> memref<1x128xi32, #tpu.memory_space<vmem>>
    %dma_wait3A_27 = tpu.memref_squeeze %dma_wait3A_26 : memref<1x128xi32, #tpu.memory_space<vmem>> -> memref<128xi32, #tpu.memory_space<vmem>>
    %dma_wait3A_28 = arith.constant 0 : i32
    %dma_wait3A_29 = arith.constant 0 : i32
    %dma_wait3A_30 = tpu.memref_slice %arg22[%dma_wait3A_28, %dma_wait3A_29] : memref<10240x128xf32, #tpu.memory_space<vmem_shared>> -> memref<10240x128xf32, #tpu.memory_space<vmem_shared>>
    tpu.wait_indirect_dma semaphore(%arg19 : memref<!tpu.dma_semaphore, #tpu.memory_space<semaphore_mem>>) src(%arg15 : memref<128x128xf32, #tpu.memory_space<vmem>>) dst(%dma_wait3A_30 : memref<10240x128xf32, #tpu.memory_space<vmem_shared>>)
    %barrier3A_31 = arith.constant 0 : index
    tpu.barrier barrier_id(%barrier3A_31)
    %run_scoped3A = arith.constant 0 : i32
    "tpu.region"() ({
      %run_scoped3A_264 = tpu.sem_alloc : memref<!tpu.dma_semaphore, #tpu.memory_space<semaphore_mem>>
      %dma_start3A_265 = arith.constant 0 : i32
      %dma_start3A_266 = tpu.memref_slice %arg20[%run_scoped3A, %dma_start3A_265] : memref<8x128xi32, #tpu.memory_space<vmem>> -> memref<1x128xi32, #tpu.memory_space<vmem>>
      %dma_start3A_267 = tpu.memref_squeeze %dma_start3A_266 : memref<1x128xi32, #tpu.memory_space<vmem>> -> memref<128xi32, #tpu.memory_space<vmem>>
      %dma_start3A_268 = arith.constant 0 : i32
      %dma_start3A_269 = arith.constant 0 : i32
      %dma_start3A_270 = tpu.memref_slice %arg22[%dma_start3A_268, %dma_start3A_269] : memref<10240x128xf32, #tpu.memory_space<vmem_shared>> -> memref<10240x128xf32, #tpu.memory_space<vmem_shared>>
      tpu.enqueue_indirect_dma source(%dma_start3A_270 : memref<10240x128xf32, #tpu.memory_space<vmem_shared>>) target(%arg14 : memref<128x128xf32, #tpu.memory_space<vmem>>) offsets(%dma_start3A_267 : memref<128xi32, #tpu.memory_space<vmem>>) semaphore(%run_scoped3A_264 : memref<!tpu.dma_semaphore, #tpu.memory_space<semaphore_mem>>)
      %dma_wait3A_271 = arith.constant 0 : i32
      %dma_wait3A_272 = tpu.memref_slice %arg20[%run_scoped3A, %dma_wait3A_271] : memref<8x128xi32, #tpu.memory_space<vmem>> -> memref<1x128xi32, #tpu.memory_space<vmem>>
      %dma_wait3A_273 = tpu.memref_squeeze %dma_wait3A_272 : memref<1x128xi32, #tpu.memory_space<vmem>> -> memref<128xi32, #tpu.memory_space<vmem>>
      %dma_wait3A_274 = arith.constant 0 : i32
      %dma_wait3A_275 = arith.constant 0 : i32
      %dma_wait3A_276 = tpu.memref_slice %arg22[%dma_wait3A_274, %dma_wait3A_275] : memref<10240x128xf32, #tpu.memory_space<vmem_shared>> -> memref<10240x128xf32, #tpu.memory_space<vmem_shared>>
      tpu.wait_indirect_dma semaphore(%run_scoped3A_264 : memref<!tpu.dma_semaphore, #tpu.memory_space<semaphore_mem>>) src(%dma_wait3A_276 : memref<10240x128xf32, #tpu.memory_space<vmem_shared>>) dst(%arg14 : memref<128x128xf32, #tpu.memory_space<vmem>>)
      tpu.yield
    }) : () -> ()
    %mul3A_32 = arith.constant 4 : i32
    %mul3A_33 = arith.muli %arg1, %mul3A_32 : i32
    %mul3A_34 = arith.constant 128 : i32
    %mul3A_35 = arith.muli %mul3A_33, %mul3A_34 : i32
    %add3A_36 = arith.constant 0 : i32
    %add3A_37 = arith.addi %mul3A_35, %add3A_36 : i32
    "tpu.region"() ({
      %run_scoped3A_264 = tpu.sem_alloc : memref<!tpu.dma_semaphore, #tpu.memory_space<semaphore_mem>>
      %dma_start3A_265 = arith.constant 0 : i32
      %dma_start3A_266 = tpu.memref_slice %arg8[%add3A_8, %add3A_37, %dma_start3A_265] : memref<6x8192x128xf32, #tpu.memory_space<hbm>> -> memref<1x128x128xf32, #tpu.memory_space<hbm>>
      %dma_start3A_267 = tpu.memref_squeeze %dma_start3A_266 : memref<1x128x128xf32, #tpu.memory_space<hbm>> -> memref<128x128xf32, #tpu.memory_space<hbm>>
      %dma_start3A_268 = arith.constant 0 : i32
      %dma_start3A_269 = tpu.memref_slice %arg8[%add3A_8, %add3A_37, %dma_start3A_268] : memref<6x8192x128xf32, #tpu.memory_space<hbm>> -> memref<1x128x128xf32, #tpu.memory_space<hbm>>
      %dma_start3A_270 = tpu.memref_squeeze %dma_start3A_269 : memref<1x128x128xf32, #tpu.memory_space<hbm>> -> memref<128x128xf32, #tpu.memory_space<hbm>>
      tpu.enqueue_dma source(%arg14 : memref<128x128xf32, #tpu.memory_space<vmem>>) target(%dma_start3A_270 : memref<128x128xf32, #tpu.memory_space<hbm>>) target_semaphore(%run_scoped3A_264 : memref<!tpu.dma_semaphore, #tpu.memory_space<semaphore_mem>>)
      %dma_wait3A_271 = arith.constant 0 : i32
      %dma_wait3A_272 = tpu.memref_slice %arg8[%add3A_8, %add3A_37, %dma_wait3A_271] : memref<6x8192x128xf32, #tpu.memory_space<hbm>> -> memref<1x128x128xf32, #tpu.memory_space<hbm>>
      %dma_wait3A_273 = tpu.memref_squeeze %dma_wait3A_272 : memref<1x128x128xf32, #tpu.memory_space<hbm>> -> memref<128x128xf32, #tpu.memory_space<hbm>>
      %dma_wait3A_274 = arith.constant 0 : i32
      %dma_wait3A_275 = tpu.memref_slice %arg8[%add3A_8, %add3A_37, %dma_wait3A_274] : memref<6x8192x128xf32, #tpu.memory_space<hbm>> -> memref<1x128x128xf32, #tpu.memory_space<hbm>>
      %dma_wait3A_276 = tpu.memref_squeeze %dma_wait3A_275 : memref<1x128x128xf32, #tpu.memory_space<hbm>> -> memref<128x128xf32, #tpu.memory_space<hbm>>
      tpu.wait_dma2 semaphore(%run_scoped3A_264 : memref<!tpu.dma_semaphore, #tpu.memory_space<semaphore_mem>>) src(%arg14 : memref<128x128xf32, #tpu.memory_space<vmem>>) dst(%dma_wait3A_276 : memref<128x128xf32, #tpu.memory_space<hbm>>)
      tpu.yield
    }) : () -> ()
    %run_scoped3A_38 = arith.constant 1 : i32
    "tpu.region"() ({
      %run_scoped3A_264 = tpu.sem_alloc : memref<!tpu.dma_semaphore, #tpu.memory_space<semaphore_mem>>
      %dma_start3A_265 = arith.constant 0 : i32
      %dma_start3A_266 = tpu.memref_slice %arg20[%run_scoped3A_38, %dma_start3A_265] : memref<8x128xi32, #tpu.memory_space<vmem>> -> memref<1x128xi32, #tpu.memory_space<vmem>>
      %dma_start3A_267 = tpu.memref_squeeze %dma_start3A_266 : memref<1x128xi32, #tpu.memory_space<vmem>> -> memref<128xi32, #tpu.memory_space<vmem>>
      %dma_start3A_268 = arith.constant 0 : i32
      %dma_start3A_269 = arith.constant 0 : i32
      %dma_start3A_270 = tpu.memref_slice %arg22[%dma_start3A_268, %dma_start3A_269] : memref<10240x128xf32, #tpu.memory_space<vmem_shared>> -> memref<10240x128xf32, #tpu.memory_space<vmem_shared>>
      tpu.enqueue_indirect_dma source(%dma_start3A_270 : memref<10240x128xf32, #tpu.memory_space<vmem_shared>>) target(%arg15 : memref<128x128xf32, #tpu.memory_space<vmem>>) offsets(%dma_start3A_267 : memref<128xi32, #tpu.memory_space<vmem>>) semaphore(%run_scoped3A_264 : memref<!tpu.dma_semaphore, #tpu.memory_space<semaphore_mem>>)
      %dma_wait3A_271 = arith.constant 0 : i32
      %dma_wait3A_272 = tpu.memref_slice %arg20[%run_scoped3A_38, %dma_wait3A_271] : memref<8x128xi32, #tpu.memory_space<vmem>> -> memref<1x128xi32, #tpu.memory_space<vmem>>
      %dma_wait3A_273 = tpu.memref_squeeze %dma_wait3A_272 : memref<1x128xi32, #tpu.memory_space<vmem>> -> memref<128xi32, #tpu.memory_space<vmem>>
      %dma_wait3A_274 = arith.constant 0 : i32
      %dma_wait3A_275 = arith.constant 0 : i32
      %dma_wait3A_276 = tpu.memref_slice %arg22[%dma_wait3A_274, %dma_wait3A_275] : memref<10240x128xf32, #tpu.memory_space<vmem_shared>> -> memref<10240x128xf32, #tpu.memory_space<vmem_shared>>
      tpu.wait_indirect_dma semaphore(%run_scoped3A_264 : memref<!tpu.dma_semaphore, #tpu.memory_space<semaphore_mem>>) src(%dma_wait3A_276 : memref<10240x128xf32, #tpu.memory_space<vmem_shared>>) dst(%arg15 : memref<128x128xf32, #tpu.memory_space<vmem>>)
      tpu.yield
    }) : () -> ()
    %mul3A_39 = arith.constant 4 : i32
    %mul3A_40 = arith.muli %arg1, %mul3A_39 : i32
    %mul3A_41 = arith.constant 128 : i32
    %mul3A_42 = arith.muli %mul3A_40, %mul3A_41 : i32
    %add3A_43 = arith.constant 128 : i32
    %add3A_44 = arith.addi %mul3A_42, %add3A_43 : i32
    "tpu.region"() ({
      %run_scoped3A_264 = tpu.sem_alloc : memref<!tpu.dma_semaphore, #tpu.memory_space<semaphore_mem>>
      %dma_start3A_265 = arith.constant 0 : i32
      %dma_start3A_266 = tpu.memref_slice %arg8[%add3A_8, %add3A_44, %dma_start3A_265] : memref<6x8192x128xf32, #tpu.memory_space<hbm>> -> memref<1x128x128xf32, #tpu.memory_space<hbm>>
      %dma_start3A_267 = tpu.memref_squeeze %dma_start3A_266 : memref<1x128x128xf32, #tpu.memory_space<hbm>> -> memref<128x128xf32, #tpu.memory_space<hbm>>
      %dma_start3A_268 = arith.constant 0 : i32
      %dma_start3A_269 = tpu.memref_slice %arg8[%add3A_8, %add3A_44, %dma_start3A_268] : memref<6x8192x128xf32, #tpu.memory_space<hbm>> -> memref<1x128x128xf32, #tpu.memory_space<hbm>>
      %dma_start3A_270 = tpu.memref_squeeze %dma_start3A_269 : memref<1x128x128xf32, #tpu.memory_space<hbm>> -> memref<128x128xf32, #tpu.memory_space<hbm>>
      tpu.enqueue_dma source(%arg15 : memref<128x128xf32, #tpu.memory_space<vmem>>) target(%dma_start3A_270 : memref<128x128xf32, #tpu.memory_space<hbm>>) target_semaphore(%run_scoped3A_264 : memref<!tpu.dma_semaphore, #tpu.memory_space<semaphore_mem>>)
      %dma_wait3A_271 = arith.constant 0 : i32
      %dma_wait3A_272 = tpu.memref_slice %arg8[%add3A_8, %add3A_44, %dma_wait3A_271] : memref<6x8192x128xf32, #tpu.memory_space<hbm>> -> memref<1x128x128xf32, #tpu.memory_space<hbm>>
      %dma_wait3A_273 = tpu.memref_squeeze %dma_wait3A_272 : memref<1x128x128xf32, #tpu.memory_space<hbm>> -> memref<128x128xf32, #tpu.memory_space<hbm>>
      %dma_wait3A_274 = arith.constant 0 : i32
      %dma_wait3A_275 = tpu.memref_slice %arg8[%add3A_8, %add3A_44, %dma_wait3A_274] : memref<6x8192x128xf32, #tpu.memory_space<hbm>> -> memref<1x128x128xf32, #tpu.memory_space<hbm>>
      %dma_wait3A_276 = tpu.memref_squeeze %dma_wait3A_275 : memref<1x128x128xf32, #tpu.memory_space<hbm>> -> memref<128x128xf32, #tpu.memory_space<hbm>>
      tpu.wait_dma2 semaphore(%run_scoped3A_264 : memref<!tpu.dma_semaphore, #tpu.memory_space<semaphore_mem>>) src(%arg15 : memref<128x128xf32, #tpu.memory_space<vmem>>) dst(%dma_wait3A_276 : memref<128x128xf32, #tpu.memory_space<hbm>>)
      tpu.yield
    }) : () -> ()
    %run_scoped3A_45 = arith.constant 2 : i32
    "tpu.region"() ({
      %run_scoped3A_264 = tpu.sem_alloc : memref<!tpu.dma_semaphore, #tpu.memory_space<semaphore_mem>>
      %dma_start3A_265 = arith.constant 0 : i32
      %dma_start3A_266 = tpu.memref_slice %arg20[%run_scoped3A_45, %dma_start3A_265] : memref<8x128xi32, #tpu.memory_space<vmem>> -> memref<1x128xi32, #tpu.memory_space<vmem>>
      %dma_start3A_267 = tpu.memref_squeeze %dma_start3A_266 : memref<1x128xi32, #tpu.memory_space<vmem>> -> memref<128xi32, #tpu.memory_space<vmem>>
      %dma_start3A_268 = arith.constant 0 : i32
      %dma_start3A_269 = arith.constant 0 : i32
      %dma_start3A_270 = tpu.memref_slice %arg22[%dma_start3A_268, %dma_start3A_269] : memref<10240x128xf32, #tpu.memory_space<vmem_shared>> -> memref<10240x128xf32, #tpu.memory_space<vmem_shared>>
      tpu.enqueue_indirect_dma source(%dma_start3A_270 : memref<10240x128xf32, #tpu.memory_space<vmem_shared>>) target(%arg14 : memref<128x128xf32, #tpu.memory_space<vmem>>) offsets(%dma_start3A_267 : memref<128xi32, #tpu.memory_space<vmem>>) semaphore(%run_scoped3A_264 : memref<!tpu.dma_semaphore, #tpu.memory_space<semaphore_mem>>)
      %dma_wait3A_271 = arith.constant 0 : i32
      %dma_wait3A_272 = tpu.memref_slice %arg20[%run_scoped3A_45, %dma_wait3A_271] : memref<8x128xi32, #tpu.memory_space<vmem>> -> memref<1x128xi32, #tpu.memory_space<vmem>>
      %dma_wait3A_273 = tpu.memref_squeeze %dma_wait3A_272 : memref<1x128xi32, #tpu.memory_space<vmem>> -> memref<128xi32, #tpu.memory_space<vmem>>
      %dma_wait3A_274 = arith.constant 0 : i32
      %dma_wait3A_275 = arith.constant 0 : i32
      %dma_wait3A_276 = tpu.memref_slice %arg22[%dma_wait3A_274, %dma_wait3A_275] : memref<10240x128xf32, #tpu.memory_space<vmem_shared>> -> memref<10240x128xf32, #tpu.memory_space<vmem_shared>>
      tpu.wait_indirect_dma semaphore(%run_scoped3A_264 : memref<!tpu.dma_semaphore, #tpu.memory_space<semaphore_mem>>) src(%dma_wait3A_276 : memref<10240x128xf32, #tpu.memory_space<vmem_shared>>) dst(%arg14 : memref<128x128xf32, #tpu.memory_space<vmem>>)
      tpu.yield
    }) : () -> ()
    %mul3A_46 = arith.constant 4 : i32
    %mul3A_47 = arith.muli %arg1, %mul3A_46 : i32
    %mul3A_48 = arith.constant 128 : i32
    %mul3A_49 = arith.muli %mul3A_47, %mul3A_48 : i32
    %add3A_50 = arith.constant 256 : i32
    %add3A_51 = arith.addi %mul3A_49, %add3A_50 : i32
    "tpu.region"() ({
      %run_scoped3A_264 = tpu.sem_alloc : memref<!tpu.dma_semaphore, #tpu.memory_space<semaphore_mem>>
      %dma_start3A_265 = arith.constant 0 : i32
      %dma_start3A_266 = tpu.memref_slice %arg8[%add3A_8, %add3A_51, %dma_start3A_265] : memref<6x8192x128xf32, #tpu.memory_space<hbm>> -> memref<1x128x128xf32, #tpu.memory_space<hbm>>
      %dma_start3A_267 = tpu.memref_squeeze %dma_start3A_266 : memref<1x128x128xf32, #tpu.memory_space<hbm>> -> memref<128x128xf32, #tpu.memory_space<hbm>>
      %dma_start3A_268 = arith.constant 0 : i32
      %dma_start3A_269 = tpu.memref_slice %arg8[%add3A_8, %add3A_51, %dma_start3A_268] : memref<6x8192x128xf32, #tpu.memory_space<hbm>> -> memref<1x128x128xf32, #tpu.memory_space<hbm>>
      %dma_start3A_270 = tpu.memref_squeeze %dma_start3A_269 : memref<1x128x128xf32, #tpu.memory_space<hbm>> -> memref<128x128xf32, #tpu.memory_space<hbm>>
      tpu.enqueue_dma source(%arg14 : memref<128x128xf32, #tpu.memory_space<vmem>>) target(%dma_start3A_270 : memref<128x128xf32, #tpu.memory_space<hbm>>) target_semaphore(%run_scoped3A_264 : memref<!tpu.dma_semaphore, #tpu.memory_space<semaphore_mem>>)
      %dma_wait3A_271 = arith.constant 0 : i32
      %dma_wait3A_272 = tpu.memref_slice %arg8[%add3A_8, %add3A_51, %dma_wait3A_271] : memref<6x8192x128xf32, #tpu.memory_space<hbm>> -> memref<1x128x128xf32, #tpu.memory_space<hbm>>
      %dma_wait3A_273 = tpu.memref_squeeze %dma_wait3A_272 : memref<1x128x128xf32, #tpu.memory_space<hbm>> -> memref<128x128xf32, #tpu.memory_space<hbm>>
      %dma_wait3A_274 = arith.constant 0 : i32
      %dma_wait3A_275 = tpu.memref_slice %arg8[%add3A_8, %add3A_51, %dma_wait3A_274] : memref<6x8192x128xf32, #tpu.memory_space<hbm>> -> memref<1x128x128xf32, #tpu.memory_space<hbm>>
      %dma_wait3A_276 = tpu.memref_squeeze %dma_wait3A_275 : memref<1x128x128xf32, #tpu.memory_space<hbm>> -> memref<128x128xf32, #tpu.memory_space<hbm>>
      tpu.wait_dma2 semaphore(%run_scoped3A_264 : memref<!tpu.dma_semaphore, #tpu.memory_space<semaphore_mem>>) src(%arg14 : memref<128x128xf32, #tpu.memory_space<vmem>>) dst(%dma_wait3A_276 : memref<128x128xf32, #tpu.memory_space<hbm>>)
      tpu.yield
    }) : () -> ()
    %run_scoped3A_52 = arith.constant 3 : i32
    "tpu.region"() ({
      %run_scoped3A_264 = tpu.sem_alloc : memref<!tpu.dma_semaphore, #tpu.memory_space<semaphore_mem>>
      %dma_start3A_265 = arith.constant 0 : i32
      %dma_start3A_266 = tpu.memref_slice %arg20[%run_scoped3A_52, %dma_start3A_265] : memref<8x128xi32, #tpu.memory_space<vmem>> -> memref<1x128xi32, #tpu.memory_space<vmem>>
      %dma_start3A_267 = tpu.memref_squeeze %dma_start3A_266 : memref<1x128xi32, #tpu.memory_space<vmem>> -> memref<128xi32, #tpu.memory_space<vmem>>
      %dma_start3A_268 = arith.constant 0 : i32
      %dma_start3A_269 = arith.constant 0 : i32
      %dma_start3A_270 = tpu.memref_slice %arg22[%dma_start3A_268, %dma_start3A_269] : memref<10240x128xf32, #tpu.memory_space<vmem_shared>> -> memref<10240x128xf32, #tpu.memory_space<vmem_shared>>
      tpu.enqueue_indirect_dma source(%dma_start3A_270 : memref<10240x128xf32, #tpu.memory_space<vmem_shared>>) target(%arg15 : memref<128x128xf32, #tpu.memory_space<vmem>>) offsets(%dma_start3A_267 : memref<128xi32, #tpu.memory_space<vmem>>) semaphore(%run_scoped3A_264 : memref<!tpu.dma_semaphore, #tpu.memory_space<semaphore_mem>>)
      %dma_wait3A_271 = arith.constant 0 : i32
      %dma_wait3A_272 = tpu.memref_slice %arg20[%run_scoped3A_52, %dma_wait3A_271] : memref<8x128xi32, #tpu.memory_space<vmem>> -> memref<1x128xi32, #tpu.memory_space<vmem>>
      %dma_wait3A_273 = tpu.memref_squeeze %dma_wait3A_272 : memref<1x128xi32, #tpu.memory_space<vmem>> -> memref<128xi32, #tpu.memory_space<vmem>>
      %dma_wait3A_274 = arith.constant 0 : i32
      %dma_wait3A_275 = arith.constant 0 : i32
      %dma_wait3A_276 = tpu.memref_slice %arg22[%dma_wait3A_274, %dma_wait3A_275] : memref<10240x128xf32, #tpu.memory_space<vmem_shared>> -> memref<10240x128xf32, #tpu.memory_space<vmem_shared>>
      tpu.wait_indirect_dma semaphore(%run_scoped3A_264 : memref<!tpu.dma_semaphore, #tpu.memory_space<semaphore_mem>>) src(%dma_wait3A_276 : memref<10240x128xf32, #tpu.memory_space<vmem_shared>>) dst(%arg15 : memref<128x128xf32, #tpu.memory_space<vmem>>)
      tpu.yield
    }) : () -> ()
    %mul3A_53 = arith.constant 4 : i32
    %mul3A_54 = arith.muli %arg1, %mul3A_53 : i32
    %mul3A_55 = arith.constant 128 : i32
    %mul3A_56 = arith.muli %mul3A_54, %mul3A_55 : i32
    %add3A_57 = arith.constant 384 : i32
    %add3A_58 = arith.addi %mul3A_56, %add3A_57 : i32
    "tpu.region"() ({
      %run_scoped3A_264 = tpu.sem_alloc : memref<!tpu.dma_semaphore, #tpu.memory_space<semaphore_mem>>
      %dma_start3A_265 = arith.constant 0 : i32
      %dma_start3A_266 = tpu.memref_slice %arg8[%add3A_8, %add3A_58, %dma_start3A_265] : memref<6x8192x128xf32, #tpu.memory_space<hbm>> -> memref<1x128x128xf32, #tpu.memory_space<hbm>>
      %dma_start3A_267 = tpu.memref_squeeze %dma_start3A_266 : memref<1x128x128xf32, #tpu.memory_space<hbm>> -> memref<128x128xf32, #tpu.memory_space<hbm>>
      %dma_start3A_268 = arith.constant 0 : i32
      %dma_start3A_269 = tpu.memref_slice %arg8[%add3A_8, %add3A_58, %dma_start3A_268] : memref<6x8192x128xf32, #tpu.memory_space<hbm>> -> memref<1x128x128xf32, #tpu.memory_space<hbm>>
      %dma_start3A_270 = tpu.memref_squeeze %dma_start3A_269 : memref<1x128x128xf32, #tpu.memory_space<hbm>> -> memref<128x128xf32, #tpu.memory_space<hbm>>
      tpu.enqueue_dma source(%arg15 : memref<128x128xf32, #tpu.memory_space<vmem>>) target(%dma_start3A_270 : memref<128x128xf32, #tpu.memory_space<hbm>>) target_semaphore(%run_scoped3A_264 : memref<!tpu.dma_semaphore, #tpu.memory_space<semaphore_mem>>)
      %dma_wait3A_271 = arith.constant 0 : i32
      %dma_wait3A_272 = tpu.memref_slice %arg8[%add3A_8, %add3A_58, %dma_wait3A_271] : memref<6x8192x128xf32, #tpu.memory_space<hbm>> -> memref<1x128x128xf32, #tpu.memory_space<hbm>>
      %dma_wait3A_273 = tpu.memref_squeeze %dma_wait3A_272 : memref<1x128x128xf32, #tpu.memory_space<hbm>> -> memref<128x128xf32, #tpu.memory_space<hbm>>
      %dma_wait3A_274 = arith.constant 0 : i32
      %dma_wait3A_275 = tpu.memref_slice %arg8[%add3A_8, %add3A_58, %dma_wait3A_274] : memref<6x8192x128xf32, #tpu.memory_space<hbm>> -> memref<1x128x128xf32, #tpu.memory_space<hbm>>
      %dma_wait3A_276 = tpu.memref_squeeze %dma_wait3A_275 : memref<1x128x128xf32, #tpu.memory_space<hbm>> -> memref<128x128xf32, #tpu.memory_space<hbm>>
      tpu.wait_dma2 semaphore(%run_scoped3A_264 : memref<!tpu.dma_semaphore, #tpu.memory_space<semaphore_mem>>) src(%arg15 : memref<128x128xf32, #tpu.memory_space<vmem>>) dst(%dma_wait3A_276 : memref<128x128xf32, #tpu.memory_space<hbm>>)
      tpu.yield
    }) : () -> ()
    %run_scoped3A_59 = arith.constant 4 : i32
    "tpu.region"() ({
      %run_scoped3A_264 = tpu.sem_alloc : memref<!tpu.dma_semaphore, #tpu.memory_space<semaphore_mem>>
      %dma_start3A_265 = arith.constant 0 : i32
      %dma_start3A_266 = tpu.memref_slice %arg20[%run_scoped3A_59, %dma_start3A_265] : memref<8x128xi32, #tpu.memory_space<vmem>> -> memref<1x128xi32, #tpu.memory_space<vmem>>
      %dma_start3A_267 = tpu.memref_squeeze %dma_start3A_266 : memref<1x128xi32, #tpu.memory_space<vmem>> -> memref<128xi32, #tpu.memory_space<vmem>>
      %dma_start3A_268 = arith.constant 0 : i32
      %dma_start3A_269 = arith.constant 0 : i32
      %dma_start3A_270 = tpu.memref_slice %arg22[%dma_start3A_268, %dma_start3A_269] : memref<10240x128xf32, #tpu.memory_space<vmem_shared>> -> memref<10240x128xf32, #tpu.memory_space<vmem_shared>>
      tpu.enqueue_indirect_dma source(%dma_start3A_270 : memref<10240x128xf32, #tpu.memory_space<vmem_shared>>) target(%arg14 : memref<128x128xf32, #tpu.memory_space<vmem>>) offsets(%dma_start3A_267 : memref<128xi32, #tpu.memory_space<vmem>>) semaphore(%run_scoped3A_264 : memref<!tpu.dma_semaphore, #tpu.memory_space<semaphore_mem>>)
      %dma_wait3A_271 = arith.constant 0 : i32
      %dma_wait3A_272 = tpu.memref_slice %arg20[%run_scoped3A_59, %dma_wait3A_271] : memref<8x128xi32, #tpu.memory_space<vmem>> -> memref<1x128xi32, #tpu.memory_space<vmem>>
      %dma_wait3A_273 = tpu.memref_squeeze %dma_wait3A_272 : memref<1x128xi32, #tpu.memory_space<vmem>> -> memref<128xi32, #tpu.memory_space<vmem>>
      %dma_wait3A_274 = arith.constant 0 : i32
      %dma_wait3A_275 = arith.constant 0 : i32
      %dma_wait3A_276 = tpu.memref_slice %arg22[%dma_wait3A_274, %dma_wait3A_275] : memref<10240x128xf32, #tpu.memory_space<vmem_shared>> -> memref<10240x128xf32, #tpu.memory_space<vmem_shared>>
      tpu.wait_indirect_dma semaphore(%run_scoped3A_264 : memref<!tpu.dma_semaphore, #tpu.memory_space<semaphore_mem>>) src(%dma_wait3A_276 : memref<10240x128xf32, #tpu.memory_space<vmem_shared>>) dst(%arg14 : memref<128x128xf32, #tpu.memory_space<vmem>>)
      tpu.yield
    }) : () -> ()
    %mul3A_60 = arith.constant 4 : i32
    %mul3A_61 = arith.muli %arg1, %mul3A_60 : i32
    %mul3A_62 = arith.constant 128 : i32
    %mul3A_63 = arith.muli %mul3A_61, %mul3A_62 : i32
    %add3A_64 = arith.constant 0 : i32
    %add3A_65 = arith.addi %mul3A_63, %add3A_64 : i32
    "tpu.region"() ({
      %run_scoped3A_264 = tpu.sem_alloc : memref<!tpu.dma_semaphore, #tpu.memory_space<semaphore_mem>>
      %dma_start3A_265 = arith.constant 0 : i32
      %dma_start3A_266 = tpu.memref_slice %arg9[%add3A_8, %add3A_65, %dma_start3A_265] : memref<6x8192x128xf32, #tpu.memory_space<hbm>> -> memref<1x128x128xf32, #tpu.memory_space<hbm>>
      %dma_start3A_267 = tpu.memref_squeeze %dma_start3A_266 : memref<1x128x128xf32, #tpu.memory_space<hbm>> -> memref<128x128xf32, #tpu.memory_space<hbm>>
      %dma_start3A_268 = arith.constant 0 : i32
      %dma_start3A_269 = tpu.memref_slice %arg9[%add3A_8, %add3A_65, %dma_start3A_268] : memref<6x8192x128xf32, #tpu.memory_space<hbm>> -> memref<1x128x128xf32, #tpu.memory_space<hbm>>
      %dma_start3A_270 = tpu.memref_squeeze %dma_start3A_269 : memref<1x128x128xf32, #tpu.memory_space<hbm>> -> memref<128x128xf32, #tpu.memory_space<hbm>>
      tpu.enqueue_dma source(%arg14 : memref<128x128xf32, #tpu.memory_space<vmem>>) target(%dma_start3A_270 : memref<128x128xf32, #tpu.memory_space<hbm>>) target_semaphore(%run_scoped3A_264 : memref<!tpu.dma_semaphore, #tpu.memory_space<semaphore_mem>>)
      %dma_wait3A_271 = arith.constant 0 : i32
      %dma_wait3A_272 = tpu.memref_slice %arg9[%add3A_8, %add3A_65, %dma_wait3A_271] : memref<6x8192x128xf32, #tpu.memory_space<hbm>> -> memref<1x128x128xf32, #tpu.memory_space<hbm>>
      %dma_wait3A_273 = tpu.memref_squeeze %dma_wait3A_272 : memref<1x128x128xf32, #tpu.memory_space<hbm>> -> memref<128x128xf32, #tpu.memory_space<hbm>>
      %dma_wait3A_274 = arith.constant 0 : i32
      %dma_wait3A_275 = tpu.memref_slice %arg9[%add3A_8, %add3A_65, %dma_wait3A_274] : memref<6x8192x128xf32, #tpu.memory_space<hbm>> -> memref<1x128x128xf32, #tpu.memory_space<hbm>>
      %dma_wait3A_276 = tpu.memref_squeeze %dma_wait3A_275 : memref<1x128x128xf32, #tpu.memory_space<hbm>> -> memref<128x128xf32, #tpu.memory_space<hbm>>
      tpu.wait_dma2 semaphore(%run_scoped3A_264 : memref<!tpu.dma_semaphore, #tpu.memory_space<semaphore_mem>>) src(%arg14 : memref<128x128xf32, #tpu.memory_space<vmem>>) dst(%dma_wait3A_276 : memref<128x128xf32, #tpu.memory_space<hbm>>)
      tpu.yield
    }) : () -> ()
    %run_scoped3A_66 = arith.constant 5 : i32
    "tpu.region"() ({
      %run_scoped3A_264 = tpu.sem_alloc : memref<!tpu.dma_semaphore, #tpu.memory_space<semaphore_mem>>
      %dma_start3A_265 = arith.constant 0 : i32
      %dma_start3A_266 = tpu.memref_slice %arg20[%run_scoped3A_66, %dma_start3A_265] : memref<8x128xi32, #tpu.memory_space<vmem>> -> memref<1x128xi32, #tpu.memory_space<vmem>>
      %dma_start3A_267 = tpu.memref_squeeze %dma_start3A_266 : memref<1x128xi32, #tpu.memory_space<vmem>> -> memref<128xi32, #tpu.memory_space<vmem>>
      %dma_start3A_268 = arith.constant 0 : i32
      %dma_start3A_269 = arith.constant 0 : i32
      %dma_start3A_270 = tpu.memref_slice %arg22[%dma_start3A_268, %dma_start3A_269] : memref<10240x128xf32, #tpu.memory_space<vmem_shared>> -> memref<10240x128xf32, #tpu.memory_space<vmem_shared>>
      tpu.enqueue_indirect_dma source(%dma_start3A_270 : memref<10240x128xf32, #tpu.memory_space<vmem_shared>>) target(%arg15 : memref<128x128xf32, #tpu.memory_space<vmem>>) offsets(%dma_start3A_267 : memref<128xi32, #tpu.memory_space<vmem>>) semaphore(%run_scoped3A_264 : memref<!tpu.dma_semaphore, #tpu.memory_space<semaphore_mem>>)
      %dma_wait3A_271 = arith.constant 0 : i32
      %dma_wait3A_272 = tpu.memref_slice %arg20[%run_scoped3A_66, %dma_wait3A_271] : memref<8x128xi32, #tpu.memory_space<vmem>> -> memref<1x128xi32, #tpu.memory_space<vmem>>
      %dma_wait3A_273 = tpu.memref_squeeze %dma_wait3A_272 : memref<1x128xi32, #tpu.memory_space<vmem>> -> memref<128xi32, #tpu.memory_space<vmem>>
      %dma_wait3A_274 = arith.constant 0 : i32
      %dma_wait3A_275 = arith.constant 0 : i32
      %dma_wait3A_276 = tpu.memref_slice %arg22[%dma_wait3A_274, %dma_wait3A_275] : memref<10240x128xf32, #tpu.memory_space<vmem_shared>> -> memref<10240x128xf32, #tpu.memory_space<vmem_shared>>
      tpu.wait_indirect_dma semaphore(%run_scoped3A_264 : memref<!tpu.dma_semaphore, #tpu.memory_space<semaphore_mem>>) src(%dma_wait3A_276 : memref<10240x128xf32, #tpu.memory_space<vmem_shared>>) dst(%arg15 : memref<128x128xf32, #tpu.memory_space<vmem>>)
      tpu.yield
    }) : () -> ()
    %mul3A_67 = arith.constant 4 : i32
    %mul3A_68 = arith.muli %arg1, %mul3A_67 : i32
    %mul3A_69 = arith.constant 128 : i32
    %mul3A_70 = arith.muli %mul3A_68, %mul3A_69 : i32
    %add3A_71 = arith.constant 128 : i32
    %add3A_72 = arith.addi %mul3A_70, %add3A_71 : i32
    "tpu.region"() ({
      %run_scoped3A_264 = tpu.sem_alloc : memref<!tpu.dma_semaphore, #tpu.memory_space<semaphore_mem>>
      %dma_start3A_265 = arith.constant 0 : i32
      %dma_start3A_266 = tpu.memref_slice %arg9[%add3A_8, %add3A_72, %dma_start3A_265] : memref<6x8192x128xf32, #tpu.memory_space<hbm>> -> memref<1x128x128xf32, #tpu.memory_space<hbm>>
      %dma_start3A_267 = tpu.memref_squeeze %dma_start3A_266 : memref<1x128x128xf32, #tpu.memory_space<hbm>> -> memref<128x128xf32, #tpu.memory_space<hbm>>
      %dma_start3A_268 = arith.constant 0 : i32
      %dma_start3A_269 = tpu.memref_slice %arg9[%add3A_8, %add3A_72, %dma_start3A_268] : memref<6x8192x128xf32, #tpu.memory_space<hbm>> -> memref<1x128x128xf32, #tpu.memory_space<hbm>>
      %dma_start3A_270 = tpu.memref_squeeze %dma_start3A_269 : memref<1x128x128xf32, #tpu.memory_space<hbm>> -> memref<128x128xf32, #tpu.memory_space<hbm>>
      tpu.enqueue_dma source(%arg15 : memref<128x128xf32, #tpu.memory_space<vmem>>) target(%dma_start3A_270 : memref<128x128xf32, #tpu.memory_space<hbm>>) target_semaphore(%run_scoped3A_264 : memref<!tpu.dma_semaphore, #tpu.memory_space<semaphore_mem>>)
      %dma_wait3A_271 = arith.constant 0 : i32
      %dma_wait3A_272 = tpu.memref_slice %arg9[%add3A_8, %add3A_72, %dma_wait3A_271] : memref<6x8192x128xf32, #tpu.memory_space<hbm>> -> memref<1x128x128xf32, #tpu.memory_space<hbm>>
      %dma_wait3A_273 = tpu.memref_squeeze %dma_wait3A_272 : memref<1x128x128xf32, #tpu.memory_space<hbm>> -> memref<128x128xf32, #tpu.memory_space<hbm>>
      %dma_wait3A_274 = arith.constant 0 : i32
      %dma_wait3A_275 = tpu.memref_slice %arg9[%add3A_8, %add3A_72, %dma_wait3A_274] : memref<6x8192x128xf32, #tpu.memory_space<hbm>> -> memref<1x128x128xf32, #tpu.memory_space<hbm>>
      %dma_wait3A_276 = tpu.memref_squeeze %dma_wait3A_275 : memref<1x128x128xf32, #tpu.memory_space<hbm>> -> memref<128x128xf32, #tpu.memory_space<hbm>>
      tpu.wait_dma2 semaphore(%run_scoped3A_264 : memref<!tpu.dma_semaphore, #tpu.memory_space<semaphore_mem>>) src(%arg15 : memref<128x128xf32, #tpu.memory_space<vmem>>) dst(%dma_wait3A_276 : memref<128x128xf32, #tpu.memory_space<hbm>>)
      tpu.yield
    }) : () -> ()
    %run_scoped3A_73 = arith.constant 6 : i32
    "tpu.region"() ({
      %run_scoped3A_264 = tpu.sem_alloc : memref<!tpu.dma_semaphore, #tpu.memory_space<semaphore_mem>>
      %dma_start3A_265 = arith.constant 0 : i32
      %dma_start3A_266 = tpu.memref_slice %arg20[%run_scoped3A_73, %dma_start3A_265] : memref<8x128xi32, #tpu.memory_space<vmem>> -> memref<1x128xi32, #tpu.memory_space<vmem>>
      %dma_start3A_267 = tpu.memref_squeeze %dma_start3A_266 : memref<1x128xi32, #tpu.memory_space<vmem>> -> memref<128xi32, #tpu.memory_space<vmem>>
      %dma_start3A_268 = arith.constant 0 : i32
      %dma_start3A_269 = arith.constant 0 : i32
      %dma_start3A_270 = tpu.memref_slice %arg22[%dma_start3A_268, %dma_start3A_269] : memref<10240x128xf32, #tpu.memory_space<vmem_shared>> -> memref<10240x128xf32, #tpu.memory_space<vmem_shared>>
      tpu.enqueue_indirect_dma source(%dma_start3A_270 : memref<10240x128xf32, #tpu.memory_space<vmem_shared>>) target(%arg14 : memref<128x128xf32, #tpu.memory_space<vmem>>) offsets(%dma_start3A_267 : memref<128xi32, #tpu.memory_space<vmem>>) semaphore(%run_scoped3A_264 : memref<!tpu.dma_semaphore, #tpu.memory_space<semaphore_mem>>)
      %dma_wait3A_271 = arith.constant 0 : i32
      %dma_wait3A_272 = tpu.memref_slice %arg20[%run_scoped3A_73, %dma_wait3A_271] : memref<8x128xi32, #tpu.memory_space<vmem>> -> memref<1x128xi32, #tpu.memory_space<vmem>>
      %dma_wait3A_273 = tpu.memref_squeeze %dma_wait3A_272 : memref<1x128xi32, #tpu.memory_space<vmem>> -> memref<128xi32, #tpu.memory_space<vmem>>
      %dma_wait3A_274 = arith.constant 0 : i32
      %dma_wait3A_275 = arith.constant 0 : i32
      %dma_wait3A_276 = tpu.memref_slice %arg22[%dma_wait3A_274, %dma_wait3A_275] : memref<10240x128xf32, #tpu.memory_space<vmem_shared>> -> memref<10240x128xf32, #tpu.memory_space<vmem_shared>>
      tpu.wait_indirect_dma semaphore(%run_scoped3A_264 : memref<!tpu.dma_semaphore, #tpu.memory_space<semaphore_mem>>) src(%dma_wait3A_276 : memref<10240x128xf32, #tpu.memory_space<vmem_shared>>) dst(%arg14 : memref<128x128xf32, #tpu.memory_space<vmem>>)
      tpu.yield
    }) : () -> ()
    %mul3A_74 = arith.constant 4 : i32
    %mul3A_75 = arith.muli %arg1, %mul3A_74 : i32
    %mul3A_76 = arith.constant 128 : i32
    %mul3A_77 = arith.muli %mul3A_75, %mul3A_76 : i32
    %add3A_78 = arith.constant 256 : i32
    %add3A_79 = arith.addi %mul3A_77, %add3A_78 : i32
    "tpu.region"() ({
      %run_scoped3A_264 = tpu.sem_alloc : memref<!tpu.dma_semaphore, #tpu.memory_space<semaphore_mem>>
      %dma_start3A_265 = arith.constant 0 : i32
      %dma_start3A_266 = tpu.memref_slice %arg9[%add3A_8, %add3A_79, %dma_start3A_265] : memref<6x8192x128xf32, #tpu.memory_space<hbm>> -> memref<1x128x128xf32, #tpu.memory_space<hbm>>
      %dma_start3A_267 = tpu.memref_squeeze %dma_start3A_266 : memref<1x128x128xf32, #tpu.memory_space<hbm>> -> memref<128x128xf32, #tpu.memory_space<hbm>>
      %dma_start3A_268 = arith.constant 0 : i32
      %dma_start3A_269 = tpu.memref_slice %arg9[%add3A_8, %add3A_79, %dma_start3A_268] : memref<6x8192x128xf32, #tpu.memory_space<hbm>> -> memref<1x128x128xf32, #tpu.memory_space<hbm>>
      %dma_start3A_270 = tpu.memref_squeeze %dma_start3A_269 : memref<1x128x128xf32, #tpu.memory_space<hbm>> -> memref<128x128xf32, #tpu.memory_space<hbm>>
      tpu.enqueue_dma source(%arg14 : memref<128x128xf32, #tpu.memory_space<vmem>>) target(%dma_start3A_270 : memref<128x128xf32, #tpu.memory_space<hbm>>) target_semaphore(%run_scoped3A_264 : memref<!tpu.dma_semaphore, #tpu.memory_space<semaphore_mem>>)
      %dma_wait3A_271 = arith.constant 0 : i32
      %dma_wait3A_272 = tpu.memref_slice %arg9[%add3A_8, %add3A_79, %dma_wait3A_271] : memref<6x8192x128xf32, #tpu.memory_space<hbm>> -> memref<1x128x128xf32, #tpu.memory_space<hbm>>
      %dma_wait3A_273 = tpu.memref_squeeze %dma_wait3A_272 : memref<1x128x128xf32, #tpu.memory_space<hbm>> -> memref<128x128xf32, #tpu.memory_space<hbm>>
      %dma_wait3A_274 = arith.constant 0 : i32
      %dma_wait3A_275 = tpu.memref_slice %arg9[%add3A_8, %add3A_79, %dma_wait3A_274] : memref<6x8192x128xf32, #tpu.memory_space<hbm>> -> memref<1x128x128xf32, #tpu.memory_space<hbm>>
      %dma_wait3A_276 = tpu.memref_squeeze %dma_wait3A_275 : memref<1x128x128xf32, #tpu.memory_space<hbm>> -> memref<128x128xf32, #tpu.memory_space<hbm>>
      tpu.wait_dma2 semaphore(%run_scoped3A_264 : memref<!tpu.dma_semaphore, #tpu.memory_space<semaphore_mem>>) src(%arg14 : memref<128x128xf32, #tpu.memory_space<vmem>>) dst(%dma_wait3A_276 : memref<128x128xf32, #tpu.memory_space<hbm>>)
      tpu.yield
    }) : () -> ()
    %run_scoped3A_80 = arith.constant 7 : i32
    "tpu.region"() ({
      %run_scoped3A_264 = tpu.sem_alloc : memref<!tpu.dma_semaphore, #tpu.memory_space<semaphore_mem>>
      %dma_start3A_265 = arith.constant 0 : i32
      %dma_start3A_266 = tpu.memref_slice %arg20[%run_scoped3A_80, %dma_start3A_265] : memref<8x128xi32, #tpu.memory_space<vmem>> -> memref<1x128xi32, #tpu.memory_space<vmem>>
      %dma_start3A_267 = tpu.memref_squeeze %dma_start3A_266 : memref<1x128xi32, #tpu.memory_space<vmem>> -> memref<128xi32, #tpu.memory_space<vmem>>
      %dma_start3A_268 = arith.constant 0 : i32
      %dma_start3A_269 = arith.constant 0 : i32
      %dma_start3A_270 = tpu.memref_slice %arg22[%dma_start3A_268, %dma_start3A_269] : memref<10240x128xf32, #tpu.memory_space<vmem_shared>> -> memref<10240x128xf32, #tpu.memory_space<vmem_shared>>
      tpu.enqueue_indirect_dma source(%dma_start3A_270 : memref<10240x128xf32, #tpu.memory_space<vmem_shared>>) target(%arg15 : memref<128x128xf32, #tpu.memory_space<vmem>>) offsets(%dma_start3A_267 : memref<128xi32, #tpu.memory_space<vmem>>) semaphore(%run_scoped3A_264 : memref<!tpu.dma_semaphore, #tpu.memory_space<semaphore_mem>>)
      %dma_wait3A_271 = arith.constant 0 : i32
      %dma_wait3A_272 = tpu.memref_slice %arg20[%run_scoped3A_80, %dma_wait3A_271] : memref<8x128xi32, #tpu.memory_space<vmem>> -> memref<1x128xi32, #tpu.memory_space<vmem>>
      %dma_wait3A_273 = tpu.memref_squeeze %dma_wait3A_272 : memref<1x128xi32, #tpu.memory_space<vmem>> -> memref<128xi32, #tpu.memory_space<vmem>>
      %dma_wait3A_274 = arith.constant 0 : i32
      %dma_wait3A_275 = arith.constant 0 : i32
      %dma_wait3A_276 = tpu.memref_slice %arg22[%dma_wait3A_274, %dma_wait3A_275] : memref<10240x128xf32, #tpu.memory_space<vmem_shared>> -> memref<10240x128xf32, #tpu.memory_space<vmem_shared>>
      tpu.wait_indirect_dma semaphore(%run_scoped3A_264 : memref<!tpu.dma_semaphore, #tpu.memory_space<semaphore_mem>>) src(%dma_wait3A_276 : memref<10240x128xf32, #tpu.memory_space<vmem_shared>>) dst(%arg15 : memref<128x128xf32, #tpu.memory_space<vmem>>)
      tpu.yield
    }) : () -> ()
    %mul3A_81 = arith.constant 4 : i32
    %mul3A_82 = arith.muli %arg1, %mul3A_81 : i32
    %mul3A_83 = arith.constant 128 : i32
    %mul3A_84 = arith.muli %mul3A_82, %mul3A_83 : i32
    %add3A_85 = arith.constant 384 : i32
    %add3A_86 = arith.addi %mul3A_84, %add3A_85 : i32
    "tpu.region"() ({
      %run_scoped3A_264 = tpu.sem_alloc : memref<!tpu.dma_semaphore, #tpu.memory_space<semaphore_mem>>
      %dma_start3A_265 = arith.constant 0 : i32
      %dma_start3A_266 = tpu.memref_slice %arg9[%add3A_8, %add3A_86, %dma_start3A_265] : memref<6x8192x128xf32, #tpu.memory_space<hbm>> -> memref<1x128x128xf32, #tpu.memory_space<hbm>>
      %dma_start3A_267 = tpu.memref_squeeze %dma_start3A_266 : memref<1x128x128xf32, #tpu.memory_space<hbm>> -> memref<128x128xf32, #tpu.memory_space<hbm>>
      %dma_start3A_268 = arith.constant 0 : i32
      %dma_start3A_269 = tpu.memref_slice %arg9[%add3A_8, %add3A_86, %dma_start3A_268] : memref<6x8192x128xf32, #tpu.memory_space<hbm>> -> memref<1x128x128xf32, #tpu.memory_space<hbm>>
      %dma_start3A_270 = tpu.memref_squeeze %dma_start3A_269 : memref<1x128x128xf32, #tpu.memory_space<hbm>> -> memref<128x128xf32, #tpu.memory_space<hbm>>
      tpu.enqueue_dma source(%arg15 : memref<128x128xf32, #tpu.memory_space<vmem>>) target(%dma_start3A_270 : memref<128x128xf32, #tpu.memory_space<hbm>>) target_semaphore(%run_scoped3A_264 : memref<!tpu.dma_semaphore, #tpu.memory_space<semaphore_mem>>)
      %dma_wait3A_271 = arith.constant 0 : i32
      %dma_wait3A_272 = tpu.memref_slice %arg9[%add3A_8, %add3A_86, %dma_wait3A_271] : memref<6x8192x128xf32, #tpu.memory_space<hbm>> -> memref<1x128x128xf32, #tpu.memory_space<hbm>>
      %dma_wait3A_273 = tpu.memref_squeeze %dma_wait3A_272 : memref<1x128x128xf32, #tpu.memory_space<hbm>> -> memref<128x128xf32, #tpu.memory_space<hbm>>
      %dma_wait3A_274 = arith.constant 0 : i32
      %dma_wait3A_275 = tpu.memref_slice %arg9[%add3A_8, %add3A_86, %dma_wait3A_274] : memref<6x8192x128xf32, #tpu.memory_space<hbm>> -> memref<1x128x128xf32, #tpu.memory_space<hbm>>
      %dma_wait3A_276 = tpu.memref_squeeze %dma_wait3A_275 : memref<1x128x128xf32, #tpu.memory_space<hbm>> -> memref<128x128xf32, #tpu.memory_space<hbm>>
      tpu.wait_dma2 semaphore(%run_scoped3A_264 : memref<!tpu.dma_semaphore, #tpu.memory_space<semaphore_mem>>) src(%arg15 : memref<128x128xf32, #tpu.memory_space<vmem>>) dst(%dma_wait3A_276 : memref<128x128xf32, #tpu.memory_space<hbm>>)
      tpu.yield
    }) : () -> ()
    %barrier3A_87 = arith.constant 0 : index
    tpu.barrier barrier_id(%barrier3A_87)
    %mul3A_88 = arith.constant 3 : i32
    %mul3A_89 = arith.muli %arg0, %mul3A_88 : i32
    %add3A_90 = arith.constant 1 : i32
    %add3A_91 = arith.addi %mul3A_89, %add3A_90 : i32
    %dma_start3A_92 = arith.constant 0 : i32
    %dma_start3A_93 = arith.constant 0 : i32
    %dma_start3A_94 = tpu.memref_slice %arg12[%dma_start3A_92, %dma_start3A_93] : memref<50x128xi32, #tpu.memory_space<vmem>> -> memref<1x128xi32, #tpu.memory_space<vmem>>
    %dma_start3A_95 = tpu.memref_squeeze %dma_start3A_94 : memref<1x128xi32, #tpu.memory_space<vmem>> -> memref<128xi32, #tpu.memory_space<vmem>>
    %dma_start3A_96 = arith.constant 0 : i32
    %dma_start3A_97 = arith.constant 0 : i32
    %dma_start3A_98 = tpu.memref_slice %arg2[%add3A_91, %dma_start3A_96, %dma_start3A_97] : memref<6x10240x128xf32, #tpu.memory_space<hbm>> -> memref<1x10240x128xf32, #tpu.memory_space<hbm>>
    %dma_start3A_99 = tpu.memref_squeeze %dma_start3A_98 : memref<1x10240x128xf32, #tpu.memory_space<hbm>> -> memref<10240x128xf32, #tpu.memory_space<hbm>>
    %dma_start3A_100 = arith.constant 0 : i32
    %dma_start3A_101 = arith.constant 0 : i32
    %dma_start3A_102 = tpu.memref_slice %dma_start3A_99[%dma_start3A_100, %dma_start3A_101] : memref<10240x128xf32, #tpu.memory_space<hbm>> -> memref<10240x128xf32, #tpu.memory_space<hbm>>
    tpu.enqueue_indirect_dma source(%dma_start3A_102 : memref<10240x128xf32, #tpu.memory_space<hbm>>) target(%arg14 : memref<128x128xf32, #tpu.memory_space<vmem>>) offsets(%dma_start3A_95 : memref<128xi32, #tpu.memory_space<vmem>>) semaphore(%arg16 : memref<!tpu.dma_semaphore, #tpu.memory_space<semaphore_mem>>)
    %mul3A_103 = arith.constant 640 : i32
    %mul3A_104 = arith.muli %arg1, %mul3A_103 : i32
    "tpu.region"() ({
      %run_scoped3A_264 = tpu.sem_alloc : memref<!tpu.dma_semaphore, #tpu.memory_space<semaphore_mem>>
      %dma_start3A_265 = arith.constant 0 : i32
      %dma_start3A_266 = tpu.memref_slice %arg22[%mul3A_104, %dma_start3A_265] : memref<10240x128xf32, #tpu.memory_space<vmem_shared>> -> memref<640x128xf32, #tpu.memory_space<vmem_shared>>
      %dma_start3A_267 = arith.constant 0 : i32
      %dma_start3A_268 = tpu.memref_slice %arg2[%add3A_91, %mul3A_104, %dma_start3A_267] : memref<6x10240x128xf32, #tpu.memory_space<hbm>> -> memref<1x640x128xf32, #tpu.memory_space<hbm>>
      %dma_start3A_269 = tpu.memref_squeeze %dma_start3A_268 : memref<1x640x128xf32, #tpu.memory_space<hbm>> -> memref<640x128xf32, #tpu.memory_space<hbm>>
      tpu.enqueue_dma source(%dma_start3A_269 : memref<640x128xf32, #tpu.memory_space<hbm>>) target(%dma_start3A_266 : memref<640x128xf32, #tpu.memory_space<vmem_shared>>) target_semaphore(%run_scoped3A_264 : memref<!tpu.dma_semaphore, #tpu.memory_space<semaphore_mem>>)
      %dma_wait3A_270 = arith.constant 0 : i32
      %dma_wait3A_271 = tpu.memref_slice %arg22[%mul3A_104, %dma_wait3A_270] : memref<10240x128xf32, #tpu.memory_space<vmem_shared>> -> memref<640x128xf32, #tpu.memory_space<vmem_shared>>
      %dma_wait3A_272 = arith.constant 0 : i32
      %dma_wait3A_273 = tpu.memref_slice %arg2[%add3A_91, %mul3A_104, %dma_wait3A_272] : memref<6x10240x128xf32, #tpu.memory_space<hbm>> -> memref<1x640x128xf32, #tpu.memory_space<hbm>>
      %dma_wait3A_274 = tpu.memref_squeeze %dma_wait3A_273 : memref<1x640x128xf32, #tpu.memory_space<hbm>> -> memref<640x128xf32, #tpu.memory_space<hbm>>
      tpu.wait_dma2 semaphore(%run_scoped3A_264 : memref<!tpu.dma_semaphore, #tpu.memory_space<semaphore_mem>>) src(%dma_wait3A_274 : memref<640x128xf32, #tpu.memory_space<hbm>>) dst(%dma_wait3A_271 : memref<640x128xf32, #tpu.memory_space<vmem_shared>>)
      tpu.yield
    }) : () -> ()
    %barrier3A_105 = arith.constant 0 : index
    tpu.barrier barrier_id(%barrier3A_105)
    %scan3A_106 = arith.constant 0 : i32
    %scan3A_107 = arith.constant 25 : i32
    %scan3A_108 = arith.addi %scan3A_106, %scan3A_107 : i32
    %scan3A_109 = arith.constant 1 : i32
    scf.for %scan3A_264 = %scan3A_106 to %scan3A_108 step %scan3A_109  : i32 {
      %mul3A_265 = arith.constant 1 : i32
      %mul3A_266 = arith.muli %scan3A_264, %mul3A_265 : i32
      %add3A_267 = arith.constant 0 : i32
      %add3A_268 = arith.addi %add3A_267, %mul3A_266 : i32
      %mul3A_269 = arith.constant 2 : i32
      %mul3A_270 = arith.muli %mul3A_269, %add3A_268 : i32
      %add3A_271 = arith.constant 0 : i32
      %add3A_272 = arith.addi %mul3A_270, %add3A_271 : i32
      %gt3A = arith.constant 0 : i32
      %gt3A_273 = arith.cmpi sgt, %add3A_268, %gt3A : i32
      %convert_element_type3A_274 = arith.extui %gt3A_273 : i1 to i32
      %cond3A_275 = arith.constant 0 : i32
      %cond3A_276 = arith.cmpi ne, %convert_element_type3A_274, %cond3A_275 : i32
      scf.if %cond3A_276 {
        %sub3A_336 = arith.constant 1 : i32
        %sub3A_337 = arith.subi %add3A_272, %sub3A_336 : i32
        %dma_wait3A_338 = arith.constant 0 : i32
        %dma_wait3A_339 = tpu.memref_slice %arg13[%sub3A_337, %dma_wait3A_338] : memref<50x128xi32, #tpu.memory_space<vmem>> -> memref<1x128xi32, #tpu.memory_space<vmem>>
        %dma_wait3A_340 = tpu.memref_squeeze %dma_wait3A_339 : memref<1x128xi32, #tpu.memory_space<vmem>> -> memref<128xi32, #tpu.memory_space<vmem>>
        %dma_wait3A_341 = arith.constant 0 : i32
        %dma_wait3A_342 = arith.constant 0 : i32
        %dma_wait3A_343 = tpu.memref_slice %arg22[%dma_wait3A_341, %dma_wait3A_342] : memref<10240x128xf32, #tpu.memory_space<vmem_shared>> -> memref<10240x128xf32, #tpu.memory_space<vmem_shared>>
        tpu.wait_indirect_dma semaphore(%arg19 : memref<!tpu.dma_semaphore, #tpu.memory_space<semaphore_mem>>) src(%arg15 : memref<128x128xf32, #tpu.memory_space<vmem>>) dst(%dma_wait3A_343 : memref<10240x128xf32, #tpu.memory_space<vmem_shared>>)
      } else {
      }
      %add3A_277 = arith.constant 1 : i32
      %add3A_278 = arith.addi %add3A_272, %add3A_277 : i32
      %dma_start3A_279 = arith.constant 0 : i32
      %dma_start3A_280 = tpu.memref_slice %arg12[%add3A_278, %dma_start3A_279] : memref<50x128xi32, #tpu.memory_space<vmem>> -> memref<1x128xi32, #tpu.memory_space<vmem>>
      %dma_start3A_281 = tpu.memref_squeeze %dma_start3A_280 : memref<1x128xi32, #tpu.memory_space<vmem>> -> memref<128xi32, #tpu.memory_space<vmem>>
      %dma_start3A_282 = arith.constant 0 : i32
      %dma_start3A_283 = arith.constant 0 : i32
      %dma_start3A_284 = tpu.memref_slice %arg2[%add3A_91, %dma_start3A_282, %dma_start3A_283] : memref<6x10240x128xf32, #tpu.memory_space<hbm>> -> memref<1x10240x128xf32, #tpu.memory_space<hbm>>
      %dma_start3A_285 = tpu.memref_squeeze %dma_start3A_284 : memref<1x10240x128xf32, #tpu.memory_space<hbm>> -> memref<10240x128xf32, #tpu.memory_space<hbm>>
      %dma_start3A_286 = arith.constant 0 : i32
      %dma_start3A_287 = arith.constant 0 : i32
      %dma_start3A_288 = tpu.memref_slice %dma_start3A_285[%dma_start3A_286, %dma_start3A_287] : memref<10240x128xf32, #tpu.memory_space<hbm>> -> memref<10240x128xf32, #tpu.memory_space<hbm>>
      tpu.enqueue_indirect_dma source(%dma_start3A_288 : memref<10240x128xf32, #tpu.memory_space<hbm>>) target(%arg15 : memref<128x128xf32, #tpu.memory_space<vmem>>) offsets(%dma_start3A_281 : memref<128xi32, #tpu.memory_space<vmem>>) semaphore(%arg17 : memref<!tpu.dma_semaphore, #tpu.memory_space<semaphore_mem>>)
      %dma_wait3A_289 = arith.constant 0 : i32
      %dma_wait3A_290 = tpu.memref_slice %arg12[%add3A_272, %dma_wait3A_289] : memref<50x128xi32, #tpu.memory_space<vmem>> -> memref<1x128xi32, #tpu.memory_space<vmem>>
      %dma_wait3A_291 = tpu.memref_squeeze %dma_wait3A_290 : memref<1x128xi32, #tpu.memory_space<vmem>> -> memref<128xi32, #tpu.memory_space<vmem>>
      %dma_wait3A_292 = arith.constant 0 : i32
      %dma_wait3A_293 = arith.constant 0 : i32
      %dma_wait3A_294 = tpu.memref_slice %arg2[%add3A_91, %dma_wait3A_292, %dma_wait3A_293] : memref<6x10240x128xf32, #tpu.memory_space<hbm>> -> memref<1x10240x128xf32, #tpu.memory_space<hbm>>
      %dma_wait3A_295 = tpu.memref_squeeze %dma_wait3A_294 : memref<1x10240x128xf32, #tpu.memory_space<hbm>> -> memref<10240x128xf32, #tpu.memory_space<hbm>>
      %dma_wait3A_296 = arith.constant 0 : i32
      %dma_wait3A_297 = arith.constant 0 : i32
      %dma_wait3A_298 = tpu.memref_slice %dma_wait3A_295[%dma_wait3A_296, %dma_wait3A_297] : memref<10240x128xf32, #tpu.memory_space<hbm>> -> memref<10240x128xf32, #tpu.memory_space<hbm>>
      tpu.wait_indirect_dma semaphore(%arg16 : memref<!tpu.dma_semaphore, #tpu.memory_space<semaphore_mem>>) src(%dma_wait3A_298 : memref<10240x128xf32, #tpu.memory_space<hbm>>) dst(%arg14 : memref<128x128xf32, #tpu.memory_space<vmem>>)
      %dma_start3A_299 = arith.constant 0 : i32
      %dma_start3A_300 = tpu.memref_slice %arg13[%add3A_272, %dma_start3A_299] : memref<50x128xi32, #tpu.memory_space<vmem>> -> memref<1x128xi32, #tpu.memory_space<vmem>>
      %dma_start3A_301 = tpu.memref_squeeze %dma_start3A_300 : memref<1x128xi32, #tpu.memory_space<vmem>> -> memref<128xi32, #tpu.memory_space<vmem>>
      %dma_start3A_302 = arith.constant 0 : i32
      %dma_start3A_303 = arith.constant 0 : i32
      %dma_start3A_304 = tpu.memref_slice %arg22[%dma_start3A_302, %dma_start3A_303] : memref<10240x128xf32, #tpu.memory_space<vmem_shared>> -> memref<10240x128xf32, #tpu.memory_space<vmem_shared>>
      tpu.enqueue_indirect_dma source(%arg14 : memref<128x128xf32, #tpu.memory_space<vmem>>) target(%dma_start3A_304 : memref<10240x128xf32, #tpu.memory_space<vmem_shared>>) offsets(%dma_start3A_301 : memref<128xi32, #tpu.memory_space<vmem>>) semaphore(%arg18 : memref<!tpu.dma_semaphore, #tpu.memory_space<semaphore_mem>>) {add = true}
      %mul3A_305 = arith.constant 2 : i32
      %mul3A_306 = arith.muli %mul3A_305, %add3A_268 : i32
      %add3A_307 = arith.constant 1 : i32
      %add3A_308 = arith.addi %mul3A_306, %add3A_307 : i32
      %sub3A = arith.constant 1 : i32
      %sub3A_309 = arith.subi %add3A_308, %sub3A : i32
      %dma_wait3A_310 = arith.constant 0 : i32
      %dma_wait3A_311 = tpu.memref_slice %arg13[%sub3A_309, %dma_wait3A_310] : memref<50x128xi32, #tpu.memory_space<vmem>> -> memref<1x128xi32, #tpu.memory_space<vmem>>
      %dma_wait3A_312 = tpu.memref_squeeze %dma_wait3A_311 : memref<1x128xi32, #tpu.memory_space<vmem>> -> memref<128xi32, #tpu.memory_space<vmem>>
      %dma_wait3A_313 = arith.constant 0 : i32
      %dma_wait3A_314 = arith.constant 0 : i32
      %dma_wait3A_315 = tpu.memref_slice %arg22[%dma_wait3A_313, %dma_wait3A_314] : memref<10240x128xf32, #tpu.memory_space<vmem_shared>> -> memref<10240x128xf32, #tpu.memory_space<vmem_shared>>
      tpu.wait_indirect_dma semaphore(%arg18 : memref<!tpu.dma_semaphore, #tpu.memory_space<semaphore_mem>>) src(%arg14 : memref<128x128xf32, #tpu.memory_space<vmem>>) dst(%dma_wait3A_315 : memref<10240x128xf32, #tpu.memory_space<vmem_shared>>)
      %lt3A = arith.constant 24 : i32
      %lt3A_316 = arith.cmpi slt, %add3A_268, %lt3A : i32
      %convert_element_type3A_317 = arith.extui %lt3A_316 : i1 to i32
      %cond3A_318 = arith.constant 0 : i32
      %cond3A_319 = arith.cmpi ne, %convert_element_type3A_317, %cond3A_318 : i32
      scf.if %cond3A_319 {
        %add3A_336 = arith.constant 1 : i32
        %add3A_337 = arith.addi %add3A_308, %add3A_336 : i32
        %dma_start3A_338 = arith.constant 0 : i32
        %dma_start3A_339 = tpu.memref_slice %arg12[%add3A_337, %dma_start3A_338] : memref<50x128xi32, #tpu.memory_space<vmem>> -> memref<1x128xi32, #tpu.memory_space<vmem>>
        %dma_start3A_340 = tpu.memref_squeeze %dma_start3A_339 : memref<1x128xi32, #tpu.memory_space<vmem>> -> memref<128xi32, #tpu.memory_space<vmem>>
        %dma_start3A_341 = arith.constant 0 : i32
        %dma_start3A_342 = arith.constant 0 : i32
        %dma_start3A_343 = tpu.memref_slice %arg2[%add3A_91, %dma_start3A_341, %dma_start3A_342] : memref<6x10240x128xf32, #tpu.memory_space<hbm>> -> memref<1x10240x128xf32, #tpu.memory_space<hbm>>
        %dma_start3A_344 = tpu.memref_squeeze %dma_start3A_343 : memref<1x10240x128xf32, #tpu.memory_space<hbm>> -> memref<10240x128xf32, #tpu.memory_space<hbm>>
        %dma_start3A_345 = arith.constant 0 : i32
        %dma_start3A_346 = arith.constant 0 : i32
        %dma_start3A_347 = tpu.memref_slice %dma_start3A_344[%dma_start3A_345, %dma_start3A_346] : memref<10240x128xf32, #tpu.memory_space<hbm>> -> memref<10240x128xf32, #tpu.memory_space<hbm>>
        tpu.enqueue_indirect_dma source(%dma_start3A_347 : memref<10240x128xf32, #tpu.memory_space<hbm>>) target(%arg14 : memref<128x128xf32, #tpu.memory_space<vmem>>) offsets(%dma_start3A_340 : memref<128xi32, #tpu.memory_space<vmem>>) semaphore(%arg16 : memref<!tpu.dma_semaphore, #tpu.memory_space<semaphore_mem>>)
      } else {
      }
      %dma_wait3A_320 = arith.constant 0 : i32
      %dma_wait3A_321 = tpu.memref_slice %arg12[%add3A_308, %dma_wait3A_320] : memref<50x128xi32, #tpu.memory_space<vmem>> -> memref<1x128xi32, #tpu.memory_space<vmem>>
      %dma_wait3A_322 = tpu.memref_squeeze %dma_wait3A_321 : memref<1x128xi32, #tpu.memory_space<vmem>> -> memref<128xi32, #tpu.memory_space<vmem>>
      %dma_wait3A_323 = arith.constant 0 : i32
      %dma_wait3A_324 = arith.constant 0 : i32
      %dma_wait3A_325 = tpu.memref_slice %arg2[%add3A_91, %dma_wait3A_323, %dma_wait3A_324] : memref<6x10240x128xf32, #tpu.memory_space<hbm>> -> memref<1x10240x128xf32, #tpu.memory_space<hbm>>
      %dma_wait3A_326 = tpu.memref_squeeze %dma_wait3A_325 : memref<1x10240x128xf32, #tpu.memory_space<hbm>> -> memref<10240x128xf32, #tpu.memory_space<hbm>>
      %dma_wait3A_327 = arith.constant 0 : i32
      %dma_wait3A_328 = arith.constant 0 : i32
      %dma_wait3A_329 = tpu.memref_slice %dma_wait3A_326[%dma_wait3A_327, %dma_wait3A_328] : memref<10240x128xf32, #tpu.memory_space<hbm>> -> memref<10240x128xf32, #tpu.memory_space<hbm>>
      tpu.wait_indirect_dma semaphore(%arg17 : memref<!tpu.dma_semaphore, #tpu.memory_space<semaphore_mem>>) src(%dma_wait3A_329 : memref<10240x128xf32, #tpu.memory_space<hbm>>) dst(%arg15 : memref<128x128xf32, #tpu.memory_space<vmem>>)
      %dma_start3A_330 = arith.constant 0 : i32
      %dma_start3A_331 = tpu.memref_slice %arg13[%add3A_308, %dma_start3A_330] : memref<50x128xi32, #tpu.memory_space<vmem>> -> memref<1x128xi32, #tpu.memory_space<vmem>>
      %dma_start3A_332 = tpu.memref_squeeze %dma_start3A_331 : memref<1x128xi32, #tpu.memory_space<vmem>> -> memref<128xi32, #tpu.memory_space<vmem>>
      %dma_start3A_333 = arith.constant 0 : i32
      %dma_start3A_334 = arith.constant 0 : i32
      %dma_start3A_335 = tpu.memref_slice %arg22[%dma_start3A_333, %dma_start3A_334] : memref<10240x128xf32, #tpu.memory_space<vmem_shared>> -> memref<10240x128xf32, #tpu.memory_space<vmem_shared>>
      tpu.enqueue_indirect_dma source(%arg15 : memref<128x128xf32, #tpu.memory_space<vmem>>) target(%dma_start3A_335 : memref<10240x128xf32, #tpu.memory_space<vmem_shared>>) offsets(%dma_start3A_332 : memref<128xi32, #tpu.memory_space<vmem>>) semaphore(%arg19 : memref<!tpu.dma_semaphore, #tpu.memory_space<semaphore_mem>>) {add = true}
    }
    %scan3A_110 = arith.constant 25 : i32
    %dma_wait3A_111 = arith.constant 49 : i32
    %dma_wait3A_112 = arith.constant 0 : i32
    %dma_wait3A_113 = tpu.memref_slice %arg13[%dma_wait3A_111, %dma_wait3A_112] : memref<50x128xi32, #tpu.memory_space<vmem>> -> memref<1x128xi32, #tpu.memory_space<vmem>>
    %dma_wait3A_114 = tpu.memref_squeeze %dma_wait3A_113 : memref<1x128xi32, #tpu.memory_space<vmem>> -> memref<128xi32, #tpu.memory_space<vmem>>
    %dma_wait3A_115 = arith.constant 0 : i32
    %dma_wait3A_116 = arith.constant 0 : i32
    %dma_wait3A_117 = tpu.memref_slice %arg22[%dma_wait3A_115, %dma_wait3A_116] : memref<10240x128xf32, #tpu.memory_space<vmem_shared>> -> memref<10240x128xf32, #tpu.memory_space<vmem_shared>>
    tpu.wait_indirect_dma semaphore(%arg19 : memref<!tpu.dma_semaphore, #tpu.memory_space<semaphore_mem>>) src(%arg15 : memref<128x128xf32, #tpu.memory_space<vmem>>) dst(%dma_wait3A_117 : memref<10240x128xf32, #tpu.memory_space<vmem_shared>>)
    %barrier3A_118 = arith.constant 0 : index
    tpu.barrier barrier_id(%barrier3A_118)
    %run_scoped3A_119 = arith.constant 0 : i32
    "tpu.region"() ({
      %run_scoped3A_264 = tpu.sem_alloc : memref<!tpu.dma_semaphore, #tpu.memory_space<semaphore_mem>>
      %dma_start3A_265 = arith.constant 0 : i32
      %dma_start3A_266 = tpu.memref_slice %arg20[%run_scoped3A_119, %dma_start3A_265] : memref<8x128xi32, #tpu.memory_space<vmem>> -> memref<1x128xi32, #tpu.memory_space<vmem>>
      %dma_start3A_267 = tpu.memref_squeeze %dma_start3A_266 : memref<1x128xi32, #tpu.memory_space<vmem>> -> memref<128xi32, #tpu.memory_space<vmem>>
      %dma_start3A_268 = arith.constant 0 : i32
      %dma_start3A_269 = arith.constant 0 : i32
      %dma_start3A_270 = tpu.memref_slice %arg22[%dma_start3A_268, %dma_start3A_269] : memref<10240x128xf32, #tpu.memory_space<vmem_shared>> -> memref<10240x128xf32, #tpu.memory_space<vmem_shared>>
      tpu.enqueue_indirect_dma source(%dma_start3A_270 : memref<10240x128xf32, #tpu.memory_space<vmem_shared>>) target(%arg14 : memref<128x128xf32, #tpu.memory_space<vmem>>) offsets(%dma_start3A_267 : memref<128xi32, #tpu.memory_space<vmem>>) semaphore(%run_scoped3A_264 : memref<!tpu.dma_semaphore, #tpu.memory_space<semaphore_mem>>)
      %dma_wait3A_271 = arith.constant 0 : i32
      %dma_wait3A_272 = tpu.memref_slice %arg20[%run_scoped3A_119, %dma_wait3A_271] : memref<8x128xi32, #tpu.memory_space<vmem>> -> memref<1x128xi32, #tpu.memory_space<vmem>>
      %dma_wait3A_273 = tpu.memref_squeeze %dma_wait3A_272 : memref<1x128xi32, #tpu.memory_space<vmem>> -> memref<128xi32, #tpu.memory_space<vmem>>
      %dma_wait3A_274 = arith.constant 0 : i32
      %dma_wait3A_275 = arith.constant 0 : i32
      %dma_wait3A_276 = tpu.memref_slice %arg22[%dma_wait3A_274, %dma_wait3A_275] : memref<10240x128xf32, #tpu.memory_space<vmem_shared>> -> memref<10240x128xf32, #tpu.memory_space<vmem_shared>>
      tpu.wait_indirect_dma semaphore(%run_scoped3A_264 : memref<!tpu.dma_semaphore, #tpu.memory_space<semaphore_mem>>) src(%dma_wait3A_276 : memref<10240x128xf32, #tpu.memory_space<vmem_shared>>) dst(%arg14 : memref<128x128xf32, #tpu.memory_space<vmem>>)
      tpu.yield
    }) : () -> ()
    %mul3A_120 = arith.constant 4 : i32
    %mul3A_121 = arith.muli %arg1, %mul3A_120 : i32
    %mul3A_122 = arith.constant 128 : i32
    %mul3A_123 = arith.muli %mul3A_121, %mul3A_122 : i32
    %add3A_124 = arith.constant 0 : i32
    %add3A_125 = arith.addi %mul3A_123, %add3A_124 : i32
    "tpu.region"() ({
      %run_scoped3A_264 = tpu.sem_alloc : memref<!tpu.dma_semaphore, #tpu.memory_space<semaphore_mem>>
      %dma_start3A_265 = arith.constant 0 : i32
      %dma_start3A_266 = tpu.memref_slice %arg8[%add3A_91, %add3A_125, %dma_start3A_265] : memref<6x8192x128xf32, #tpu.memory_space<hbm>> -> memref<1x128x128xf32, #tpu.memory_space<hbm>>
      %dma_start3A_267 = tpu.memref_squeeze %dma_start3A_266 : memref<1x128x128xf32, #tpu.memory_space<hbm>> -> memref<128x128xf32, #tpu.memory_space<hbm>>
      %dma_start3A_268 = arith.constant 0 : i32
      %dma_start3A_269 = tpu.memref_slice %arg8[%add3A_91, %add3A_125, %dma_start3A_268] : memref<6x8192x128xf32, #tpu.memory_space<hbm>> -> memref<1x128x128xf32, #tpu.memory_space<hbm>>
      %dma_start3A_270 = tpu.memref_squeeze %dma_start3A_269 : memref<1x128x128xf32, #tpu.memory_space<hbm>> -> memref<128x128xf32, #tpu.memory_space<hbm>>
      tpu.enqueue_dma source(%arg14 : memref<128x128xf32, #tpu.memory_space<vmem>>) target(%dma_start3A_270 : memref<128x128xf32, #tpu.memory_space<hbm>>) target_semaphore(%run_scoped3A_264 : memref<!tpu.dma_semaphore, #tpu.memory_space<semaphore_mem>>)
      %dma_wait3A_271 = arith.constant 0 : i32
      %dma_wait3A_272 = tpu.memref_slice %arg8[%add3A_91, %add3A_125, %dma_wait3A_271] : memref<6x8192x128xf32, #tpu.memory_space<hbm>> -> memref<1x128x128xf32, #tpu.memory_space<hbm>>
      %dma_wait3A_273 = tpu.memref_squeeze %dma_wait3A_272 : memref<1x128x128xf32, #tpu.memory_space<hbm>> -> memref<128x128xf32, #tpu.memory_space<hbm>>
      %dma_wait3A_274 = arith.constant 0 : i32
      %dma_wait3A_275 = tpu.memref_slice %arg8[%add3A_91, %add3A_125, %dma_wait3A_274] : memref<6x8192x128xf32, #tpu.memory_space<hbm>> -> memref<1x128x128xf32, #tpu.memory_space<hbm>>
      %dma_wait3A_276 = tpu.memref_squeeze %dma_wait3A_275 : memref<1x128x128xf32, #tpu.memory_space<hbm>> -> memref<128x128xf32, #tpu.memory_space<hbm>>
      tpu.wait_dma2 semaphore(%run_scoped3A_264 : memref<!tpu.dma_semaphore, #tpu.memory_space<semaphore_mem>>) src(%arg14 : memref<128x128xf32, #tpu.memory_space<vmem>>) dst(%dma_wait3A_276 : memref<128x128xf32, #tpu.memory_space<hbm>>)
      tpu.yield
    }) : () -> ()
    %run_scoped3A_126 = arith.constant 1 : i32
    "tpu.region"() ({
      %run_scoped3A_264 = tpu.sem_alloc : memref<!tpu.dma_semaphore, #tpu.memory_space<semaphore_mem>>
      %dma_start3A_265 = arith.constant 0 : i32
      %dma_start3A_266 = tpu.memref_slice %arg20[%run_scoped3A_126, %dma_start3A_265] : memref<8x128xi32, #tpu.memory_space<vmem>> -> memref<1x128xi32, #tpu.memory_space<vmem>>
      %dma_start3A_267 = tpu.memref_squeeze %dma_start3A_266 : memref<1x128xi32, #tpu.memory_space<vmem>> -> memref<128xi32, #tpu.memory_space<vmem>>
      %dma_start3A_268 = arith.constant 0 : i32
      %dma_start3A_269 = arith.constant 0 : i32
      %dma_start3A_270 = tpu.memref_slice %arg22[%dma_start3A_268, %dma_start3A_269] : memref<10240x128xf32, #tpu.memory_space<vmem_shared>> -> memref<10240x128xf32, #tpu.memory_space<vmem_shared>>
      tpu.enqueue_indirect_dma source(%dma_start3A_270 : memref<10240x128xf32, #tpu.memory_space<vmem_shared>>) target(%arg15 : memref<128x128xf32, #tpu.memory_space<vmem>>) offsets(%dma_start3A_267 : memref<128xi32, #tpu.memory_space<vmem>>) semaphore(%run_scoped3A_264 : memref<!tpu.dma_semaphore, #tpu.memory_space<semaphore_mem>>)
      %dma_wait3A_271 = arith.constant 0 : i32
      %dma_wait3A_272 = tpu.memref_slice %arg20[%run_scoped3A_126, %dma_wait3A_271] : memref<8x128xi32, #tpu.memory_space<vmem>> -> memref<1x128xi32, #tpu.memory_space<vmem>>
      %dma_wait3A_273 = tpu.memref_squeeze %dma_wait3A_272 : memref<1x128xi32, #tpu.memory_space<vmem>> -> memref<128xi32, #tpu.memory_space<vmem>>
      %dma_wait3A_274 = arith.constant 0 : i32
      %dma_wait3A_275 = arith.constant 0 : i32
      %dma_wait3A_276 = tpu.memref_slice %arg22[%dma_wait3A_274, %dma_wait3A_275] : memref<10240x128xf32, #tpu.memory_space<vmem_shared>> -> memref<10240x128xf32, #tpu.memory_space<vmem_shared>>
      tpu.wait_indirect_dma semaphore(%run_scoped3A_264 : memref<!tpu.dma_semaphore, #tpu.memory_space<semaphore_mem>>) src(%dma_wait3A_276 : memref<10240x128xf32, #tpu.memory_space<vmem_shared>>) dst(%arg15 : memref<128x128xf32, #tpu.memory_space<vmem>>)
      tpu.yield
    }) : () -> ()
    %mul3A_127 = arith.constant 4 : i32
    %mul3A_128 = arith.muli %arg1, %mul3A_127 : i32
    %mul3A_129 = arith.constant 128 : i32
    %mul3A_130 = arith.muli %mul3A_128, %mul3A_129 : i32
    %add3A_131 = arith.constant 128 : i32
    %add3A_132 = arith.addi %mul3A_130, %add3A_131 : i32
    "tpu.region"() ({
      %run_scoped3A_264 = tpu.sem_alloc : memref<!tpu.dma_semaphore, #tpu.memory_space<semaphore_mem>>
      %dma_start3A_265 = arith.constant 0 : i32
      %dma_start3A_266 = tpu.memref_slice %arg8[%add3A_91, %add3A_132, %dma_start3A_265] : memref<6x8192x128xf32, #tpu.memory_space<hbm>> -> memref<1x128x128xf32, #tpu.memory_space<hbm>>
      %dma_start3A_267 = tpu.memref_squeeze %dma_start3A_266 : memref<1x128x128xf32, #tpu.memory_space<hbm>> -> memref<128x128xf32, #tpu.memory_space<hbm>>
      %dma_start3A_268 = arith.constant 0 : i32
      %dma_start3A_269 = tpu.memref_slice %arg8[%add3A_91, %add3A_132, %dma_start3A_268] : memref<6x8192x128xf32, #tpu.memory_space<hbm>> -> memref<1x128x128xf32, #tpu.memory_space<hbm>>
      %dma_start3A_270 = tpu.memref_squeeze %dma_start3A_269 : memref<1x128x128xf32, #tpu.memory_space<hbm>> -> memref<128x128xf32, #tpu.memory_space<hbm>>
      tpu.enqueue_dma source(%arg15 : memref<128x128xf32, #tpu.memory_space<vmem>>) target(%dma_start3A_270 : memref<128x128xf32, #tpu.memory_space<hbm>>) target_semaphore(%run_scoped3A_264 : memref<!tpu.dma_semaphore, #tpu.memory_space<semaphore_mem>>)
      %dma_wait3A_271 = arith.constant 0 : i32
      %dma_wait3A_272 = tpu.memref_slice %arg8[%add3A_91, %add3A_132, %dma_wait3A_271] : memref<6x8192x128xf32, #tpu.memory_space<hbm>> -> memref<1x128x128xf32, #tpu.memory_space<hbm>>
      %dma_wait3A_273 = tpu.memref_squeeze %dma_wait3A_272 : memref<1x128x128xf32, #tpu.memory_space<hbm>> -> memref<128x128xf32, #tpu.memory_space<hbm>>
      %dma_wait3A_274 = arith.constant 0 : i32
      %dma_wait3A_275 = tpu.memref_slice %arg8[%add3A_91, %add3A_132, %dma_wait3A_274] : memref<6x8192x128xf32, #tpu.memory_space<hbm>> -> memref<1x128x128xf32, #tpu.memory_space<hbm>>
      %dma_wait3A_276 = tpu.memref_squeeze %dma_wait3A_275 : memref<1x128x128xf32, #tpu.memory_space<hbm>> -> memref<128x128xf32, #tpu.memory_space<hbm>>
      tpu.wait_dma2 semaphore(%run_scoped3A_264 : memref<!tpu.dma_semaphore, #tpu.memory_space<semaphore_mem>>) src(%arg15 : memref<128x128xf32, #tpu.memory_space<vmem>>) dst(%dma_wait3A_276 : memref<128x128xf32, #tpu.memory_space<hbm>>)
      tpu.yield
    }) : () -> ()
    %run_scoped3A_133 = arith.constant 2 : i32
    "tpu.region"() ({
      %run_scoped3A_264 = tpu.sem_alloc : memref<!tpu.dma_semaphore, #tpu.memory_space<semaphore_mem>>
      %dma_start3A_265 = arith.constant 0 : i32
      %dma_start3A_266 = tpu.memref_slice %arg20[%run_scoped3A_133, %dma_start3A_265] : memref<8x128xi32, #tpu.memory_space<vmem>> -> memref<1x128xi32, #tpu.memory_space<vmem>>
      %dma_start3A_267 = tpu.memref_squeeze %dma_start3A_266 : memref<1x128xi32, #tpu.memory_space<vmem>> -> memref<128xi32, #tpu.memory_space<vmem>>
      %dma_start3A_268 = arith.constant 0 : i32
      %dma_start3A_269 = arith.constant 0 : i32
      %dma_start3A_270 = tpu.memref_slice %arg22[%dma_start3A_268, %dma_start3A_269] : memref<10240x128xf32, #tpu.memory_space<vmem_shared>> -> memref<10240x128xf32, #tpu.memory_space<vmem_shared>>
      tpu.enqueue_indirect_dma source(%dma_start3A_270 : memref<10240x128xf32, #tpu.memory_space<vmem_shared>>) target(%arg14 : memref<128x128xf32, #tpu.memory_space<vmem>>) offsets(%dma_start3A_267 : memref<128xi32, #tpu.memory_space<vmem>>) semaphore(%run_scoped3A_264 : memref<!tpu.dma_semaphore, #tpu.memory_space<semaphore_mem>>)
      %dma_wait3A_271 = arith.constant 0 : i32
      %dma_wait3A_272 = tpu.memref_slice %arg20[%run_scoped3A_133, %dma_wait3A_271] : memref<8x128xi32, #tpu.memory_space<vmem>> -> memref<1x128xi32, #tpu.memory_space<vmem>>
      %dma_wait3A_273 = tpu.memref_squeeze %dma_wait3A_272 : memref<1x128xi32, #tpu.memory_space<vmem>> -> memref<128xi32, #tpu.memory_space<vmem>>
      %dma_wait3A_274 = arith.constant 0 : i32
      %dma_wait3A_275 = arith.constant 0 : i32
      %dma_wait3A_276 = tpu.memref_slice %arg22[%dma_wait3A_274, %dma_wait3A_275] : memref<10240x128xf32, #tpu.memory_space<vmem_shared>> -> memref<10240x128xf32, #tpu.memory_space<vmem_shared>>
      tpu.wait_indirect_dma semaphore(%run_scoped3A_264 : memref<!tpu.dma_semaphore, #tpu.memory_space<semaphore_mem>>) src(%dma_wait3A_276 : memref<10240x128xf32, #tpu.memory_space<vmem_shared>>) dst(%arg14 : memref<128x128xf32, #tpu.memory_space<vmem>>)
      tpu.yield
    }) : () -> ()
    %mul3A_134 = arith.constant 4 : i32
    %mul3A_135 = arith.muli %arg1, %mul3A_134 : i32
    %mul3A_136 = arith.constant 128 : i32
    %mul3A_137 = arith.muli %mul3A_135, %mul3A_136 : i32
    %add3A_138 = arith.constant 256 : i32
    %add3A_139 = arith.addi %mul3A_137, %add3A_138 : i32
    "tpu.region"() ({
      %run_scoped3A_264 = tpu.sem_alloc : memref<!tpu.dma_semaphore, #tpu.memory_space<semaphore_mem>>
      %dma_start3A_265 = arith.constant 0 : i32
      %dma_start3A_266 = tpu.memref_slice %arg8[%add3A_91, %add3A_139, %dma_start3A_265] : memref<6x8192x128xf32, #tpu.memory_space<hbm>> -> memref<1x128x128xf32, #tpu.memory_space<hbm>>
      %dma_start3A_267 = tpu.memref_squeeze %dma_start3A_266 : memref<1x128x128xf32, #tpu.memory_space<hbm>> -> memref<128x128xf32, #tpu.memory_space<hbm>>
      %dma_start3A_268 = arith.constant 0 : i32
      %dma_start3A_269 = tpu.memref_slice %arg8[%add3A_91, %add3A_139, %dma_start3A_268] : memref<6x8192x128xf32, #tpu.memory_space<hbm>> -> memref<1x128x128xf32, #tpu.memory_space<hbm>>
      %dma_start3A_270 = tpu.memref_squeeze %dma_start3A_269 : memref<1x128x128xf32, #tpu.memory_space<hbm>> -> memref<128x128xf32, #tpu.memory_space<hbm>>
      tpu.enqueue_dma source(%arg14 : memref<128x128xf32, #tpu.memory_space<vmem>>) target(%dma_start3A_270 : memref<128x128xf32, #tpu.memory_space<hbm>>) target_semaphore(%run_scoped3A_264 : memref<!tpu.dma_semaphore, #tpu.memory_space<semaphore_mem>>)
      %dma_wait3A_271 = arith.constant 0 : i32
      %dma_wait3A_272 = tpu.memref_slice %arg8[%add3A_91, %add3A_139, %dma_wait3A_271] : memref<6x8192x128xf32, #tpu.memory_space<hbm>> -> memref<1x128x128xf32, #tpu.memory_space<hbm>>
      %dma_wait3A_273 = tpu.memref_squeeze %dma_wait3A_272 : memref<1x128x128xf32, #tpu.memory_space<hbm>> -> memref<128x128xf32, #tpu.memory_space<hbm>>
      %dma_wait3A_274 = arith.constant 0 : i32
      %dma_wait3A_275 = tpu.memref_slice %arg8[%add3A_91, %add3A_139, %dma_wait3A_274] : memref<6x8192x128xf32, #tpu.memory_space<hbm>> -> memref<1x128x128xf32, #tpu.memory_space<hbm>>
      %dma_wait3A_276 = tpu.memref_squeeze %dma_wait3A_275 : memref<1x128x128xf32, #tpu.memory_space<hbm>> -> memref<128x128xf32, #tpu.memory_space<hbm>>
      tpu.wait_dma2 semaphore(%run_scoped3A_264 : memref<!tpu.dma_semaphore, #tpu.memory_space<semaphore_mem>>) src(%arg14 : memref<128x128xf32, #tpu.memory_space<vmem>>) dst(%dma_wait3A_276 : memref<128x128xf32, #tpu.memory_space<hbm>>)
      tpu.yield
    }) : () -> ()
    %run_scoped3A_140 = arith.constant 3 : i32
    "tpu.region"() ({
      %run_scoped3A_264 = tpu.sem_alloc : memref<!tpu.dma_semaphore, #tpu.memory_space<semaphore_mem>>
      %dma_start3A_265 = arith.constant 0 : i32
      %dma_start3A_266 = tpu.memref_slice %arg20[%run_scoped3A_140, %dma_start3A_265] : memref<8x128xi32, #tpu.memory_space<vmem>> -> memref<1x128xi32, #tpu.memory_space<vmem>>
      %dma_start3A_267 = tpu.memref_squeeze %dma_start3A_266 : memref<1x128xi32, #tpu.memory_space<vmem>> -> memref<128xi32, #tpu.memory_space<vmem>>
      %dma_start3A_268 = arith.constant 0 : i32
      %dma_start3A_269 = arith.constant 0 : i32
      %dma_start3A_270 = tpu.memref_slice %arg22[%dma_start3A_268, %dma_start3A_269] : memref<10240x128xf32, #tpu.memory_space<vmem_shared>> -> memref<10240x128xf32, #tpu.memory_space<vmem_shared>>
      tpu.enqueue_indirect_dma source(%dma_start3A_270 : memref<10240x128xf32, #tpu.memory_space<vmem_shared>>) target(%arg15 : memref<128x128xf32, #tpu.memory_space<vmem>>) offsets(%dma_start3A_267 : memref<128xi32, #tpu.memory_space<vmem>>) semaphore(%run_scoped3A_264 : memref<!tpu.dma_semaphore, #tpu.memory_space<semaphore_mem>>)
      %dma_wait3A_271 = arith.constant 0 : i32
      %dma_wait3A_272 = tpu.memref_slice %arg20[%run_scoped3A_140, %dma_wait3A_271] : memref<8x128xi32, #tpu.memory_space<vmem>> -> memref<1x128xi32, #tpu.memory_space<vmem>>
      %dma_wait3A_273 = tpu.memref_squeeze %dma_wait3A_272 : memref<1x128xi32, #tpu.memory_space<vmem>> -> memref<128xi32, #tpu.memory_space<vmem>>
      %dma_wait3A_274 = arith.constant 0 : i32
      %dma_wait3A_275 = arith.constant 0 : i32
      %dma_wait3A_276 = tpu.memref_slice %arg22[%dma_wait3A_274, %dma_wait3A_275] : memref<10240x128xf32, #tpu.memory_space<vmem_shared>> -> memref<10240x128xf32, #tpu.memory_space<vmem_shared>>
      tpu.wait_indirect_dma semaphore(%run_scoped3A_264 : memref<!tpu.dma_semaphore, #tpu.memory_space<semaphore_mem>>) src(%dma_wait3A_276 : memref<10240x128xf32, #tpu.memory_space<vmem_shared>>) dst(%arg15 : memref<128x128xf32, #tpu.memory_space<vmem>>)
      tpu.yield
    }) : () -> ()
    %mul3A_141 = arith.constant 4 : i32
    %mul3A_142 = arith.muli %arg1, %mul3A_141 : i32
    %mul3A_143 = arith.constant 128 : i32
    %mul3A_144 = arith.muli %mul3A_142, %mul3A_143 : i32
    %add3A_145 = arith.constant 384 : i32
    %add3A_146 = arith.addi %mul3A_144, %add3A_145 : i32
    "tpu.region"() ({
      %run_scoped3A_264 = tpu.sem_alloc : memref<!tpu.dma_semaphore, #tpu.memory_space<semaphore_mem>>
      %dma_start3A_265 = arith.constant 0 : i32
      %dma_start3A_266 = tpu.memref_slice %arg8[%add3A_91, %add3A_146, %dma_start3A_265] : memref<6x8192x128xf32, #tpu.memory_space<hbm>> -> memref<1x128x128xf32, #tpu.memory_space<hbm>>
      %dma_start3A_267 = tpu.memref_squeeze %dma_start3A_266 : memref<1x128x128xf32, #tpu.memory_space<hbm>> -> memref<128x128xf32, #tpu.memory_space<hbm>>
      %dma_start3A_268 = arith.constant 0 : i32
      %dma_start3A_269 = tpu.memref_slice %arg8[%add3A_91, %add3A_146, %dma_start3A_268] : memref<6x8192x128xf32, #tpu.memory_space<hbm>> -> memref<1x128x128xf32, #tpu.memory_space<hbm>>
      %dma_start3A_270 = tpu.memref_squeeze %dma_start3A_269 : memref<1x128x128xf32, #tpu.memory_space<hbm>> -> memref<128x128xf32, #tpu.memory_space<hbm>>
      tpu.enqueue_dma source(%arg15 : memref<128x128xf32, #tpu.memory_space<vmem>>) target(%dma_start3A_270 : memref<128x128xf32, #tpu.memory_space<hbm>>) target_semaphore(%run_scoped3A_264 : memref<!tpu.dma_semaphore, #tpu.memory_space<semaphore_mem>>)
      %dma_wait3A_271 = arith.constant 0 : i32
      %dma_wait3A_272 = tpu.memref_slice %arg8[%add3A_91, %add3A_146, %dma_wait3A_271] : memref<6x8192x128xf32, #tpu.memory_space<hbm>> -> memref<1x128x128xf32, #tpu.memory_space<hbm>>
      %dma_wait3A_273 = tpu.memref_squeeze %dma_wait3A_272 : memref<1x128x128xf32, #tpu.memory_space<hbm>> -> memref<128x128xf32, #tpu.memory_space<hbm>>
      %dma_wait3A_274 = arith.constant 0 : i32
      %dma_wait3A_275 = tpu.memref_slice %arg8[%add3A_91, %add3A_146, %dma_wait3A_274] : memref<6x8192x128xf32, #tpu.memory_space<hbm>> -> memref<1x128x128xf32, #tpu.memory_space<hbm>>
      %dma_wait3A_276 = tpu.memref_squeeze %dma_wait3A_275 : memref<1x128x128xf32, #tpu.memory_space<hbm>> -> memref<128x128xf32, #tpu.memory_space<hbm>>
      tpu.wait_dma2 semaphore(%run_scoped3A_264 : memref<!tpu.dma_semaphore, #tpu.memory_space<semaphore_mem>>) src(%arg15 : memref<128x128xf32, #tpu.memory_space<vmem>>) dst(%dma_wait3A_276 : memref<128x128xf32, #tpu.memory_space<hbm>>)
      tpu.yield
    }) : () -> ()
    %run_scoped3A_147 = arith.constant 4 : i32
    "tpu.region"() ({
      %run_scoped3A_264 = tpu.sem_alloc : memref<!tpu.dma_semaphore, #tpu.memory_space<semaphore_mem>>
      %dma_start3A_265 = arith.constant 0 : i32
      %dma_start3A_266 = tpu.memref_slice %arg20[%run_scoped3A_147, %dma_start3A_265] : memref<8x128xi32, #tpu.memory_space<vmem>> -> memref<1x128xi32, #tpu.memory_space<vmem>>
      %dma_start3A_267 = tpu.memref_squeeze %dma_start3A_266 : memref<1x128xi32, #tpu.memory_space<vmem>> -> memref<128xi32, #tpu.memory_space<vmem>>
      %dma_start3A_268 = arith.constant 0 : i32
      %dma_start3A_269 = arith.constant 0 : i32
      %dma_start3A_270 = tpu.memref_slice %arg22[%dma_start3A_268, %dma_start3A_269] : memref<10240x128xf32, #tpu.memory_space<vmem_shared>> -> memref<10240x128xf32, #tpu.memory_space<vmem_shared>>
      tpu.enqueue_indirect_dma source(%dma_start3A_270 : memref<10240x128xf32, #tpu.memory_space<vmem_shared>>) target(%arg14 : memref<128x128xf32, #tpu.memory_space<vmem>>) offsets(%dma_start3A_267 : memref<128xi32, #tpu.memory_space<vmem>>) semaphore(%run_scoped3A_264 : memref<!tpu.dma_semaphore, #tpu.memory_space<semaphore_mem>>)
      %dma_wait3A_271 = arith.constant 0 : i32
      %dma_wait3A_272 = tpu.memref_slice %arg20[%run_scoped3A_147, %dma_wait3A_271] : memref<8x128xi32, #tpu.memory_space<vmem>> -> memref<1x128xi32, #tpu.memory_space<vmem>>
      %dma_wait3A_273 = tpu.memref_squeeze %dma_wait3A_272 : memref<1x128xi32, #tpu.memory_space<vmem>> -> memref<128xi32, #tpu.memory_space<vmem>>
      %dma_wait3A_274 = arith.constant 0 : i32
      %dma_wait3A_275 = arith.constant 0 : i32
      %dma_wait3A_276 = tpu.memref_slice %arg22[%dma_wait3A_274, %dma_wait3A_275] : memref<10240x128xf32, #tpu.memory_space<vmem_shared>> -> memref<10240x128xf32, #tpu.memory_space<vmem_shared>>
      tpu.wait_indirect_dma semaphore(%run_scoped3A_264 : memref<!tpu.dma_semaphore, #tpu.memory_space<semaphore_mem>>) src(%dma_wait3A_276 : memref<10240x128xf32, #tpu.memory_space<vmem_shared>>) dst(%arg14 : memref<128x128xf32, #tpu.memory_space<vmem>>)
      tpu.yield
    }) : () -> ()
    %mul3A_148 = arith.constant 4 : i32
    %mul3A_149 = arith.muli %arg1, %mul3A_148 : i32
    %mul3A_150 = arith.constant 128 : i32
    %mul3A_151 = arith.muli %mul3A_149, %mul3A_150 : i32
    %add3A_152 = arith.constant 0 : i32
    %add3A_153 = arith.addi %mul3A_151, %add3A_152 : i32
    "tpu.region"() ({
      %run_scoped3A_264 = tpu.sem_alloc : memref<!tpu.dma_semaphore, #tpu.memory_space<semaphore_mem>>
      %dma_start3A_265 = arith.constant 0 : i32
      %dma_start3A_266 = tpu.memref_slice %arg9[%add3A_91, %add3A_153, %dma_start3A_265] : memref<6x8192x128xf32, #tpu.memory_space<hbm>> -> memref<1x128x128xf32, #tpu.memory_space<hbm>>
      %dma_start3A_267 = tpu.memref_squeeze %dma_start3A_266 : memref<1x128x128xf32, #tpu.memory_space<hbm>> -> memref<128x128xf32, #tpu.memory_space<hbm>>
      %dma_start3A_268 = arith.constant 0 : i32
      %dma_start3A_269 = tpu.memref_slice %arg9[%add3A_91, %add3A_153, %dma_start3A_268] : memref<6x8192x128xf32, #tpu.memory_space<hbm>> -> memref<1x128x128xf32, #tpu.memory_space<hbm>>
      %dma_start3A_270 = tpu.memref_squeeze %dma_start3A_269 : memref<1x128x128xf32, #tpu.memory_space<hbm>> -> memref<128x128xf32, #tpu.memory_space<hbm>>
      tpu.enqueue_dma source(%arg14 : memref<128x128xf32, #tpu.memory_space<vmem>>) target(%dma_start3A_270 : memref<128x128xf32, #tpu.memory_space<hbm>>) target_semaphore(%run_scoped3A_264 : memref<!tpu.dma_semaphore, #tpu.memory_space<semaphore_mem>>)
      %dma_wait3A_271 = arith.constant 0 : i32
      %dma_wait3A_272 = tpu.memref_slice %arg9[%add3A_91, %add3A_153, %dma_wait3A_271] : memref<6x8192x128xf32, #tpu.memory_space<hbm>> -> memref<1x128x128xf32, #tpu.memory_space<hbm>>
      %dma_wait3A_273 = tpu.memref_squeeze %dma_wait3A_272 : memref<1x128x128xf32, #tpu.memory_space<hbm>> -> memref<128x128xf32, #tpu.memory_space<hbm>>
      %dma_wait3A_274 = arith.constant 0 : i32
      %dma_wait3A_275 = tpu.memref_slice %arg9[%add3A_91, %add3A_153, %dma_wait3A_274] : memref<6x8192x128xf32, #tpu.memory_space<hbm>> -> memref<1x128x128xf32, #tpu.memory_space<hbm>>
      %dma_wait3A_276 = tpu.memref_squeeze %dma_wait3A_275 : memref<1x128x128xf32, #tpu.memory_space<hbm>> -> memref<128x128xf32, #tpu.memory_space<hbm>>
      tpu.wait_dma2 semaphore(%run_scoped3A_264 : memref<!tpu.dma_semaphore, #tpu.memory_space<semaphore_mem>>) src(%arg14 : memref<128x128xf32, #tpu.memory_space<vmem>>) dst(%dma_wait3A_276 : memref<128x128xf32, #tpu.memory_space<hbm>>)
      tpu.yield
    }) : () -> ()
    %run_scoped3A_154 = arith.constant 5 : i32
    "tpu.region"() ({
      %run_scoped3A_264 = tpu.sem_alloc : memref<!tpu.dma_semaphore, #tpu.memory_space<semaphore_mem>>
      %dma_start3A_265 = arith.constant 0 : i32
      %dma_start3A_266 = tpu.memref_slice %arg20[%run_scoped3A_154, %dma_start3A_265] : memref<8x128xi32, #tpu.memory_space<vmem>> -> memref<1x128xi32, #tpu.memory_space<vmem>>
      %dma_start3A_267 = tpu.memref_squeeze %dma_start3A_266 : memref<1x128xi32, #tpu.memory_space<vmem>> -> memref<128xi32, #tpu.memory_space<vmem>>
      %dma_start3A_268 = arith.constant 0 : i32
      %dma_start3A_269 = arith.constant 0 : i32
      %dma_start3A_270 = tpu.memref_slice %arg22[%dma_start3A_268, %dma_start3A_269] : memref<10240x128xf32, #tpu.memory_space<vmem_shared>> -> memref<10240x128xf32, #tpu.memory_space<vmem_shared>>
      tpu.enqueue_indirect_dma source(%dma_start3A_270 : memref<10240x128xf32, #tpu.memory_space<vmem_shared>>) target(%arg15 : memref<128x128xf32, #tpu.memory_space<vmem>>) offsets(%dma_start3A_267 : memref<128xi32, #tpu.memory_space<vmem>>) semaphore(%run_scoped3A_264 : memref<!tpu.dma_semaphore, #tpu.memory_space<semaphore_mem>>)
      %dma_wait3A_271 = arith.constant 0 : i32
      %dma_wait3A_272 = tpu.memref_slice %arg20[%run_scoped3A_154, %dma_wait3A_271] : memref<8x128xi32, #tpu.memory_space<vmem>> -> memref<1x128xi32, #tpu.memory_space<vmem>>
      %dma_wait3A_273 = tpu.memref_squeeze %dma_wait3A_272 : memref<1x128xi32, #tpu.memory_space<vmem>> -> memref<128xi32, #tpu.memory_space<vmem>>
      %dma_wait3A_274 = arith.constant 0 : i32
      %dma_wait3A_275 = arith.constant 0 : i32
      %dma_wait3A_276 = tpu.memref_slice %arg22[%dma_wait3A_274, %dma_wait3A_275] : memref<10240x128xf32, #tpu.memory_space<vmem_shared>> -> memref<10240x128xf32, #tpu.memory_space<vmem_shared>>
      tpu.wait_indirect_dma semaphore(%run_scoped3A_264 : memref<!tpu.dma_semaphore, #tpu.memory_space<semaphore_mem>>) src(%dma_wait3A_276 : memref<10240x128xf32, #tpu.memory_space<vmem_shared>>) dst(%arg15 : memref<128x128xf32, #tpu.memory_space<vmem>>)
      tpu.yield
    }) : () -> ()
    %mul3A_155 = arith.constant 4 : i32
    %mul3A_156 = arith.muli %arg1, %mul3A_155 : i32
    %mul3A_157 = arith.constant 128 : i32
    %mul3A_158 = arith.muli %mul3A_156, %mul3A_157 : i32
    %add3A_159 = arith.constant 128 : i32
    %add3A_160 = arith.addi %mul3A_158, %add3A_159 : i32
    "tpu.region"() ({
      %run_scoped3A_264 = tpu.sem_alloc : memref<!tpu.dma_semaphore, #tpu.memory_space<semaphore_mem>>
      %dma_start3A_265 = arith.constant 0 : i32
      %dma_start3A_266 = tpu.memref_slice %arg9[%add3A_91, %add3A_160, %dma_start3A_265] : memref<6x8192x128xf32, #tpu.memory_space<hbm>> -> memref<1x128x128xf32, #tpu.memory_space<hbm>>
      %dma_start3A_267 = tpu.memref_squeeze %dma_start3A_266 : memref<1x128x128xf32, #tpu.memory_space<hbm>> -> memref<128x128xf32, #tpu.memory_space<hbm>>
      %dma_start3A_268 = arith.constant 0 : i32
      %dma_start3A_269 = tpu.memref_slice %arg9[%add3A_91, %add3A_160, %dma_start3A_268] : memref<6x8192x128xf32, #tpu.memory_space<hbm>> -> memref<1x128x128xf32, #tpu.memory_space<hbm>>
      %dma_start3A_270 = tpu.memref_squeeze %dma_start3A_269 : memref<1x128x128xf32, #tpu.memory_space<hbm>> -> memref<128x128xf32, #tpu.memory_space<hbm>>
      tpu.enqueue_dma source(%arg15 : memref<128x128xf32, #tpu.memory_space<vmem>>) target(%dma_start3A_270 : memref<128x128xf32, #tpu.memory_space<hbm>>) target_semaphore(%run_scoped3A_264 : memref<!tpu.dma_semaphore, #tpu.memory_space<semaphore_mem>>)
      %dma_wait3A_271 = arith.constant 0 : i32
      %dma_wait3A_272 = tpu.memref_slice %arg9[%add3A_91, %add3A_160, %dma_wait3A_271] : memref<6x8192x128xf32, #tpu.memory_space<hbm>> -> memref<1x128x128xf32, #tpu.memory_space<hbm>>
      %dma_wait3A_273 = tpu.memref_squeeze %dma_wait3A_272 : memref<1x128x128xf32, #tpu.memory_space<hbm>> -> memref<128x128xf32, #tpu.memory_space<hbm>>
      %dma_wait3A_274 = arith.constant 0 : i32
      %dma_wait3A_275 = tpu.memref_slice %arg9[%add3A_91, %add3A_160, %dma_wait3A_274] : memref<6x8192x128xf32, #tpu.memory_space<hbm>> -> memref<1x128x128xf32, #tpu.memory_space<hbm>>
      %dma_wait3A_276 = tpu.memref_squeeze %dma_wait3A_275 : memref<1x128x128xf32, #tpu.memory_space<hbm>> -> memref<128x128xf32, #tpu.memory_space<hbm>>
      tpu.wait_dma2 semaphore(%run_scoped3A_264 : memref<!tpu.dma_semaphore, #tpu.memory_space<semaphore_mem>>) src(%arg15 : memref<128x128xf32, #tpu.memory_space<vmem>>) dst(%dma_wait3A_276 : memref<128x128xf32, #tpu.memory_space<hbm>>)
      tpu.yield
    }) : () -> ()
    %run_scoped3A_161 = arith.constant 6 : i32
    "tpu.region"() ({
      %run_scoped3A_264 = tpu.sem_alloc : memref<!tpu.dma_semaphore, #tpu.memory_space<semaphore_mem>>
      %dma_start3A_265 = arith.constant 0 : i32
      %dma_start3A_266 = tpu.memref_slice %arg20[%run_scoped3A_161, %dma_start3A_265] : memref<8x128xi32, #tpu.memory_space<vmem>> -> memref<1x128xi32, #tpu.memory_space<vmem>>
      %dma_start3A_267 = tpu.memref_squeeze %dma_start3A_266 : memref<1x128xi32, #tpu.memory_space<vmem>> -> memref<128xi32, #tpu.memory_space<vmem>>
      %dma_start3A_268 = arith.constant 0 : i32
      %dma_start3A_269 = arith.constant 0 : i32
      %dma_start3A_270 = tpu.memref_slice %arg22[%dma_start3A_268, %dma_start3A_269] : memref<10240x128xf32, #tpu.memory_space<vmem_shared>> -> memref<10240x128xf32, #tpu.memory_space<vmem_shared>>
      tpu.enqueue_indirect_dma source(%dma_start3A_270 : memref<10240x128xf32, #tpu.memory_space<vmem_shared>>) target(%arg14 : memref<128x128xf32, #tpu.memory_space<vmem>>) offsets(%dma_start3A_267 : memref<128xi32, #tpu.memory_space<vmem>>) semaphore(%run_scoped3A_264 : memref<!tpu.dma_semaphore, #tpu.memory_space<semaphore_mem>>)
      %dma_wait3A_271 = arith.constant 0 : i32
      %dma_wait3A_272 = tpu.memref_slice %arg20[%run_scoped3A_161, %dma_wait3A_271] : memref<8x128xi32, #tpu.memory_space<vmem>> -> memref<1x128xi32, #tpu.memory_space<vmem>>
      %dma_wait3A_273 = tpu.memref_squeeze %dma_wait3A_272 : memref<1x128xi32, #tpu.memory_space<vmem>> -> memref<128xi32, #tpu.memory_space<vmem>>
      %dma_wait3A_274 = arith.constant 0 : i32
      %dma_wait3A_275 = arith.constant 0 : i32
      %dma_wait3A_276 = tpu.memref_slice %arg22[%dma_wait3A_274, %dma_wait3A_275] : memref<10240x128xf32, #tpu.memory_space<vmem_shared>> -> memref<10240x128xf32, #tpu.memory_space<vmem_shared>>
      tpu.wait_indirect_dma semaphore(%run_scoped3A_264 : memref<!tpu.dma_semaphore, #tpu.memory_space<semaphore_mem>>) src(%dma_wait3A_276 : memref<10240x128xf32, #tpu.memory_space<vmem_shared>>) dst(%arg14 : memref<128x128xf32, #tpu.memory_space<vmem>>)
      tpu.yield
    }) : () -> ()
    %mul3A_162 = arith.constant 4 : i32
    %mul3A_163 = arith.muli %arg1, %mul3A_162 : i32
    %mul3A_164 = arith.constant 128 : i32
    %mul3A_165 = arith.muli %mul3A_163, %mul3A_164 : i32
    %add3A_166 = arith.constant 256 : i32
    %add3A_167 = arith.addi %mul3A_165, %add3A_166 : i32
    "tpu.region"() ({
      %run_scoped3A_264 = tpu.sem_alloc : memref<!tpu.dma_semaphore, #tpu.memory_space<semaphore_mem>>
      %dma_start3A_265 = arith.constant 0 : i32
      %dma_start3A_266 = tpu.memref_slice %arg9[%add3A_91, %add3A_167, %dma_start3A_265] : memref<6x8192x128xf32, #tpu.memory_space<hbm>> -> memref<1x128x128xf32, #tpu.memory_space<hbm>>
      %dma_start3A_267 = tpu.memref_squeeze %dma_start3A_266 : memref<1x128x128xf32, #tpu.memory_space<hbm>> -> memref<128x128xf32, #tpu.memory_space<hbm>>
      %dma_start3A_268 = arith.constant 0 : i32
      %dma_start3A_269 = tpu.memref_slice %arg9[%add3A_91, %add3A_167, %dma_start3A_268] : memref<6x8192x128xf32, #tpu.memory_space<hbm>> -> memref<1x128x128xf32, #tpu.memory_space<hbm>>
      %dma_start3A_270 = tpu.memref_squeeze %dma_start3A_269 : memref<1x128x128xf32, #tpu.memory_space<hbm>> -> memref<128x128xf32, #tpu.memory_space<hbm>>
      tpu.enqueue_dma source(%arg14 : memref<128x128xf32, #tpu.memory_space<vmem>>) target(%dma_start3A_270 : memref<128x128xf32, #tpu.memory_space<hbm>>) target_semaphore(%run_scoped3A_264 : memref<!tpu.dma_semaphore, #tpu.memory_space<semaphore_mem>>)
      %dma_wait3A_271 = arith.constant 0 : i32
      %dma_wait3A_272 = tpu.memref_slice %arg9[%add3A_91, %add3A_167, %dma_wait3A_271] : memref<6x8192x128xf32, #tpu.memory_space<hbm>> -> memref<1x128x128xf32, #tpu.memory_space<hbm>>
      %dma_wait3A_273 = tpu.memref_squeeze %dma_wait3A_272 : memref<1x128x128xf32, #tpu.memory_space<hbm>> -> memref<128x128xf32, #tpu.memory_space<hbm>>
      %dma_wait3A_274 = arith.constant 0 : i32
      %dma_wait3A_275 = tpu.memref_slice %arg9[%add3A_91, %add3A_167, %dma_wait3A_274] : memref<6x8192x128xf32, #tpu.memory_space<hbm>> -> memref<1x128x128xf32, #tpu.memory_space<hbm>>
      %dma_wait3A_276 = tpu.memref_squeeze %dma_wait3A_275 : memref<1x128x128xf32, #tpu.memory_space<hbm>> -> memref<128x128xf32, #tpu.memory_space<hbm>>
      tpu.wait_dma2 semaphore(%run_scoped3A_264 : memref<!tpu.dma_semaphore, #tpu.memory_space<semaphore_mem>>) src(%arg14 : memref<128x128xf32, #tpu.memory_space<vmem>>) dst(%dma_wait3A_276 : memref<128x128xf32, #tpu.memory_space<hbm>>)
      tpu.yield
    }) : () -> ()
    %run_scoped3A_168 = arith.constant 7 : i32
    "tpu.region"() ({
      %run_scoped3A_264 = tpu.sem_alloc : memref<!tpu.dma_semaphore, #tpu.memory_space<semaphore_mem>>
      %dma_start3A_265 = arith.constant 0 : i32
      %dma_start3A_266 = tpu.memref_slice %arg20[%run_scoped3A_168, %dma_start3A_265] : memref<8x128xi32, #tpu.memory_space<vmem>> -> memref<1x128xi32, #tpu.memory_space<vmem>>
      %dma_start3A_267 = tpu.memref_squeeze %dma_start3A_266 : memref<1x128xi32, #tpu.memory_space<vmem>> -> memref<128xi32, #tpu.memory_space<vmem>>
      %dma_start3A_268 = arith.constant 0 : i32
      %dma_start3A_269 = arith.constant 0 : i32
      %dma_start3A_270 = tpu.memref_slice %arg22[%dma_start3A_268, %dma_start3A_269] : memref<10240x128xf32, #tpu.memory_space<vmem_shared>> -> memref<10240x128xf32, #tpu.memory_space<vmem_shared>>
      tpu.enqueue_indirect_dma source(%dma_start3A_270 : memref<10240x128xf32, #tpu.memory_space<vmem_shared>>) target(%arg15 : memref<128x128xf32, #tpu.memory_space<vmem>>) offsets(%dma_start3A_267 : memref<128xi32, #tpu.memory_space<vmem>>) semaphore(%run_scoped3A_264 : memref<!tpu.dma_semaphore, #tpu.memory_space<semaphore_mem>>)
      %dma_wait3A_271 = arith.constant 0 : i32
      %dma_wait3A_272 = tpu.memref_slice %arg20[%run_scoped3A_168, %dma_wait3A_271] : memref<8x128xi32, #tpu.memory_space<vmem>> -> memref<1x128xi32, #tpu.memory_space<vmem>>
      %dma_wait3A_273 = tpu.memref_squeeze %dma_wait3A_272 : memref<1x128xi32, #tpu.memory_space<vmem>> -> memref<128xi32, #tpu.memory_space<vmem>>
      %dma_wait3A_274 = arith.constant 0 : i32
      %dma_wait3A_275 = arith.constant 0 : i32
      %dma_wait3A_276 = tpu.memref_slice %arg22[%dma_wait3A_274, %dma_wait3A_275] : memref<10240x128xf32, #tpu.memory_space<vmem_shared>> -> memref<10240x128xf32, #tpu.memory_space<vmem_shared>>
      tpu.wait_indirect_dma semaphore(%run_scoped3A_264 : memref<!tpu.dma_semaphore, #tpu.memory_space<semaphore_mem>>) src(%dma_wait3A_276 : memref<10240x128xf32, #tpu.memory_space<vmem_shared>>) dst(%arg15 : memref<128x128xf32, #tpu.memory_space<vmem>>)
      tpu.yield
    }) : () -> ()
    %mul3A_169 = arith.constant 4 : i32
    %mul3A_170 = arith.muli %arg1, %mul3A_169 : i32
    %mul3A_171 = arith.constant 128 : i32
    %mul3A_172 = arith.muli %mul3A_170, %mul3A_171 : i32
    %add3A_173 = arith.constant 384 : i32
    %add3A_174 = arith.addi %mul3A_172, %add3A_173 : i32
    "tpu.region"() ({
      %run_scoped3A_264 = tpu.sem_alloc : memref<!tpu.dma_semaphore, #tpu.memory_space<semaphore_mem>>
      %dma_start3A_265 = arith.constant 0 : i32
      %dma_start3A_266 = tpu.memref_slice %arg9[%add3A_91, %add3A_174, %dma_start3A_265] : memref<6x8192x128xf32, #tpu.memory_space<hbm>> -> memref<1x128x128xf32, #tpu.memory_space<hbm>>
      %dma_start3A_267 = tpu.memref_squeeze %dma_start3A_266 : memref<1x128x128xf32, #tpu.memory_space<hbm>> -> memref<128x128xf32, #tpu.memory_space<hbm>>
      %dma_start3A_268 = arith.constant 0 : i32
      %dma_start3A_269 = tpu.memref_slice %arg9[%add3A_91, %add3A_174, %dma_start3A_268] : memref<6x8192x128xf32, #tpu.memory_space<hbm>> -> memref<1x128x128xf32, #tpu.memory_space<hbm>>
      %dma_start3A_270 = tpu.memref_squeeze %dma_start3A_269 : memref<1x128x128xf32, #tpu.memory_space<hbm>> -> memref<128x128xf32, #tpu.memory_space<hbm>>
      tpu.enqueue_dma source(%arg15 : memref<128x128xf32, #tpu.memory_space<vmem>>) target(%dma_start3A_270 : memref<128x128xf32, #tpu.memory_space<hbm>>) target_semaphore(%run_scoped3A_264 : memref<!tpu.dma_semaphore, #tpu.memory_space<semaphore_mem>>)
      %dma_wait3A_271 = arith.constant 0 : i32
      %dma_wait3A_272 = tpu.memref_slice %arg9[%add3A_91, %add3A_174, %dma_wait3A_271] : memref<6x8192x128xf32, #tpu.memory_space<hbm>> -> memref<1x128x128xf32, #tpu.memory_space<hbm>>
      %dma_wait3A_273 = tpu.memref_squeeze %dma_wait3A_272 : memref<1x128x128xf32, #tpu.memory_space<hbm>> -> memref<128x128xf32, #tpu.memory_space<hbm>>
      %dma_wait3A_274 = arith.constant 0 : i32
      %dma_wait3A_275 = tpu.memref_slice %arg9[%add3A_91, %add3A_174, %dma_wait3A_274] : memref<6x8192x128xf32, #tpu.memory_space<hbm>> -> memref<1x128x128xf32, #tpu.memory_space<hbm>>
      %dma_wait3A_276 = tpu.memref_squeeze %dma_wait3A_275 : memref<1x128x128xf32, #tpu.memory_space<hbm>> -> memref<128x128xf32, #tpu.memory_space<hbm>>
      tpu.wait_dma2 semaphore(%run_scoped3A_264 : memref<!tpu.dma_semaphore, #tpu.memory_space<semaphore_mem>>) src(%arg15 : memref<128x128xf32, #tpu.memory_space<vmem>>) dst(%dma_wait3A_276 : memref<128x128xf32, #tpu.memory_space<hbm>>)
      tpu.yield
    }) : () -> ()
    %barrier3A_175 = arith.constant 0 : index
    tpu.barrier barrier_id(%barrier3A_175)
    %mul3A_176 = arith.constant 3 : i32
    %mul3A_177 = arith.muli %arg0, %mul3A_176 : i32
    %add3A_178 = arith.constant 2 : i32
    %add3A_179 = arith.addi %mul3A_177, %add3A_178 : i32
    %dma_start3A_180 = arith.constant 0 : i32
    %dma_start3A_181 = arith.constant 0 : i32
    %dma_start3A_182 = tpu.memref_slice %arg12[%dma_start3A_180, %dma_start3A_181] : memref<50x128xi32, #tpu.memory_space<vmem>> -> memref<1x128xi32, #tpu.memory_space<vmem>>
    %dma_start3A_183 = tpu.memref_squeeze %dma_start3A_182 : memref<1x128xi32, #tpu.memory_space<vmem>> -> memref<128xi32, #tpu.memory_space<vmem>>
    %dma_start3A_184 = arith.constant 0 : i32
    %dma_start3A_185 = arith.constant 0 : i32
    %dma_start3A_186 = tpu.memref_slice %arg2[%add3A_179, %dma_start3A_184, %dma_start3A_185] : memref<6x10240x128xf32, #tpu.memory_space<hbm>> -> memref<1x10240x128xf32, #tpu.memory_space<hbm>>
    %dma_start3A_187 = tpu.memref_squeeze %dma_start3A_186 : memref<1x10240x128xf32, #tpu.memory_space<hbm>> -> memref<10240x128xf32, #tpu.memory_space<hbm>>
    %dma_start3A_188 = arith.constant 0 : i32
    %dma_start3A_189 = arith.constant 0 : i32
    %dma_start3A_190 = tpu.memref_slice %dma_start3A_187[%dma_start3A_188, %dma_start3A_189] : memref<10240x128xf32, #tpu.memory_space<hbm>> -> memref<10240x128xf32, #tpu.memory_space<hbm>>
    tpu.enqueue_indirect_dma source(%dma_start3A_190 : memref<10240x128xf32, #tpu.memory_space<hbm>>) target(%arg14 : memref<128x128xf32, #tpu.memory_space<vmem>>) offsets(%dma_start3A_183 : memref<128xi32, #tpu.memory_space<vmem>>) semaphore(%arg16 : memref<!tpu.dma_semaphore, #tpu.memory_space<semaphore_mem>>)
    %mul3A_191 = arith.constant 640 : i32
    %mul3A_192 = arith.muli %arg1, %mul3A_191 : i32
    "tpu.region"() ({
      %run_scoped3A_264 = tpu.sem_alloc : memref<!tpu.dma_semaphore, #tpu.memory_space<semaphore_mem>>
      %dma_start3A_265 = arith.constant 0 : i32
      %dma_start3A_266 = tpu.memref_slice %arg22[%mul3A_192, %dma_start3A_265] : memref<10240x128xf32, #tpu.memory_space<vmem_shared>> -> memref<640x128xf32, #tpu.memory_space<vmem_shared>>
      %dma_start3A_267 = arith.constant 0 : i32
      %dma_start3A_268 = tpu.memref_slice %arg2[%add3A_179, %mul3A_192, %dma_start3A_267] : memref<6x10240x128xf32, #tpu.memory_space<hbm>> -> memref<1x640x128xf32, #tpu.memory_space<hbm>>
      %dma_start3A_269 = tpu.memref_squeeze %dma_start3A_268 : memref<1x640x128xf32, #tpu.memory_space<hbm>> -> memref<640x128xf32, #tpu.memory_space<hbm>>
      tpu.enqueue_dma source(%dma_start3A_269 : memref<640x128xf32, #tpu.memory_space<hbm>>) target(%dma_start3A_266 : memref<640x128xf32, #tpu.memory_space<vmem_shared>>) target_semaphore(%run_scoped3A_264 : memref<!tpu.dma_semaphore, #tpu.memory_space<semaphore_mem>>)
      %dma_wait3A_270 = arith.constant 0 : i32
      %dma_wait3A_271 = tpu.memref_slice %arg22[%mul3A_192, %dma_wait3A_270] : memref<10240x128xf32, #tpu.memory_space<vmem_shared>> -> memref<640x128xf32, #tpu.memory_space<vmem_shared>>
      %dma_wait3A_272 = arith.constant 0 : i32
      %dma_wait3A_273 = tpu.memref_slice %arg2[%add3A_179, %mul3A_192, %dma_wait3A_272] : memref<6x10240x128xf32, #tpu.memory_space<hbm>> -> memref<1x640x128xf32, #tpu.memory_space<hbm>>
      %dma_wait3A_274 = tpu.memref_squeeze %dma_wait3A_273 : memref<1x640x128xf32, #tpu.memory_space<hbm>> -> memref<640x128xf32, #tpu.memory_space<hbm>>
      tpu.wait_dma2 semaphore(%run_scoped3A_264 : memref<!tpu.dma_semaphore, #tpu.memory_space<semaphore_mem>>) src(%dma_wait3A_274 : memref<640x128xf32, #tpu.memory_space<hbm>>) dst(%dma_wait3A_271 : memref<640x128xf32, #tpu.memory_space<vmem_shared>>)
      tpu.yield
    }) : () -> ()
    %barrier3A_193 = arith.constant 0 : index
    tpu.barrier barrier_id(%barrier3A_193)
    %scan3A_194 = arith.constant 0 : i32
    %scan3A_195 = arith.constant 25 : i32
    %scan3A_196 = arith.addi %scan3A_194, %scan3A_195 : i32
    %scan3A_197 = arith.constant 1 : i32
    scf.for %scan3A_264 = %scan3A_194 to %scan3A_196 step %scan3A_197  : i32 {
      %mul3A_265 = arith.constant 1 : i32
      %mul3A_266 = arith.muli %scan3A_264, %mul3A_265 : i32
      %add3A_267 = arith.constant 0 : i32
      %add3A_268 = arith.addi %add3A_267, %mul3A_266 : i32
      %mul3A_269 = arith.constant 2 : i32
      %mul3A_270 = arith.muli %mul3A_269, %add3A_268 : i32
      %add3A_271 = arith.constant 0 : i32
      %add3A_272 = arith.addi %mul3A_270, %add3A_271 : i32
      %gt3A = arith.constant 0 : i32
      %gt3A_273 = arith.cmpi sgt, %add3A_268, %gt3A : i32
      %convert_element_type3A_274 = arith.extui %gt3A_273 : i1 to i32
      %cond3A_275 = arith.constant 0 : i32
      %cond3A_276 = arith.cmpi ne, %convert_element_type3A_274, %cond3A_275 : i32
      scf.if %cond3A_276 {
        %sub3A_336 = arith.constant 1 : i32
        %sub3A_337 = arith.subi %add3A_272, %sub3A_336 : i32
        %dma_wait3A_338 = arith.constant 0 : i32
        %dma_wait3A_339 = tpu.memref_slice %arg13[%sub3A_337, %dma_wait3A_338] : memref<50x128xi32, #tpu.memory_space<vmem>> -> memref<1x128xi32, #tpu.memory_space<vmem>>
        %dma_wait3A_340 = tpu.memref_squeeze %dma_wait3A_339 : memref<1x128xi32, #tpu.memory_space<vmem>> -> memref<128xi32, #tpu.memory_space<vmem>>
        %dma_wait3A_341 = arith.constant 0 : i32
        %dma_wait3A_342 = arith.constant 0 : i32
        %dma_wait3A_343 = tpu.memref_slice %arg22[%dma_wait3A_341, %dma_wait3A_342] : memref<10240x128xf32, #tpu.memory_space<vmem_shared>> -> memref<10240x128xf32, #tpu.memory_space<vmem_shared>>
        tpu.wait_indirect_dma semaphore(%arg19 : memref<!tpu.dma_semaphore, #tpu.memory_space<semaphore_mem>>) src(%arg15 : memref<128x128xf32, #tpu.memory_space<vmem>>) dst(%dma_wait3A_343 : memref<10240x128xf32, #tpu.memory_space<vmem_shared>>)
      } else {
      }
      %add3A_277 = arith.constant 1 : i32
      %add3A_278 = arith.addi %add3A_272, %add3A_277 : i32
      %dma_start3A_279 = arith.constant 0 : i32
      %dma_start3A_280 = tpu.memref_slice %arg12[%add3A_278, %dma_start3A_279] : memref<50x128xi32, #tpu.memory_space<vmem>> -> memref<1x128xi32, #tpu.memory_space<vmem>>
      %dma_start3A_281 = tpu.memref_squeeze %dma_start3A_280 : memref<1x128xi32, #tpu.memory_space<vmem>> -> memref<128xi32, #tpu.memory_space<vmem>>
      %dma_start3A_282 = arith.constant 0 : i32
      %dma_start3A_283 = arith.constant 0 : i32
      %dma_start3A_284 = tpu.memref_slice %arg2[%add3A_179, %dma_start3A_282, %dma_start3A_283] : memref<6x10240x128xf32, #tpu.memory_space<hbm>> -> memref<1x10240x128xf32, #tpu.memory_space<hbm>>
      %dma_start3A_285 = tpu.memref_squeeze %dma_start3A_284 : memref<1x10240x128xf32, #tpu.memory_space<hbm>> -> memref<10240x128xf32, #tpu.memory_space<hbm>>
      %dma_start3A_286 = arith.constant 0 : i32
      %dma_start3A_287 = arith.constant 0 : i32
      %dma_start3A_288 = tpu.memref_slice %dma_start3A_285[%dma_start3A_286, %dma_start3A_287] : memref<10240x128xf32, #tpu.memory_space<hbm>> -> memref<10240x128xf32, #tpu.memory_space<hbm>>
      tpu.enqueue_indirect_dma source(%dma_start3A_288 : memref<10240x128xf32, #tpu.memory_space<hbm>>) target(%arg15 : memref<128x128xf32, #tpu.memory_space<vmem>>) offsets(%dma_start3A_281 : memref<128xi32, #tpu.memory_space<vmem>>) semaphore(%arg17 : memref<!tpu.dma_semaphore, #tpu.memory_space<semaphore_mem>>)
      %dma_wait3A_289 = arith.constant 0 : i32
      %dma_wait3A_290 = tpu.memref_slice %arg12[%add3A_272, %dma_wait3A_289] : memref<50x128xi32, #tpu.memory_space<vmem>> -> memref<1x128xi32, #tpu.memory_space<vmem>>
      %dma_wait3A_291 = tpu.memref_squeeze %dma_wait3A_290 : memref<1x128xi32, #tpu.memory_space<vmem>> -> memref<128xi32, #tpu.memory_space<vmem>>
      %dma_wait3A_292 = arith.constant 0 : i32
      %dma_wait3A_293 = arith.constant 0 : i32
      %dma_wait3A_294 = tpu.memref_slice %arg2[%add3A_179, %dma_wait3A_292, %dma_wait3A_293] : memref<6x10240x128xf32, #tpu.memory_space<hbm>> -> memref<1x10240x128xf32, #tpu.memory_space<hbm>>
      %dma_wait3A_295 = tpu.memref_squeeze %dma_wait3A_294 : memref<1x10240x128xf32, #tpu.memory_space<hbm>> -> memref<10240x128xf32, #tpu.memory_space<hbm>>
      %dma_wait3A_296 = arith.constant 0 : i32
      %dma_wait3A_297 = arith.constant 0 : i32
      %dma_wait3A_298 = tpu.memref_slice %dma_wait3A_295[%dma_wait3A_296, %dma_wait3A_297] : memref<10240x128xf32, #tpu.memory_space<hbm>> -> memref<10240x128xf32, #tpu.memory_space<hbm>>
      tpu.wait_indirect_dma semaphore(%arg16 : memref<!tpu.dma_semaphore, #tpu.memory_space<semaphore_mem>>) src(%dma_wait3A_298 : memref<10240x128xf32, #tpu.memory_space<hbm>>) dst(%arg14 : memref<128x128xf32, #tpu.memory_space<vmem>>)
      %dma_start3A_299 = arith.constant 0 : i32
      %dma_start3A_300 = tpu.memref_slice %arg13[%add3A_272, %dma_start3A_299] : memref<50x128xi32, #tpu.memory_space<vmem>> -> memref<1x128xi32, #tpu.memory_space<vmem>>
      %dma_start3A_301 = tpu.memref_squeeze %dma_start3A_300 : memref<1x128xi32, #tpu.memory_space<vmem>> -> memref<128xi32, #tpu.memory_space<vmem>>
      %dma_start3A_302 = arith.constant 0 : i32
      %dma_start3A_303 = arith.constant 0 : i32
      %dma_start3A_304 = tpu.memref_slice %arg22[%dma_start3A_302, %dma_start3A_303] : memref<10240x128xf32, #tpu.memory_space<vmem_shared>> -> memref<10240x128xf32, #tpu.memory_space<vmem_shared>>
      tpu.enqueue_indirect_dma source(%arg14 : memref<128x128xf32, #tpu.memory_space<vmem>>) target(%dma_start3A_304 : memref<10240x128xf32, #tpu.memory_space<vmem_shared>>) offsets(%dma_start3A_301 : memref<128xi32, #tpu.memory_space<vmem>>) semaphore(%arg18 : memref<!tpu.dma_semaphore, #tpu.memory_space<semaphore_mem>>) {add = true}
      %mul3A_305 = arith.constant 2 : i32
      %mul3A_306 = arith.muli %mul3A_305, %add3A_268 : i32
      %add3A_307 = arith.constant 1 : i32
      %add3A_308 = arith.addi %mul3A_306, %add3A_307 : i32
      %sub3A = arith.constant 1 : i32
      %sub3A_309 = arith.subi %add3A_308, %sub3A : i32
      %dma_wait3A_310 = arith.constant 0 : i32
      %dma_wait3A_311 = tpu.memref_slice %arg13[%sub3A_309, %dma_wait3A_310] : memref<50x128xi32, #tpu.memory_space<vmem>> -> memref<1x128xi32, #tpu.memory_space<vmem>>
      %dma_wait3A_312 = tpu.memref_squeeze %dma_wait3A_311 : memref<1x128xi32, #tpu.memory_space<vmem>> -> memref<128xi32, #tpu.memory_space<vmem>>
      %dma_wait3A_313 = arith.constant 0 : i32
      %dma_wait3A_314 = arith.constant 0 : i32
      %dma_wait3A_315 = tpu.memref_slice %arg22[%dma_wait3A_313, %dma_wait3A_314] : memref<10240x128xf32, #tpu.memory_space<vmem_shared>> -> memref<10240x128xf32, #tpu.memory_space<vmem_shared>>
      tpu.wait_indirect_dma semaphore(%arg18 : memref<!tpu.dma_semaphore, #tpu.memory_space<semaphore_mem>>) src(%arg14 : memref<128x128xf32, #tpu.memory_space<vmem>>) dst(%dma_wait3A_315 : memref<10240x128xf32, #tpu.memory_space<vmem_shared>>)
      %lt3A = arith.constant 24 : i32
      %lt3A_316 = arith.cmpi slt, %add3A_268, %lt3A : i32
      %convert_element_type3A_317 = arith.extui %lt3A_316 : i1 to i32
      %cond3A_318 = arith.constant 0 : i32
      %cond3A_319 = arith.cmpi ne, %convert_element_type3A_317, %cond3A_318 : i32
      scf.if %cond3A_319 {
        %add3A_336 = arith.constant 1 : i32
        %add3A_337 = arith.addi %add3A_308, %add3A_336 : i32
        %dma_start3A_338 = arith.constant 0 : i32
        %dma_start3A_339 = tpu.memref_slice %arg12[%add3A_337, %dma_start3A_338] : memref<50x128xi32, #tpu.memory_space<vmem>> -> memref<1x128xi32, #tpu.memory_space<vmem>>
        %dma_start3A_340 = tpu.memref_squeeze %dma_start3A_339 : memref<1x128xi32, #tpu.memory_space<vmem>> -> memref<128xi32, #tpu.memory_space<vmem>>
        %dma_start3A_341 = arith.constant 0 : i32
        %dma_start3A_342 = arith.constant 0 : i32
        %dma_start3A_343 = tpu.memref_slice %arg2[%add3A_179, %dma_start3A_341, %dma_start3A_342] : memref<6x10240x128xf32, #tpu.memory_space<hbm>> -> memref<1x10240x128xf32, #tpu.memory_space<hbm>>
        %dma_start3A_344 = tpu.memref_squeeze %dma_start3A_343 : memref<1x10240x128xf32, #tpu.memory_space<hbm>> -> memref<10240x128xf32, #tpu.memory_space<hbm>>
        %dma_start3A_345 = arith.constant 0 : i32
        %dma_start3A_346 = arith.constant 0 : i32
        %dma_start3A_347 = tpu.memref_slice %dma_start3A_344[%dma_start3A_345, %dma_start3A_346] : memref<10240x128xf32, #tpu.memory_space<hbm>> -> memref<10240x128xf32, #tpu.memory_space<hbm>>
        tpu.enqueue_indirect_dma source(%dma_start3A_347 : memref<10240x128xf32, #tpu.memory_space<hbm>>) target(%arg14 : memref<128x128xf32, #tpu.memory_space<vmem>>) offsets(%dma_start3A_340 : memref<128xi32, #tpu.memory_space<vmem>>) semaphore(%arg16 : memref<!tpu.dma_semaphore, #tpu.memory_space<semaphore_mem>>)
      } else {
      }
      %dma_wait3A_320 = arith.constant 0 : i32
      %dma_wait3A_321 = tpu.memref_slice %arg12[%add3A_308, %dma_wait3A_320] : memref<50x128xi32, #tpu.memory_space<vmem>> -> memref<1x128xi32, #tpu.memory_space<vmem>>
      %dma_wait3A_322 = tpu.memref_squeeze %dma_wait3A_321 : memref<1x128xi32, #tpu.memory_space<vmem>> -> memref<128xi32, #tpu.memory_space<vmem>>
      %dma_wait3A_323 = arith.constant 0 : i32
      %dma_wait3A_324 = arith.constant 0 : i32
      %dma_wait3A_325 = tpu.memref_slice %arg2[%add3A_179, %dma_wait3A_323, %dma_wait3A_324] : memref<6x10240x128xf32, #tpu.memory_space<hbm>> -> memref<1x10240x128xf32, #tpu.memory_space<hbm>>
      %dma_wait3A_326 = tpu.memref_squeeze %dma_wait3A_325 : memref<1x10240x128xf32, #tpu.memory_space<hbm>> -> memref<10240x128xf32, #tpu.memory_space<hbm>>
      %dma_wait3A_327 = arith.constant 0 : i32
      %dma_wait3A_328 = arith.constant 0 : i32
      %dma_wait3A_329 = tpu.memref_slice %dma_wait3A_326[%dma_wait3A_327, %dma_wait3A_328] : memref<10240x128xf32, #tpu.memory_space<hbm>> -> memref<10240x128xf32, #tpu.memory_space<hbm>>
      tpu.wait_indirect_dma semaphore(%arg17 : memref<!tpu.dma_semaphore, #tpu.memory_space<semaphore_mem>>) src(%dma_wait3A_329 : memref<10240x128xf32, #tpu.memory_space<hbm>>) dst(%arg15 : memref<128x128xf32, #tpu.memory_space<vmem>>)
      %dma_start3A_330 = arith.constant 0 : i32
      %dma_start3A_331 = tpu.memref_slice %arg13[%add3A_308, %dma_start3A_330] : memref<50x128xi32, #tpu.memory_space<vmem>> -> memref<1x128xi32, #tpu.memory_space<vmem>>
      %dma_start3A_332 = tpu.memref_squeeze %dma_start3A_331 : memref<1x128xi32, #tpu.memory_space<vmem>> -> memref<128xi32, #tpu.memory_space<vmem>>
      %dma_start3A_333 = arith.constant 0 : i32
      %dma_start3A_334 = arith.constant 0 : i32
      %dma_start3A_335 = tpu.memref_slice %arg22[%dma_start3A_333, %dma_start3A_334] : memref<10240x128xf32, #tpu.memory_space<vmem_shared>> -> memref<10240x128xf32, #tpu.memory_space<vmem_shared>>
      tpu.enqueue_indirect_dma source(%arg15 : memref<128x128xf32, #tpu.memory_space<vmem>>) target(%dma_start3A_335 : memref<10240x128xf32, #tpu.memory_space<vmem_shared>>) offsets(%dma_start3A_332 : memref<128xi32, #tpu.memory_space<vmem>>) semaphore(%arg19 : memref<!tpu.dma_semaphore, #tpu.memory_space<semaphore_mem>>) {add = true}
    }
    %scan3A_198 = arith.constant 25 : i32
    %dma_wait3A_199 = arith.constant 49 : i32
    %dma_wait3A_200 = arith.constant 0 : i32
    %dma_wait3A_201 = tpu.memref_slice %arg13[%dma_wait3A_199, %dma_wait3A_200] : memref<50x128xi32, #tpu.memory_space<vmem>> -> memref<1x128xi32, #tpu.memory_space<vmem>>
    %dma_wait3A_202 = tpu.memref_squeeze %dma_wait3A_201 : memref<1x128xi32, #tpu.memory_space<vmem>> -> memref<128xi32, #tpu.memory_space<vmem>>
    %dma_wait3A_203 = arith.constant 0 : i32
    %dma_wait3A_204 = arith.constant 0 : i32
    %dma_wait3A_205 = tpu.memref_slice %arg22[%dma_wait3A_203, %dma_wait3A_204] : memref<10240x128xf32, #tpu.memory_space<vmem_shared>> -> memref<10240x128xf32, #tpu.memory_space<vmem_shared>>
    tpu.wait_indirect_dma semaphore(%arg19 : memref<!tpu.dma_semaphore, #tpu.memory_space<semaphore_mem>>) src(%arg15 : memref<128x128xf32, #tpu.memory_space<vmem>>) dst(%dma_wait3A_205 : memref<10240x128xf32, #tpu.memory_space<vmem_shared>>)
    %barrier3A_206 = arith.constant 0 : index
    tpu.barrier barrier_id(%barrier3A_206)
    %run_scoped3A_207 = arith.constant 0 : i32
    "tpu.region"() ({
      %run_scoped3A_264 = tpu.sem_alloc : memref<!tpu.dma_semaphore, #tpu.memory_space<semaphore_mem>>
      %dma_start3A_265 = arith.constant 0 : i32
      %dma_start3A_266 = tpu.memref_slice %arg20[%run_scoped3A_207, %dma_start3A_265] : memref<8x128xi32, #tpu.memory_space<vmem>> -> memref<1x128xi32, #tpu.memory_space<vmem>>
      %dma_start3A_267 = tpu.memref_squeeze %dma_start3A_266 : memref<1x128xi32, #tpu.memory_space<vmem>> -> memref<128xi32, #tpu.memory_space<vmem>>
      %dma_start3A_268 = arith.constant 0 : i32
      %dma_start3A_269 = arith.constant 0 : i32
      %dma_start3A_270 = tpu.memref_slice %arg22[%dma_start3A_268, %dma_start3A_269] : memref<10240x128xf32, #tpu.memory_space<vmem_shared>> -> memref<10240x128xf32, #tpu.memory_space<vmem_shared>>
      tpu.enqueue_indirect_dma source(%dma_start3A_270 : memref<10240x128xf32, #tpu.memory_space<vmem_shared>>) target(%arg14 : memref<128x128xf32, #tpu.memory_space<vmem>>) offsets(%dma_start3A_267 : memref<128xi32, #tpu.memory_space<vmem>>) semaphore(%run_scoped3A_264 : memref<!tpu.dma_semaphore, #tpu.memory_space<semaphore_mem>>)
      %dma_wait3A_271 = arith.constant 0 : i32
      %dma_wait3A_272 = tpu.memref_slice %arg20[%run_scoped3A_207, %dma_wait3A_271] : memref<8x128xi32, #tpu.memory_space<vmem>> -> memref<1x128xi32, #tpu.memory_space<vmem>>
      %dma_wait3A_273 = tpu.memref_squeeze %dma_wait3A_272 : memref<1x128xi32, #tpu.memory_space<vmem>> -> memref<128xi32, #tpu.memory_space<vmem>>
      %dma_wait3A_274 = arith.constant 0 : i32
      %dma_wait3A_275 = arith.constant 0 : i32
      %dma_wait3A_276 = tpu.memref_slice %arg22[%dma_wait3A_274, %dma_wait3A_275] : memref<10240x128xf32, #tpu.memory_space<vmem_shared>> -> memref<10240x128xf32, #tpu.memory_space<vmem_shared>>
      tpu.wait_indirect_dma semaphore(%run_scoped3A_264 : memref<!tpu.dma_semaphore, #tpu.memory_space<semaphore_mem>>) src(%dma_wait3A_276 : memref<10240x128xf32, #tpu.memory_space<vmem_shared>>) dst(%arg14 : memref<128x128xf32, #tpu.memory_space<vmem>>)
      tpu.yield
    }) : () -> ()
    %mul3A_208 = arith.constant 4 : i32
    %mul3A_209 = arith.muli %arg1, %mul3A_208 : i32
    %mul3A_210 = arith.constant 128 : i32
    %mul3A_211 = arith.muli %mul3A_209, %mul3A_210 : i32
    %add3A_212 = arith.constant 0 : i32
    %add3A_213 = arith.addi %mul3A_211, %add3A_212 : i32
    "tpu.region"() ({
      %run_scoped3A_264 = tpu.sem_alloc : memref<!tpu.dma_semaphore, #tpu.memory_space<semaphore_mem>>
      %dma_start3A_265 = arith.constant 0 : i32
      %dma_start3A_266 = tpu.memref_slice %arg8[%add3A_179, %add3A_213, %dma_start3A_265] : memref<6x8192x128xf32, #tpu.memory_space<hbm>> -> memref<1x128x128xf32, #tpu.memory_space<hbm>>
      %dma_start3A_267 = tpu.memref_squeeze %dma_start3A_266 : memref<1x128x128xf32, #tpu.memory_space<hbm>> -> memref<128x128xf32, #tpu.memory_space<hbm>>
      %dma_start3A_268 = arith.constant 0 : i32
      %dma_start3A_269 = tpu.memref_slice %arg8[%add3A_179, %add3A_213, %dma_start3A_268] : memref<6x8192x128xf32, #tpu.memory_space<hbm>> -> memref<1x128x128xf32, #tpu.memory_space<hbm>>
      %dma_start3A_270 = tpu.memref_squeeze %dma_start3A_269 : memref<1x128x128xf32, #tpu.memory_space<hbm>> -> memref<128x128xf32, #tpu.memory_space<hbm>>
      tpu.enqueue_dma source(%arg14 : memref<128x128xf32, #tpu.memory_space<vmem>>) target(%dma_start3A_270 : memref<128x128xf32, #tpu.memory_space<hbm>>) target_semaphore(%run_scoped3A_264 : memref<!tpu.dma_semaphore, #tpu.memory_space<semaphore_mem>>)
      %dma_wait3A_271 = arith.constant 0 : i32
      %dma_wait3A_272 = tpu.memref_slice %arg8[%add3A_179, %add3A_213, %dma_wait3A_271] : memref<6x8192x128xf32, #tpu.memory_space<hbm>> -> memref<1x128x128xf32, #tpu.memory_space<hbm>>
      %dma_wait3A_273 = tpu.memref_squeeze %dma_wait3A_272 : memref<1x128x128xf32, #tpu.memory_space<hbm>> -> memref<128x128xf32, #tpu.memory_space<hbm>>
      %dma_wait3A_274 = arith.constant 0 : i32
      %dma_wait3A_275 = tpu.memref_slice %arg8[%add3A_179, %add3A_213, %dma_wait3A_274] : memref<6x8192x128xf32, #tpu.memory_space<hbm>> -> memref<1x128x128xf32, #tpu.memory_space<hbm>>
      %dma_wait3A_276 = tpu.memref_squeeze %dma_wait3A_275 : memref<1x128x128xf32, #tpu.memory_space<hbm>> -> memref<128x128xf32, #tpu.memory_space<hbm>>
      tpu.wait_dma2 semaphore(%run_scoped3A_264 : memref<!tpu.dma_semaphore, #tpu.memory_space<semaphore_mem>>) src(%arg14 : memref<128x128xf32, #tpu.memory_space<vmem>>) dst(%dma_wait3A_276 : memref<128x128xf32, #tpu.memory_space<hbm>>)
      tpu.yield
    }) : () -> ()
    %run_scoped3A_214 = arith.constant 1 : i32
    "tpu.region"() ({
      %run_scoped3A_264 = tpu.sem_alloc : memref<!tpu.dma_semaphore, #tpu.memory_space<semaphore_mem>>
      %dma_start3A_265 = arith.constant 0 : i32
      %dma_start3A_266 = tpu.memref_slice %arg20[%run_scoped3A_214, %dma_start3A_265] : memref<8x128xi32, #tpu.memory_space<vmem>> -> memref<1x128xi32, #tpu.memory_space<vmem>>
      %dma_start3A_267 = tpu.memref_squeeze %dma_start3A_266 : memref<1x128xi32, #tpu.memory_space<vmem>> -> memref<128xi32, #tpu.memory_space<vmem>>
      %dma_start3A_268 = arith.constant 0 : i32
      %dma_start3A_269 = arith.constant 0 : i32
      %dma_start3A_270 = tpu.memref_slice %arg22[%dma_start3A_268, %dma_start3A_269] : memref<10240x128xf32, #tpu.memory_space<vmem_shared>> -> memref<10240x128xf32, #tpu.memory_space<vmem_shared>>
      tpu.enqueue_indirect_dma source(%dma_start3A_270 : memref<10240x128xf32, #tpu.memory_space<vmem_shared>>) target(%arg15 : memref<128x128xf32, #tpu.memory_space<vmem>>) offsets(%dma_start3A_267 : memref<128xi32, #tpu.memory_space<vmem>>) semaphore(%run_scoped3A_264 : memref<!tpu.dma_semaphore, #tpu.memory_space<semaphore_mem>>)
      %dma_wait3A_271 = arith.constant 0 : i32
      %dma_wait3A_272 = tpu.memref_slice %arg20[%run_scoped3A_214, %dma_wait3A_271] : memref<8x128xi32, #tpu.memory_space<vmem>> -> memref<1x128xi32, #tpu.memory_space<vmem>>
      %dma_wait3A_273 = tpu.memref_squeeze %dma_wait3A_272 : memref<1x128xi32, #tpu.memory_space<vmem>> -> memref<128xi32, #tpu.memory_space<vmem>>
      %dma_wait3A_274 = arith.constant 0 : i32
      %dma_wait3A_275 = arith.constant 0 : i32
      %dma_wait3A_276 = tpu.memref_slice %arg22[%dma_wait3A_274, %dma_wait3A_275] : memref<10240x128xf32, #tpu.memory_space<vmem_shared>> -> memref<10240x128xf32, #tpu.memory_space<vmem_shared>>
      tpu.wait_indirect_dma semaphore(%run_scoped3A_264 : memref<!tpu.dma_semaphore, #tpu.memory_space<semaphore_mem>>) src(%dma_wait3A_276 : memref<10240x128xf32, #tpu.memory_space<vmem_shared>>) dst(%arg15 : memref<128x128xf32, #tpu.memory_space<vmem>>)
      tpu.yield
    }) : () -> ()
    %mul3A_215 = arith.constant 4 : i32
    %mul3A_216 = arith.muli %arg1, %mul3A_215 : i32
    %mul3A_217 = arith.constant 128 : i32
    %mul3A_218 = arith.muli %mul3A_216, %mul3A_217 : i32
    %add3A_219 = arith.constant 128 : i32
    %add3A_220 = arith.addi %mul3A_218, %add3A_219 : i32
    "tpu.region"() ({
      %run_scoped3A_264 = tpu.sem_alloc : memref<!tpu.dma_semaphore, #tpu.memory_space<semaphore_mem>>
      %dma_start3A_265 = arith.constant 0 : i32
      %dma_start3A_266 = tpu.memref_slice %arg8[%add3A_179, %add3A_220, %dma_start3A_265] : memref<6x8192x128xf32, #tpu.memory_space<hbm>> -> memref<1x128x128xf32, #tpu.memory_space<hbm>>
      %dma_start3A_267 = tpu.memref_squeeze %dma_start3A_266 : memref<1x128x128xf32, #tpu.memory_space<hbm>> -> memref<128x128xf32, #tpu.memory_space<hbm>>
      %dma_start3A_268 = arith.constant 0 : i32
      %dma_start3A_269 = tpu.memref_slice %arg8[%add3A_179, %add3A_220, %dma_start3A_268] : memref<6x8192x128xf32, #tpu.memory_space<hbm>> -> memref<1x128x128xf32, #tpu.memory_space<hbm>>
      %dma_start3A_270 = tpu.memref_squeeze %dma_start3A_269 : memref<1x128x128xf32, #tpu.memory_space<hbm>> -> memref<128x128xf32, #tpu.memory_space<hbm>>
      tpu.enqueue_dma source(%arg15 : memref<128x128xf32, #tpu.memory_space<vmem>>) target(%dma_start3A_270 : memref<128x128xf32, #tpu.memory_space<hbm>>) target_semaphore(%run_scoped3A_264 : memref<!tpu.dma_semaphore, #tpu.memory_space<semaphore_mem>>)
      %dma_wait3A_271 = arith.constant 0 : i32
      %dma_wait3A_272 = tpu.memref_slice %arg8[%add3A_179, %add3A_220, %dma_wait3A_271] : memref<6x8192x128xf32, #tpu.memory_space<hbm>> -> memref<1x128x128xf32, #tpu.memory_space<hbm>>
      %dma_wait3A_273 = tpu.memref_squeeze %dma_wait3A_272 : memref<1x128x128xf32, #tpu.memory_space<hbm>> -> memref<128x128xf32, #tpu.memory_space<hbm>>
      %dma_wait3A_274 = arith.constant 0 : i32
      %dma_wait3A_275 = tpu.memref_slice %arg8[%add3A_179, %add3A_220, %dma_wait3A_274] : memref<6x8192x128xf32, #tpu.memory_space<hbm>> -> memref<1x128x128xf32, #tpu.memory_space<hbm>>
      %dma_wait3A_276 = tpu.memref_squeeze %dma_wait3A_275 : memref<1x128x128xf32, #tpu.memory_space<hbm>> -> memref<128x128xf32, #tpu.memory_space<hbm>>
      tpu.wait_dma2 semaphore(%run_scoped3A_264 : memref<!tpu.dma_semaphore, #tpu.memory_space<semaphore_mem>>) src(%arg15 : memref<128x128xf32, #tpu.memory_space<vmem>>) dst(%dma_wait3A_276 : memref<128x128xf32, #tpu.memory_space<hbm>>)
      tpu.yield
    }) : () -> ()
    %run_scoped3A_221 = arith.constant 2 : i32
    "tpu.region"() ({
      %run_scoped3A_264 = tpu.sem_alloc : memref<!tpu.dma_semaphore, #tpu.memory_space<semaphore_mem>>
      %dma_start3A_265 = arith.constant 0 : i32
      %dma_start3A_266 = tpu.memref_slice %arg20[%run_scoped3A_221, %dma_start3A_265] : memref<8x128xi32, #tpu.memory_space<vmem>> -> memref<1x128xi32, #tpu.memory_space<vmem>>
      %dma_start3A_267 = tpu.memref_squeeze %dma_start3A_266 : memref<1x128xi32, #tpu.memory_space<vmem>> -> memref<128xi32, #tpu.memory_space<vmem>>
      %dma_start3A_268 = arith.constant 0 : i32
      %dma_start3A_269 = arith.constant 0 : i32
      %dma_start3A_270 = tpu.memref_slice %arg22[%dma_start3A_268, %dma_start3A_269] : memref<10240x128xf32, #tpu.memory_space<vmem_shared>> -> memref<10240x128xf32, #tpu.memory_space<vmem_shared>>
      tpu.enqueue_indirect_dma source(%dma_start3A_270 : memref<10240x128xf32, #tpu.memory_space<vmem_shared>>) target(%arg14 : memref<128x128xf32, #tpu.memory_space<vmem>>) offsets(%dma_start3A_267 : memref<128xi32, #tpu.memory_space<vmem>>) semaphore(%run_scoped3A_264 : memref<!tpu.dma_semaphore, #tpu.memory_space<semaphore_mem>>)
      %dma_wait3A_271 = arith.constant 0 : i32
      %dma_wait3A_272 = tpu.memref_slice %arg20[%run_scoped3A_221, %dma_wait3A_271] : memref<8x128xi32, #tpu.memory_space<vmem>> -> memref<1x128xi32, #tpu.memory_space<vmem>>
      %dma_wait3A_273 = tpu.memref_squeeze %dma_wait3A_272 : memref<1x128xi32, #tpu.memory_space<vmem>> -> memref<128xi32, #tpu.memory_space<vmem>>
      %dma_wait3A_274 = arith.constant 0 : i32
      %dma_wait3A_275 = arith.constant 0 : i32
      %dma_wait3A_276 = tpu.memref_slice %arg22[%dma_wait3A_274, %dma_wait3A_275] : memref<10240x128xf32, #tpu.memory_space<vmem_shared>> -> memref<10240x128xf32, #tpu.memory_space<vmem_shared>>
      tpu.wait_indirect_dma semaphore(%run_scoped3A_264 : memref<!tpu.dma_semaphore, #tpu.memory_space<semaphore_mem>>) src(%dma_wait3A_276 : memref<10240x128xf32, #tpu.memory_space<vmem_shared>>) dst(%arg14 : memref<128x128xf32, #tpu.memory_space<vmem>>)
      tpu.yield
    }) : () -> ()
    %mul3A_222 = arith.constant 4 : i32
    %mul3A_223 = arith.muli %arg1, %mul3A_222 : i32
    %mul3A_224 = arith.constant 128 : i32
    %mul3A_225 = arith.muli %mul3A_223, %mul3A_224 : i32
    %add3A_226 = arith.constant 256 : i32
    %add3A_227 = arith.addi %mul3A_225, %add3A_226 : i32
    "tpu.region"() ({
      %run_scoped3A_264 = tpu.sem_alloc : memref<!tpu.dma_semaphore, #tpu.memory_space<semaphore_mem>>
      %dma_start3A_265 = arith.constant 0 : i32
      %dma_start3A_266 = tpu.memref_slice %arg8[%add3A_179, %add3A_227, %dma_start3A_265] : memref<6x8192x128xf32, #tpu.memory_space<hbm>> -> memref<1x128x128xf32, #tpu.memory_space<hbm>>
      %dma_start3A_267 = tpu.memref_squeeze %dma_start3A_266 : memref<1x128x128xf32, #tpu.memory_space<hbm>> -> memref<128x128xf32, #tpu.memory_space<hbm>>
      %dma_start3A_268 = arith.constant 0 : i32
      %dma_start3A_269 = tpu.memref_slice %arg8[%add3A_179, %add3A_227, %dma_start3A_268] : memref<6x8192x128xf32, #tpu.memory_space<hbm>> -> memref<1x128x128xf32, #tpu.memory_space<hbm>>
      %dma_start3A_270 = tpu.memref_squeeze %dma_start3A_269 : memref<1x128x128xf32, #tpu.memory_space<hbm>> -> memref<128x128xf32, #tpu.memory_space<hbm>>
      tpu.enqueue_dma source(%arg14 : memref<128x128xf32, #tpu.memory_space<vmem>>) target(%dma_start3A_270 : memref<128x128xf32, #tpu.memory_space<hbm>>) target_semaphore(%run_scoped3A_264 : memref<!tpu.dma_semaphore, #tpu.memory_space<semaphore_mem>>)
      %dma_wait3A_271 = arith.constant 0 : i32
      %dma_wait3A_272 = tpu.memref_slice %arg8[%add3A_179, %add3A_227, %dma_wait3A_271] : memref<6x8192x128xf32, #tpu.memory_space<hbm>> -> memref<1x128x128xf32, #tpu.memory_space<hbm>>
      %dma_wait3A_273 = tpu.memref_squeeze %dma_wait3A_272 : memref<1x128x128xf32, #tpu.memory_space<hbm>> -> memref<128x128xf32, #tpu.memory_space<hbm>>
      %dma_wait3A_274 = arith.constant 0 : i32
      %dma_wait3A_275 = tpu.memref_slice %arg8[%add3A_179, %add3A_227, %dma_wait3A_274] : memref<6x8192x128xf32, #tpu.memory_space<hbm>> -> memref<1x128x128xf32, #tpu.memory_space<hbm>>
      %dma_wait3A_276 = tpu.memref_squeeze %dma_wait3A_275 : memref<1x128x128xf32, #tpu.memory_space<hbm>> -> memref<128x128xf32, #tpu.memory_space<hbm>>
      tpu.wait_dma2 semaphore(%run_scoped3A_264 : memref<!tpu.dma_semaphore, #tpu.memory_space<semaphore_mem>>) src(%arg14 : memref<128x128xf32, #tpu.memory_space<vmem>>) dst(%dma_wait3A_276 : memref<128x128xf32, #tpu.memory_space<hbm>>)
      tpu.yield
    }) : () -> ()
    %run_scoped3A_228 = arith.constant 3 : i32
    "tpu.region"() ({
      %run_scoped3A_264 = tpu.sem_alloc : memref<!tpu.dma_semaphore, #tpu.memory_space<semaphore_mem>>
      %dma_start3A_265 = arith.constant 0 : i32
      %dma_start3A_266 = tpu.memref_slice %arg20[%run_scoped3A_228, %dma_start3A_265] : memref<8x128xi32, #tpu.memory_space<vmem>> -> memref<1x128xi32, #tpu.memory_space<vmem>>
      %dma_start3A_267 = tpu.memref_squeeze %dma_start3A_266 : memref<1x128xi32, #tpu.memory_space<vmem>> -> memref<128xi32, #tpu.memory_space<vmem>>
      %dma_start3A_268 = arith.constant 0 : i32
      %dma_start3A_269 = arith.constant 0 : i32
      %dma_start3A_270 = tpu.memref_slice %arg22[%dma_start3A_268, %dma_start3A_269] : memref<10240x128xf32, #tpu.memory_space<vmem_shared>> -> memref<10240x128xf32, #tpu.memory_space<vmem_shared>>
      tpu.enqueue_indirect_dma source(%dma_start3A_270 : memref<10240x128xf32, #tpu.memory_space<vmem_shared>>) target(%arg15 : memref<128x128xf32, #tpu.memory_space<vmem>>) offsets(%dma_start3A_267 : memref<128xi32, #tpu.memory_space<vmem>>) semaphore(%run_scoped3A_264 : memref<!tpu.dma_semaphore, #tpu.memory_space<semaphore_mem>>)
      %dma_wait3A_271 = arith.constant 0 : i32
      %dma_wait3A_272 = tpu.memref_slice %arg20[%run_scoped3A_228, %dma_wait3A_271] : memref<8x128xi32, #tpu.memory_space<vmem>> -> memref<1x128xi32, #tpu.memory_space<vmem>>
      %dma_wait3A_273 = tpu.memref_squeeze %dma_wait3A_272 : memref<1x128xi32, #tpu.memory_space<vmem>> -> memref<128xi32, #tpu.memory_space<vmem>>
      %dma_wait3A_274 = arith.constant 0 : i32
      %dma_wait3A_275 = arith.constant 0 : i32
      %dma_wait3A_276 = tpu.memref_slice %arg22[%dma_wait3A_274, %dma_wait3A_275] : memref<10240x128xf32, #tpu.memory_space<vmem_shared>> -> memref<10240x128xf32, #tpu.memory_space<vmem_shared>>
      tpu.wait_indirect_dma semaphore(%run_scoped3A_264 : memref<!tpu.dma_semaphore, #tpu.memory_space<semaphore_mem>>) src(%dma_wait3A_276 : memref<10240x128xf32, #tpu.memory_space<vmem_shared>>) dst(%arg15 : memref<128x128xf32, #tpu.memory_space<vmem>>)
      tpu.yield
    }) : () -> ()
    %mul3A_229 = arith.constant 4 : i32
    %mul3A_230 = arith.muli %arg1, %mul3A_229 : i32
    %mul3A_231 = arith.constant 128 : i32
    %mul3A_232 = arith.muli %mul3A_230, %mul3A_231 : i32
    %add3A_233 = arith.constant 384 : i32
    %add3A_234 = arith.addi %mul3A_232, %add3A_233 : i32
    "tpu.region"() ({
      %run_scoped3A_264 = tpu.sem_alloc : memref<!tpu.dma_semaphore, #tpu.memory_space<semaphore_mem>>
      %dma_start3A_265 = arith.constant 0 : i32
      %dma_start3A_266 = tpu.memref_slice %arg8[%add3A_179, %add3A_234, %dma_start3A_265] : memref<6x8192x128xf32, #tpu.memory_space<hbm>> -> memref<1x128x128xf32, #tpu.memory_space<hbm>>
      %dma_start3A_267 = tpu.memref_squeeze %dma_start3A_266 : memref<1x128x128xf32, #tpu.memory_space<hbm>> -> memref<128x128xf32, #tpu.memory_space<hbm>>
      %dma_start3A_268 = arith.constant 0 : i32
      %dma_start3A_269 = tpu.memref_slice %arg8[%add3A_179, %add3A_234, %dma_start3A_268] : memref<6x8192x128xf32, #tpu.memory_space<hbm>> -> memref<1x128x128xf32, #tpu.memory_space<hbm>>
      %dma_start3A_270 = tpu.memref_squeeze %dma_start3A_269 : memref<1x128x128xf32, #tpu.memory_space<hbm>> -> memref<128x128xf32, #tpu.memory_space<hbm>>
      tpu.enqueue_dma source(%arg15 : memref<128x128xf32, #tpu.memory_space<vmem>>) target(%dma_start3A_270 : memref<128x128xf32, #tpu.memory_space<hbm>>) target_semaphore(%run_scoped3A_264 : memref<!tpu.dma_semaphore, #tpu.memory_space<semaphore_mem>>)
      %dma_wait3A_271 = arith.constant 0 : i32
      %dma_wait3A_272 = tpu.memref_slice %arg8[%add3A_179, %add3A_234, %dma_wait3A_271] : memref<6x8192x128xf32, #tpu.memory_space<hbm>> -> memref<1x128x128xf32, #tpu.memory_space<hbm>>
      %dma_wait3A_273 = tpu.memref_squeeze %dma_wait3A_272 : memref<1x128x128xf32, #tpu.memory_space<hbm>> -> memref<128x128xf32, #tpu.memory_space<hbm>>
      %dma_wait3A_274 = arith.constant 0 : i32
      %dma_wait3A_275 = tpu.memref_slice %arg8[%add3A_179, %add3A_234, %dma_wait3A_274] : memref<6x8192x128xf32, #tpu.memory_space<hbm>> -> memref<1x128x128xf32, #tpu.memory_space<hbm>>
      %dma_wait3A_276 = tpu.memref_squeeze %dma_wait3A_275 : memref<1x128x128xf32, #tpu.memory_space<hbm>> -> memref<128x128xf32, #tpu.memory_space<hbm>>
      tpu.wait_dma2 semaphore(%run_scoped3A_264 : memref<!tpu.dma_semaphore, #tpu.memory_space<semaphore_mem>>) src(%arg15 : memref<128x128xf32, #tpu.memory_space<vmem>>) dst(%dma_wait3A_276 : memref<128x128xf32, #tpu.memory_space<hbm>>)
      tpu.yield
    }) : () -> ()
    %run_scoped3A_235 = arith.constant 4 : i32
    "tpu.region"() ({
      %run_scoped3A_264 = tpu.sem_alloc : memref<!tpu.dma_semaphore, #tpu.memory_space<semaphore_mem>>
      %dma_start3A_265 = arith.constant 0 : i32
      %dma_start3A_266 = tpu.memref_slice %arg20[%run_scoped3A_235, %dma_start3A_265] : memref<8x128xi32, #tpu.memory_space<vmem>> -> memref<1x128xi32, #tpu.memory_space<vmem>>
      %dma_start3A_267 = tpu.memref_squeeze %dma_start3A_266 : memref<1x128xi32, #tpu.memory_space<vmem>> -> memref<128xi32, #tpu.memory_space<vmem>>
      %dma_start3A_268 = arith.constant 0 : i32
      %dma_start3A_269 = arith.constant 0 : i32
      %dma_start3A_270 = tpu.memref_slice %arg22[%dma_start3A_268, %dma_start3A_269] : memref<10240x128xf32, #tpu.memory_space<vmem_shared>> -> memref<10240x128xf32, #tpu.memory_space<vmem_shared>>
      tpu.enqueue_indirect_dma source(%dma_start3A_270 : memref<10240x128xf32, #tpu.memory_space<vmem_shared>>) target(%arg14 : memref<128x128xf32, #tpu.memory_space<vmem>>) offsets(%dma_start3A_267 : memref<128xi32, #tpu.memory_space<vmem>>) semaphore(%run_scoped3A_264 : memref<!tpu.dma_semaphore, #tpu.memory_space<semaphore_mem>>)
      %dma_wait3A_271 = arith.constant 0 : i32
      %dma_wait3A_272 = tpu.memref_slice %arg20[%run_scoped3A_235, %dma_wait3A_271] : memref<8x128xi32, #tpu.memory_space<vmem>> -> memref<1x128xi32, #tpu.memory_space<vmem>>
      %dma_wait3A_273 = tpu.memref_squeeze %dma_wait3A_272 : memref<1x128xi32, #tpu.memory_space<vmem>> -> memref<128xi32, #tpu.memory_space<vmem>>
      %dma_wait3A_274 = arith.constant 0 : i32
      %dma_wait3A_275 = arith.constant 0 : i32
      %dma_wait3A_276 = tpu.memref_slice %arg22[%dma_wait3A_274, %dma_wait3A_275] : memref<10240x128xf32, #tpu.memory_space<vmem_shared>> -> memref<10240x128xf32, #tpu.memory_space<vmem_shared>>
      tpu.wait_indirect_dma semaphore(%run_scoped3A_264 : memref<!tpu.dma_semaphore, #tpu.memory_space<semaphore_mem>>) src(%dma_wait3A_276 : memref<10240x128xf32, #tpu.memory_space<vmem_shared>>) dst(%arg14 : memref<128x128xf32, #tpu.memory_space<vmem>>)
      tpu.yield
    }) : () -> ()
    %mul3A_236 = arith.constant 4 : i32
    %mul3A_237 = arith.muli %arg1, %mul3A_236 : i32
    %mul3A_238 = arith.constant 128 : i32
    %mul3A_239 = arith.muli %mul3A_237, %mul3A_238 : i32
    %add3A_240 = arith.constant 0 : i32
    %add3A_241 = arith.addi %mul3A_239, %add3A_240 : i32
    "tpu.region"() ({
      %run_scoped3A_264 = tpu.sem_alloc : memref<!tpu.dma_semaphore, #tpu.memory_space<semaphore_mem>>
      %dma_start3A_265 = arith.constant 0 : i32
      %dma_start3A_266 = tpu.memref_slice %arg9[%add3A_179, %add3A_241, %dma_start3A_265] : memref<6x8192x128xf32, #tpu.memory_space<hbm>> -> memref<1x128x128xf32, #tpu.memory_space<hbm>>
      %dma_start3A_267 = tpu.memref_squeeze %dma_start3A_266 : memref<1x128x128xf32, #tpu.memory_space<hbm>> -> memref<128x128xf32, #tpu.memory_space<hbm>>
      %dma_start3A_268 = arith.constant 0 : i32
      %dma_start3A_269 = tpu.memref_slice %arg9[%add3A_179, %add3A_241, %dma_start3A_268] : memref<6x8192x128xf32, #tpu.memory_space<hbm>> -> memref<1x128x128xf32, #tpu.memory_space<hbm>>
      %dma_start3A_270 = tpu.memref_squeeze %dma_start3A_269 : memref<1x128x128xf32, #tpu.memory_space<hbm>> -> memref<128x128xf32, #tpu.memory_space<hbm>>
      tpu.enqueue_dma source(%arg14 : memref<128x128xf32, #tpu.memory_space<vmem>>) target(%dma_start3A_270 : memref<128x128xf32, #tpu.memory_space<hbm>>) target_semaphore(%run_scoped3A_264 : memref<!tpu.dma_semaphore, #tpu.memory_space<semaphore_mem>>)
      %dma_wait3A_271 = arith.constant 0 : i32
      %dma_wait3A_272 = tpu.memref_slice %arg9[%add3A_179, %add3A_241, %dma_wait3A_271] : memref<6x8192x128xf32, #tpu.memory_space<hbm>> -> memref<1x128x128xf32, #tpu.memory_space<hbm>>
      %dma_wait3A_273 = tpu.memref_squeeze %dma_wait3A_272 : memref<1x128x128xf32, #tpu.memory_space<hbm>> -> memref<128x128xf32, #tpu.memory_space<hbm>>
      %dma_wait3A_274 = arith.constant 0 : i32
      %dma_wait3A_275 = tpu.memref_slice %arg9[%add3A_179, %add3A_241, %dma_wait3A_274] : memref<6x8192x128xf32, #tpu.memory_space<hbm>> -> memref<1x128x128xf32, #tpu.memory_space<hbm>>
      %dma_wait3A_276 = tpu.memref_squeeze %dma_wait3A_275 : memref<1x128x128xf32, #tpu.memory_space<hbm>> -> memref<128x128xf32, #tpu.memory_space<hbm>>
      tpu.wait_dma2 semaphore(%run_scoped3A_264 : memref<!tpu.dma_semaphore, #tpu.memory_space<semaphore_mem>>) src(%arg14 : memref<128x128xf32, #tpu.memory_space<vmem>>) dst(%dma_wait3A_276 : memref<128x128xf32, #tpu.memory_space<hbm>>)
      tpu.yield
    }) : () -> ()
    %run_scoped3A_242 = arith.constant 5 : i32
    "tpu.region"() ({
      %run_scoped3A_264 = tpu.sem_alloc : memref<!tpu.dma_semaphore, #tpu.memory_space<semaphore_mem>>
      %dma_start3A_265 = arith.constant 0 : i32
      %dma_start3A_266 = tpu.memref_slice %arg20[%run_scoped3A_242, %dma_start3A_265] : memref<8x128xi32, #tpu.memory_space<vmem>> -> memref<1x128xi32, #tpu.memory_space<vmem>>
      %dma_start3A_267 = tpu.memref_squeeze %dma_start3A_266 : memref<1x128xi32, #tpu.memory_space<vmem>> -> memref<128xi32, #tpu.memory_space<vmem>>
      %dma_start3A_268 = arith.constant 0 : i32
      %dma_start3A_269 = arith.constant 0 : i32
      %dma_start3A_270 = tpu.memref_slice %arg22[%dma_start3A_268, %dma_start3A_269] : memref<10240x128xf32, #tpu.memory_space<vmem_shared>> -> memref<10240x128xf32, #tpu.memory_space<vmem_shared>>
      tpu.enqueue_indirect_dma source(%dma_start3A_270 : memref<10240x128xf32, #tpu.memory_space<vmem_shared>>) target(%arg15 : memref<128x128xf32, #tpu.memory_space<vmem>>) offsets(%dma_start3A_267 : memref<128xi32, #tpu.memory_space<vmem>>) semaphore(%run_scoped3A_264 : memref<!tpu.dma_semaphore, #tpu.memory_space<semaphore_mem>>)
      %dma_wait3A_271 = arith.constant 0 : i32
      %dma_wait3A_272 = tpu.memref_slice %arg20[%run_scoped3A_242, %dma_wait3A_271] : memref<8x128xi32, #tpu.memory_space<vmem>> -> memref<1x128xi32, #tpu.memory_space<vmem>>
      %dma_wait3A_273 = tpu.memref_squeeze %dma_wait3A_272 : memref<1x128xi32, #tpu.memory_space<vmem>> -> memref<128xi32, #tpu.memory_space<vmem>>
      %dma_wait3A_274 = arith.constant 0 : i32
      %dma_wait3A_275 = arith.constant 0 : i32
      %dma_wait3A_276 = tpu.memref_slice %arg22[%dma_wait3A_274, %dma_wait3A_275] : memref<10240x128xf32, #tpu.memory_space<vmem_shared>> -> memref<10240x128xf32, #tpu.memory_space<vmem_shared>>
      tpu.wait_indirect_dma semaphore(%run_scoped3A_264 : memref<!tpu.dma_semaphore, #tpu.memory_space<semaphore_mem>>) src(%dma_wait3A_276 : memref<10240x128xf32, #tpu.memory_space<vmem_shared>>) dst(%arg15 : memref<128x128xf32, #tpu.memory_space<vmem>>)
      tpu.yield
    }) : () -> ()
    %mul3A_243 = arith.constant 4 : i32
    %mul3A_244 = arith.muli %arg1, %mul3A_243 : i32
    %mul3A_245 = arith.constant 128 : i32
    %mul3A_246 = arith.muli %mul3A_244, %mul3A_245 : i32
    %add3A_247 = arith.constant 128 : i32
    %add3A_248 = arith.addi %mul3A_246, %add3A_247 : i32
    "tpu.region"() ({
      %run_scoped3A_264 = tpu.sem_alloc : memref<!tpu.dma_semaphore, #tpu.memory_space<semaphore_mem>>
      %dma_start3A_265 = arith.constant 0 : i32
      %dma_start3A_266 = tpu.memref_slice %arg9[%add3A_179, %add3A_248, %dma_start3A_265] : memref<6x8192x128xf32, #tpu.memory_space<hbm>> -> memref<1x128x128xf32, #tpu.memory_space<hbm>>
      %dma_start3A_267 = tpu.memref_squeeze %dma_start3A_266 : memref<1x128x128xf32, #tpu.memory_space<hbm>> -> memref<128x128xf32, #tpu.memory_space<hbm>>
      %dma_start3A_268 = arith.constant 0 : i32
      %dma_start3A_269 = tpu.memref_slice %arg9[%add3A_179, %add3A_248, %dma_start3A_268] : memref<6x8192x128xf32, #tpu.memory_space<hbm>> -> memref<1x128x128xf32, #tpu.memory_space<hbm>>
      %dma_start3A_270 = tpu.memref_squeeze %dma_start3A_269 : memref<1x128x128xf32, #tpu.memory_space<hbm>> -> memref<128x128xf32, #tpu.memory_space<hbm>>
      tpu.enqueue_dma source(%arg15 : memref<128x128xf32, #tpu.memory_space<vmem>>) target(%dma_start3A_270 : memref<128x128xf32, #tpu.memory_space<hbm>>) target_semaphore(%run_scoped3A_264 : memref<!tpu.dma_semaphore, #tpu.memory_space<semaphore_mem>>)
      %dma_wait3A_271 = arith.constant 0 : i32
      %dma_wait3A_272 = tpu.memref_slice %arg9[%add3A_179, %add3A_248, %dma_wait3A_271] : memref<6x8192x128xf32, #tpu.memory_space<hbm>> -> memref<1x128x128xf32, #tpu.memory_space<hbm>>
      %dma_wait3A_273 = tpu.memref_squeeze %dma_wait3A_272 : memref<1x128x128xf32, #tpu.memory_space<hbm>> -> memref<128x128xf32, #tpu.memory_space<hbm>>
      %dma_wait3A_274 = arith.constant 0 : i32
      %dma_wait3A_275 = tpu.memref_slice %arg9[%add3A_179, %add3A_248, %dma_wait3A_274] : memref<6x8192x128xf32, #tpu.memory_space<hbm>> -> memref<1x128x128xf32, #tpu.memory_space<hbm>>
      %dma_wait3A_276 = tpu.memref_squeeze %dma_wait3A_275 : memref<1x128x128xf32, #tpu.memory_space<hbm>> -> memref<128x128xf32, #tpu.memory_space<hbm>>
      tpu.wait_dma2 semaphore(%run_scoped3A_264 : memref<!tpu.dma_semaphore, #tpu.memory_space<semaphore_mem>>) src(%arg15 : memref<128x128xf32, #tpu.memory_space<vmem>>) dst(%dma_wait3A_276 : memref<128x128xf32, #tpu.memory_space<hbm>>)
      tpu.yield
    }) : () -> ()
    %run_scoped3A_249 = arith.constant 6 : i32
    "tpu.region"() ({
      %run_scoped3A_264 = tpu.sem_alloc : memref<!tpu.dma_semaphore, #tpu.memory_space<semaphore_mem>>
      %dma_start3A_265 = arith.constant 0 : i32
      %dma_start3A_266 = tpu.memref_slice %arg20[%run_scoped3A_249, %dma_start3A_265] : memref<8x128xi32, #tpu.memory_space<vmem>> -> memref<1x128xi32, #tpu.memory_space<vmem>>
      %dma_start3A_267 = tpu.memref_squeeze %dma_start3A_266 : memref<1x128xi32, #tpu.memory_space<vmem>> -> memref<128xi32, #tpu.memory_space<vmem>>
      %dma_start3A_268 = arith.constant 0 : i32
      %dma_start3A_269 = arith.constant 0 : i32
      %dma_start3A_270 = tpu.memref_slice %arg22[%dma_start3A_268, %dma_start3A_269] : memref<10240x128xf32, #tpu.memory_space<vmem_shared>> -> memref<10240x128xf32, #tpu.memory_space<vmem_shared>>
      tpu.enqueue_indirect_dma source(%dma_start3A_270 : memref<10240x128xf32, #tpu.memory_space<vmem_shared>>) target(%arg14 : memref<128x128xf32, #tpu.memory_space<vmem>>) offsets(%dma_start3A_267 : memref<128xi32, #tpu.memory_space<vmem>>) semaphore(%run_scoped3A_264 : memref<!tpu.dma_semaphore, #tpu.memory_space<semaphore_mem>>)
      %dma_wait3A_271 = arith.constant 0 : i32
      %dma_wait3A_272 = tpu.memref_slice %arg20[%run_scoped3A_249, %dma_wait3A_271] : memref<8x128xi32, #tpu.memory_space<vmem>> -> memref<1x128xi32, #tpu.memory_space<vmem>>
      %dma_wait3A_273 = tpu.memref_squeeze %dma_wait3A_272 : memref<1x128xi32, #tpu.memory_space<vmem>> -> memref<128xi32, #tpu.memory_space<vmem>>
      %dma_wait3A_274 = arith.constant 0 : i32
      %dma_wait3A_275 = arith.constant 0 : i32
      %dma_wait3A_276 = tpu.memref_slice %arg22[%dma_wait3A_274, %dma_wait3A_275] : memref<10240x128xf32, #tpu.memory_space<vmem_shared>> -> memref<10240x128xf32, #tpu.memory_space<vmem_shared>>
      tpu.wait_indirect_dma semaphore(%run_scoped3A_264 : memref<!tpu.dma_semaphore, #tpu.memory_space<semaphore_mem>>) src(%dma_wait3A_276 : memref<10240x128xf32, #tpu.memory_space<vmem_shared>>) dst(%arg14 : memref<128x128xf32, #tpu.memory_space<vmem>>)
      tpu.yield
    }) : () -> ()
    %mul3A_250 = arith.constant 4 : i32
    %mul3A_251 = arith.muli %arg1, %mul3A_250 : i32
    %mul3A_252 = arith.constant 128 : i32
    %mul3A_253 = arith.muli %mul3A_251, %mul3A_252 : i32
    %add3A_254 = arith.constant 256 : i32
    %add3A_255 = arith.addi %mul3A_253, %add3A_254 : i32
    "tpu.region"() ({
      %run_scoped3A_264 = tpu.sem_alloc : memref<!tpu.dma_semaphore, #tpu.memory_space<semaphore_mem>>
      %dma_start3A_265 = arith.constant 0 : i32
      %dma_start3A_266 = tpu.memref_slice %arg9[%add3A_179, %add3A_255, %dma_start3A_265] : memref<6x8192x128xf32, #tpu.memory_space<hbm>> -> memref<1x128x128xf32, #tpu.memory_space<hbm>>
      %dma_start3A_267 = tpu.memref_squeeze %dma_start3A_266 : memref<1x128x128xf32, #tpu.memory_space<hbm>> -> memref<128x128xf32, #tpu.memory_space<hbm>>
      %dma_start3A_268 = arith.constant 0 : i32
      %dma_start3A_269 = tpu.memref_slice %arg9[%add3A_179, %add3A_255, %dma_start3A_268] : memref<6x8192x128xf32, #tpu.memory_space<hbm>> -> memref<1x128x128xf32, #tpu.memory_space<hbm>>
      %dma_start3A_270 = tpu.memref_squeeze %dma_start3A_269 : memref<1x128x128xf32, #tpu.memory_space<hbm>> -> memref<128x128xf32, #tpu.memory_space<hbm>>
      tpu.enqueue_dma source(%arg14 : memref<128x128xf32, #tpu.memory_space<vmem>>) target(%dma_start3A_270 : memref<128x128xf32, #tpu.memory_space<hbm>>) target_semaphore(%run_scoped3A_264 : memref<!tpu.dma_semaphore, #tpu.memory_space<semaphore_mem>>)
      %dma_wait3A_271 = arith.constant 0 : i32
      %dma_wait3A_272 = tpu.memref_slice %arg9[%add3A_179, %add3A_255, %dma_wait3A_271] : memref<6x8192x128xf32, #tpu.memory_space<hbm>> -> memref<1x128x128xf32, #tpu.memory_space<hbm>>
      %dma_wait3A_273 = tpu.memref_squeeze %dma_wait3A_272 : memref<1x128x128xf32, #tpu.memory_space<hbm>> -> memref<128x128xf32, #tpu.memory_space<hbm>>
      %dma_wait3A_274 = arith.constant 0 : i32
      %dma_wait3A_275 = tpu.memref_slice %arg9[%add3A_179, %add3A_255, %dma_wait3A_274] : memref<6x8192x128xf32, #tpu.memory_space<hbm>> -> memref<1x128x128xf32, #tpu.memory_space<hbm>>
      %dma_wait3A_276 = tpu.memref_squeeze %dma_wait3A_275 : memref<1x128x128xf32, #tpu.memory_space<hbm>> -> memref<128x128xf32, #tpu.memory_space<hbm>>
      tpu.wait_dma2 semaphore(%run_scoped3A_264 : memref<!tpu.dma_semaphore, #tpu.memory_space<semaphore_mem>>) src(%arg14 : memref<128x128xf32, #tpu.memory_space<vmem>>) dst(%dma_wait3A_276 : memref<128x128xf32, #tpu.memory_space<hbm>>)
      tpu.yield
    }) : () -> ()
    %run_scoped3A_256 = arith.constant 7 : i32
    "tpu.region"() ({
      %run_scoped3A_264 = tpu.sem_alloc : memref<!tpu.dma_semaphore, #tpu.memory_space<semaphore_mem>>
      %dma_start3A_265 = arith.constant 0 : i32
      %dma_start3A_266 = tpu.memref_slice %arg20[%run_scoped3A_256, %dma_start3A_265] : memref<8x128xi32, #tpu.memory_space<vmem>> -> memref<1x128xi32, #tpu.memory_space<vmem>>
      %dma_start3A_267 = tpu.memref_squeeze %dma_start3A_266 : memref<1x128xi32, #tpu.memory_space<vmem>> -> memref<128xi32, #tpu.memory_space<vmem>>
      %dma_start3A_268 = arith.constant 0 : i32
      %dma_start3A_269 = arith.constant 0 : i32
      %dma_start3A_270 = tpu.memref_slice %arg22[%dma_start3A_268, %dma_start3A_269] : memref<10240x128xf32, #tpu.memory_space<vmem_shared>> -> memref<10240x128xf32, #tpu.memory_space<vmem_shared>>
      tpu.enqueue_indirect_dma source(%dma_start3A_270 : memref<10240x128xf32, #tpu.memory_space<vmem_shared>>) target(%arg15 : memref<128x128xf32, #tpu.memory_space<vmem>>) offsets(%dma_start3A_267 : memref<128xi32, #tpu.memory_space<vmem>>) semaphore(%run_scoped3A_264 : memref<!tpu.dma_semaphore, #tpu.memory_space<semaphore_mem>>)
      %dma_wait3A_271 = arith.constant 0 : i32
      %dma_wait3A_272 = tpu.memref_slice %arg20[%run_scoped3A_256, %dma_wait3A_271] : memref<8x128xi32, #tpu.memory_space<vmem>> -> memref<1x128xi32, #tpu.memory_space<vmem>>
      %dma_wait3A_273 = tpu.memref_squeeze %dma_wait3A_272 : memref<1x128xi32, #tpu.memory_space<vmem>> -> memref<128xi32, #tpu.memory_space<vmem>>
      %dma_wait3A_274 = arith.constant 0 : i32
      %dma_wait3A_275 = arith.constant 0 : i32
      %dma_wait3A_276 = tpu.memref_slice %arg22[%dma_wait3A_274, %dma_wait3A_275] : memref<10240x128xf32, #tpu.memory_space<vmem_shared>> -> memref<10240x128xf32, #tpu.memory_space<vmem_shared>>
      tpu.wait_indirect_dma semaphore(%run_scoped3A_264 : memref<!tpu.dma_semaphore, #tpu.memory_space<semaphore_mem>>) src(%dma_wait3A_276 : memref<10240x128xf32, #tpu.memory_space<vmem_shared>>) dst(%arg15 : memref<128x128xf32, #tpu.memory_space<vmem>>)
      tpu.yield
    }) : () -> ()
    %mul3A_257 = arith.constant 4 : i32
    %mul3A_258 = arith.muli %arg1, %mul3A_257 : i32
    %mul3A_259 = arith.constant 128 : i32
    %mul3A_260 = arith.muli %mul3A_258, %mul3A_259 : i32
    %add3A_261 = arith.constant 384 : i32
    %add3A_262 = arith.addi %mul3A_260, %add3A_261 : i32
    "tpu.region"() ({
      %run_scoped3A_264 = tpu.sem_alloc : memref<!tpu.dma_semaphore, #tpu.memory_space<semaphore_mem>>
      %dma_start3A_265 = arith.constant 0 : i32
      %dma_start3A_266 = tpu.memref_slice %arg9[%add3A_179, %add3A_262, %dma_start3A_265] : memref<6x8192x128xf32, #tpu.memory_space<hbm>> -> memref<1x128x128xf32, #tpu.memory_space<hbm>>
      %dma_start3A_267 = tpu.memref_squeeze %dma_start3A_266 : memref<1x128x128xf32, #tpu.memory_space<hbm>> -> memref<128x128xf32, #tpu.memory_space<hbm>>
      %dma_start3A_268 = arith.constant 0 : i32
      %dma_start3A_269 = tpu.memref_slice %arg9[%add3A_179, %add3A_262, %dma_start3A_268] : memref<6x8192x128xf32, #tpu.memory_space<hbm>> -> memref<1x128x128xf32, #tpu.memory_space<hbm>>
      %dma_start3A_270 = tpu.memref_squeeze %dma_start3A_269 : memref<1x128x128xf32, #tpu.memory_space<hbm>> -> memref<128x128xf32, #tpu.memory_space<hbm>>
      tpu.enqueue_dma source(%arg15 : memref<128x128xf32, #tpu.memory_space<vmem>>) target(%dma_start3A_270 : memref<128x128xf32, #tpu.memory_space<hbm>>) target_semaphore(%run_scoped3A_264 : memref<!tpu.dma_semaphore, #tpu.memory_space<semaphore_mem>>)
      %dma_wait3A_271 = arith.constant 0 : i32
      %dma_wait3A_272 = tpu.memref_slice %arg9[%add3A_179, %add3A_262, %dma_wait3A_271] : memref<6x8192x128xf32, #tpu.memory_space<hbm>> -> memref<1x128x128xf32, #tpu.memory_space<hbm>>
      %dma_wait3A_273 = tpu.memref_squeeze %dma_wait3A_272 : memref<1x128x128xf32, #tpu.memory_space<hbm>> -> memref<128x128xf32, #tpu.memory_space<hbm>>
      %dma_wait3A_274 = arith.constant 0 : i32
      %dma_wait3A_275 = tpu.memref_slice %arg9[%add3A_179, %add3A_262, %dma_wait3A_274] : memref<6x8192x128xf32, #tpu.memory_space<hbm>> -> memref<1x128x128xf32, #tpu.memory_space<hbm>>
      %dma_wait3A_276 = tpu.memref_squeeze %dma_wait3A_275 : memref<1x128x128xf32, #tpu.memory_space<hbm>> -> memref<128x128xf32, #tpu.memory_space<hbm>>
      tpu.wait_dma2 semaphore(%run_scoped3A_264 : memref<!tpu.dma_semaphore, #tpu.memory_space<semaphore_mem>>) src(%arg15 : memref<128x128xf32, #tpu.memory_space<vmem>>) dst(%dma_wait3A_276 : memref<128x128xf32, #tpu.memory_space<hbm>>)
      tpu.yield
    }) : () -> ()
    %barrier3A_263 = arith.constant 0 : index
    tpu.barrier barrier_id(%barrier3A_263)
    return
  }
}

#map = affine_map<(d0, d1) -> (0, 0, 0)>
module attributes {stable_mosaic.version = 14 : i64} {
  func.func @_agg_body(%arg0: i32, %arg1: i32, %arg2: memref<6x10240x128xf32, #tpu.memory_space<hbm>>, %arg3: memref<16x50x128xi32, #tpu.memory_space<hbm>>, %arg4: memref<16x50x128xi32, #tpu.memory_space<hbm>>, %arg5: memref<6x10240x128xf32, #tpu.memory_space<hbm>>, %arg6: memref<50x128xi32, #tpu.memory_space<vmem>>, %arg7: memref<50x128xi32, #tpu.memory_space<vmem>>, %arg8: memref<128x128xf32, #tpu.memory_space<vmem>>, %arg9: memref<128x128xf32, #tpu.memory_space<vmem>>, %arg10: memref<!tpu.dma_semaphore, #tpu.memory_space<semaphore_mem>>, %arg11: memref<!tpu.dma_semaphore, #tpu.memory_space<semaphore_mem>>, %arg12: memref<!tpu.dma_semaphore, #tpu.memory_space<semaphore_mem>>, %arg13: memref<!tpu.dma_semaphore, #tpu.memory_space<semaphore_mem>>, %arg14: memref<10240x128xf32, #tpu.memory_space<vmem_shared>>) attributes {dimension_semantics = [#tpu.dimension_semantics<core_parallel>, #tpu.dimension_semantics<subcore_parallel>], iteration_bounds = array<i64: 2, 16>, scalar_prefetch = 0 : i64, scratch_operands = 9 : i64, tpu.core_type = #tpu.core_type<sc_vector_subcore>, window_params = [{transform_indices = #map}, {transform_indices = #map}, {transform_indices = #map}, {transform_indices = #map}]} {
    "tpu.region"() ({
      %run_scoped3A = tpu.sem_alloc : memref<!tpu.dma_semaphore, #tpu.memory_space<semaphore_mem>>
      %dma_start3A_90 = arith.constant 0 : i32
      %dma_start3A_91 = arith.constant 0 : i32
      %dma_start3A_92 = tpu.memref_slice %arg3[%arg1, %dma_start3A_90, %dma_start3A_91] : memref<16x50x128xi32, #tpu.memory_space<hbm>> -> memref<1x50x128xi32, #tpu.memory_space<hbm>>
      %dma_start3A_93 = tpu.memref_squeeze %dma_start3A_92 : memref<1x50x128xi32, #tpu.memory_space<hbm>> -> memref<50x128xi32, #tpu.memory_space<hbm>>
      %dma_start3A_94 = arith.constant 0 : i32
      %dma_start3A_95 = arith.constant 0 : i32
      %dma_start3A_96 = tpu.memref_slice %arg3[%arg1, %dma_start3A_94, %dma_start3A_95] : memref<16x50x128xi32, #tpu.memory_space<hbm>> -> memref<1x50x128xi32, #tpu.memory_space<hbm>>
      %dma_start3A_97 = tpu.memref_squeeze %dma_start3A_96 : memref<1x50x128xi32, #tpu.memory_space<hbm>> -> memref<50x128xi32, #tpu.memory_space<hbm>>
      tpu.enqueue_dma source(%dma_start3A_97 : memref<50x128xi32, #tpu.memory_space<hbm>>) target(%arg6 : memref<50x128xi32, #tpu.memory_space<vmem>>) target_semaphore(%run_scoped3A : memref<!tpu.dma_semaphore, #tpu.memory_space<semaphore_mem>>)
      %dma_wait3A_98 = arith.constant 0 : i32
      %dma_wait3A_99 = arith.constant 0 : i32
      %dma_wait3A_100 = tpu.memref_slice %arg3[%arg1, %dma_wait3A_98, %dma_wait3A_99] : memref<16x50x128xi32, #tpu.memory_space<hbm>> -> memref<1x50x128xi32, #tpu.memory_space<hbm>>
      %dma_wait3A_101 = tpu.memref_squeeze %dma_wait3A_100 : memref<1x50x128xi32, #tpu.memory_space<hbm>> -> memref<50x128xi32, #tpu.memory_space<hbm>>
      %dma_wait3A_102 = arith.constant 0 : i32
      %dma_wait3A_103 = arith.constant 0 : i32
      %dma_wait3A_104 = tpu.memref_slice %arg3[%arg1, %dma_wait3A_102, %dma_wait3A_103] : memref<16x50x128xi32, #tpu.memory_space<hbm>> -> memref<1x50x128xi32, #tpu.memory_space<hbm>>
      %dma_wait3A_105 = tpu.memref_squeeze %dma_wait3A_104 : memref<1x50x128xi32, #tpu.memory_space<hbm>> -> memref<50x128xi32, #tpu.memory_space<hbm>>
      tpu.wait_dma2 semaphore(%run_scoped3A : memref<!tpu.dma_semaphore, #tpu.memory_space<semaphore_mem>>) src(%dma_wait3A_105 : memref<50x128xi32, #tpu.memory_space<hbm>>) dst(%arg6 : memref<50x128xi32, #tpu.memory_space<vmem>>)
      tpu.yield
    }) : () -> ()
    "tpu.region"() ({
      %run_scoped3A = tpu.sem_alloc : memref<!tpu.dma_semaphore, #tpu.memory_space<semaphore_mem>>
      %dma_start3A_90 = arith.constant 0 : i32
      %dma_start3A_91 = arith.constant 0 : i32
      %dma_start3A_92 = tpu.memref_slice %arg4[%arg1, %dma_start3A_90, %dma_start3A_91] : memref<16x50x128xi32, #tpu.memory_space<hbm>> -> memref<1x50x128xi32, #tpu.memory_space<hbm>>
      %dma_start3A_93 = tpu.memref_squeeze %dma_start3A_92 : memref<1x50x128xi32, #tpu.memory_space<hbm>> -> memref<50x128xi32, #tpu.memory_space<hbm>>
      %dma_start3A_94 = arith.constant 0 : i32
      %dma_start3A_95 = arith.constant 0 : i32
      %dma_start3A_96 = tpu.memref_slice %arg4[%arg1, %dma_start3A_94, %dma_start3A_95] : memref<16x50x128xi32, #tpu.memory_space<hbm>> -> memref<1x50x128xi32, #tpu.memory_space<hbm>>
      %dma_start3A_97 = tpu.memref_squeeze %dma_start3A_96 : memref<1x50x128xi32, #tpu.memory_space<hbm>> -> memref<50x128xi32, #tpu.memory_space<hbm>>
      tpu.enqueue_dma source(%dma_start3A_97 : memref<50x128xi32, #tpu.memory_space<hbm>>) target(%arg7 : memref<50x128xi32, #tpu.memory_space<vmem>>) target_semaphore(%run_scoped3A : memref<!tpu.dma_semaphore, #tpu.memory_space<semaphore_mem>>)
      %dma_wait3A_98 = arith.constant 0 : i32
      %dma_wait3A_99 = arith.constant 0 : i32
      %dma_wait3A_100 = tpu.memref_slice %arg4[%arg1, %dma_wait3A_98, %dma_wait3A_99] : memref<16x50x128xi32, #tpu.memory_space<hbm>> -> memref<1x50x128xi32, #tpu.memory_space<hbm>>
      %dma_wait3A_101 = tpu.memref_squeeze %dma_wait3A_100 : memref<1x50x128xi32, #tpu.memory_space<hbm>> -> memref<50x128xi32, #tpu.memory_space<hbm>>
      %dma_wait3A_102 = arith.constant 0 : i32
      %dma_wait3A_103 = arith.constant 0 : i32
      %dma_wait3A_104 = tpu.memref_slice %arg4[%arg1, %dma_wait3A_102, %dma_wait3A_103] : memref<16x50x128xi32, #tpu.memory_space<hbm>> -> memref<1x50x128xi32, #tpu.memory_space<hbm>>
      %dma_wait3A_105 = tpu.memref_squeeze %dma_wait3A_104 : memref<1x50x128xi32, #tpu.memory_space<hbm>> -> memref<50x128xi32, #tpu.memory_space<hbm>>
      tpu.wait_dma2 semaphore(%run_scoped3A : memref<!tpu.dma_semaphore, #tpu.memory_space<semaphore_mem>>) src(%dma_wait3A_105 : memref<50x128xi32, #tpu.memory_space<hbm>>) dst(%arg7 : memref<50x128xi32, #tpu.memory_space<vmem>>)
      tpu.yield
    }) : () -> ()
    %mul3A = arith.constant 3 : i32
    %mul3A_0 = arith.muli %arg0, %mul3A : i32
    %add3A = arith.constant 0 : i32
    %add3A_1 = arith.addi %mul3A_0, %add3A : i32
    %dma_start3A = arith.constant 0 : i32
    %dma_start3A_2 = arith.constant 0 : i32
    %dma_start3A_3 = tpu.memref_slice %arg6[%dma_start3A, %dma_start3A_2] : memref<50x128xi32, #tpu.memory_space<vmem>> -> memref<1x128xi32, #tpu.memory_space<vmem>>
    %dma_start3A_4 = tpu.memref_squeeze %dma_start3A_3 : memref<1x128xi32, #tpu.memory_space<vmem>> -> memref<128xi32, #tpu.memory_space<vmem>>
    %dma_start3A_5 = arith.constant 0 : i32
    %dma_start3A_6 = arith.constant 0 : i32
    %dma_start3A_7 = tpu.memref_slice %arg2[%add3A_1, %dma_start3A_5, %dma_start3A_6] : memref<6x10240x128xf32, #tpu.memory_space<hbm>> -> memref<1x10240x128xf32, #tpu.memory_space<hbm>>
    %dma_start3A_8 = tpu.memref_squeeze %dma_start3A_7 : memref<1x10240x128xf32, #tpu.memory_space<hbm>> -> memref<10240x128xf32, #tpu.memory_space<hbm>>
    %dma_start3A_9 = arith.constant 0 : i32
    %dma_start3A_10 = arith.constant 0 : i32
    %dma_start3A_11 = tpu.memref_slice %dma_start3A_8[%dma_start3A_9, %dma_start3A_10] : memref<10240x128xf32, #tpu.memory_space<hbm>> -> memref<10240x128xf32, #tpu.memory_space<hbm>>
    tpu.enqueue_indirect_dma source(%dma_start3A_11 : memref<10240x128xf32, #tpu.memory_space<hbm>>) target(%arg8 : memref<128x128xf32, #tpu.memory_space<vmem>>) offsets(%dma_start3A_4 : memref<128xi32, #tpu.memory_space<vmem>>) semaphore(%arg10 : memref<!tpu.dma_semaphore, #tpu.memory_space<semaphore_mem>>)
    %mul3A_12 = arith.constant 640 : i32
    %mul3A_13 = arith.muli %arg1, %mul3A_12 : i32
    "tpu.region"() ({
      %run_scoped3A = tpu.sem_alloc : memref<!tpu.dma_semaphore, #tpu.memory_space<semaphore_mem>>
      %dma_start3A_90 = arith.constant 0 : i32
      %dma_start3A_91 = tpu.memref_slice %arg14[%mul3A_13, %dma_start3A_90] : memref<10240x128xf32, #tpu.memory_space<vmem_shared>> -> memref<640x128xf32, #tpu.memory_space<vmem_shared>>
      %dma_start3A_92 = arith.constant 0 : i32
      %dma_start3A_93 = tpu.memref_slice %arg2[%add3A_1, %mul3A_13, %dma_start3A_92] : memref<6x10240x128xf32, #tpu.memory_space<hbm>> -> memref<1x640x128xf32, #tpu.memory_space<hbm>>
      %dma_start3A_94 = tpu.memref_squeeze %dma_start3A_93 : memref<1x640x128xf32, #tpu.memory_space<hbm>> -> memref<640x128xf32, #tpu.memory_space<hbm>>
      tpu.enqueue_dma source(%dma_start3A_94 : memref<640x128xf32, #tpu.memory_space<hbm>>) target(%dma_start3A_91 : memref<640x128xf32, #tpu.memory_space<vmem_shared>>) target_semaphore(%run_scoped3A : memref<!tpu.dma_semaphore, #tpu.memory_space<semaphore_mem>>)
      %dma_wait3A_95 = arith.constant 0 : i32
      %dma_wait3A_96 = tpu.memref_slice %arg14[%mul3A_13, %dma_wait3A_95] : memref<10240x128xf32, #tpu.memory_space<vmem_shared>> -> memref<640x128xf32, #tpu.memory_space<vmem_shared>>
      %dma_wait3A_97 = arith.constant 0 : i32
      %dma_wait3A_98 = tpu.memref_slice %arg2[%add3A_1, %mul3A_13, %dma_wait3A_97] : memref<6x10240x128xf32, #tpu.memory_space<hbm>> -> memref<1x640x128xf32, #tpu.memory_space<hbm>>
      %dma_wait3A_99 = tpu.memref_squeeze %dma_wait3A_98 : memref<1x640x128xf32, #tpu.memory_space<hbm>> -> memref<640x128xf32, #tpu.memory_space<hbm>>
      tpu.wait_dma2 semaphore(%run_scoped3A : memref<!tpu.dma_semaphore, #tpu.memory_space<semaphore_mem>>) src(%dma_wait3A_99 : memref<640x128xf32, #tpu.memory_space<hbm>>) dst(%dma_wait3A_96 : memref<640x128xf32, #tpu.memory_space<vmem_shared>>)
      tpu.yield
    }) : () -> ()
    %barrier3A = arith.constant 0 : index
    tpu.barrier barrier_id(%barrier3A)
    %scan3A = arith.constant 0 : i32
    %scan3A_14 = arith.constant 25 : i32
    %scan3A_15 = arith.addi %scan3A, %scan3A_14 : i32
    %scan3A_16 = arith.constant 1 : i32
    scf.for %scan3A_90 = %scan3A to %scan3A_15 step %scan3A_16  : i32 {
      %mul3A_91 = arith.constant 1 : i32
      %mul3A_92 = arith.muli %scan3A_90, %mul3A_91 : i32
      %add3A_93 = arith.constant 0 : i32
      %add3A_94 = arith.addi %add3A_93, %mul3A_92 : i32
      %mul3A_95 = arith.constant 2 : i32
      %mul3A_96 = arith.muli %mul3A_95, %add3A_94 : i32
      %add3A_97 = arith.constant 0 : i32
      %add3A_98 = arith.addi %mul3A_96, %add3A_97 : i32
      %gt3A = arith.constant 0 : i32
      %gt3A_99 = arith.cmpi sgt, %add3A_94, %gt3A : i32
      %convert_element_type3A = arith.extui %gt3A_99 : i1 to i32
      %cond3A = arith.constant 0 : i32
      %cond3A_100 = arith.cmpi ne, %convert_element_type3A, %cond3A : i32
      scf.if %cond3A_100 {
        %sub3A_160 = arith.constant 1 : i32
        %sub3A_161 = arith.subi %add3A_98, %sub3A_160 : i32
        %dma_wait3A_162 = arith.constant 0 : i32
        %dma_wait3A_163 = tpu.memref_slice %arg7[%sub3A_161, %dma_wait3A_162] : memref<50x128xi32, #tpu.memory_space<vmem>> -> memref<1x128xi32, #tpu.memory_space<vmem>>
        %dma_wait3A_164 = tpu.memref_squeeze %dma_wait3A_163 : memref<1x128xi32, #tpu.memory_space<vmem>> -> memref<128xi32, #tpu.memory_space<vmem>>
        %dma_wait3A_165 = arith.constant 0 : i32
        %dma_wait3A_166 = arith.constant 0 : i32
        %dma_wait3A_167 = tpu.memref_slice %arg14[%dma_wait3A_165, %dma_wait3A_166] : memref<10240x128xf32, #tpu.memory_space<vmem_shared>> -> memref<10240x128xf32, #tpu.memory_space<vmem_shared>>
        tpu.wait_indirect_dma semaphore(%arg13 : memref<!tpu.dma_semaphore, #tpu.memory_space<semaphore_mem>>) src(%arg9 : memref<128x128xf32, #tpu.memory_space<vmem>>) dst(%dma_wait3A_167 : memref<10240x128xf32, #tpu.memory_space<vmem_shared>>)
      } else {
      }
      %add3A_101 = arith.constant 1 : i32
      %add3A_102 = arith.addi %add3A_98, %add3A_101 : i32
      %dma_start3A_103 = arith.constant 0 : i32
      %dma_start3A_104 = tpu.memref_slice %arg6[%add3A_102, %dma_start3A_103] : memref<50x128xi32, #tpu.memory_space<vmem>> -> memref<1x128xi32, #tpu.memory_space<vmem>>
      %dma_start3A_105 = tpu.memref_squeeze %dma_start3A_104 : memref<1x128xi32, #tpu.memory_space<vmem>> -> memref<128xi32, #tpu.memory_space<vmem>>
      %dma_start3A_106 = arith.constant 0 : i32
      %dma_start3A_107 = arith.constant 0 : i32
      %dma_start3A_108 = tpu.memref_slice %arg2[%add3A_1, %dma_start3A_106, %dma_start3A_107] : memref<6x10240x128xf32, #tpu.memory_space<hbm>> -> memref<1x10240x128xf32, #tpu.memory_space<hbm>>
      %dma_start3A_109 = tpu.memref_squeeze %dma_start3A_108 : memref<1x10240x128xf32, #tpu.memory_space<hbm>> -> memref<10240x128xf32, #tpu.memory_space<hbm>>
      %dma_start3A_110 = arith.constant 0 : i32
      %dma_start3A_111 = arith.constant 0 : i32
      %dma_start3A_112 = tpu.memref_slice %dma_start3A_109[%dma_start3A_110, %dma_start3A_111] : memref<10240x128xf32, #tpu.memory_space<hbm>> -> memref<10240x128xf32, #tpu.memory_space<hbm>>
      tpu.enqueue_indirect_dma source(%dma_start3A_112 : memref<10240x128xf32, #tpu.memory_space<hbm>>) target(%arg9 : memref<128x128xf32, #tpu.memory_space<vmem>>) offsets(%dma_start3A_105 : memref<128xi32, #tpu.memory_space<vmem>>) semaphore(%arg11 : memref<!tpu.dma_semaphore, #tpu.memory_space<semaphore_mem>>)
      %dma_wait3A_113 = arith.constant 0 : i32
      %dma_wait3A_114 = tpu.memref_slice %arg6[%add3A_98, %dma_wait3A_113] : memref<50x128xi32, #tpu.memory_space<vmem>> -> memref<1x128xi32, #tpu.memory_space<vmem>>
      %dma_wait3A_115 = tpu.memref_squeeze %dma_wait3A_114 : memref<1x128xi32, #tpu.memory_space<vmem>> -> memref<128xi32, #tpu.memory_space<vmem>>
      %dma_wait3A_116 = arith.constant 0 : i32
      %dma_wait3A_117 = arith.constant 0 : i32
      %dma_wait3A_118 = tpu.memref_slice %arg2[%add3A_1, %dma_wait3A_116, %dma_wait3A_117] : memref<6x10240x128xf32, #tpu.memory_space<hbm>> -> memref<1x10240x128xf32, #tpu.memory_space<hbm>>
      %dma_wait3A_119 = tpu.memref_squeeze %dma_wait3A_118 : memref<1x10240x128xf32, #tpu.memory_space<hbm>> -> memref<10240x128xf32, #tpu.memory_space<hbm>>
      %dma_wait3A_120 = arith.constant 0 : i32
      %dma_wait3A_121 = arith.constant 0 : i32
      %dma_wait3A_122 = tpu.memref_slice %dma_wait3A_119[%dma_wait3A_120, %dma_wait3A_121] : memref<10240x128xf32, #tpu.memory_space<hbm>> -> memref<10240x128xf32, #tpu.memory_space<hbm>>
      tpu.wait_indirect_dma semaphore(%arg10 : memref<!tpu.dma_semaphore, #tpu.memory_space<semaphore_mem>>) src(%dma_wait3A_122 : memref<10240x128xf32, #tpu.memory_space<hbm>>) dst(%arg8 : memref<128x128xf32, #tpu.memory_space<vmem>>)
      %dma_start3A_123 = arith.constant 0 : i32
      %dma_start3A_124 = tpu.memref_slice %arg7[%add3A_98, %dma_start3A_123] : memref<50x128xi32, #tpu.memory_space<vmem>> -> memref<1x128xi32, #tpu.memory_space<vmem>>
      %dma_start3A_125 = tpu.memref_squeeze %dma_start3A_124 : memref<1x128xi32, #tpu.memory_space<vmem>> -> memref<128xi32, #tpu.memory_space<vmem>>
      %dma_start3A_126 = arith.constant 0 : i32
      %dma_start3A_127 = arith.constant 0 : i32
      %dma_start3A_128 = tpu.memref_slice %arg14[%dma_start3A_126, %dma_start3A_127] : memref<10240x128xf32, #tpu.memory_space<vmem_shared>> -> memref<10240x128xf32, #tpu.memory_space<vmem_shared>>
      tpu.enqueue_indirect_dma source(%arg8 : memref<128x128xf32, #tpu.memory_space<vmem>>) target(%dma_start3A_128 : memref<10240x128xf32, #tpu.memory_space<vmem_shared>>) offsets(%dma_start3A_125 : memref<128xi32, #tpu.memory_space<vmem>>) semaphore(%arg12 : memref<!tpu.dma_semaphore, #tpu.memory_space<semaphore_mem>>) {add = true}
      %mul3A_129 = arith.constant 2 : i32
      %mul3A_130 = arith.muli %mul3A_129, %add3A_94 : i32
      %add3A_131 = arith.constant 1 : i32
      %add3A_132 = arith.addi %mul3A_130, %add3A_131 : i32
      %sub3A = arith.constant 1 : i32
      %sub3A_133 = arith.subi %add3A_132, %sub3A : i32
      %dma_wait3A_134 = arith.constant 0 : i32
      %dma_wait3A_135 = tpu.memref_slice %arg7[%sub3A_133, %dma_wait3A_134] : memref<50x128xi32, #tpu.memory_space<vmem>> -> memref<1x128xi32, #tpu.memory_space<vmem>>
      %dma_wait3A_136 = tpu.memref_squeeze %dma_wait3A_135 : memref<1x128xi32, #tpu.memory_space<vmem>> -> memref<128xi32, #tpu.memory_space<vmem>>
      %dma_wait3A_137 = arith.constant 0 : i32
      %dma_wait3A_138 = arith.constant 0 : i32
      %dma_wait3A_139 = tpu.memref_slice %arg14[%dma_wait3A_137, %dma_wait3A_138] : memref<10240x128xf32, #tpu.memory_space<vmem_shared>> -> memref<10240x128xf32, #tpu.memory_space<vmem_shared>>
      tpu.wait_indirect_dma semaphore(%arg12 : memref<!tpu.dma_semaphore, #tpu.memory_space<semaphore_mem>>) src(%arg8 : memref<128x128xf32, #tpu.memory_space<vmem>>) dst(%dma_wait3A_139 : memref<10240x128xf32, #tpu.memory_space<vmem_shared>>)
      %lt3A = arith.constant 24 : i32
      %lt3A_140 = arith.cmpi slt, %add3A_94, %lt3A : i32
      %convert_element_type3A_141 = arith.extui %lt3A_140 : i1 to i32
      %cond3A_142 = arith.constant 0 : i32
      %cond3A_143 = arith.cmpi ne, %convert_element_type3A_141, %cond3A_142 : i32
      scf.if %cond3A_143 {
        %add3A_160 = arith.constant 1 : i32
        %add3A_161 = arith.addi %add3A_132, %add3A_160 : i32
        %dma_start3A_162 = arith.constant 0 : i32
        %dma_start3A_163 = tpu.memref_slice %arg6[%add3A_161, %dma_start3A_162] : memref<50x128xi32, #tpu.memory_space<vmem>> -> memref<1x128xi32, #tpu.memory_space<vmem>>
        %dma_start3A_164 = tpu.memref_squeeze %dma_start3A_163 : memref<1x128xi32, #tpu.memory_space<vmem>> -> memref<128xi32, #tpu.memory_space<vmem>>
        %dma_start3A_165 = arith.constant 0 : i32
        %dma_start3A_166 = arith.constant 0 : i32
        %dma_start3A_167 = tpu.memref_slice %arg2[%add3A_1, %dma_start3A_165, %dma_start3A_166] : memref<6x10240x128xf32, #tpu.memory_space<hbm>> -> memref<1x10240x128xf32, #tpu.memory_space<hbm>>
        %dma_start3A_168 = tpu.memref_squeeze %dma_start3A_167 : memref<1x10240x128xf32, #tpu.memory_space<hbm>> -> memref<10240x128xf32, #tpu.memory_space<hbm>>
        %dma_start3A_169 = arith.constant 0 : i32
        %dma_start3A_170 = arith.constant 0 : i32
        %dma_start3A_171 = tpu.memref_slice %dma_start3A_168[%dma_start3A_169, %dma_start3A_170] : memref<10240x128xf32, #tpu.memory_space<hbm>> -> memref<10240x128xf32, #tpu.memory_space<hbm>>
        tpu.enqueue_indirect_dma source(%dma_start3A_171 : memref<10240x128xf32, #tpu.memory_space<hbm>>) target(%arg8 : memref<128x128xf32, #tpu.memory_space<vmem>>) offsets(%dma_start3A_164 : memref<128xi32, #tpu.memory_space<vmem>>) semaphore(%arg10 : memref<!tpu.dma_semaphore, #tpu.memory_space<semaphore_mem>>)
      } else {
      }
      %dma_wait3A_144 = arith.constant 0 : i32
      %dma_wait3A_145 = tpu.memref_slice %arg6[%add3A_132, %dma_wait3A_144] : memref<50x128xi32, #tpu.memory_space<vmem>> -> memref<1x128xi32, #tpu.memory_space<vmem>>
      %dma_wait3A_146 = tpu.memref_squeeze %dma_wait3A_145 : memref<1x128xi32, #tpu.memory_space<vmem>> -> memref<128xi32, #tpu.memory_space<vmem>>
      %dma_wait3A_147 = arith.constant 0 : i32
      %dma_wait3A_148 = arith.constant 0 : i32
      %dma_wait3A_149 = tpu.memref_slice %arg2[%add3A_1, %dma_wait3A_147, %dma_wait3A_148] : memref<6x10240x128xf32, #tpu.memory_space<hbm>> -> memref<1x10240x128xf32, #tpu.memory_space<hbm>>
      %dma_wait3A_150 = tpu.memref_squeeze %dma_wait3A_149 : memref<1x10240x128xf32, #tpu.memory_space<hbm>> -> memref<10240x128xf32, #tpu.memory_space<hbm>>
      %dma_wait3A_151 = arith.constant 0 : i32
      %dma_wait3A_152 = arith.constant 0 : i32
      %dma_wait3A_153 = tpu.memref_slice %dma_wait3A_150[%dma_wait3A_151, %dma_wait3A_152] : memref<10240x128xf32, #tpu.memory_space<hbm>> -> memref<10240x128xf32, #tpu.memory_space<hbm>>
      tpu.wait_indirect_dma semaphore(%arg11 : memref<!tpu.dma_semaphore, #tpu.memory_space<semaphore_mem>>) src(%dma_wait3A_153 : memref<10240x128xf32, #tpu.memory_space<hbm>>) dst(%arg9 : memref<128x128xf32, #tpu.memory_space<vmem>>)
      %dma_start3A_154 = arith.constant 0 : i32
      %dma_start3A_155 = tpu.memref_slice %arg7[%add3A_132, %dma_start3A_154] : memref<50x128xi32, #tpu.memory_space<vmem>> -> memref<1x128xi32, #tpu.memory_space<vmem>>
      %dma_start3A_156 = tpu.memref_squeeze %dma_start3A_155 : memref<1x128xi32, #tpu.memory_space<vmem>> -> memref<128xi32, #tpu.memory_space<vmem>>
      %dma_start3A_157 = arith.constant 0 : i32
      %dma_start3A_158 = arith.constant 0 : i32
      %dma_start3A_159 = tpu.memref_slice %arg14[%dma_start3A_157, %dma_start3A_158] : memref<10240x128xf32, #tpu.memory_space<vmem_shared>> -> memref<10240x128xf32, #tpu.memory_space<vmem_shared>>
      tpu.enqueue_indirect_dma source(%arg9 : memref<128x128xf32, #tpu.memory_space<vmem>>) target(%dma_start3A_159 : memref<10240x128xf32, #tpu.memory_space<vmem_shared>>) offsets(%dma_start3A_156 : memref<128xi32, #tpu.memory_space<vmem>>) semaphore(%arg13 : memref<!tpu.dma_semaphore, #tpu.memory_space<semaphore_mem>>) {add = true}
    }
    %scan3A_17 = arith.constant 25 : i32
    %dma_wait3A = arith.constant 49 : i32
    %dma_wait3A_18 = arith.constant 0 : i32
    %dma_wait3A_19 = tpu.memref_slice %arg7[%dma_wait3A, %dma_wait3A_18] : memref<50x128xi32, #tpu.memory_space<vmem>> -> memref<1x128xi32, #tpu.memory_space<vmem>>
    %dma_wait3A_20 = tpu.memref_squeeze %dma_wait3A_19 : memref<1x128xi32, #tpu.memory_space<vmem>> -> memref<128xi32, #tpu.memory_space<vmem>>
    %dma_wait3A_21 = arith.constant 0 : i32
    %dma_wait3A_22 = arith.constant 0 : i32
    %dma_wait3A_23 = tpu.memref_slice %arg14[%dma_wait3A_21, %dma_wait3A_22] : memref<10240x128xf32, #tpu.memory_space<vmem_shared>> -> memref<10240x128xf32, #tpu.memory_space<vmem_shared>>
    tpu.wait_indirect_dma semaphore(%arg13 : memref<!tpu.dma_semaphore, #tpu.memory_space<semaphore_mem>>) src(%arg9 : memref<128x128xf32, #tpu.memory_space<vmem>>) dst(%dma_wait3A_23 : memref<10240x128xf32, #tpu.memory_space<vmem_shared>>)
    %barrier3A_24 = arith.constant 0 : index
    tpu.barrier barrier_id(%barrier3A_24)
    "tpu.region"() ({
      %run_scoped3A = tpu.sem_alloc : memref<!tpu.dma_semaphore, #tpu.memory_space<semaphore_mem>>
      %dma_start3A_90 = arith.constant 0 : i32
      %dma_start3A_91 = tpu.memref_slice %arg5[%add3A_1, %mul3A_13, %dma_start3A_90] : memref<6x10240x128xf32, #tpu.memory_space<hbm>> -> memref<1x640x128xf32, #tpu.memory_space<hbm>>
      %dma_start3A_92 = tpu.memref_squeeze %dma_start3A_91 : memref<1x640x128xf32, #tpu.memory_space<hbm>> -> memref<640x128xf32, #tpu.memory_space<hbm>>
      %dma_start3A_93 = arith.constant 0 : i32
      %dma_start3A_94 = tpu.memref_slice %arg14[%mul3A_13, %dma_start3A_93] : memref<10240x128xf32, #tpu.memory_space<vmem_shared>> -> memref<640x128xf32, #tpu.memory_space<vmem_shared>>
      tpu.enqueue_dma source(%dma_start3A_94 : memref<640x128xf32, #tpu.memory_space<vmem_shared>>) target(%dma_start3A_92 : memref<640x128xf32, #tpu.memory_space<hbm>>) target_semaphore(%run_scoped3A : memref<!tpu.dma_semaphore, #tpu.memory_space<semaphore_mem>>)
      %dma_wait3A_95 = arith.constant 0 : i32
      %dma_wait3A_96 = tpu.memref_slice %arg5[%add3A_1, %mul3A_13, %dma_wait3A_95] : memref<6x10240x128xf32, #tpu.memory_space<hbm>> -> memref<1x640x128xf32, #tpu.memory_space<hbm>>
      %dma_wait3A_97 = tpu.memref_squeeze %dma_wait3A_96 : memref<1x640x128xf32, #tpu.memory_space<hbm>> -> memref<640x128xf32, #tpu.memory_space<hbm>>
      %dma_wait3A_98 = arith.constant 0 : i32
      %dma_wait3A_99 = tpu.memref_slice %arg14[%mul3A_13, %dma_wait3A_98] : memref<10240x128xf32, #tpu.memory_space<vmem_shared>> -> memref<640x128xf32, #tpu.memory_space<vmem_shared>>
      tpu.wait_dma2 semaphore(%run_scoped3A : memref<!tpu.dma_semaphore, #tpu.memory_space<semaphore_mem>>) src(%dma_wait3A_99 : memref<640x128xf32, #tpu.memory_space<vmem_shared>>) dst(%dma_wait3A_97 : memref<640x128xf32, #tpu.memory_space<hbm>>)
      tpu.yield
    }) : () -> ()
    %barrier3A_25 = arith.constant 0 : index
    tpu.barrier barrier_id(%barrier3A_25)
    %mul3A_26 = arith.constant 3 : i32
    %mul3A_27 = arith.muli %arg0, %mul3A_26 : i32
    %add3A_28 = arith.constant 1 : i32
    %add3A_29 = arith.addi %mul3A_27, %add3A_28 : i32
    %dma_start3A_30 = arith.constant 0 : i32
    %dma_start3A_31 = arith.constant 0 : i32
    %dma_start3A_32 = tpu.memref_slice %arg6[%dma_start3A_30, %dma_start3A_31] : memref<50x128xi32, #tpu.memory_space<vmem>> -> memref<1x128xi32, #tpu.memory_space<vmem>>
    %dma_start3A_33 = tpu.memref_squeeze %dma_start3A_32 : memref<1x128xi32, #tpu.memory_space<vmem>> -> memref<128xi32, #tpu.memory_space<vmem>>
    %dma_start3A_34 = arith.constant 0 : i32
    %dma_start3A_35 = arith.constant 0 : i32
    %dma_start3A_36 = tpu.memref_slice %arg2[%add3A_29, %dma_start3A_34, %dma_start3A_35] : memref<6x10240x128xf32, #tpu.memory_space<hbm>> -> memref<1x10240x128xf32, #tpu.memory_space<hbm>>
    %dma_start3A_37 = tpu.memref_squeeze %dma_start3A_36 : memref<1x10240x128xf32, #tpu.memory_space<hbm>> -> memref<10240x128xf32, #tpu.memory_space<hbm>>
    %dma_start3A_38 = arith.constant 0 : i32
    %dma_start3A_39 = arith.constant 0 : i32
    %dma_start3A_40 = tpu.memref_slice %dma_start3A_37[%dma_start3A_38, %dma_start3A_39] : memref<10240x128xf32, #tpu.memory_space<hbm>> -> memref<10240x128xf32, #tpu.memory_space<hbm>>
    tpu.enqueue_indirect_dma source(%dma_start3A_40 : memref<10240x128xf32, #tpu.memory_space<hbm>>) target(%arg8 : memref<128x128xf32, #tpu.memory_space<vmem>>) offsets(%dma_start3A_33 : memref<128xi32, #tpu.memory_space<vmem>>) semaphore(%arg10 : memref<!tpu.dma_semaphore, #tpu.memory_space<semaphore_mem>>)
    %mul3A_41 = arith.constant 640 : i32
    %mul3A_42 = arith.muli %arg1, %mul3A_41 : i32
    "tpu.region"() ({
      %run_scoped3A = tpu.sem_alloc : memref<!tpu.dma_semaphore, #tpu.memory_space<semaphore_mem>>
      %dma_start3A_90 = arith.constant 0 : i32
      %dma_start3A_91 = tpu.memref_slice %arg14[%mul3A_42, %dma_start3A_90] : memref<10240x128xf32, #tpu.memory_space<vmem_shared>> -> memref<640x128xf32, #tpu.memory_space<vmem_shared>>
      %dma_start3A_92 = arith.constant 0 : i32
      %dma_start3A_93 = tpu.memref_slice %arg2[%add3A_29, %mul3A_42, %dma_start3A_92] : memref<6x10240x128xf32, #tpu.memory_space<hbm>> -> memref<1x640x128xf32, #tpu.memory_space<hbm>>
      %dma_start3A_94 = tpu.memref_squeeze %dma_start3A_93 : memref<1x640x128xf32, #tpu.memory_space<hbm>> -> memref<640x128xf32, #tpu.memory_space<hbm>>
      tpu.enqueue_dma source(%dma_start3A_94 : memref<640x128xf32, #tpu.memory_space<hbm>>) target(%dma_start3A_91 : memref<640x128xf32, #tpu.memory_space<vmem_shared>>) target_semaphore(%run_scoped3A : memref<!tpu.dma_semaphore, #tpu.memory_space<semaphore_mem>>)
      %dma_wait3A_95 = arith.constant 0 : i32
      %dma_wait3A_96 = tpu.memref_slice %arg14[%mul3A_42, %dma_wait3A_95] : memref<10240x128xf32, #tpu.memory_space<vmem_shared>> -> memref<640x128xf32, #tpu.memory_space<vmem_shared>>
      %dma_wait3A_97 = arith.constant 0 : i32
      %dma_wait3A_98 = tpu.memref_slice %arg2[%add3A_29, %mul3A_42, %dma_wait3A_97] : memref<6x10240x128xf32, #tpu.memory_space<hbm>> -> memref<1x640x128xf32, #tpu.memory_space<hbm>>
      %dma_wait3A_99 = tpu.memref_squeeze %dma_wait3A_98 : memref<1x640x128xf32, #tpu.memory_space<hbm>> -> memref<640x128xf32, #tpu.memory_space<hbm>>
      tpu.wait_dma2 semaphore(%run_scoped3A : memref<!tpu.dma_semaphore, #tpu.memory_space<semaphore_mem>>) src(%dma_wait3A_99 : memref<640x128xf32, #tpu.memory_space<hbm>>) dst(%dma_wait3A_96 : memref<640x128xf32, #tpu.memory_space<vmem_shared>>)
      tpu.yield
    }) : () -> ()
    %barrier3A_43 = arith.constant 0 : index
    tpu.barrier barrier_id(%barrier3A_43)
    %scan3A_44 = arith.constant 0 : i32
    %scan3A_45 = arith.constant 25 : i32
    %scan3A_46 = arith.addi %scan3A_44, %scan3A_45 : i32
    %scan3A_47 = arith.constant 1 : i32
    scf.for %scan3A_90 = %scan3A_44 to %scan3A_46 step %scan3A_47  : i32 {
      %mul3A_91 = arith.constant 1 : i32
      %mul3A_92 = arith.muli %scan3A_90, %mul3A_91 : i32
      %add3A_93 = arith.constant 0 : i32
      %add3A_94 = arith.addi %add3A_93, %mul3A_92 : i32
      %mul3A_95 = arith.constant 2 : i32
      %mul3A_96 = arith.muli %mul3A_95, %add3A_94 : i32
      %add3A_97 = arith.constant 0 : i32
      %add3A_98 = arith.addi %mul3A_96, %add3A_97 : i32
      %gt3A = arith.constant 0 : i32
      %gt3A_99 = arith.cmpi sgt, %add3A_94, %gt3A : i32
      %convert_element_type3A = arith.extui %gt3A_99 : i1 to i32
      %cond3A = arith.constant 0 : i32
      %cond3A_100 = arith.cmpi ne, %convert_element_type3A, %cond3A : i32
      scf.if %cond3A_100 {
        %sub3A_160 = arith.constant 1 : i32
        %sub3A_161 = arith.subi %add3A_98, %sub3A_160 : i32
        %dma_wait3A_162 = arith.constant 0 : i32
        %dma_wait3A_163 = tpu.memref_slice %arg7[%sub3A_161, %dma_wait3A_162] : memref<50x128xi32, #tpu.memory_space<vmem>> -> memref<1x128xi32, #tpu.memory_space<vmem>>
        %dma_wait3A_164 = tpu.memref_squeeze %dma_wait3A_163 : memref<1x128xi32, #tpu.memory_space<vmem>> -> memref<128xi32, #tpu.memory_space<vmem>>
        %dma_wait3A_165 = arith.constant 0 : i32
        %dma_wait3A_166 = arith.constant 0 : i32
        %dma_wait3A_167 = tpu.memref_slice %arg14[%dma_wait3A_165, %dma_wait3A_166] : memref<10240x128xf32, #tpu.memory_space<vmem_shared>> -> memref<10240x128xf32, #tpu.memory_space<vmem_shared>>
        tpu.wait_indirect_dma semaphore(%arg13 : memref<!tpu.dma_semaphore, #tpu.memory_space<semaphore_mem>>) src(%arg9 : memref<128x128xf32, #tpu.memory_space<vmem>>) dst(%dma_wait3A_167 : memref<10240x128xf32, #tpu.memory_space<vmem_shared>>)
      } else {
      }
      %add3A_101 = arith.constant 1 : i32
      %add3A_102 = arith.addi %add3A_98, %add3A_101 : i32
      %dma_start3A_103 = arith.constant 0 : i32
      %dma_start3A_104 = tpu.memref_slice %arg6[%add3A_102, %dma_start3A_103] : memref<50x128xi32, #tpu.memory_space<vmem>> -> memref<1x128xi32, #tpu.memory_space<vmem>>
      %dma_start3A_105 = tpu.memref_squeeze %dma_start3A_104 : memref<1x128xi32, #tpu.memory_space<vmem>> -> memref<128xi32, #tpu.memory_space<vmem>>
      %dma_start3A_106 = arith.constant 0 : i32
      %dma_start3A_107 = arith.constant 0 : i32
      %dma_start3A_108 = tpu.memref_slice %arg2[%add3A_29, %dma_start3A_106, %dma_start3A_107] : memref<6x10240x128xf32, #tpu.memory_space<hbm>> -> memref<1x10240x128xf32, #tpu.memory_space<hbm>>
      %dma_start3A_109 = tpu.memref_squeeze %dma_start3A_108 : memref<1x10240x128xf32, #tpu.memory_space<hbm>> -> memref<10240x128xf32, #tpu.memory_space<hbm>>
      %dma_start3A_110 = arith.constant 0 : i32
      %dma_start3A_111 = arith.constant 0 : i32
      %dma_start3A_112 = tpu.memref_slice %dma_start3A_109[%dma_start3A_110, %dma_start3A_111] : memref<10240x128xf32, #tpu.memory_space<hbm>> -> memref<10240x128xf32, #tpu.memory_space<hbm>>
      tpu.enqueue_indirect_dma source(%dma_start3A_112 : memref<10240x128xf32, #tpu.memory_space<hbm>>) target(%arg9 : memref<128x128xf32, #tpu.memory_space<vmem>>) offsets(%dma_start3A_105 : memref<128xi32, #tpu.memory_space<vmem>>) semaphore(%arg11 : memref<!tpu.dma_semaphore, #tpu.memory_space<semaphore_mem>>)
      %dma_wait3A_113 = arith.constant 0 : i32
      %dma_wait3A_114 = tpu.memref_slice %arg6[%add3A_98, %dma_wait3A_113] : memref<50x128xi32, #tpu.memory_space<vmem>> -> memref<1x128xi32, #tpu.memory_space<vmem>>
      %dma_wait3A_115 = tpu.memref_squeeze %dma_wait3A_114 : memref<1x128xi32, #tpu.memory_space<vmem>> -> memref<128xi32, #tpu.memory_space<vmem>>
      %dma_wait3A_116 = arith.constant 0 : i32
      %dma_wait3A_117 = arith.constant 0 : i32
      %dma_wait3A_118 = tpu.memref_slice %arg2[%add3A_29, %dma_wait3A_116, %dma_wait3A_117] : memref<6x10240x128xf32, #tpu.memory_space<hbm>> -> memref<1x10240x128xf32, #tpu.memory_space<hbm>>
      %dma_wait3A_119 = tpu.memref_squeeze %dma_wait3A_118 : memref<1x10240x128xf32, #tpu.memory_space<hbm>> -> memref<10240x128xf32, #tpu.memory_space<hbm>>
      %dma_wait3A_120 = arith.constant 0 : i32
      %dma_wait3A_121 = arith.constant 0 : i32
      %dma_wait3A_122 = tpu.memref_slice %dma_wait3A_119[%dma_wait3A_120, %dma_wait3A_121] : memref<10240x128xf32, #tpu.memory_space<hbm>> -> memref<10240x128xf32, #tpu.memory_space<hbm>>
      tpu.wait_indirect_dma semaphore(%arg10 : memref<!tpu.dma_semaphore, #tpu.memory_space<semaphore_mem>>) src(%dma_wait3A_122 : memref<10240x128xf32, #tpu.memory_space<hbm>>) dst(%arg8 : memref<128x128xf32, #tpu.memory_space<vmem>>)
      %dma_start3A_123 = arith.constant 0 : i32
      %dma_start3A_124 = tpu.memref_slice %arg7[%add3A_98, %dma_start3A_123] : memref<50x128xi32, #tpu.memory_space<vmem>> -> memref<1x128xi32, #tpu.memory_space<vmem>>
      %dma_start3A_125 = tpu.memref_squeeze %dma_start3A_124 : memref<1x128xi32, #tpu.memory_space<vmem>> -> memref<128xi32, #tpu.memory_space<vmem>>
      %dma_start3A_126 = arith.constant 0 : i32
      %dma_start3A_127 = arith.constant 0 : i32
      %dma_start3A_128 = tpu.memref_slice %arg14[%dma_start3A_126, %dma_start3A_127] : memref<10240x128xf32, #tpu.memory_space<vmem_shared>> -> memref<10240x128xf32, #tpu.memory_space<vmem_shared>>
      tpu.enqueue_indirect_dma source(%arg8 : memref<128x128xf32, #tpu.memory_space<vmem>>) target(%dma_start3A_128 : memref<10240x128xf32, #tpu.memory_space<vmem_shared>>) offsets(%dma_start3A_125 : memref<128xi32, #tpu.memory_space<vmem>>) semaphore(%arg12 : memref<!tpu.dma_semaphore, #tpu.memory_space<semaphore_mem>>) {add = true}
      %mul3A_129 = arith.constant 2 : i32
      %mul3A_130 = arith.muli %mul3A_129, %add3A_94 : i32
      %add3A_131 = arith.constant 1 : i32
      %add3A_132 = arith.addi %mul3A_130, %add3A_131 : i32
      %sub3A = arith.constant 1 : i32
      %sub3A_133 = arith.subi %add3A_132, %sub3A : i32
      %dma_wait3A_134 = arith.constant 0 : i32
      %dma_wait3A_135 = tpu.memref_slice %arg7[%sub3A_133, %dma_wait3A_134] : memref<50x128xi32, #tpu.memory_space<vmem>> -> memref<1x128xi32, #tpu.memory_space<vmem>>
      %dma_wait3A_136 = tpu.memref_squeeze %dma_wait3A_135 : memref<1x128xi32, #tpu.memory_space<vmem>> -> memref<128xi32, #tpu.memory_space<vmem>>
      %dma_wait3A_137 = arith.constant 0 : i32
      %dma_wait3A_138 = arith.constant 0 : i32
      %dma_wait3A_139 = tpu.memref_slice %arg14[%dma_wait3A_137, %dma_wait3A_138] : memref<10240x128xf32, #tpu.memory_space<vmem_shared>> -> memref<10240x128xf32, #tpu.memory_space<vmem_shared>>
      tpu.wait_indirect_dma semaphore(%arg12 : memref<!tpu.dma_semaphore, #tpu.memory_space<semaphore_mem>>) src(%arg8 : memref<128x128xf32, #tpu.memory_space<vmem>>) dst(%dma_wait3A_139 : memref<10240x128xf32, #tpu.memory_space<vmem_shared>>)
      %lt3A = arith.constant 24 : i32
      %lt3A_140 = arith.cmpi slt, %add3A_94, %lt3A : i32
      %convert_element_type3A_141 = arith.extui %lt3A_140 : i1 to i32
      %cond3A_142 = arith.constant 0 : i32
      %cond3A_143 = arith.cmpi ne, %convert_element_type3A_141, %cond3A_142 : i32
      scf.if %cond3A_143 {
        %add3A_160 = arith.constant 1 : i32
        %add3A_161 = arith.addi %add3A_132, %add3A_160 : i32
        %dma_start3A_162 = arith.constant 0 : i32
        %dma_start3A_163 = tpu.memref_slice %arg6[%add3A_161, %dma_start3A_162] : memref<50x128xi32, #tpu.memory_space<vmem>> -> memref<1x128xi32, #tpu.memory_space<vmem>>
        %dma_start3A_164 = tpu.memref_squeeze %dma_start3A_163 : memref<1x128xi32, #tpu.memory_space<vmem>> -> memref<128xi32, #tpu.memory_space<vmem>>
        %dma_start3A_165 = arith.constant 0 : i32
        %dma_start3A_166 = arith.constant 0 : i32
        %dma_start3A_167 = tpu.memref_slice %arg2[%add3A_29, %dma_start3A_165, %dma_start3A_166] : memref<6x10240x128xf32, #tpu.memory_space<hbm>> -> memref<1x10240x128xf32, #tpu.memory_space<hbm>>
        %dma_start3A_168 = tpu.memref_squeeze %dma_start3A_167 : memref<1x10240x128xf32, #tpu.memory_space<hbm>> -> memref<10240x128xf32, #tpu.memory_space<hbm>>
        %dma_start3A_169 = arith.constant 0 : i32
        %dma_start3A_170 = arith.constant 0 : i32
        %dma_start3A_171 = tpu.memref_slice %dma_start3A_168[%dma_start3A_169, %dma_start3A_170] : memref<10240x128xf32, #tpu.memory_space<hbm>> -> memref<10240x128xf32, #tpu.memory_space<hbm>>
        tpu.enqueue_indirect_dma source(%dma_start3A_171 : memref<10240x128xf32, #tpu.memory_space<hbm>>) target(%arg8 : memref<128x128xf32, #tpu.memory_space<vmem>>) offsets(%dma_start3A_164 : memref<128xi32, #tpu.memory_space<vmem>>) semaphore(%arg10 : memref<!tpu.dma_semaphore, #tpu.memory_space<semaphore_mem>>)
      } else {
      }
      %dma_wait3A_144 = arith.constant 0 : i32
      %dma_wait3A_145 = tpu.memref_slice %arg6[%add3A_132, %dma_wait3A_144] : memref<50x128xi32, #tpu.memory_space<vmem>> -> memref<1x128xi32, #tpu.memory_space<vmem>>
      %dma_wait3A_146 = tpu.memref_squeeze %dma_wait3A_145 : memref<1x128xi32, #tpu.memory_space<vmem>> -> memref<128xi32, #tpu.memory_space<vmem>>
      %dma_wait3A_147 = arith.constant 0 : i32
      %dma_wait3A_148 = arith.constant 0 : i32
      %dma_wait3A_149 = tpu.memref_slice %arg2[%add3A_29, %dma_wait3A_147, %dma_wait3A_148] : memref<6x10240x128xf32, #tpu.memory_space<hbm>> -> memref<1x10240x128xf32, #tpu.memory_space<hbm>>
      %dma_wait3A_150 = tpu.memref_squeeze %dma_wait3A_149 : memref<1x10240x128xf32, #tpu.memory_space<hbm>> -> memref<10240x128xf32, #tpu.memory_space<hbm>>
      %dma_wait3A_151 = arith.constant 0 : i32
      %dma_wait3A_152 = arith.constant 0 : i32
      %dma_wait3A_153 = tpu.memref_slice %dma_wait3A_150[%dma_wait3A_151, %dma_wait3A_152] : memref<10240x128xf32, #tpu.memory_space<hbm>> -> memref<10240x128xf32, #tpu.memory_space<hbm>>
      tpu.wait_indirect_dma semaphore(%arg11 : memref<!tpu.dma_semaphore, #tpu.memory_space<semaphore_mem>>) src(%dma_wait3A_153 : memref<10240x128xf32, #tpu.memory_space<hbm>>) dst(%arg9 : memref<128x128xf32, #tpu.memory_space<vmem>>)
      %dma_start3A_154 = arith.constant 0 : i32
      %dma_start3A_155 = tpu.memref_slice %arg7[%add3A_132, %dma_start3A_154] : memref<50x128xi32, #tpu.memory_space<vmem>> -> memref<1x128xi32, #tpu.memory_space<vmem>>
      %dma_start3A_156 = tpu.memref_squeeze %dma_start3A_155 : memref<1x128xi32, #tpu.memory_space<vmem>> -> memref<128xi32, #tpu.memory_space<vmem>>
      %dma_start3A_157 = arith.constant 0 : i32
      %dma_start3A_158 = arith.constant 0 : i32
      %dma_start3A_159 = tpu.memref_slice %arg14[%dma_start3A_157, %dma_start3A_158] : memref<10240x128xf32, #tpu.memory_space<vmem_shared>> -> memref<10240x128xf32, #tpu.memory_space<vmem_shared>>
      tpu.enqueue_indirect_dma source(%arg9 : memref<128x128xf32, #tpu.memory_space<vmem>>) target(%dma_start3A_159 : memref<10240x128xf32, #tpu.memory_space<vmem_shared>>) offsets(%dma_start3A_156 : memref<128xi32, #tpu.memory_space<vmem>>) semaphore(%arg13 : memref<!tpu.dma_semaphore, #tpu.memory_space<semaphore_mem>>) {add = true}
    }
    %scan3A_48 = arith.constant 25 : i32
    %dma_wait3A_49 = arith.constant 49 : i32
    %dma_wait3A_50 = arith.constant 0 : i32
    %dma_wait3A_51 = tpu.memref_slice %arg7[%dma_wait3A_49, %dma_wait3A_50] : memref<50x128xi32, #tpu.memory_space<vmem>> -> memref<1x128xi32, #tpu.memory_space<vmem>>
    %dma_wait3A_52 = tpu.memref_squeeze %dma_wait3A_51 : memref<1x128xi32, #tpu.memory_space<vmem>> -> memref<128xi32, #tpu.memory_space<vmem>>
    %dma_wait3A_53 = arith.constant 0 : i32
    %dma_wait3A_54 = arith.constant 0 : i32
    %dma_wait3A_55 = tpu.memref_slice %arg14[%dma_wait3A_53, %dma_wait3A_54] : memref<10240x128xf32, #tpu.memory_space<vmem_shared>> -> memref<10240x128xf32, #tpu.memory_space<vmem_shared>>
    tpu.wait_indirect_dma semaphore(%arg13 : memref<!tpu.dma_semaphore, #tpu.memory_space<semaphore_mem>>) src(%arg9 : memref<128x128xf32, #tpu.memory_space<vmem>>) dst(%dma_wait3A_55 : memref<10240x128xf32, #tpu.memory_space<vmem_shared>>)
    %barrier3A_56 = arith.constant 0 : index
    tpu.barrier barrier_id(%barrier3A_56)
    "tpu.region"() ({
      %run_scoped3A = tpu.sem_alloc : memref<!tpu.dma_semaphore, #tpu.memory_space<semaphore_mem>>
      %dma_start3A_90 = arith.constant 0 : i32
      %dma_start3A_91 = tpu.memref_slice %arg5[%add3A_29, %mul3A_42, %dma_start3A_90] : memref<6x10240x128xf32, #tpu.memory_space<hbm>> -> memref<1x640x128xf32, #tpu.memory_space<hbm>>
      %dma_start3A_92 = tpu.memref_squeeze %dma_start3A_91 : memref<1x640x128xf32, #tpu.memory_space<hbm>> -> memref<640x128xf32, #tpu.memory_space<hbm>>
      %dma_start3A_93 = arith.constant 0 : i32
      %dma_start3A_94 = tpu.memref_slice %arg14[%mul3A_42, %dma_start3A_93] : memref<10240x128xf32, #tpu.memory_space<vmem_shared>> -> memref<640x128xf32, #tpu.memory_space<vmem_shared>>
      tpu.enqueue_dma source(%dma_start3A_94 : memref<640x128xf32, #tpu.memory_space<vmem_shared>>) target(%dma_start3A_92 : memref<640x128xf32, #tpu.memory_space<hbm>>) target_semaphore(%run_scoped3A : memref<!tpu.dma_semaphore, #tpu.memory_space<semaphore_mem>>)
      %dma_wait3A_95 = arith.constant 0 : i32
      %dma_wait3A_96 = tpu.memref_slice %arg5[%add3A_29, %mul3A_42, %dma_wait3A_95] : memref<6x10240x128xf32, #tpu.memory_space<hbm>> -> memref<1x640x128xf32, #tpu.memory_space<hbm>>
      %dma_wait3A_97 = tpu.memref_squeeze %dma_wait3A_96 : memref<1x640x128xf32, #tpu.memory_space<hbm>> -> memref<640x128xf32, #tpu.memory_space<hbm>>
      %dma_wait3A_98 = arith.constant 0 : i32
      %dma_wait3A_99 = tpu.memref_slice %arg14[%mul3A_42, %dma_wait3A_98] : memref<10240x128xf32, #tpu.memory_space<vmem_shared>> -> memref<640x128xf32, #tpu.memory_space<vmem_shared>>
      tpu.wait_dma2 semaphore(%run_scoped3A : memref<!tpu.dma_semaphore, #tpu.memory_space<semaphore_mem>>) src(%dma_wait3A_99 : memref<640x128xf32, #tpu.memory_space<vmem_shared>>) dst(%dma_wait3A_97 : memref<640x128xf32, #tpu.memory_space<hbm>>)
      tpu.yield
    }) : () -> ()
    %barrier3A_57 = arith.constant 0 : index
    tpu.barrier barrier_id(%barrier3A_57)
    %mul3A_58 = arith.constant 3 : i32
    %mul3A_59 = arith.muli %arg0, %mul3A_58 : i32
    %add3A_60 = arith.constant 2 : i32
    %add3A_61 = arith.addi %mul3A_59, %add3A_60 : i32
    %dma_start3A_62 = arith.constant 0 : i32
    %dma_start3A_63 = arith.constant 0 : i32
    %dma_start3A_64 = tpu.memref_slice %arg6[%dma_start3A_62, %dma_start3A_63] : memref<50x128xi32, #tpu.memory_space<vmem>> -> memref<1x128xi32, #tpu.memory_space<vmem>>
    %dma_start3A_65 = tpu.memref_squeeze %dma_start3A_64 : memref<1x128xi32, #tpu.memory_space<vmem>> -> memref<128xi32, #tpu.memory_space<vmem>>
    %dma_start3A_66 = arith.constant 0 : i32
    %dma_start3A_67 = arith.constant 0 : i32
    %dma_start3A_68 = tpu.memref_slice %arg2[%add3A_61, %dma_start3A_66, %dma_start3A_67] : memref<6x10240x128xf32, #tpu.memory_space<hbm>> -> memref<1x10240x128xf32, #tpu.memory_space<hbm>>
    %dma_start3A_69 = tpu.memref_squeeze %dma_start3A_68 : memref<1x10240x128xf32, #tpu.memory_space<hbm>> -> memref<10240x128xf32, #tpu.memory_space<hbm>>
    %dma_start3A_70 = arith.constant 0 : i32
    %dma_start3A_71 = arith.constant 0 : i32
    %dma_start3A_72 = tpu.memref_slice %dma_start3A_69[%dma_start3A_70, %dma_start3A_71] : memref<10240x128xf32, #tpu.memory_space<hbm>> -> memref<10240x128xf32, #tpu.memory_space<hbm>>
    tpu.enqueue_indirect_dma source(%dma_start3A_72 : memref<10240x128xf32, #tpu.memory_space<hbm>>) target(%arg8 : memref<128x128xf32, #tpu.memory_space<vmem>>) offsets(%dma_start3A_65 : memref<128xi32, #tpu.memory_space<vmem>>) semaphore(%arg10 : memref<!tpu.dma_semaphore, #tpu.memory_space<semaphore_mem>>)
    %mul3A_73 = arith.constant 640 : i32
    %mul3A_74 = arith.muli %arg1, %mul3A_73 : i32
    "tpu.region"() ({
      %run_scoped3A = tpu.sem_alloc : memref<!tpu.dma_semaphore, #tpu.memory_space<semaphore_mem>>
      %dma_start3A_90 = arith.constant 0 : i32
      %dma_start3A_91 = tpu.memref_slice %arg14[%mul3A_74, %dma_start3A_90] : memref<10240x128xf32, #tpu.memory_space<vmem_shared>> -> memref<640x128xf32, #tpu.memory_space<vmem_shared>>
      %dma_start3A_92 = arith.constant 0 : i32
      %dma_start3A_93 = tpu.memref_slice %arg2[%add3A_61, %mul3A_74, %dma_start3A_92] : memref<6x10240x128xf32, #tpu.memory_space<hbm>> -> memref<1x640x128xf32, #tpu.memory_space<hbm>>
      %dma_start3A_94 = tpu.memref_squeeze %dma_start3A_93 : memref<1x640x128xf32, #tpu.memory_space<hbm>> -> memref<640x128xf32, #tpu.memory_space<hbm>>
      tpu.enqueue_dma source(%dma_start3A_94 : memref<640x128xf32, #tpu.memory_space<hbm>>) target(%dma_start3A_91 : memref<640x128xf32, #tpu.memory_space<vmem_shared>>) target_semaphore(%run_scoped3A : memref<!tpu.dma_semaphore, #tpu.memory_space<semaphore_mem>>)
      %dma_wait3A_95 = arith.constant 0 : i32
      %dma_wait3A_96 = tpu.memref_slice %arg14[%mul3A_74, %dma_wait3A_95] : memref<10240x128xf32, #tpu.memory_space<vmem_shared>> -> memref<640x128xf32, #tpu.memory_space<vmem_shared>>
      %dma_wait3A_97 = arith.constant 0 : i32
      %dma_wait3A_98 = tpu.memref_slice %arg2[%add3A_61, %mul3A_74, %dma_wait3A_97] : memref<6x10240x128xf32, #tpu.memory_space<hbm>> -> memref<1x640x128xf32, #tpu.memory_space<hbm>>
      %dma_wait3A_99 = tpu.memref_squeeze %dma_wait3A_98 : memref<1x640x128xf32, #tpu.memory_space<hbm>> -> memref<640x128xf32, #tpu.memory_space<hbm>>
      tpu.wait_dma2 semaphore(%run_scoped3A : memref<!tpu.dma_semaphore, #tpu.memory_space<semaphore_mem>>) src(%dma_wait3A_99 : memref<640x128xf32, #tpu.memory_space<hbm>>) dst(%dma_wait3A_96 : memref<640x128xf32, #tpu.memory_space<vmem_shared>>)
      tpu.yield
    }) : () -> ()
    %barrier3A_75 = arith.constant 0 : index
    tpu.barrier barrier_id(%barrier3A_75)
    %scan3A_76 = arith.constant 0 : i32
    %scan3A_77 = arith.constant 25 : i32
    %scan3A_78 = arith.addi %scan3A_76, %scan3A_77 : i32
    %scan3A_79 = arith.constant 1 : i32
    scf.for %scan3A_90 = %scan3A_76 to %scan3A_78 step %scan3A_79  : i32 {
      %mul3A_91 = arith.constant 1 : i32
      %mul3A_92 = arith.muli %scan3A_90, %mul3A_91 : i32
      %add3A_93 = arith.constant 0 : i32
      %add3A_94 = arith.addi %add3A_93, %mul3A_92 : i32
      %mul3A_95 = arith.constant 2 : i32
      %mul3A_96 = arith.muli %mul3A_95, %add3A_94 : i32
      %add3A_97 = arith.constant 0 : i32
      %add3A_98 = arith.addi %mul3A_96, %add3A_97 : i32
      %gt3A = arith.constant 0 : i32
      %gt3A_99 = arith.cmpi sgt, %add3A_94, %gt3A : i32
      %convert_element_type3A = arith.extui %gt3A_99 : i1 to i32
      %cond3A = arith.constant 0 : i32
      %cond3A_100 = arith.cmpi ne, %convert_element_type3A, %cond3A : i32
      scf.if %cond3A_100 {
        %sub3A_160 = arith.constant 1 : i32
        %sub3A_161 = arith.subi %add3A_98, %sub3A_160 : i32
        %dma_wait3A_162 = arith.constant 0 : i32
        %dma_wait3A_163 = tpu.memref_slice %arg7[%sub3A_161, %dma_wait3A_162] : memref<50x128xi32, #tpu.memory_space<vmem>> -> memref<1x128xi32, #tpu.memory_space<vmem>>
        %dma_wait3A_164 = tpu.memref_squeeze %dma_wait3A_163 : memref<1x128xi32, #tpu.memory_space<vmem>> -> memref<128xi32, #tpu.memory_space<vmem>>
        %dma_wait3A_165 = arith.constant 0 : i32
        %dma_wait3A_166 = arith.constant 0 : i32
        %dma_wait3A_167 = tpu.memref_slice %arg14[%dma_wait3A_165, %dma_wait3A_166] : memref<10240x128xf32, #tpu.memory_space<vmem_shared>> -> memref<10240x128xf32, #tpu.memory_space<vmem_shared>>
        tpu.wait_indirect_dma semaphore(%arg13 : memref<!tpu.dma_semaphore, #tpu.memory_space<semaphore_mem>>) src(%arg9 : memref<128x128xf32, #tpu.memory_space<vmem>>) dst(%dma_wait3A_167 : memref<10240x128xf32, #tpu.memory_space<vmem_shared>>)
      } else {
      }
      %add3A_101 = arith.constant 1 : i32
      %add3A_102 = arith.addi %add3A_98, %add3A_101 : i32
      %dma_start3A_103 = arith.constant 0 : i32
      %dma_start3A_104 = tpu.memref_slice %arg6[%add3A_102, %dma_start3A_103] : memref<50x128xi32, #tpu.memory_space<vmem>> -> memref<1x128xi32, #tpu.memory_space<vmem>>
      %dma_start3A_105 = tpu.memref_squeeze %dma_start3A_104 : memref<1x128xi32, #tpu.memory_space<vmem>> -> memref<128xi32, #tpu.memory_space<vmem>>
      %dma_start3A_106 = arith.constant 0 : i32
      %dma_start3A_107 = arith.constant 0 : i32
      %dma_start3A_108 = tpu.memref_slice %arg2[%add3A_61, %dma_start3A_106, %dma_start3A_107] : memref<6x10240x128xf32, #tpu.memory_space<hbm>> -> memref<1x10240x128xf32, #tpu.memory_space<hbm>>
      %dma_start3A_109 = tpu.memref_squeeze %dma_start3A_108 : memref<1x10240x128xf32, #tpu.memory_space<hbm>> -> memref<10240x128xf32, #tpu.memory_space<hbm>>
      %dma_start3A_110 = arith.constant 0 : i32
      %dma_start3A_111 = arith.constant 0 : i32
      %dma_start3A_112 = tpu.memref_slice %dma_start3A_109[%dma_start3A_110, %dma_start3A_111] : memref<10240x128xf32, #tpu.memory_space<hbm>> -> memref<10240x128xf32, #tpu.memory_space<hbm>>
      tpu.enqueue_indirect_dma source(%dma_start3A_112 : memref<10240x128xf32, #tpu.memory_space<hbm>>) target(%arg9 : memref<128x128xf32, #tpu.memory_space<vmem>>) offsets(%dma_start3A_105 : memref<128xi32, #tpu.memory_space<vmem>>) semaphore(%arg11 : memref<!tpu.dma_semaphore, #tpu.memory_space<semaphore_mem>>)
      %dma_wait3A_113 = arith.constant 0 : i32
      %dma_wait3A_114 = tpu.memref_slice %arg6[%add3A_98, %dma_wait3A_113] : memref<50x128xi32, #tpu.memory_space<vmem>> -> memref<1x128xi32, #tpu.memory_space<vmem>>
      %dma_wait3A_115 = tpu.memref_squeeze %dma_wait3A_114 : memref<1x128xi32, #tpu.memory_space<vmem>> -> memref<128xi32, #tpu.memory_space<vmem>>
      %dma_wait3A_116 = arith.constant 0 : i32
      %dma_wait3A_117 = arith.constant 0 : i32
      %dma_wait3A_118 = tpu.memref_slice %arg2[%add3A_61, %dma_wait3A_116, %dma_wait3A_117] : memref<6x10240x128xf32, #tpu.memory_space<hbm>> -> memref<1x10240x128xf32, #tpu.memory_space<hbm>>
      %dma_wait3A_119 = tpu.memref_squeeze %dma_wait3A_118 : memref<1x10240x128xf32, #tpu.memory_space<hbm>> -> memref<10240x128xf32, #tpu.memory_space<hbm>>
      %dma_wait3A_120 = arith.constant 0 : i32
      %dma_wait3A_121 = arith.constant 0 : i32
      %dma_wait3A_122 = tpu.memref_slice %dma_wait3A_119[%dma_wait3A_120, %dma_wait3A_121] : memref<10240x128xf32, #tpu.memory_space<hbm>> -> memref<10240x128xf32, #tpu.memory_space<hbm>>
      tpu.wait_indirect_dma semaphore(%arg10 : memref<!tpu.dma_semaphore, #tpu.memory_space<semaphore_mem>>) src(%dma_wait3A_122 : memref<10240x128xf32, #tpu.memory_space<hbm>>) dst(%arg8 : memref<128x128xf32, #tpu.memory_space<vmem>>)
      %dma_start3A_123 = arith.constant 0 : i32
      %dma_start3A_124 = tpu.memref_slice %arg7[%add3A_98, %dma_start3A_123] : memref<50x128xi32, #tpu.memory_space<vmem>> -> memref<1x128xi32, #tpu.memory_space<vmem>>
      %dma_start3A_125 = tpu.memref_squeeze %dma_start3A_124 : memref<1x128xi32, #tpu.memory_space<vmem>> -> memref<128xi32, #tpu.memory_space<vmem>>
      %dma_start3A_126 = arith.constant 0 : i32
      %dma_start3A_127 = arith.constant 0 : i32
      %dma_start3A_128 = tpu.memref_slice %arg14[%dma_start3A_126, %dma_start3A_127] : memref<10240x128xf32, #tpu.memory_space<vmem_shared>> -> memref<10240x128xf32, #tpu.memory_space<vmem_shared>>
      tpu.enqueue_indirect_dma source(%arg8 : memref<128x128xf32, #tpu.memory_space<vmem>>) target(%dma_start3A_128 : memref<10240x128xf32, #tpu.memory_space<vmem_shared>>) offsets(%dma_start3A_125 : memref<128xi32, #tpu.memory_space<vmem>>) semaphore(%arg12 : memref<!tpu.dma_semaphore, #tpu.memory_space<semaphore_mem>>) {add = true}
      %mul3A_129 = arith.constant 2 : i32
      %mul3A_130 = arith.muli %mul3A_129, %add3A_94 : i32
      %add3A_131 = arith.constant 1 : i32
      %add3A_132 = arith.addi %mul3A_130, %add3A_131 : i32
      %sub3A = arith.constant 1 : i32
      %sub3A_133 = arith.subi %add3A_132, %sub3A : i32
      %dma_wait3A_134 = arith.constant 0 : i32
      %dma_wait3A_135 = tpu.memref_slice %arg7[%sub3A_133, %dma_wait3A_134] : memref<50x128xi32, #tpu.memory_space<vmem>> -> memref<1x128xi32, #tpu.memory_space<vmem>>
      %dma_wait3A_136 = tpu.memref_squeeze %dma_wait3A_135 : memref<1x128xi32, #tpu.memory_space<vmem>> -> memref<128xi32, #tpu.memory_space<vmem>>
      %dma_wait3A_137 = arith.constant 0 : i32
      %dma_wait3A_138 = arith.constant 0 : i32
      %dma_wait3A_139 = tpu.memref_slice %arg14[%dma_wait3A_137, %dma_wait3A_138] : memref<10240x128xf32, #tpu.memory_space<vmem_shared>> -> memref<10240x128xf32, #tpu.memory_space<vmem_shared>>
      tpu.wait_indirect_dma semaphore(%arg12 : memref<!tpu.dma_semaphore, #tpu.memory_space<semaphore_mem>>) src(%arg8 : memref<128x128xf32, #tpu.memory_space<vmem>>) dst(%dma_wait3A_139 : memref<10240x128xf32, #tpu.memory_space<vmem_shared>>)
      %lt3A = arith.constant 24 : i32
      %lt3A_140 = arith.cmpi slt, %add3A_94, %lt3A : i32
      %convert_element_type3A_141 = arith.extui %lt3A_140 : i1 to i32
      %cond3A_142 = arith.constant 0 : i32
      %cond3A_143 = arith.cmpi ne, %convert_element_type3A_141, %cond3A_142 : i32
      scf.if %cond3A_143 {
        %add3A_160 = arith.constant 1 : i32
        %add3A_161 = arith.addi %add3A_132, %add3A_160 : i32
        %dma_start3A_162 = arith.constant 0 : i32
        %dma_start3A_163 = tpu.memref_slice %arg6[%add3A_161, %dma_start3A_162] : memref<50x128xi32, #tpu.memory_space<vmem>> -> memref<1x128xi32, #tpu.memory_space<vmem>>
        %dma_start3A_164 = tpu.memref_squeeze %dma_start3A_163 : memref<1x128xi32, #tpu.memory_space<vmem>> -> memref<128xi32, #tpu.memory_space<vmem>>
        %dma_start3A_165 = arith.constant 0 : i32
        %dma_start3A_166 = arith.constant 0 : i32
        %dma_start3A_167 = tpu.memref_slice %arg2[%add3A_61, %dma_start3A_165, %dma_start3A_166] : memref<6x10240x128xf32, #tpu.memory_space<hbm>> -> memref<1x10240x128xf32, #tpu.memory_space<hbm>>
        %dma_start3A_168 = tpu.memref_squeeze %dma_start3A_167 : memref<1x10240x128xf32, #tpu.memory_space<hbm>> -> memref<10240x128xf32, #tpu.memory_space<hbm>>
        %dma_start3A_169 = arith.constant 0 : i32
        %dma_start3A_170 = arith.constant 0 : i32
        %dma_start3A_171 = tpu.memref_slice %dma_start3A_168[%dma_start3A_169, %dma_start3A_170] : memref<10240x128xf32, #tpu.memory_space<hbm>> -> memref<10240x128xf32, #tpu.memory_space<hbm>>
        tpu.enqueue_indirect_dma source(%dma_start3A_171 : memref<10240x128xf32, #tpu.memory_space<hbm>>) target(%arg8 : memref<128x128xf32, #tpu.memory_space<vmem>>) offsets(%dma_start3A_164 : memref<128xi32, #tpu.memory_space<vmem>>) semaphore(%arg10 : memref<!tpu.dma_semaphore, #tpu.memory_space<semaphore_mem>>)
      } else {
      }
      %dma_wait3A_144 = arith.constant 0 : i32
      %dma_wait3A_145 = tpu.memref_slice %arg6[%add3A_132, %dma_wait3A_144] : memref<50x128xi32, #tpu.memory_space<vmem>> -> memref<1x128xi32, #tpu.memory_space<vmem>>
      %dma_wait3A_146 = tpu.memref_squeeze %dma_wait3A_145 : memref<1x128xi32, #tpu.memory_space<vmem>> -> memref<128xi32, #tpu.memory_space<vmem>>
      %dma_wait3A_147 = arith.constant 0 : i32
      %dma_wait3A_148 = arith.constant 0 : i32
      %dma_wait3A_149 = tpu.memref_slice %arg2[%add3A_61, %dma_wait3A_147, %dma_wait3A_148] : memref<6x10240x128xf32, #tpu.memory_space<hbm>> -> memref<1x10240x128xf32, #tpu.memory_space<hbm>>
      %dma_wait3A_150 = tpu.memref_squeeze %dma_wait3A_149 : memref<1x10240x128xf32, #tpu.memory_space<hbm>> -> memref<10240x128xf32, #tpu.memory_space<hbm>>
      %dma_wait3A_151 = arith.constant 0 : i32
      %dma_wait3A_152 = arith.constant 0 : i32
      %dma_wait3A_153 = tpu.memref_slice %dma_wait3A_150[%dma_wait3A_151, %dma_wait3A_152] : memref<10240x128xf32, #tpu.memory_space<hbm>> -> memref<10240x128xf32, #tpu.memory_space<hbm>>
      tpu.wait_indirect_dma semaphore(%arg11 : memref<!tpu.dma_semaphore, #tpu.memory_space<semaphore_mem>>) src(%dma_wait3A_153 : memref<10240x128xf32, #tpu.memory_space<hbm>>) dst(%arg9 : memref<128x128xf32, #tpu.memory_space<vmem>>)
      %dma_start3A_154 = arith.constant 0 : i32
      %dma_start3A_155 = tpu.memref_slice %arg7[%add3A_132, %dma_start3A_154] : memref<50x128xi32, #tpu.memory_space<vmem>> -> memref<1x128xi32, #tpu.memory_space<vmem>>
      %dma_start3A_156 = tpu.memref_squeeze %dma_start3A_155 : memref<1x128xi32, #tpu.memory_space<vmem>> -> memref<128xi32, #tpu.memory_space<vmem>>
      %dma_start3A_157 = arith.constant 0 : i32
      %dma_start3A_158 = arith.constant 0 : i32
      %dma_start3A_159 = tpu.memref_slice %arg14[%dma_start3A_157, %dma_start3A_158] : memref<10240x128xf32, #tpu.memory_space<vmem_shared>> -> memref<10240x128xf32, #tpu.memory_space<vmem_shared>>
      tpu.enqueue_indirect_dma source(%arg9 : memref<128x128xf32, #tpu.memory_space<vmem>>) target(%dma_start3A_159 : memref<10240x128xf32, #tpu.memory_space<vmem_shared>>) offsets(%dma_start3A_156 : memref<128xi32, #tpu.memory_space<vmem>>) semaphore(%arg13 : memref<!tpu.dma_semaphore, #tpu.memory_space<semaphore_mem>>) {add = true}
    }
    %scan3A_80 = arith.constant 25 : i32
    %dma_wait3A_81 = arith.constant 49 : i32
    %dma_wait3A_82 = arith.constant 0 : i32
    %dma_wait3A_83 = tpu.memref_slice %arg7[%dma_wait3A_81, %dma_wait3A_82] : memref<50x128xi32, #tpu.memory_space<vmem>> -> memref<1x128xi32, #tpu.memory_space<vmem>>
    %dma_wait3A_84 = tpu.memref_squeeze %dma_wait3A_83 : memref<1x128xi32, #tpu.memory_space<vmem>> -> memref<128xi32, #tpu.memory_space<vmem>>
    %dma_wait3A_85 = arith.constant 0 : i32
    %dma_wait3A_86 = arith.constant 0 : i32
    %dma_wait3A_87 = tpu.memref_slice %arg14[%dma_wait3A_85, %dma_wait3A_86] : memref<10240x128xf32, #tpu.memory_space<vmem_shared>> -> memref<10240x128xf32, #tpu.memory_space<vmem_shared>>
    tpu.wait_indirect_dma semaphore(%arg13 : memref<!tpu.dma_semaphore, #tpu.memory_space<semaphore_mem>>) src(%arg9 : memref<128x128xf32, #tpu.memory_space<vmem>>) dst(%dma_wait3A_87 : memref<10240x128xf32, #tpu.memory_space<vmem_shared>>)
    %barrier3A_88 = arith.constant 0 : index
    tpu.barrier barrier_id(%barrier3A_88)
    "tpu.region"() ({
      %run_scoped3A = tpu.sem_alloc : memref<!tpu.dma_semaphore, #tpu.memory_space<semaphore_mem>>
      %dma_start3A_90 = arith.constant 0 : i32
      %dma_start3A_91 = tpu.memref_slice %arg5[%add3A_61, %mul3A_74, %dma_start3A_90] : memref<6x10240x128xf32, #tpu.memory_space<hbm>> -> memref<1x640x128xf32, #tpu.memory_space<hbm>>
      %dma_start3A_92 = tpu.memref_squeeze %dma_start3A_91 : memref<1x640x128xf32, #tpu.memory_space<hbm>> -> memref<640x128xf32, #tpu.memory_space<hbm>>
      %dma_start3A_93 = arith.constant 0 : i32
      %dma_start3A_94 = tpu.memref_slice %arg14[%mul3A_74, %dma_start3A_93] : memref<10240x128xf32, #tpu.memory_space<vmem_shared>> -> memref<640x128xf32, #tpu.memory_space<vmem_shared>>
      tpu.enqueue_dma source(%dma_start3A_94 : memref<640x128xf32, #tpu.memory_space<vmem_shared>>) target(%dma_start3A_92 : memref<640x128xf32, #tpu.memory_space<hbm>>) target_semaphore(%run_scoped3A : memref<!tpu.dma_semaphore, #tpu.memory_space<semaphore_mem>>)
      %dma_wait3A_95 = arith.constant 0 : i32
      %dma_wait3A_96 = tpu.memref_slice %arg5[%add3A_61, %mul3A_74, %dma_wait3A_95] : memref<6x10240x128xf32, #tpu.memory_space<hbm>> -> memref<1x640x128xf32, #tpu.memory_space<hbm>>
      %dma_wait3A_97 = tpu.memref_squeeze %dma_wait3A_96 : memref<1x640x128xf32, #tpu.memory_space<hbm>> -> memref<640x128xf32, #tpu.memory_space<hbm>>
      %dma_wait3A_98 = arith.constant 0 : i32
      %dma_wait3A_99 = tpu.memref_slice %arg14[%mul3A_74, %dma_wait3A_98] : memref<10240x128xf32, #tpu.memory_space<vmem_shared>> -> memref<640x128xf32, #tpu.memory_space<vmem_shared>>
      tpu.wait_dma2 semaphore(%run_scoped3A : memref<!tpu.dma_semaphore, #tpu.memory_space<semaphore_mem>>) src(%dma_wait3A_99 : memref<640x128xf32, #tpu.memory_space<vmem_shared>>) dst(%dma_wait3A_97 : memref<640x128xf32, #tpu.memory_space<hbm>>)
      tpu.yield
    }) : () -> ()
    %barrier3A_89 = arith.constant 0 : index
    tpu.barrier barrier_id(%barrier3A_89)
    return
  }
}

module attributes {stable_mosaic.version = 14 : i64} {
  func.func @_mm_scale_body(%arg0: i32, %arg1: memref<512x768xbf16, #tpu.memory_space<vmem>>, %arg2: memref<768x768xbf16, #tpu.memory_space<vmem>>, %arg3: memref<512x1xf32, #tpu.memory_space<vmem>>, %arg4: memref<6x512x128xf32, #tpu.memory_space<vmem>>, %arg5: memref<512x1xf32, #tpu.memory_space<vmem>>) attributes {dimension_semantics = [#tpu.dimension_semantics<arbitrary>], iteration_bounds = array<i64: 20>, scalar_prefetch = 0 : i64, scratch_operands = 0 : i64, tpu.core_type = #tpu.core_type<tc>, window_params = [{transform_indices = @transform_0, window_bounds = array<i64: 512, 768>}, {pipeline_mode = #tpu.pipeline_mode<synchronous>, transform_indices = @transform_1, window_bounds = array<i64: 768, 768>}, {transform_indices = @transform_2, window_bounds = array<i64: 512, 1>}, {transform_indices = @transform_3, window_bounds = array<i64: 6, 512, 128>}, {transform_indices = @transform_4, window_bounds = array<i64: 512, 1>}]} {
    %get3A = arith.constant 0 : index
    %get3A_0 = arith.constant 0 : index
    %get3A_1 = vector.load %arg3[%get3A, %get3A_0] : memref<512x1xf32, #tpu.memory_space<vmem>>, vector<512x1xf32>
    %rsqrt3A = math.rsqrt %get3A_1 : vector<512x1xf32>
    %swap3A = arith.constant 0 : index
    %swap3A_2 = arith.constant 0 : index
    %swap3A_3 = vector.load %arg5[%swap3A, %swap3A_2] : memref<512x1xf32, #tpu.memory_space<vmem>>, vector<512x1xf32>
    tpu.vector_store %arg5[%swap3A, %swap3A_2], %rsqrt3A {strides = array<i32>} : memref<512x1xf32, #tpu.memory_space<vmem>>, vector<512x1xf32>,
    %get3A_4 = arith.constant 0 : index
    %get3A_5 = arith.constant 0 : index
    %get3A_6 = vector.load %arg1[%get3A_4, %get3A_5] : memref<512x768xbf16, #tpu.memory_space<vmem>>, vector<512x768xbf16>
    %get3A_7 = arith.constant 0 : index
    %get3A_8 = arith.constant 0 : index
    %get3A_9 = vector.load %arg2[%get3A_7, %get3A_8] : memref<768x768xbf16, #tpu.memory_space<vmem>>, vector<768x768xbf16>
    %dot_general3A = arith.constant dense<0.000000e+00> : vector<512x768xf32>
    %dot_general3A_10 = tpu.matmul %get3A_6, %get3A_9, %dot_general3A {dimension_numbers = #tpu.dot_dimension_numbers<[1], [0], [0], [1], [0, 0, 1, 1], [], []>, transpose_lhs_hint = false} : vector<512x768xbf16>, vector<768x768xbf16>, vector<512x768xf32> -> vector<512x768xf32>
    %mul3A = vector.broadcast %rsqrt3A : vector<512x1xf32> to vector<512x768xf32>
    %mul3A_11 = arith.mulf %dot_general3A_10, %mul3A : vector<512x768xf32>
    %slice3A = vector.extract_strided_slice %mul3A_11 {offsets = [0, 0], sizes = [512, 128], strides = [1, 1]} : vector<512x768xf32> to vector<512x128xf32>
    %swap3A_12 = arith.constant 0 : index
    %swap3A_13 = arith.constant 0 : index
    %swap3A_14 = arith.constant 0 : index
    %swap3A_15 = vector.load %arg4[%swap3A_12, %swap3A_13, %swap3A_14] : memref<6x512x128xf32, #tpu.memory_space<vmem>>, vector<1x512x128xf32>
    %swap3A_16 = vector.shape_cast %swap3A_15 : vector<1x512x128xf32> to vector<512x128xf32>
    %swap3A_17 = vector.shape_cast %slice3A : vector<512x128xf32> to vector<1x512x128xf32>
    tpu.vector_store %arg4[%swap3A_12, %swap3A_13, %swap3A_14], %swap3A_17 {strides = array<i32>} : memref<6x512x128xf32, #tpu.memory_space<vmem>>, vector<1x512x128xf32>,
    %slice3A_18 = vector.extract_strided_slice %mul3A_11 {offsets = [0, 128], sizes = [512, 128], strides = [1, 1]} : vector<512x768xf32> to vector<512x128xf32>
    %swap3A_19 = arith.constant 1 : index
    %swap3A_20 = arith.constant 0 : index
    %swap3A_21 = arith.constant 0 : index
    %swap3A_22 = vector.load %arg4[%swap3A_19, %swap3A_20, %swap3A_21] : memref<6x512x128xf32, #tpu.memory_space<vmem>>, vector<1x512x128xf32>
    %swap3A_23 = vector.shape_cast %swap3A_22 : vector<1x512x128xf32> to vector<512x128xf32>
    %swap3A_24 = vector.shape_cast %slice3A_18 : vector<512x128xf32> to vector<1x512x128xf32>
    tpu.vector_store %arg4[%swap3A_19, %swap3A_20, %swap3A_21], %swap3A_24 {strides = array<i32>} : memref<6x512x128xf32, #tpu.memory_space<vmem>>, vector<1x512x128xf32>,
    %slice3A_25 = vector.extract_strided_slice %mul3A_11 {offsets = [0, 256], sizes = [512, 128], strides = [1, 1]} : vector<512x768xf32> to vector<512x128xf32>
    %swap3A_26 = arith.constant 2 : index
    %swap3A_27 = arith.constant 0 : index
    %swap3A_28 = arith.constant 0 : index
    %swap3A_29 = vector.load %arg4[%swap3A_26, %swap3A_27, %swap3A_28] : memref<6x512x128xf32, #tpu.memory_space<vmem>>, vector<1x512x128xf32>
    %swap3A_30 = vector.shape_cast %swap3A_29 : vector<1x512x128xf32> to vector<512x128xf32>
    %swap3A_31 = vector.shape_cast %slice3A_25 : vector<512x128xf32> to vector<1x512x128xf32>
    tpu.vector_store %arg4[%swap3A_26, %swap3A_27, %swap3A_28], %swap3A_31 {strides = array<i32>} : memref<6x512x128xf32, #tpu.memory_space<vmem>>, vector<1x512x128xf32>,
    %slice3A_32 = vector.extract_strided_slice %mul3A_11 {offsets = [0, 384], sizes = [512, 128], strides = [1, 1]} : vector<512x768xf32> to vector<512x128xf32>
    %swap3A_33 = arith.constant 3 : index
    %swap3A_34 = arith.constant 0 : index
    %swap3A_35 = arith.constant 0 : index
    %swap3A_36 = vector.load %arg4[%swap3A_33, %swap3A_34, %swap3A_35] : memref<6x512x128xf32, #tpu.memory_space<vmem>>, vector<1x512x128xf32>
    %swap3A_37 = vector.shape_cast %swap3A_36 : vector<1x512x128xf32> to vector<512x128xf32>
    %swap3A_38 = vector.shape_cast %slice3A_32 : vector<512x128xf32> to vector<1x512x128xf32>
    tpu.vector_store %arg4[%swap3A_33, %swap3A_34, %swap3A_35], %swap3A_38 {strides = array<i32>} : memref<6x512x128xf32, #tpu.memory_space<vmem>>, vector<1x512x128xf32>,
    %slice3A_39 = vector.extract_strided_slice %mul3A_11 {offsets = [0, 512], sizes = [512, 128], strides = [1, 1]} : vector<512x768xf32> to vector<512x128xf32>
    %swap3A_40 = arith.constant 4 : index
    %swap3A_41 = arith.constant 0 : index
    %swap3A_42 = arith.constant 0 : index
    %swap3A_43 = vector.load %arg4[%swap3A_40, %swap3A_41, %swap3A_42] : memref<6x512x128xf32, #tpu.memory_space<vmem>>, vector<1x512x128xf32>
    %swap3A_44 = vector.shape_cast %swap3A_43 : vector<1x512x128xf32> to vector<512x128xf32>
    %swap3A_45 = vector.shape_cast %slice3A_39 : vector<512x128xf32> to vector<1x512x128xf32>
    tpu.vector_store %arg4[%swap3A_40, %swap3A_41, %swap3A_42], %swap3A_45 {strides = array<i32>} : memref<6x512x128xf32, #tpu.memory_space<vmem>>, vector<1x512x128xf32>,
    %slice3A_46 = vector.extract_strided_slice %mul3A_11 {offsets = [0, 640], sizes = [512, 128], strides = [1, 1]} : vector<512x768xf32> to vector<512x128xf32>
    %swap3A_47 = arith.constant 5 : index
    %swap3A_48 = arith.constant 0 : index
    %swap3A_49 = arith.constant 0 : index
    %swap3A_50 = vector.load %arg4[%swap3A_47, %swap3A_48, %swap3A_49] : memref<6x512x128xf32, #tpu.memory_space<vmem>>, vector<1x512x128xf32>
    %swap3A_51 = vector.shape_cast %swap3A_50 : vector<1x512x128xf32> to vector<512x128xf32>
    %swap3A_52 = vector.shape_cast %slice3A_46 : vector<512x128xf32> to vector<1x512x128xf32>
    tpu.vector_store %arg4[%swap3A_47, %swap3A_48, %swap3A_49], %swap3A_52 {strides = array<i32>} : memref<6x512x128xf32, #tpu.memory_space<vmem>>, vector<1x512x128xf32>,
    return
  }
  func.func @transform_0(%arg0: i32) -> (i32, i32) {
    %c0_i32 = arith.constant 0 : i32
    %c0_i32_0 = arith.constant 0 : i32
    return %arg0, %c0_i32 : i32, i32
  }
  func.func @transform_1(%arg0: i32) -> (i32, i32) {
    %c0_i32 = arith.constant 0 : i32
    %c0_i32_0 = arith.constant 0 : i32
    %c0_i32_1 = arith.constant 0 : i32
    return %c0_i32, %c0_i32_0 : i32, i32
  }
  func.func @transform_2(%arg0: i32) -> (i32, i32) {
    %c0_i32 = arith.constant 0 : i32
    %c0_i32_0 = arith.constant 0 : i32
    return %arg0, %c0_i32 : i32, i32
  }
  func.func @transform_3(%arg0: i32) -> (i32, i32, i32) {
    %c0_i32 = arith.constant 0 : i32
    %c0_i32_0 = arith.constant 0 : i32
    %c0_i32_1 = arith.constant 0 : i32
    return %c0_i32, %arg0, %c0_i32_0 : i32, i32, i32
  }
  func.func @transform_4(%arg0: i32) -> (i32, i32) {
    %c0_i32 = arith.constant 0 : i32
    %c0_i32_0 = arith.constant 0 : i32
    return %arg0, %c0_i32 : i32, i32
  }
}

module attributes {stable_mosaic.version = 14 : i64} {
  func.func @_layer2_body(%arg0: i32, %arg1: memref<6x512x128xf32, #tpu.memory_space<vmem>>, %arg2: memref<512x1xf32, #tpu.memory_space<vmem>>, %arg3: memref<1x768xf32, #tpu.memory_space<vmem>>, %arg4: memref<768x768xbf16, #tpu.memory_space<vmem>>, %arg5: memref<6x512x128xf32, #tpu.memory_space<vmem>>) attributes {dimension_semantics = [#tpu.dimension_semantics<arbitrary>], iteration_bounds = array<i64: 20>, scalar_prefetch = 0 : i64, scratch_operands = 0 : i64, tpu.core_type = #tpu.core_type<tc>, window_params = [{transform_indices = @transform_0, window_bounds = array<i64: 6, 512, 128>}, {transform_indices = @transform_1, window_bounds = array<i64: 512, 1>}, {pipeline_mode = #tpu.pipeline_mode<synchronous>, transform_indices = @transform_2, window_bounds = array<i64: 1, 768>}, {pipeline_mode = #tpu.pipeline_mode<synchronous>, transform_indices = @transform_3, window_bounds = array<i64: 768, 768>}, {transform_indices = @transform_4, window_bounds = array<i64: 6, 512, 128>}]} {
    %get3A = arith.constant 0 : index
    %get3A_0 = arith.constant 0 : index
    %get3A_1 = arith.constant 0 : index
    %get3A_2 = vector.load %arg1[%get3A, %get3A_0, %get3A_1] : memref<6x512x128xf32, #tpu.memory_space<vmem>>, vector<1x512x128xf32>
    %get3A_3 = vector.shape_cast %get3A_2 : vector<1x512x128xf32> to vector<512x128xf32>
    %get3A_4 = arith.constant 1 : index
    %get3A_5 = arith.constant 0 : index
    %get3A_6 = arith.constant 0 : index
    %get3A_7 = vector.load %arg1[%get3A_4, %get3A_5, %get3A_6] : memref<6x512x128xf32, #tpu.memory_space<vmem>>, vector<1x512x128xf32>
    %get3A_8 = vector.shape_cast %get3A_7 : vector<1x512x128xf32> to vector<512x128xf32>
    %get3A_9 = arith.constant 2 : index
    %get3A_10 = arith.constant 0 : index
    %get3A_11 = arith.constant 0 : index
    %get3A_12 = vector.load %arg1[%get3A_9, %get3A_10, %get3A_11] : memref<6x512x128xf32, #tpu.memory_space<vmem>>, vector<1x512x128xf32>
    %get3A_13 = vector.shape_cast %get3A_12 : vector<1x512x128xf32> to vector<512x128xf32>
    %get3A_14 = arith.constant 3 : index
    %get3A_15 = arith.constant 0 : index
    %get3A_16 = arith.constant 0 : index
    %get3A_17 = vector.load %arg1[%get3A_14, %get3A_15, %get3A_16] : memref<6x512x128xf32, #tpu.memory_space<vmem>>, vector<1x512x128xf32>
    %get3A_18 = vector.shape_cast %get3A_17 : vector<1x512x128xf32> to vector<512x128xf32>
    %get3A_19 = arith.constant 4 : index
    %get3A_20 = arith.constant 0 : index
    %get3A_21 = arith.constant 0 : index
    %get3A_22 = vector.load %arg1[%get3A_19, %get3A_20, %get3A_21] : memref<6x512x128xf32, #tpu.memory_space<vmem>>, vector<1x512x128xf32>
    %get3A_23 = vector.shape_cast %get3A_22 : vector<1x512x128xf32> to vector<512x128xf32>
    %get3A_24 = arith.constant 5 : index
    %get3A_25 = arith.constant 0 : index
    %get3A_26 = arith.constant 0 : index
    %get3A_27 = vector.load %arg1[%get3A_24, %get3A_25, %get3A_26] : memref<6x512x128xf32, #tpu.memory_space<vmem>>, vector<1x512x128xf32>
    %get3A_28 = vector.shape_cast %get3A_27 : vector<1x512x128xf32> to vector<512x128xf32>
    %concatenate3A = tpu.concatenate %get3A_3, %get3A_8, %get3A_13, %get3A_18, %get3A_23, %get3A_28 in 1 : vector<512x128xf32>, vector<512x128xf32>, vector<512x128xf32>, vector<512x128xf32>, vector<512x128xf32>, vector<512x128xf32> -> vector<512x768xf32>
    %get3A_29 = arith.constant 0 : index
    %get3A_30 = arith.constant 0 : index
    %get3A_31 = vector.load %arg2[%get3A_29, %get3A_30] : memref<512x1xf32, #tpu.memory_space<vmem>>, vector<512x1xf32>
    %mul3A = vector.broadcast %get3A_31 : vector<512x1xf32> to vector<512x768xf32>
    %mul3A_32 = arith.mulf %mul3A, %concatenate3A : vector<512x768xf32>
    %get3A_33 = arith.constant 0 : index
    %get3A_34 = arith.constant 0 : index
    %get3A_35 = vector.load %arg3[%get3A_33, %get3A_34] : memref<1x768xf32, #tpu.memory_space<vmem>>, vector<1x768xf32>
    %add3A = vector.broadcast %get3A_35 : vector<1x768xf32> to vector<512x768xf32>
    %add3A_36 = arith.addf %mul3A_32, %add3A : vector<512x768xf32>
    %max3A = arith.constant 0.000000e+00 : f32
    %max3A_37 = vector.broadcast %max3A : f32 to vector<512x768xf32>
    %max3A_38 = arith.maximumf %add3A_36, %max3A_37 : vector<512x768xf32>
    %convert_element_type3A = arith.truncf %max3A_38 : vector<512x768xf32> to vector<512x768xbf16>
    %get3A_39 = arith.constant 0 : index
    %get3A_40 = arith.constant 0 : index
    %get3A_41 = vector.load %arg4[%get3A_39, %get3A_40] : memref<768x768xbf16, #tpu.memory_space<vmem>>, vector<768x768xbf16>
    %dot_general3A = arith.constant dense<0.000000e+00> : vector<512x768xf32>
    %dot_general3A_42 = tpu.matmul %convert_element_type3A, %get3A_41, %dot_general3A {dimension_numbers = #tpu.dot_dimension_numbers<[1], [0], [0], [1], [0, 0, 1, 1], [], []>, transpose_lhs_hint = false} : vector<512x768xbf16>, vector<768x768xbf16>, vector<512x768xf32> -> vector<512x768xf32>
    %get3A_43 = arith.constant 0 : index
    %get3A_44 = arith.constant 0 : index
    %get3A_45 = vector.load %arg2[%get3A_43, %get3A_44] : memref<512x1xf32, #tpu.memory_space<vmem>>, vector<512x1xf32>
    %mul3A_46 = vector.broadcast %get3A_45 : vector<512x1xf32> to vector<512x768xf32>
    %mul3A_47 = arith.mulf %dot_general3A_42, %mul3A_46 : vector<512x768xf32>
    %slice3A = vector.extract_strided_slice %mul3A_47 {offsets = [0, 0], sizes = [512, 128], strides = [1, 1]} : vector<512x768xf32> to vector<512x128xf32>
    %swap3A = arith.constant 0 : index
    %swap3A_48 = arith.constant 0 : index
    %swap3A_49 = arith.constant 0 : index
    %swap3A_50 = vector.load %arg5[%swap3A, %swap3A_48, %swap3A_49] : memref<6x512x128xf32, #tpu.memory_space<vmem>>, vector<1x512x128xf32>
    %swap3A_51 = vector.shape_cast %swap3A_50 : vector<1x512x128xf32> to vector<512x128xf32>
    %swap3A_52 = vector.shape_cast %slice3A : vector<512x128xf32> to vector<1x512x128xf32>
    tpu.vector_store %arg5[%swap3A, %swap3A_48, %swap3A_49], %swap3A_52 {strides = array<i32>} : memref<6x512x128xf32, #tpu.memory_space<vmem>>, vector<1x512x128xf32>,
    %slice3A_53 = vector.extract_strided_slice %mul3A_47 {offsets = [0, 128], sizes = [512, 128], strides = [1, 1]} : vector<512x768xf32> to vector<512x128xf32>
    %swap3A_54 = arith.constant 1 : index
    %swap3A_55 = arith.constant 0 : index
    %swap3A_56 = arith.constant 0 : index
    %swap3A_57 = vector.load %arg5[%swap3A_54, %swap3A_55, %swap3A_56] : memref<6x512x128xf32, #tpu.memory_space<vmem>>, vector<1x512x128xf32>
    %swap3A_58 = vector.shape_cast %swap3A_57 : vector<1x512x128xf32> to vector<512x128xf32>
    %swap3A_59 = vector.shape_cast %slice3A_53 : vector<512x128xf32> to vector<1x512x128xf32>
    tpu.vector_store %arg5[%swap3A_54, %swap3A_55, %swap3A_56], %swap3A_59 {strides = array<i32>} : memref<6x512x128xf32, #tpu.memory_space<vmem>>, vector<1x512x128xf32>,
    %slice3A_60 = vector.extract_strided_slice %mul3A_47 {offsets = [0, 256], sizes = [512, 128], strides = [1, 1]} : vector<512x768xf32> to vector<512x128xf32>
    %swap3A_61 = arith.constant 2 : index
    %swap3A_62 = arith.constant 0 : index
    %swap3A_63 = arith.constant 0 : index
    %swap3A_64 = vector.load %arg5[%swap3A_61, %swap3A_62, %swap3A_63] : memref<6x512x128xf32, #tpu.memory_space<vmem>>, vector<1x512x128xf32>
    %swap3A_65 = vector.shape_cast %swap3A_64 : vector<1x512x128xf32> to vector<512x128xf32>
    %swap3A_66 = vector.shape_cast %slice3A_60 : vector<512x128xf32> to vector<1x512x128xf32>
    tpu.vector_store %arg5[%swap3A_61, %swap3A_62, %swap3A_63], %swap3A_66 {strides = array<i32>} : memref<6x512x128xf32, #tpu.memory_space<vmem>>, vector<1x512x128xf32>,
    %slice3A_67 = vector.extract_strided_slice %mul3A_47 {offsets = [0, 384], sizes = [512, 128], strides = [1, 1]} : vector<512x768xf32> to vector<512x128xf32>
    %swap3A_68 = arith.constant 3 : index
    %swap3A_69 = arith.constant 0 : index
    %swap3A_70 = arith.constant 0 : index
    %swap3A_71 = vector.load %arg5[%swap3A_68, %swap3A_69, %swap3A_70] : memref<6x512x128xf32, #tpu.memory_space<vmem>>, vector<1x512x128xf32>
    %swap3A_72 = vector.shape_cast %swap3A_71 : vector<1x512x128xf32> to vector<512x128xf32>
    %swap3A_73 = vector.shape_cast %slice3A_67 : vector<512x128xf32> to vector<1x512x128xf32>
    tpu.vector_store %arg5[%swap3A_68, %swap3A_69, %swap3A_70], %swap3A_73 {strides = array<i32>} : memref<6x512x128xf32, #tpu.memory_space<vmem>>, vector<1x512x128xf32>,
    %slice3A_74 = vector.extract_strided_slice %mul3A_47 {offsets = [0, 512], sizes = [512, 128], strides = [1, 1]} : vector<512x768xf32> to vector<512x128xf32>
    %swap3A_75 = arith.constant 4 : index
    %swap3A_76 = arith.constant 0 : index
    %swap3A_77 = arith.constant 0 : index
    %swap3A_78 = vector.load %arg5[%swap3A_75, %swap3A_76, %swap3A_77] : memref<6x512x128xf32, #tpu.memory_space<vmem>>, vector<1x512x128xf32>
    %swap3A_79 = vector.shape_cast %swap3A_78 : vector<1x512x128xf32> to vector<512x128xf32>
    %swap3A_80 = vector.shape_cast %slice3A_74 : vector<512x128xf32> to vector<1x512x128xf32>
    tpu.vector_store %arg5[%swap3A_75, %swap3A_76, %swap3A_77], %swap3A_80 {strides = array<i32>} : memref<6x512x128xf32, #tpu.memory_space<vmem>>, vector<1x512x128xf32>,
    %slice3A_81 = vector.extract_strided_slice %mul3A_47 {offsets = [0, 640], sizes = [512, 128], strides = [1, 1]} : vector<512x768xf32> to vector<512x128xf32>
    %swap3A_82 = arith.constant 5 : index
    %swap3A_83 = arith.constant 0 : index
    %swap3A_84 = arith.constant 0 : index
    %swap3A_85 = vector.load %arg5[%swap3A_82, %swap3A_83, %swap3A_84] : memref<6x512x128xf32, #tpu.memory_space<vmem>>, vector<1x512x128xf32>
    %swap3A_86 = vector.shape_cast %swap3A_85 : vector<1x512x128xf32> to vector<512x128xf32>
    %swap3A_87 = vector.shape_cast %slice3A_81 : vector<512x128xf32> to vector<1x512x128xf32>
    tpu.vector_store %arg5[%swap3A_82, %swap3A_83, %swap3A_84], %swap3A_87 {strides = array<i32>} : memref<6x512x128xf32, #tpu.memory_space<vmem>>, vector<1x512x128xf32>,
    return
  }
  func.func @transform_0(%arg0: i32) -> (i32, i32, i32) {
    %c0_i32 = arith.constant 0 : i32
    %c0_i32_0 = arith.constant 0 : i32
    %c0_i32_1 = arith.constant 0 : i32
    return %c0_i32, %arg0, %c0_i32_0 : i32, i32, i32
  }
  func.func @transform_1(%arg0: i32) -> (i32, i32) {
    %c0_i32 = arith.constant 0 : i32
    %c0_i32_0 = arith.constant 0 : i32
    return %arg0, %c0_i32 : i32, i32
  }
  func.func @transform_2(%arg0: i32) -> (i32, i32) {
    %c0_i32 = arith.constant 0 : i32
    %c0_i32_0 = arith.constant 0 : i32
    %c0_i32_1 = arith.constant 0 : i32
    return %c0_i32, %c0_i32_0 : i32, i32
  }
  func.func @transform_3(%arg0: i32) -> (i32, i32) {
    %c0_i32 = arith.constant 0 : i32
    %c0_i32_0 = arith.constant 0 : i32
    %c0_i32_1 = arith.constant 0 : i32
    return %c0_i32, %c0_i32_0 : i32, i32
  }
  func.func @transform_4(%arg0: i32) -> (i32, i32, i32) {
    %c0_i32 = arith.constant 0 : i32
    %c0_i32_0 = arith.constant 0 : i32
    %c0_i32_1 = arith.constant 0 : i32
    return %c0_i32, %arg0, %c0_i32_0 : i32, i32, i32
  }
}

module attributes {stable_mosaic.version = 14 : i64} {
  func.func @_head_body(%arg0: i32, %arg1: memref<6x512x128xf32, #tpu.memory_space<vmem>>, %arg2: memref<6x512x128xf32, #tpu.memory_space<vmem>>, %arg3: memref<512x1xf32, #tpu.memory_space<vmem>>, %arg4: memref<512x1xf32, #tpu.memory_space<vmem>>, %arg5: memref<1x768xf32, #tpu.memory_space<vmem>>, %arg6: memref<768x128xbf16, #tpu.memory_space<vmem>>, %arg7: memref<1x128xf32, #tpu.memory_space<vmem>>, %arg8: memref<1x128xf32, #tpu.memory_space<vmem>>, %arg9: memref<1x1xf32, #tpu.memory_space<vmem>>, %arg10: memref<512x1xf32, #tpu.memory_space<vmem>>) attributes {dimension_semantics = [#tpu.dimension_semantics<arbitrary>], iteration_bounds = array<i64: 16>, scalar_prefetch = 0 : i64, scratch_operands = 0 : i64, tpu.core_type = #tpu.core_type<tc>, window_params = [{transform_indices = @transform_0, window_bounds = array<i64: 6, 512, 128>}, {transform_indices = @transform_1, window_bounds = array<i64: 6, 512, 128>}, {transform_indices = @transform_2, window_bounds = array<i64: 512, 1>}, {transform_indices = @transform_3, window_bounds = array<i64: 512, 1>}, {pipeline_mode = #tpu.pipeline_mode<synchronous>, transform_indices = @transform_4, window_bounds = array<i64: 1, 768>}, {pipeline_mode = #tpu.pipeline_mode<synchronous>, transform_indices = @transform_5, window_bounds = array<i64: 768, 128>}, {pipeline_mode = #tpu.pipeline_mode<synchronous>, transform_indices = @transform_6, window_bounds = array<i64: 1, 128>}, {pipeline_mode = #tpu.pipeline_mode<synchronous>, transform_indices = @transform_7, window_bounds = array<i64: 1, 128>}, {pipeline_mode = #tpu.pipeline_mode<synchronous>, transform_indices = @transform_8, window_bounds = array<i64: 1, 1>}, {transform_indices = @transform_9, window_bounds = array<i64: 512, 1>}]} {
    %get3A = arith.constant 0 : index
    %get3A_0 = arith.constant 0 : index
    %get3A_1 = arith.constant 0 : index
    %get3A_2 = vector.load %arg1[%get3A, %get3A_0, %get3A_1] : memref<6x512x128xf32, #tpu.memory_space<vmem>>, vector<1x512x128xf32>
    %get3A_3 = vector.shape_cast %get3A_2 : vector<1x512x128xf32> to vector<512x128xf32>
    %get3A_4 = arith.constant 1 : index
    %get3A_5 = arith.constant 0 : index
    %get3A_6 = arith.constant 0 : index
    %get3A_7 = vector.load %arg1[%get3A_4, %get3A_5, %get3A_6] : memref<6x512x128xf32, #tpu.memory_space<vmem>>, vector<1x512x128xf32>
    %get3A_8 = vector.shape_cast %get3A_7 : vector<1x512x128xf32> to vector<512x128xf32>
    %get3A_9 = arith.constant 2 : index
    %get3A_10 = arith.constant 0 : index
    %get3A_11 = arith.constant 0 : index
    %get3A_12 = vector.load %arg1[%get3A_9, %get3A_10, %get3A_11] : memref<6x512x128xf32, #tpu.memory_space<vmem>>, vector<1x512x128xf32>
    %get3A_13 = vector.shape_cast %get3A_12 : vector<1x512x128xf32> to vector<512x128xf32>
    %get3A_14 = arith.constant 3 : index
    %get3A_15 = arith.constant 0 : index
    %get3A_16 = arith.constant 0 : index
    %get3A_17 = vector.load %arg1[%get3A_14, %get3A_15, %get3A_16] : memref<6x512x128xf32, #tpu.memory_space<vmem>>, vector<1x512x128xf32>
    %get3A_18 = vector.shape_cast %get3A_17 : vector<1x512x128xf32> to vector<512x128xf32>
    %get3A_19 = arith.constant 4 : index
    %get3A_20 = arith.constant 0 : index
    %get3A_21 = arith.constant 0 : index
    %get3A_22 = vector.load %arg1[%get3A_19, %get3A_20, %get3A_21] : memref<6x512x128xf32, #tpu.memory_space<vmem>>, vector<1x512x128xf32>
    %get3A_23 = vector.shape_cast %get3A_22 : vector<1x512x128xf32> to vector<512x128xf32>
    %get3A_24 = arith.constant 5 : index
    %get3A_25 = arith.constant 0 : index
    %get3A_26 = arith.constant 0 : index
    %get3A_27 = vector.load %arg1[%get3A_24, %get3A_25, %get3A_26] : memref<6x512x128xf32, #tpu.memory_space<vmem>>, vector<1x512x128xf32>
    %get3A_28 = vector.shape_cast %get3A_27 : vector<1x512x128xf32> to vector<512x128xf32>
    %concatenate3A = tpu.concatenate %get3A_3, %get3A_8, %get3A_13, %get3A_18, %get3A_23, %get3A_28 in 1 : vector<512x128xf32>, vector<512x128xf32>, vector<512x128xf32>, vector<512x128xf32>, vector<512x128xf32>, vector<512x128xf32> -> vector<512x768xf32>
    %get3A_29 = arith.constant 0 : index
    %get3A_30 = arith.constant 0 : index
    %get3A_31 = arith.constant 0 : index
    %get3A_32 = vector.load %arg2[%get3A_29, %get3A_30, %get3A_31] : memref<6x512x128xf32, #tpu.memory_space<vmem>>, vector<1x512x128xf32>
    %get3A_33 = vector.shape_cast %get3A_32 : vector<1x512x128xf32> to vector<512x128xf32>
    %get3A_34 = arith.constant 1 : index
    %get3A_35 = arith.constant 0 : index
    %get3A_36 = arith.constant 0 : index
    %get3A_37 = vector.load %arg2[%get3A_34, %get3A_35, %get3A_36] : memref<6x512x128xf32, #tpu.memory_space<vmem>>, vector<1x512x128xf32>
    %get3A_38 = vector.shape_cast %get3A_37 : vector<1x512x128xf32> to vector<512x128xf32>
    %get3A_39 = arith.constant 2 : index
    %get3A_40 = arith.constant 0 : index
    %get3A_41 = arith.constant 0 : index
    %get3A_42 = vector.load %arg2[%get3A_39, %get3A_40, %get3A_41] : memref<6x512x128xf32, #tpu.memory_space<vmem>>, vector<1x512x128xf32>
    %get3A_43 = vector.shape_cast %get3A_42 : vector<1x512x128xf32> to vector<512x128xf32>
    %get3A_44 = arith.constant 3 : index
    %get3A_45 = arith.constant 0 : index
    %get3A_46 = arith.constant 0 : index
    %get3A_47 = vector.load %arg2[%get3A_44, %get3A_45, %get3A_46] : memref<6x512x128xf32, #tpu.memory_space<vmem>>, vector<1x512x128xf32>
    %get3A_48 = vector.shape_cast %get3A_47 : vector<1x512x128xf32> to vector<512x128xf32>
    %get3A_49 = arith.constant 4 : index
    %get3A_50 = arith.constant 0 : index
    %get3A_51 = arith.constant 0 : index
    %get3A_52 = vector.load %arg2[%get3A_49, %get3A_50, %get3A_51] : memref<6x512x128xf32, #tpu.memory_space<vmem>>, vector<1x512x128xf32>
    %get3A_53 = vector.shape_cast %get3A_52 : vector<1x512x128xf32> to vector<512x128xf32>
    %get3A_54 = arith.constant 5 : index
    %get3A_55 = arith.constant 0 : index
    %get3A_56 = arith.constant 0 : index
    %get3A_57 = vector.load %arg2[%get3A_54, %get3A_55, %get3A_56] : memref<6x512x128xf32, #tpu.memory_space<vmem>>, vector<1x512x128xf32>
    %get3A_58 = vector.shape_cast %get3A_57 : vector<1x512x128xf32> to vector<512x128xf32>
    %concatenate3A_59 = tpu.concatenate %get3A_33, %get3A_38, %get3A_43, %get3A_48, %get3A_53, %get3A_58 in 1 : vector<512x128xf32>, vector<512x128xf32>, vector<512x128xf32>, vector<512x128xf32>, vector<512x128xf32>, vector<512x128xf32> -> vector<512x768xf32>
    %get3A_60 = arith.constant 0 : index
    %get3A_61 = arith.constant 0 : index
    %get3A_62 = vector.load %arg3[%get3A_60, %get3A_61] : memref<512x1xf32, #tpu.memory_space<vmem>>, vector<512x1xf32>
    %mul3A = vector.broadcast %get3A_62 : vector<512x1xf32> to vector<512x768xf32>
    %mul3A_63 = arith.mulf %mul3A, %concatenate3A : vector<512x768xf32>
    %get3A_64 = arith.constant 0 : index
    %get3A_65 = arith.constant 0 : index
    %get3A_66 = vector.load %arg5[%get3A_64, %get3A_65] : memref<1x768xf32, #tpu.memory_space<vmem>>, vector<1x768xf32>
    %add3A = vector.broadcast %get3A_66 : vector<1x768xf32> to vector<512x768xf32>
    %add3A_67 = arith.addf %mul3A_63, %add3A : vector<512x768xf32>
    %get3A_68 = arith.constant 0 : index
    %get3A_69 = arith.constant 0 : index
    %get3A_70 = vector.load %arg4[%get3A_68, %get3A_69] : memref<512x1xf32, #tpu.memory_space<vmem>>, vector<512x1xf32>
    %mul3A_71 = vector.broadcast %get3A_70 : vector<512x1xf32> to vector<512x768xf32>
    %mul3A_72 = arith.mulf %mul3A_71, %concatenate3A_59 : vector<512x768xf32>
    %get3A_73 = arith.constant 0 : index
    %get3A_74 = arith.constant 0 : index
    %get3A_75 = vector.load %arg5[%get3A_73, %get3A_74] : memref<1x768xf32, #tpu.memory_space<vmem>>, vector<1x768xf32>
    %add3A_76 = vector.broadcast %get3A_75 : vector<1x768xf32> to vector<512x768xf32>
    %add3A_77 = arith.addf %mul3A_72, %add3A_76 : vector<512x768xf32>
    %mul3A_78 = arith.mulf %add3A_67, %add3A_77 : vector<512x768xf32>
    %convert_element_type3A = arith.truncf %mul3A_78 : vector<512x768xf32> to vector<512x768xbf16>
    %get3A_79 = arith.constant 0 : index
    %get3A_80 = arith.constant 0 : index
    %get3A_81 = vector.load %arg6[%get3A_79, %get3A_80] : memref<768x128xbf16, #tpu.memory_space<vmem>>, vector<768x128xbf16>
    %dot_general3A = arith.constant dense<0.000000e+00> : vector<512x128xf32>
    %dot_general3A_82 = tpu.matmul %convert_element_type3A, %get3A_81, %dot_general3A {dimension_numbers = #tpu.dot_dimension_numbers<[1], [0], [0], [1], [0, 0, 1, 1], [], []>, transpose_lhs_hint = false} : vector<512x768xbf16>, vector<768x128xbf16>, vector<512x128xf32> -> vector<512x128xf32>
    %get3A_83 = arith.constant 0 : index
    %get3A_84 = arith.constant 0 : index
    %get3A_85 = vector.load %arg7[%get3A_83, %get3A_84] : memref<1x128xf32, #tpu.memory_space<vmem>>, vector<1x128xf32>
    %add3A_86 = vector.broadcast %get3A_85 : vector<1x128xf32> to vector<512x128xf32>
    %add3A_87 = arith.addf %dot_general3A_82, %add3A_86 : vector<512x128xf32>
    %max3A = arith.constant 0.000000e+00 : f32
    %max3A_88 = vector.broadcast %max3A : f32 to vector<512x128xf32>
    %max3A_89 = arith.maximumf %add3A_87, %max3A_88 : vector<512x128xf32>
    %get3A_90 = arith.constant 0 : index
    %get3A_91 = arith.constant 0 : index
    %get3A_92 = vector.load %arg8[%get3A_90, %get3A_91] : memref<1x128xf32, #tpu.memory_space<vmem>>, vector<1x128xf32>
    %mul3A_93 = vector.broadcast %get3A_92 : vector<1x128xf32> to vector<512x128xf32>
    %mul3A_94 = arith.mulf %max3A_89, %mul3A_93 : vector<512x128xf32>
    %reduce_sum3A = arith.constant dense<0.000000e+00> : vector<512xf32>
    %reduce_sum3A_95 = vector.multi_reduction <add>, %mul3A_94, %reduce_sum3A [1] : vector<512x128xf32> to vector<512xf32>
    %broadcast_in_dim3A = vector.shape_cast %reduce_sum3A_95 : vector<512xf32> to vector<512x1xf32>
    %get3A_96 = arith.constant 0 : index
    %get3A_97 = arith.constant 0 : index
    %get3A_98 = vector.load %arg9[%get3A_96, %get3A_97] : memref<1x1xf32, #tpu.memory_space<vmem>>, vector<1x1xf32>
    %add3A_99 = vector.broadcast %get3A_98 : vector<1x1xf32> to vector<512x1xf32>
    %add3A_100 = arith.addf %broadcast_in_dim3A, %add3A_99 : vector<512x1xf32>
    %logistic3A = arith.negf %add3A_100 : vector<512x1xf32>
    %logistic3A_101 = math.exp %logistic3A : vector<512x1xf32>
    %logistic3A_102 = arith.constant 1.000000e+00 : f32
    %logistic3A_103 = vector.broadcast %logistic3A_102 : f32 to vector<512x1xf32>
    %logistic3A_104 = arith.addf %logistic3A_103, %logistic3A_101 : vector<512x1xf32>
    %logistic3A_105 = arith.divf %logistic3A_103, %logistic3A_104 : vector<512x1xf32>
    %swap3A = arith.constant 0 : index
    %swap3A_106 = arith.constant 0 : index
    %swap3A_107 = vector.load %arg10[%swap3A, %swap3A_106] : memref<512x1xf32, #tpu.memory_space<vmem>>, vector<512x1xf32>
    tpu.vector_store %arg10[%swap3A, %swap3A_106], %logistic3A_105 {strides = array<i32>} : memref<512x1xf32, #tpu.memory_space<vmem>>, vector<512x1xf32>,
    return
  }
  func.func @transform_0(%arg0: i32) -> (i32, i32, i32) {
    %c0_i32 = arith.constant 0 : i32
    %c0_i32_0 = arith.constant 0 : i32
    %c0_i32_1 = arith.constant 0 : i32
    return %c0_i32, %arg0, %c0_i32_0 : i32, i32, i32
  }
  func.func @transform_1(%arg0: i32) -> (i32, i32, i32) {
    %c0_i32 = arith.constant 0 : i32
    %c0_i32_0 = arith.constant 0 : i32
    %c0_i32_1 = arith.constant 0 : i32
    return %c0_i32, %arg0, %c0_i32_0 : i32, i32, i32
  }
  func.func @transform_2(%arg0: i32) -> (i32, i32) {
    %c0_i32 = arith.constant 0 : i32
    %c0_i32_0 = arith.constant 0 : i32
    return %arg0, %c0_i32 : i32, i32
  }
  func.func @transform_3(%arg0: i32) -> (i32, i32) {
    %c0_i32 = arith.constant 0 : i32
    %c0_i32_0 = arith.constant 0 : i32
    return %arg0, %c0_i32 : i32, i32
  }
  func.func @transform_4(%arg0: i32) -> (i32, i32) {
    %c0_i32 = arith.constant 0 : i32
    %c0_i32_0 = arith.constant 0 : i32
    %c0_i32_1 = arith.constant 0 : i32
    return %c0_i32, %c0_i32_0 : i32, i32
  }
  func.func @transform_5(%arg0: i32) -> (i32, i32) {
    %c0_i32 = arith.constant 0 : i32
    %c0_i32_0 = arith.constant 0 : i32
    %c0_i32_1 = arith.constant 0 : i32
    return %c0_i32, %c0_i32_0 : i32, i32
  }
  func.func @transform_6(%arg0: i32) -> (i32, i32) {
    %c0_i32 = arith.constant 0 : i32
    %c0_i32_0 = arith.constant 0 : i32
    %c0_i32_1 = arith.constant 0 : i32
    return %c0_i32, %c0_i32_0 : i32, i32
  }
  func.func @transform_7(%arg0: i32) -> (i32, i32) {
    %c0_i32 = arith.constant 0 : i32
    %c0_i32_0 = arith.constant 0 : i32
    %c0_i32_1 = arith.constant 0 : i32
    return %c0_i32, %c0_i32_0 : i32, i32
  }
  func.func @transform_8(%arg0: i32) -> (i32, i32) {
    %c0_i32 = arith.constant 0 : i32
    %c0_i32_0 = arith.constant 0 : i32
    %c0_i32_1 = arith.constant 0 : i32
    return %c0_i32, %c0_i32_0 : i32, i32
  }
  func.func @transform_9(%arg0: i32) -> (i32, i32) {
    %c0_i32 = arith.constant 0 : i32
    %c0_i32_0 = arith.constant 0 : i32
    return %arg0, %c0_i32 : i32, i32
  }
}

</mosaic_0001>

<sc_bundles>
// kernel: kernel.11.cloned.1.call-start
scs
__scs_entry_jumppad:
0x0: {  	(pc) =	sbr.rel $0x88, $3  }
0x1: {  	(tag) =	ssettag $0x0;
	lr =	simm.s32 $0x1  }
0x2: {  	[smem:$0x3F95] =	sst lr;
	_ =	strace $0xD0000000  }
0x3: {  	_ = 	snop  }
0x4: {  	_ = 	snop  }
0x5: {  	_ = 	snop  }
0x6: {  	_ = 	snop  }
0x7: {  	_ = 	snop  }
__scs_overlays_trampoline_lowered:
0x8: {  	[smem:$0x3FA4] =	sst s0  }
0x9: {  	[smem:$0x3FA5] =	sst s1  }
0xa: {  	[smem:$0x3FA6] =	sst s2  }
0xb: {  	[smem:$0x3FA7] =	sst s3  }
0xc: {  	[smem:$0x3FA8] =	sst s4  }
0xd: {  	[smem:$0x3FA9] =	sst s5  }
0xe: {  	[smem:$0x3FAA] =	sst s6  }
0xf: {  	[smem:$0x3FAB] =	sst s7  }
0x10: {  	[smem:$0x3FAC] =	sst s8  }
0x11: {  	[smem:$0x3FAD] =	sst s9;
	s0 =	simm.s32 @!p0 $0x0  }
0x12: {  	s1 =	sld [smem:$0x3F93];
	s0 =	simm.s32 @p0 $0x1  }
0x13: {  	[smem:$0x3FAE] =	sst s0;
	s0 =	simm.s32 @!p1 $0x0  }
0x14: {  	s2 =	sld [smem:$0x3F92];
	s0 =	simm.s32 @p1 $0x1  }
0x15: {  	[smem:$0x3FAF] =	sst s0;
	s0 =	simm.s32 @!p2 $0x0  }
0x16: {  	s3 =	sld [smem:$0x3FDB];
	s0 =	simm.s32 @p2 $0x1  }
0x17: {  	s4 =	simm.s32 $0x1BF5;
	[smem:$0x3FB1] =	sst s0  }
0x18: {  	s0 =	sld [smem:$0x3F94];
	_ =	swait.ge [sflag:s4], $0x0  }
0x19: {  	s7 =	sld [smem:$0x3F95]  }
0x1a: {  	s8 =	sadd.s32 $0xFFFFE003, lr  }
0x1b: {  	s9 =	sadd.s32 $0xFFFFFEF7, lr;
	s5 =	simm.s32 $0xFFFFFFFF;
	p2 =	slt.u32 s8, $0xFFFFF086  }
0x1c: {  	p1 =	slt.u32 s9, $0xF7A;
	s5 =	simm.s32 @!p2 $0x0  }
0x1d: {  	s5 =	simm.s32 @p1 $0x1;
	p0 =	seq.s32 s7, s2  }
0x1e: {  	s7 =	smul.u32 @!p0 $0xF7A, s2;
	p2 =	seq.s32 @!p0 s5, $0x0  }
0x1f: {  	s9 =	smul.u32 $0xF7A, s1;
	s8 =	simm.s32 @!p0 $0x1BF5;
	p2 =	por !p2, p0  }
0x20: {  	[sflag:s8] =	ssyncset.s32 @!p0 $0xFFFFF086;
	s6 =	sadd.s32 @!p0 s3, s7;
	s7 =	simm.s32 @!p0 $0x108  }
0x21: {  	s3 =	sadd.s32 s3, s9;
	s6 =	sadd.s32 @!p0 $0x88, s6;
	s7 =	simm.s32 @p2 $0x1082  }
0x22: {  	[simem:s7], [sflag:s8] =	dma.local @!p0 [hbm:s6], $0xF7A  }
0x23: {  	s9 =	sor.u32 $0xD0000000, s2;
	s6 =	simm.s32 $0x108;
	_ =	swait.ge @!p0 [sflag:s8], $0x0  }
0x24: {  	s3 =	sadd.s32 $0x88, s3;
	s6 =	simm.s32 @!p1 $0x1082;
	[sflag:s4] =	ssyncset.s32 $0xFFFFF086  }
0x25: {  	[simem:s6], [sflag:s4] =	dma.local [hbm:s3], $0xF7A  }
0x26: {  	[smem:$0x3F95] =	sst s1;
	(tag) =	ssettag s2;
	_ =	strace s9  }
0x27: {  	s1 =	sld [smem:$0x3FA5]  }
0x28: {  	s2 =	sld [smem:$0x3FA6]  }
0x29: {  	s4 =	sld [smem:$0x3FA8]  }
0x2a: {  	p0 =	seq.s32 s5, $0x0;
	s5 =	sld [smem:$0x3FA9]  }
0x2b: {  	s6 =	sld [smem:$0x3FAA]  }
0x2c: {  	s7 =	sld [smem:$0x3FAB]  }
0x2d: {  	s3 =	simm.s32 $0x108;
	s8 =	sld [smem:$0x3FAC]  }
0x2e: {  	s3 =	simm.s32 @!p0 $0x1082;
	s9 =	sld [smem:$0x3FAD]  }
0x2f: {  	lr =	sadd.s32 s0, s3;
	s0 =	sld [smem:$0x3FA4]  }
0x30: {  	s3 =	sld [smem:$0x3FA7]  }
0x31: {  	[smem:$0x3FB0] =	sst s10  }
0x32: {  	s10 =	sld [smem:$0x3FAE];
	_ =	sdelay $0x3  }
0x33: {  	p0 =	seq.s32 s10, $0x1;
	s10 =	sld [smem:$0x3FB0];
	_ =	sdelay $0x3  }
0x34: {  	[smem:$0x3FB0] =	sst s10  }
0x35: {  	s10 =	sld [smem:$0x3FAF];
	_ =	sdelay $0x3  }
0x36: {  	p1 =	seq.s32 s10, $0x1;
	s10 =	sld [smem:$0x3FB0];
	_ =	sdelay $0x3  }
0x37: {  	[smem:$0x3FB0] =	sst s10  }
0x38: {  	s10 =	sld [smem:$0x3FB1]  }
0x39: {  	_ = 	snop;
	(pc) =	sbr.ind lr, $3  }
0x3a: {  	_ = 	snop  }
0x3b: {  	_ = 	snop  }
0x3c: {  	p2 =	seq.s32 s10, $0x1;
	s10 =	sld [smem:$0x3FB0]  }
0x3d: {  	_ =	shalt  }
0x3e: {  	_ =	shalt  }
0x3f: {  	_ =	shalt  }
0x40: {  	_ =	shalt  }
0x41: {  	_ =	shalt  }
0x42: {  	_ =	shalt  }
0x43: {  	_ =	shalt  }
0x44: {  	_ =	shalt  }
0x45: {  	_ =	shalt  }
0x46: {  	_ =	shalt  }
0x47: {  	_ =	shalt  }
0x48: {  	_ =	shalt  }
0x49: {  	_ =	shalt  }
0x4a: {  	_ =	shalt  }
0x4b: {  	_ =	shalt  }
0x4c: {  	_ =	shalt  }
0x4d: {  	_ =	shalt  }
0x4e: {  	_ =	shalt  }
0x4f: {  	_ =	shalt  }
0x50: {  	_ =	shalt  }
0x51: {  	_ =	shalt  }
0x52: {  	_ =	shalt  }
0x53: {  	_ =	shalt  }
0x54: {  	_ =	shalt  }
0x55: {  	_ =	shalt  }
0x56: {  	_ =	shalt  }
0x57: {  	_ =	shalt  }
0x58: {  	_ =	shalt  }
0x59: {  	_ =	shalt  }
0x5a: {  	_ =	shalt  }
0x5b: {  	_ =	shalt  }
0x5c: {  	_ =	shalt  }
0x5d: {  	_ =	shalt  }
0x5e: {  	_ =	shalt  }
0x5f: {  	_ =	shalt  }
0x60: {  	_ =	shalt  }
0x61: {  	_ =	shalt  }
0x62: {  	_ =	shalt  }
0x63: {  	_ =	shalt  }
0x64: {  	_ =	shalt  }
0x65: {  	_ =	shalt  }
0x66: {  	_ =	shalt  }
0x67: {  	_ =	shalt  }
0x68: {  	_ =	shalt  }
0x69: {  	_ =	shalt  }
0x6a: {  	_ =	shalt  }
0x6b: {  	_ =	shalt  }
0x6c: {  	_ =	shalt  }
0x6d: {  	_ =	shalt  }
0x6e: {  	_ =	shalt  }
0x6f: {  	_ =	shalt  }
0x70: {  	_ =	shalt  }
0x71: {  	_ =	shalt  }
0x72: {  	_ =	shalt  }
0x73: {  	_ =	shalt  }
0x74: {  	_ =	shalt  }
0x75: {  	_ =	shalt  }
0x76: {  	_ =	shalt  }
0x77: {  	_ =	shalt  }
0x78: {  	_ =	shalt  }
0x79: {  	_ =	shalt  }
0x7a: {  	_ =	shalt  }
0x7b: {  	_ =	shalt  }
0x7c: {  	_ =	shalt  }
0x7d: {  	_ =	shalt  }
0x7e: {  	_ =	shalt  }
0x7f: {  	_ =	shalt  }
0x80: {  	_ =	shalt  }
0x81: {  	_ =	shalt  }
0x82: {  	_ =	shalt  }
0x83: {  	_ =	shalt  }
0x84: {  	_ =	shalt  }
0x85: {  	_ =	shalt  }
0x86: {  	_ =	shalt  }
0x87: {  	_ =	shalt  }
.Lfunc_end0:
.L_simem_size_0:
called_computation.1_lowered:
.L_overlay_start_0:
0x88: {  	s2 =	sld [smem:$0x3FD9]  }
0x89: {  	s3 =	sld [smem:$0x3FFE];
	_ =	sdelay $0x1  }
0x8a: {  	s1 =	srdreg.scid  }
0x8b: {  	s0 =	sand.u32 $0x1, s1  }
0x8c: {  	s16 =	sshll.u32 s0, $0xA;
	s2 =	sadd.s32 s3, s2  }
0x8d: {  	s2 =	sadd.s32 s2, s16  }
0x8e: {  	[smem:$0x3FBC] =	sst s2  }
0x8f: {  	_ = 	snop  }
0x90: {  	(tm) =	ssettm $0x1  }
0x91: {  	s17 =	sld [smem:$0x3FFB];
	_ =	sdelay $0x3  }
0x92: {  	_ =	strace s17  }
0x93: {  	s2 =	sld [smem:$0x3FFC];
	_ =	sdelay $0x3  }
0x94: {  	_ =	strace s2  }
0x95: {  	s2 =	sld [smem:$0x3FFD];
	_ =	sdelay $0x3  }
0x96: {  	_ =	strace s2  }
0x97: {  	_ =	strace $0x8FFFFFFF  }
0x98: {  	s18 =	sld [smem:$0x3FDB];
	_ =	sdelay $0x1  }
0x99: {  	s19 =	simm.s32 $_scs_section_size  }
0x9a: {  	s4 =	simm.s32 $_size__tile_overlayer_lowered;
	s5 =	simm.s32 $_tile_overlayer_lowered  }
0x9b: {  	s22 =	simm.s32 $0x1BFF;
	s21 =	sshll.u32 s5, $0x1;
	s2 =	sadd.s32 s19, s18  }
0x9c: {  	s6 =	simm.s32 $0x0;
	s20 =	sshll.u32 s4, $0x1;
	s4 =	sadd.s32 s21, s2  }
0x9d: {  	[timem:s6], [sflag:s22] =	dma.local [hbm:s4], s20  }
0x9e: {  	_ =	swait.ge [sflag:s22], s20  }
0x9f: {  	s3 =	ssub.s32 $0x0, s20;
	[sflag:s22] =	ssyncset.done $0x0  }
0xa0: {  	[sflag:s22] =	ssyncadd.s32 s3;
	_ =	sdelay $0x1  }
0xa1: {  	s23 =	simm.s32 $0x1B8B  }
0xa2: {  	_ =	swait.ge [sflag:s23], $0x1  }
0xa3: {  	[sflag:s23] =	ssyncset.done $0x0  }
0xa4: {  	s25 =	simm.s32 $0x1B8E;
	s24 =	sld [smem:$0x3FFE];
	[sflag:s23] =	ssyncadd.s32 $0xFFFFFFFF  }
0xa5: {  	s26 =	simm.s32 $execute0_lowered;
	[smem:$0x3FD2] =	sst s25  }
0xa6: {  	s4 =	sshll.u32 s26, $0x1;
	_ =	strace $0x80000049;
	[dreg:$0x1] =	wrdreg $0xFFFFFFFF  }
0xa7: {  	s28 =	simm.s32 $_size_execute0_lowered;
	s2 =	sadd.s32 s2, s4;
	[dreg:$0x0] =	wrdreg $0x0  }
0xa8: {  	s4 =	sshll.u32 s28, $0x1;
	[dreg:$0x2] =	wrdreg s2  }
0xa9: {  	[dreg:$0x3] =	wrdreg s4  }
0xaa: {  	[dreg:$0x4] =	wrdreg $0xC0  }
0xab: {  	_ =	task [dreg:s6], $0x5FFFF  }
0xac: {  	[dreg:$0x1] =	wrdreg $0xFFFFFFFF  }
0xad: {  	[dreg:$0x0] =	wrdreg $0x60  }
0xae: {  	[dreg:$0x2] =	wrdreg s24  }
0xaf: {  	[dreg:$0x3] =	wrdreg $0xB8000  }
0xb0: {  	[dreg:$0x4] =	wrdreg $0x9  }
0xb1: {  	_ =	task.clear_ibuf [dreg:s6], $0x5FFFF;
	_ =	strace $0x90000049  }
0xb2: {  	s29 =	simm.s32 $0x9;
	_ =	strace $0x8000004B  }
0xb3: {  	_ =	swait.ge [sflag:s29], $0x1  }
0xb4: {  	[sflag:s29] =	ssyncadd.s32 $0xFFFFFFFF  }
0xb5: {  	_ =	strace $0x9000004B  }
0xb6: {  	_ =	sfence  }
0xb7: {  	s30 =	sld [smem:$0x0];
	_ =	sdelay $0x2  }
0xb8: {  	s31 =	sshll.u32 s1, $0xD;
	s1 =	sshrl.u32 s1, $0x2  }
0xb9: {  	s3 =	sand.u32 $0x4000, s31;
	s1 =	sadd.s32 s1, s30  }
0xba: {  	s0 =	sor.u32 s3, s0;
	s1 =	sshll.u32 s1, $0x11  }
0xbb: {  	s0 =	sor.u32 s1, s0  }
0xbc: {  	s0 =	sadd.s32 $0x8F2B, s0  }
0xbd: {  	[sflag:s0] =	ssyncadd.remote.s32 $0x1  }
0xbe: {  	_ =	sfence.sel $0xFFFF  }
0xbf: {  	[dreg:$0x0] =	wrdreg $0xFFFFFFFF;
	(pc) =	sbr.abs _section_cstart, $3  }
0xc0: {  	[dreg:$0x1] =	wrdreg $0xFFFFFFFF  }
0xc1: {  	_ =	task.clear_ibuf [dreg:s6], $0x2FFFF;
	_ =	strace $0x9FFFFFFF  }
0xc2: {  	(tm) =	ssettm $0x7FFFFFFF  }
0xc3: {  	_ =	shalt  }
tec
execute0_lowered:
.L_overlay_start_1:
0x0: {  	(tag) =	ssettag $0x1  }
0x1: {  	s0 =	rddreg [dreg:$0x0]  }
0x2: {  	s2 =	rddreg [dreg:$0x1]  }
0x3: {  	s3 =	simm.s32 $0x0;
	s8 =	stileid.u32;
	s4 =	srdreg.scid  }
0x4: {  	s17 =	simm.s32 $0x5;
	s18 =	simm.s32 $0x1C00;
	s19 =	simm.s32 $0x80  }
0x5: {  	s20 =	simm.s32 $0x3800;
	s28 =	simm.s32 $0x4;
	s29 =	simm.s32 $0x1880  }
0x6: {  	s30 =	simm.s32 $0x3400;
	s31 =	simm.s32 $0x3480;
	s1 =	smul.u32 $0x380, s8  }
0x7: {  	[smem:$0x7FF] =	sst s3;
	s5 =	sadd.s32 $0x80400, s0;
	s12 =	smul.u32 $0x14000, s8  }
0x8: {  	s4 =	sand.u32 $0x1, s4;
	s8 =	smul.u32 $0x50000, s8;
	_ =	strace $0x8000004A  }
0x9: {  	s6 =	ssub.s32 $0x2, s4;
	s4 =	smul.u32 $0x3C0000, s4;
	s1 =	sadd.s32 s1, s0  }
0xa: {  	s0 =	sadd.s32 $0x170400, s0;
	s7 =	sshrl.u32 s6, $0x1;
	s23 =	sshrl.u32 s8, $0x2  }
0xb: {  	s7 =	ssub.s32 s6, s7;
	s21 =	sadd.s32 $0x4C00, s1;
	s1 =	sadd.s32 $0xE00, s1  }
0xc: {  	s22 =	sshrl.u32 s4, $0x3;
	s9 =	sadd.s32 s12, s4;
	[dreg:$0x3] =	wrdreg s21  }
0xd: {  	s25 =	sadd.s32 $0x140000, s4;
	s4 =	sadd.s32 $0x280000, s4;
	[dreg:$0x4] =	wrdreg s1  }
0xe: {  	s6 =	sadd.s32 s5, s22;
	s9 =	sshrl.u32 s9, $0x3;
	s1 =	sadd.s32 s23, s2  }
0xf: {  	s10 =	sshrl.u32 s25, $0x3;
	s13 =	sshrl.u32 s4, $0x3;
	s4 =	sadd.s32 s12, s4  }
0x10: {  	s16 =	smax.u32 s7, $0x1;
	s21 =	simm.s32 $0x7800;
	s22 =	simm.s32 $0x1  }
0x11: {  	s23 =	simm.s32 $0x3;
	[dreg:$0x5] =	wrdreg s1;
	s24 =	sadd.s32 s5, s9  }
0x12: {  	s9 =	sadd.s32 s0, s9;
	s1 =	sadd.s32 s12, s25;
	s10 =	sadd.s32 s5, s10  }
0x13: {  	s13 =	sadd.s32 s5, s13;
	s26 =	sshrl.u32 s4, $0x3;
	s25 =	simm.s32 $0x2  }
0x14: {  	[dreg:$0x6] =	wrdreg s24;
	s1 =	sshrl.u32 s1, $0x3;
	s14 =	sadd.s32 s5, s26  }
0x15: {  	s15 =	sadd.s32 s0, s26;
	s24 =	simm.s32 $0x100;
	s26 =	simm.s32 $0x1C80  }
0x16: {  	s11 =	sadd.s32 s5, s1;
	s12 =	sadd.s32 s0, s1;
	s0 =	simm.s32 $0x0  }
.LBB2_1:
0x17: {  	s1 =	rddreg [dreg:$0x3]  }
0x18: {  	[tilespmem:s3], [sflag:$0x5] =	stream.linear.gather [hbm4b:s1+s3], $0x1900, $0x38;
	[tilespmem:$0x1F800] =	vst v63  }
0x19: {  	_ =	swait.ge [sflag:s17], $0x1900  }
0x1a: {  	[sflag:s17] =	ssyncset.done $0x0  }
0x1b: {  	s7 =	stileid.u32;
	s5 =	rddreg [dreg:$0x4];
	[sflag:s17] =	ssyncadd.s32 $0xFFFFE700  }
0x1c: {  	[tilespmem:s18], [sflag:$0x5] =	stream.linear.gather [hbm4b:s5+s3], $0x1900, $0x38;
	[tilespmem:$0x1F800] =	vst v63  }
0x1d: {  	s1 =	sshll.u32 s7, $0x6;
	_ =	swait.ge [sflag:s17], $0x1900  }
0x1e: {  	s1 =	sor.u32 $0x1C05, s1;
	[sflag:s17] =	ssyncset.done $0x0;
	s4 =	rddreg [dreg:$0x5]  }
0x1f: {  	s5 =	rddreg [dreg:$0x6];
	[sflag:s17] =	ssyncadd.s32 $0xFFFFE700;
	s4 =	sshrl.u32 s4, $0x3  }
0x20: {  	[tilespmem:s20], [sflag:$0x1] =	stream.indirect.gather [hbm4b:s6+s19], $0x80, s3, s19, $0xb8;
	[tilespmem:$0x1F800] =	vst v63  }
0x21: {  	[spmem:s4], [sflag:s1] =	dma.local [hbm:s5], $0x2800  }
0x22: {  	_ =	swait.ge [sflag:s17], $0x2800  }
0x23: {  	[sflag:s17] =	ssyncset.done $0x0  }
0x24: {  	[sflag:s17] =	ssyncadd.s32 $0xFFFFD800  }
0x25: {  	[bflag:$0x0] =	sbarrier.arrive $0xFFFF  }
0x26: {  	[tilespmem:s21], [sflag:$0x2] =	stream.indirect.gather [hbm4b:s6+s19], $0x80, s19, s19, $0xb8;
	[tilespmem:$0x1F800] =	vst v63  }
0x27: {  	_ =	swait.ge [sflag:s22], $0x4000  }
0x28: {  	[sflag:s22] =	ssyncset.done $0x0  }
0x29: {  	[sflag:s22] =	ssyncadd.s32 $0xFFFFC000  }
0x2a: {  	[spmem:s2] =	stream.indirect.scatter.add.f32 [tilespmem:s20], [sflag:$0x3], $0x80, s18, s19, $0xb8;
	[tilespmem:$0x1F800] =	vst v63  }
0x2b: {  	_ =	swait.ge [sflag:s23], $0x4000  }
0x2c: {  	[sflag:s23] =	ssyncset.done $0x0  }
0x2d: {  	[sflag:s23] =	ssyncadd.s32 $0xFFFFC000  }
0x2e: {  	[tilespmem:s20], [sflag:$0x1] =	stream.indirect.gather [hbm4b:s6+s19], $0x80, s24, s19, $0xb8;
	[tilespmem:$0x1F800] =	vst v63  }
0x2f: {  	_ =	swait.ge [sflag:s25], $0x4000  }
0x30: {  	[sflag:s25] =	ssyncset.done $0x0  }
0x31: {  	[sflag:s25] =	ssyncadd.s32 $0xFFFFC000  }
0x32: {  	[spmem:s2] =	stream.indirect.scatter.add.f32 [tilespmem:s21], [sflag:$0x4], $0x80, s26, s19, $0xb8;
	[tilespmem:$0x1F800] =	vst v63  }
0x33: {  	_ =	swait.ge [sflag:s28], $0x4000  }
0x34: {  	[sflag:s28] =	ssyncset.done $0x0  }
0x35: {  	s8 =	simm.s32 $0x180;
	[sflag:s28] =	ssyncadd.s32 $0xFFFFC000  }
0x36: {  	[tilespmem:s21], [sflag:$0x2] =	stream.indirect.gather [hbm4b:s6+s19], $0x80, s8, s19, $0xb8;
	[tilespmem:$0x1F800] =	vst v63  }
0x37: {  	_ =	swait.ge [sflag:s22], $0x4000  }
0x38: {  	[sflag:s22] =	ssyncset.done $0x0  }
0x39: {  	s7 =	simm.s32 $0x1D00;
	[sflag:s22] =	ssyncadd.s32 $0xFFFFC000  }
0x3a: {  	[spmem:s2] =	stream.indirect.scatter.add.f32 [tilespmem:s20], [sflag:$0x3], $0x80, s7, s19, $0xb8;
	[tilespmem:$0x1F800] =	vst v63  }
0x3b: {  	_ =	swait.ge [sflag:s23], $0x4000  }
0x3c: {  	[sflag:s23] =	ssyncset.done $0x0  }
0x3d: {  	s8 =	simm.s32 $0x200;
	[sflag:s23] =	ssyncadd.s32 $0xFFFFC000  }
0x3e: {  	[tilespmem:s20], [sflag:$0x1] =	stream.indirect.gather [hbm4b:s6+s19], $0x80, s8, s19, $0xb8;
	[tilespmem:$0x1F800] =	vst v63  }
0x3f: {  	_ =	swait.ge [sflag:s25], $0x4000  }
0x40: {  	[sflag:s25] =	ssyncset.done $0x0  }
0x41: {  	s5 =	simm.s32 $0xFFFFA800;
	s7 =	simm.s32 $0x1D80;
	[sflag:s25] =	ssyncadd.s32 $0xFFFFC000  }
.LBB2_2:
0x42: {  	[spmem:s2] =	stream.indirect.scatter.add.f32 [tilespmem:s21], [sflag:$0x4], $0x80, s7, s19, $0xb8;
	[tilespmem:$0x1F800] =	vst v63  }
0x43: {  	s7 =	smov.u32 s5  }
0x44: {  	p0 =	sne.s32 s5, $0xFFFFFC00;
	s5 =	sadd.s32 $0x400, s5;
	_ =	swait.ge [sflag:s28], $0x4000  }
0x45: {  	s7 =	sshra.s32 s7, $0x2;
	[sflag:s28] =	ssyncset.done $0x0  }
0x46: {  	s8 =	sadd.s32 $0x1880, s7;
	[sflag:s28] =	ssyncadd.s32 $0xFFFFC000  }
0x47: {  	[tilespmem:s21], [sflag:$0x2] =	stream.indirect.gather [hbm4b:s6+s19], $0x80, s8, s19, $0xb8;
	[tilespmem:$0x1F800] =	vst v63  }
0x48: {  	_ =	swait.ge [sflag:s22], $0x4000  }
0x49: {  	[sflag:s22] =	ssyncset.done $0x0  }
0x4a: {  	s8 =	sadd.s32 $0x3400, s7;
	[sflag:s22] =	ssyncadd.s32 $0xFFFFC000  }
0x4b: {  	[spmem:s2] =	stream.indirect.scatter.add.f32 [tilespmem:s20], [sflag:$0x3], $0x80, s8, s19, $0xb8;
	[tilespmem:$0x1F800] =	vst v63  }
0x4c: {  	_ =	swait.ge [sflag:s23], $0x4000  }
0x4d: {  	[sflag:s23] =	ssyncset.done $0x0  }
.Ltmp0:
0x4e: {  	s8 =	sadd.s32 $0x1900, s7;
	[sflag:s23] =	ssyncadd.s32 $0xFFFFC000;
	(pc) =	sbr.rel @p0 .LBB2_2-.Ltmp0, $4  }
0x4f: {  	[tilespmem:s20], [sflag:$0x1] =	stream.indirect.gather [hbm4b:s6+s19], $0x80, s8, s19, $0xb8;
	[tilespmem:$0x1F800] =	vst v63  }
0x50: {  	_ =	swait.ge [sflag:s25], $0x4000  }
0x51: {  	[sflag:s25] =	ssyncset.done $0x0  }
0x52: {  	s7 =	sadd.s32 $0x3480, s7;
	[sflag:s25] =	ssyncadd.s32 $0xFFFFC000  }
0x53: {  	[spmem:s2] =	stream.indirect.scatter.add.f32 [tilespmem:s21], [sflag:$0x4], $0x80, s7, s19, $0xb8;
	[tilespmem:$0x1F800] =	vst v63  }
0x54: {  	_ =	swait.ge [sflag:s28], $0x4000  }
0x55: {  	[sflag:s28] =	ssyncset.done $0x0  }
0x56: {  	[sflag:s28] =	ssyncadd.s32 $0xFFFFC000  }
0x57: {  	[tilespmem:s21], [sflag:$0x2] =	stream.indirect.gather [hbm4b:s6+s19], $0x80, s29, s19, $0xb8;
	[tilespmem:$0x1F800] =	vst v63  }
0x58: {  	_ =	swait.ge [sflag:s22], $0x4000  }
0x59: {  	[sflag:s22] =	ssyncset.done $0x0  }
0x5a: {  	[sflag:s22] =	ssyncadd.s32 $0xFFFFC000  }
0x5b: {  	[spmem:s2] =	stream.indirect.scatter.add.f32 [tilespmem:s20], [sflag:$0x3], $0x80, s30, s19, $0xb8;
	[tilespmem:$0x1F800] =	vst v63  }
0x5c: {  	_ =	swait.ge [sflag:s23], $0x4000  }
0x5d: {  	[sflag:s23] =	ssyncset.done $0x0  }
0x5e: {  	[sflag:s23] =	ssyncadd.s32 $0xFFFFC000  }
0x5f: {  	_ =	swait.ge [sflag:s25], $0x4000  }
0x60: {  	[sflag:s25] =	ssyncset.done $0x0  }
0x61: {  	[sflag:s25] =	ssyncadd.s32 $0xFFFFC000  }
0x62: {  	[spmem:s2] =	stream.indirect.scatter.add.f32 [tilespmem:s21], [sflag:$0x4], $0x80, s31, s19, $0xb8;
	[tilespmem:$0x1F800] =	vst v63  }
0x63: {  	_ =	swait.ge [sflag:s28], $0x4000  }
0x64: {  	[sflag:s28] =	ssyncset.done $0x0  }
0x65: {  	[sflag:s28] =	ssyncadd.s32 $0xFFFFC000  }
0x66: {  	[bflag:$0x0] =	sbarrier.arrive $0xFFFF  }
0x67: {  	[hbm:s9], [sflag:s1] =	dma.local [spmem:s4], $0x2800  }
0x68: {  	_ =	swait.ge [sflag:s17], $0x2800  }
0x69: {  	[sflag:s17] =	ssyncset.done $0x0  }
0x6a: {  	[sflag:s17] =	ssyncadd.s32 $0xFFFFD800  }
0x6b: {  	[bflag:$0x0] =	sbarrier.arrive $0xFFFF  }
0x6c: {  	[tilespmem:s20], [sflag:$0x1] =	stream.indirect.gather [hbm4b:s10+s19], $0x80, s3, s19, $0xb8;
	[tilespmem:$0x1F800] =	vst v63  }
0x6d: {  	[spmem:s4], [sflag:s1] =	dma.local [hbm:s11], $0x2800  }
0x6e: {  	_ =	swait.ge [sflag:s17], $0x2800  }
0x6f: {  	[sflag:s17] =	ssyncset.done $0x0  }
0x70: {  	[sflag:s17] =	ssyncadd.s32 $0xFFFFD800  }
0x71: {  	[bflag:$0x0] =	sbarrier.arrive $0xFFFF  }
0x72: {  	[tilespmem:s21], [sflag:$0x2] =	stream.indirect.gather [hbm4b:s10+s19], $0x80, s19, s19, $0xb8;
	[tilespmem:$0x1F800] =	vst v63  }
0x73: {  	_ =	swait.ge [sflag:s22], $0x4000  }
0x74: {  	[sflag:s22] =	ssyncset.done $0x0  }
0x75: {  	[sflag:s22] =	ssyncadd.s32 $0xFFFFC000  }
0x76: {  	[spmem:s2] =	stream.indirect.scatter.add.f32 [tilespmem:s20], [sflag:$0x3], $0x80, s18, s19, $0xb8;
	[tilespmem:$0x1F800] =	vst v63  }
0x77: {  	_ =	swait.ge [sflag:s23], $0x4000  }
0x78: {  	[sflag:s23] =	ssyncset.done $0x0  }
0x79: {  	[sflag:s23] =	ssyncadd.s32 $0xFFFFC000  }
0x7a: {  	[tilespmem:s20], [sflag:$0x1] =	stream.indirect.gather [hbm4b:s10+s19], $0x80, s24, s19, $0xb8;
	[tilespmem:$0x1F800] =	vst v63  }
0x7b: {  	_ =	swait.ge [sflag:s25], $0x4000  }
0x7c: {  	[sflag:s25] =	ssyncset.done $0x0  }
0x7d: {  	[sflag:s25] =	ssyncadd.s32 $0xFFFFC000  }
0x7e: {  	[spmem:s2] =	stream.indirect.scatter.add.f32 [tilespmem:s21], [sflag:$0x4], $0x80, s26, s19, $0xb8;
	[tilespmem:$0x1F800] =	vst v63  }
0x7f: {  	_ =	swait.ge [sflag:s28], $0x4000  }
0x80: {  	[sflag:s28] =	ssyncset.done $0x0  }
0x81: {  	s5 =	simm.s32 $0x180;
	[sflag:s28] =	ssyncadd.s32 $0xFFFFC000  }
0x82: {  	[tilespmem:s21], [sflag:$0x2] =	stream.indirect.gather [hbm4b:s10+s19], $0x80, s5, s19, $0xb8;
	[tilespmem:$0x1F800] =	vst v63  }
0x83: {  	_ =	swait.ge [sflag:s22], $0x4000  }
0x84: {  	[sflag:s22] =	ssyncset.done $0x0  }
0x85: {  	s7 =	simm.s32 $0x1D00;
	[sflag:s22] =	ssyncadd.s32 $0xFFFFC000  }
0x86: {  	[spmem:s2] =	stream.indirect.scatter.add.f32 [tilespmem:s20], [sflag:$0x3], $0x80, s7, s19, $0xb8;
	[tilespmem:$0x1F800] =	vst v63  }
0x87: {  	_ =	swait.ge [sflag:s23], $0x4000  }
0x88: {  	[sflag:s23] =	ssyncset.done $0x0  }
0x89: {  	s8 =	simm.s32 $0x200;
	[sflag:s23] =	ssyncadd.s32 $0xFFFFC000  }
0x8a: {  	[tilespmem:s20], [sflag:$0x1] =	stream.indirect.gather [hbm4b:s10+s19], $0x80, s8, s19, $0xb8;
	[tilespmem:$0x1F800] =	vst v63  }
0x8b: {  	_ =	swait.ge [sflag:s25], $0x4000  }
0x8c: {  	[sflag:s25] =	ssyncset.done $0x0  }
0x8d: {  	s5 =	simm.s32 $0xFFFFA800;
	s7 =	simm.s32 $0x1D80;
	[sflag:s25] =	ssyncadd.s32 $0xFFFFC000  }
.LBB2_4:
0x8e: {  	[spmem:s2] =	stream.indirect.scatter.add.f32 [tilespmem:s21], [sflag:$0x4], $0x80, s7, s19, $0xb8;
	[tilespmem:$0x1F800] =	vst v63  }
0x8f: {  	s7 =	smov.u32 s5  }
0x90: {  	p0 =	sne.s32 s5, $0xFFFFFC00;
	s5 =	sadd.s32 $0x400, s5;
	_ =	swait.ge [sflag:s28], $0x4000  }
0x91: {  	s7 =	sshra.s32 s7, $0x2;
	[sflag:s28] =	ssyncset.done $0x0  }
0x92: {  	s8 =	sadd.s32 $0x1880, s7;
	[sflag:s28] =	ssyncadd.s32 $0xFFFFC000  }
0x93: {  	[tilespmem:s21], [sflag:$0x2] =	stream.indirect.gather [hbm4b:s10+s19], $0x80, s8, s19, $0xb8;
	[tilespmem:$0x1F800] =	vst v63  }
0x94: {  	_ =	swait.ge [sflag:s22], $0x4000  }
0x95: {  	[sflag:s22] =	ssyncset.done $0x0  }
0x96: {  	s8 =	sadd.s32 $0x3400, s7;
	[sflag:s22] =	ssyncadd.s32 $0xFFFFC000  }
0x97: {  	[spmem:s2] =	stream.indirect.scatter.add.f32 [tilespmem:s20], [sflag:$0x3], $0x80, s8, s19, $0xb8;
	[tilespmem:$0x1F800] =	vst v63  }
0x98: {  	_ =	swait.ge [sflag:s23], $0x4000  }
0x99: {  	[sflag:s23] =	ssyncset.done $0x0  }
.Ltmp1:
0x9a: {  	s8 =	sadd.s32 $0x1900, s7;
	[sflag:s23] =	ssyncadd.s32 $0xFFFFC000;
	(pc) =	sbr.rel @p0 .LBB2_4-.Ltmp1, $4  }
0x9b: {  	[tilespmem:s20], [sflag:$0x1] =	stream.indirect.gather [hbm4b:s10+s19], $0x80, s8, s19, $0xb8;
	[tilespmem:$0x1F800] =	vst v63  }
0x9c: {  	_ =	swait.ge [sflag:s25], $0x4000  }
0x9d: {  	[sflag:s25] =	ssyncset.done $0x0  }
0x9e: {  	s7 =	sadd.s32 $0x3480, s7;
	[sflag:s25] =	ssyncadd.s32 $0xFFFFC000  }
0x9f: {  	[spmem:s2] =	stream.indirect.scatter.add.f32 [tilespmem:s21], [sflag:$0x4], $0x80, s7, s19, $0xb8;
	[tilespmem:$0x1F800] =	vst v63  }
0xa0: {  	_ =	swait.ge [sflag:s28], $0x4000  }
0xa1: {  	[sflag:s28] =	ssyncset.done $0x0  }
0xa2: {  	[sflag:s28] =	ssyncadd.s32 $0xFFFFC000  }
0xa3: {  	[tilespmem:s21], [sflag:$0x2] =	stream.indirect.gather [hbm4b:s10+s19], $0x80, s29, s19, $0xb8;
	[tilespmem:$0x1F800] =	vst v63  }
0xa4: {  	_ =	swait.ge [sflag:s22], $0x4000  }
0xa5: {  	[sflag:s22] =	ssyncset.done $0x0  }
0xa6: {  	[sflag:s22] =	ssyncadd.s32 $0xFFFFC000  }
0xa7: {  	[spmem:s2] =	stream.indirect.scatter.add.f32 [tilespmem:s20], [sflag:$0x3], $0x80, s30, s19, $0xb8;
	[tilespmem:$0x1F800] =	vst v63  }
0xa8: {  	_ =	swait.ge [sflag:s23], $0x4000  }
0xa9: {  	[sflag:s23] =	ssyncset.done $0x0  }
0xaa: {  	[sflag:s23] =	ssyncadd.s32 $0xFFFFC000  }
0xab: {  	_ =	swait.ge [sflag:s25], $0x4000  }
0xac: {  	[sflag:s25] =	ssyncset.done $0x0  }
0xad: {  	[sflag:s25] =	ssyncadd.s32 $0xFFFFC000  }
0xae: {  	[spmem:s2] =	stream.indirect.scatter.add.f32 [tilespmem:s21], [sflag:$0x4], $0x80, s31, s19, $0xb8;
	[tilespmem:$0x1F800] =	vst v63  }
0xaf: {  	_ =	swait.ge [sflag:s28], $0x4000  }
0xb0: {  	[sflag:s28] =	ssyncset.done $0x0  }
0xb1: {  	[sflag:s28] =	ssyncadd.s32 $0xFFFFC000  }
0xb2: {  	[bflag:$0x0] =	sbarrier.arrive $0xFFFF  }
0xb3: {  	[hbm:s12], [sflag:s1] =	dma.local [spmem:s4], $0x2800  }
0xb4: {  	_ =	swait.ge [sflag:s17], $0x2800  }
0xb5: {  	[sflag:s17] =	ssyncset.done $0x0  }
0xb6: {  	[sflag:s17] =	ssyncadd.s32 $0xFFFFD800  }
0xb7: {  	[bflag:$0x0] =	sbarrier.arrive $0xFFFF  }
0xb8: {  	[tilespmem:s20], [sflag:$0x1] =	stream.indirect.gather [hbm4b:s13+s19], $0x80, s3, s19, $0xb8;
	[tilespmem:$0x1F800] =	vst v63  }
0xb9: {  	[spmem:s4], [sflag:s1] =	dma.local [hbm:s14], $0x2800  }
0xba: {  	_ =	swait.ge [sflag:s17], $0x2800  }
0xbb: {  	[sflag:s17] =	ssyncset.done $0x0  }
0xbc: {  	[sflag:s17] =	ssyncadd.s32 $0xFFFFD800  }
0xbd: {  	[bflag:$0x0] =	sbarrier.arrive $0xFFFF  }
0xbe: {  	[tilespmem:s21], [sflag:$0x2] =	stream.indirect.gather [hbm4b:s13+s19], $0x80, s19, s19, $0xb8;
	[tilespmem:$0x1F800] =	vst v63  }
0xbf: {  	_ =	swait.ge [sflag:s22], $0x4000  }
0xc0: {  	[sflag:s22] =	ssyncset.done $0x0  }
0xc1: {  	[sflag:s22] =	ssyncadd.s32 $0xFFFFC000  }
0xc2: {  	[spmem:s2] =	stream.indirect.scatter.add.f32 [tilespmem:s20], [sflag:$0x3], $0x80, s18, s19, $0xb8;
	[tilespmem:$0x1F800] =	vst v63  }
0xc3: {  	_ =	swait.ge [sflag:s23], $0x4000  }
0xc4: {  	[sflag:s23] =	ssyncset.done $0x0  }
0xc5: {  	[sflag:s23] =	ssyncadd.s32 $0xFFFFC000  }
0xc6: {  	[tilespmem:s20], [sflag:$0x1] =	stream.indirect.gather [hbm4b:s13+s19], $0x80, s24, s19, $0xb8;
	[tilespmem:$0x1F800] =	vst v63  }
0xc7: {  	_ =	swait.ge [sflag:s25], $0x4000  }
0xc8: {  	[sflag:s25] =	ssyncset.done $0x0  }
0xc9: {  	[sflag:s25] =	ssyncadd.s32 $0xFFFFC000  }
0xca: {  	[spmem:s2] =	stream.indirect.scatter.add.f32 [tilespmem:s21], [sflag:$0x4], $0x80, s26, s19, $0xb8;
	[tilespmem:$0x1F800] =	vst v63  }
0xcb: {  	_ =	swait.ge [sflag:s28], $0x4000  }
0xcc: {  	[sflag:s28] =	ssyncset.done $0x0  }
0xcd: {  	s5 =	simm.s32 $0x180;
	[sflag:s28] =	ssyncadd.s32 $0xFFFFC000  }
0xce: {  	[tilespmem:s21], [sflag:$0x2] =	stream.indirect.gather [hbm4b:s13+s19], $0x80, s5, s19, $0xb8;
	[tilespmem:$0x1F800] =	vst v63  }
0xcf: {  	_ =	swait.ge [sflag:s22], $0x4000  }
0xd0: {  	[sflag:s22] =	ssyncset.done $0x0  }
0xd1: {  	s7 =	simm.s32 $0x1D00;
	[sflag:s22] =	ssyncadd.s32 $0xFFFFC000  }
0xd2: {  	[spmem:s2] =	stream.indirect.scatter.add.f32 [tilespmem:s20], [sflag:$0x3], $0x80, s7, s19, $0xb8;
	[tilespmem:$0x1F800] =	vst v63  }
0xd3: {  	_ =	swait.ge [sflag:s23], $0x4000  }
0xd4: {  	[sflag:s23] =	ssyncset.done $0x0  }
0xd5: {  	s8 =	simm.s32 $0x200;
	[sflag:s23] =	ssyncadd.s32 $0xFFFFC000  }
0xd6: {  	[tilespmem:s20], [sflag:$0x1] =	stream.indirect.gather [hbm4b:s13+s19], $0x80, s8, s19, $0xb8;
	[tilespmem:$0x1F800] =	vst v63  }
0xd7: {  	_ =	swait.ge [sflag:s25], $0x4000  }
0xd8: {  	[sflag:s25] =	ssyncset.done $0x0  }
0xd9: {  	s5 =	simm.s32 $0xFFFFA800;
	s7 =	simm.s32 $0x1D80;
	[sflag:s25] =	ssyncadd.s32 $0xFFFFC000  }
.LBB2_6:
0xda: {  	[spmem:s2] =	stream.indirect.scatter.add.f32 [tilespmem:s21], [sflag:$0x4], $0x80, s7, s19, $0xb8;
	[tilespmem:$0x1F800] =	vst v63  }
0xdb: {  	s7 =	smov.u32 s5  }
0xdc: {  	p0 =	sne.s32 s5, $0xFFFFFC00;
	s5 =	sadd.s32 $0x400, s5;
	_ =	swait.ge [sflag:s28], $0x4000  }
0xdd: {  	s7 =	sshra.s32 s7, $0x2;
	[sflag:s28] =	ssyncset.done $0x0  }
0xde: {  	s8 =	sadd.s32 $0x1880, s7;
	[sflag:s28] =	ssyncadd.s32 $0xFFFFC000  }
0xdf: {  	[tilespmem:s21], [sflag:$0x2] =	stream.indirect.gather [hbm4b:s13+s19], $0x80, s8, s19, $0xb8;
	[tilespmem:$0x1F800] =	vst v63  }
0xe0: {  	_ =	swait.ge [sflag:s22], $0x4000  }
0xe1: {  	[sflag:s22] =	ssyncset.done $0x0  }
0xe2: {  	s8 =	sadd.s32 $0x3400, s7;
	[sflag:s22] =	ssyncadd.s32 $0xFFFFC000  }
0xe3: {  	[spmem:s2] =	stream.indirect.scatter.add.f32 [tilespmem:s20], [sflag:$0x3], $0x80, s8, s19, $0xb8;
	[tilespmem:$0x1F800] =	vst v63  }
0xe4: {  	_ =	swait.ge [sflag:s23], $0x4000  }
0xe5: {  	[sflag:s23] =	ssyncset.done $0x0  }
.Ltmp2:
0xe6: {  	s8 =	sadd.s32 $0x1900, s7;
	[sflag:s23] =	ssyncadd.s32 $0xFFFFC000;
	(pc) =	sbr.rel @p0 .LBB2_6-.Ltmp2, $4  }
0xe7: {  	[tilespmem:s20], [sflag:$0x1] =	stream.indirect.gather [hbm4b:s13+s19], $0x80, s8, s19, $0xb8;
	[tilespmem:$0x1F800] =	vst v63  }
0xe8: {  	_ =	swait.ge [sflag:s25], $0x4000  }
0xe9: {  	[sflag:s25] =	ssyncset.done $0x0  }
0xea: {  	s7 =	sadd.s32 $0x3480, s7;
	[sflag:s25] =	ssyncadd.s32 $0xFFFFC000  }
0xeb: {  	[spmem:s2] =	stream.indirect.scatter.add.f32 [tilespmem:s21], [sflag:$0x4], $0x80, s7, s19, $0xb8;
	[tilespmem:$0x1F800] =	vst v63  }
0xec: {  	_ =	swait.ge [sflag:s28], $0x4000  }
0xed: {  	[sflag:s28] =	ssyncset.done $0x0  }
0xee: {  	[sflag:s28] =	ssyncadd.s32 $0xFFFFC000  }
0xef: {  	[tilespmem:s21], [sflag:$0x2] =	stream.indirect.gather [hbm4b:s13+s19], $0x80, s29, s19, $0xb8;
	[tilespmem:$0x1F800] =	vst v63  }
0xf0: {  	_ =	swait.ge [sflag:s22], $0x4000  }
0xf1: {  	[sflag:s22] =	ssyncset.done $0x0  }
0xf2: {  	[sflag:s22] =	ssyncadd.s32 $0xFFFFC000  }
0xf3: {  	[spmem:s2] =	stream.indirect.scatter.add.f32 [tilespmem:s20], [sflag:$0x3], $0x80, s30, s19, $0xb8;
	[tilespmem:$0x1F800] =	vst v63  }
0xf4: {  	_ =	swait.ge [sflag:s23], $0x4000  }
0xf5: {  	[sflag:s23] =	ssyncset.done $0x0  }
0xf6: {  	[sflag:s23] =	ssyncadd.s32 $0xFFFFC000  }
0xf7: {  	_ =	swait.ge [sflag:s25], $0x4000  }
0xf8: {  	[sflag:s25] =	ssyncset.done $0x0  }
0xf9: {  	[sflag:s25] =	ssyncadd.s32 $0xFFFFC000  }
0xfa: {  	[spmem:s2] =	stream.indirect.scatter.add.f32 [tilespmem:s21], [sflag:$0x4], $0x80, s31, s19, $0xb8;
	[tilespmem:$0x1F800] =	vst v63  }
0xfb: {  	_ =	swait.ge [sflag:s28], $0x4000  }
0xfc: {  	[sflag:s28] =	ssyncset.done $0x0  }
0xfd: {  	s0 =	sadd.s32 $0x1, s0;
	[sflag:s28] =	ssyncadd.s32 $0xFFFFC000  }
0xfe: {  	p0 =	sne.s32 s0, s16;
	[bflag:$0x0] =	sbarrier.arrive $0xFFFF  }
0xff: {  	[hbm:s15], [sflag:s1] =	dma.local [spmem:s4], $0x2800  }
.Ltmp3:
0x100: {  	_ =	swait.ge [sflag:s17], $0x2800;
	(pc) =	sbr.rel @p0 .LBB2_1-.Ltmp3, $3  }
0x101: {  	[sflag:s17] =	ssyncset.done $0x0  }
0x102: {  	[sflag:s17] =	ssyncadd.s32 $0xFFFFD800  }
0x103: {  	[bflag:$0x0] =	sbarrier.arrive $0xFFFF;
	_ =	sdelay $0x1  }
0x104: {  	_ =	sfence.sel $0x180000  }
0x105: {  	[bflag:$0x0] =	sbarrier.arrive $0xFFFF  }
0x106: {  	_ =	strace $0x9000004A  }
0x107: {  	s0 =	stileid.u32;
	[bflag:$0x2] =	sbarrier.arrive $0xFFFF  }
0x108: {  	p0 =	sne.s32 s0, $0x0;
	s0 =	rddreg [dreg:$0x2]  }
0x109: {  	s0 =	sadd.s32 @!p0 $0x100000, s0  }
0x10a: {  	[sflag:s0] =	ssyncadd.tile.s32 @!p0 $0x1;
	_ =	shalt  }
.Lfunc_end2:
_tile_overlayer_lowered:
.L_overlay_start_2:
0x10b: {  	(tag) =	ssettag $0x2  }
0x10c: {  	s0 =	rddreg [dreg:$0x0];
	s2 =	stileid.u32  }
0x10d: {  	s1 =	rddreg [dreg:$0x1];
	p0 =	sne.s32 s2, $0x0  }
0x10e: {  	s3 =	rddreg [dreg:$0x2];
	[bflag:$0x3] =	sbarrier.arrive $0xFFFF;
	s2 =	simm.s32 @!p0 $0x1C05  }
0x10f: {  	[timem:s3], [sflag:s2] =	dma.local @!p0 [hbm:s0], s1  }
0x110: {  	s0 =	simm.s32 @!p0 $0x5  }
0x111: {  	_ =	swait.ge @!p0 [sflag:s0], s1  }
0x112: {  	s1 =	ssub.s32 @!p0 $0x0, s1;
	[sflag:s0] =	ssyncset.done @!p0 $0x0  }
0x113: {  	[sflag:s0] =	ssyncadd.s32 @!p0 s1  }
0x114: {  	[bflag:$0x3] =	sbarrier.arrive $0xFFFF  }
0x115: {  	_ =	shalt  }

// kernel: kernel.14.cloned.1.call-start
scs
__scs_entry_jumppad:
0x0: {  	(pc) =	sbr.rel $0x88, $3  }
0x1: {  	(tag) =	ssettag $0x0;
	lr =	simm.s32 $0x1  }
0x2: {  	[smem:$0x3F95] =	sst lr;
	_ =	strace $0xD0000000  }
0x3: {  	_ = 	snop  }
0x4: {  	_ = 	snop  }
0x5: {  	_ = 	snop  }
0x6: {  	_ = 	snop  }
0x7: {  	_ = 	snop  }
__scs_overlays_trampoline_lowered:
0x8: {  	[smem:$0x3FA4] =	sst s0  }
0x9: {  	[smem:$0x3FA5] =	sst s1  }
0xa: {  	[smem:$0x3FA6] =	sst s2  }
0xb: {  	[smem:$0x3FA7] =	sst s3  }
0xc: {  	[smem:$0x3FA8] =	sst s4  }
0xd: {  	[smem:$0x3FA9] =	sst s5  }
0xe: {  	[smem:$0x3FAA] =	sst s6  }
0xf: {  	[smem:$0x3FAB] =	sst s7  }
0x10: {  	[smem:$0x3FAC] =	sst s8  }
0x11: {  	[smem:$0x3FAD] =	sst s9;
	s0 =	simm.s32 @!p0 $0x0  }
0x12: {  	s1 =	sld [smem:$0x3F93];
	s0 =	simm.s32 @p0 $0x1  }
0x13: {  	[smem:$0x3FAE] =	sst s0;
	s0 =	simm.s32 @!p1 $0x0  }
0x14: {  	s2 =	sld [smem:$0x3F92];
	s0 =	simm.s32 @p1 $0x1  }
0x15: {  	[smem:$0x3FAF] =	sst s0;
	s0 =	simm.s32 @!p2 $0x0  }
0x16: {  	s3 =	sld [smem:$0x3FDB];
	s0 =	simm.s32 @p2 $0x1  }
0x17: {  	s4 =	simm.s32 $0x1BF5;
	[smem:$0x3FB1] =	sst s0  }
0x18: {  	s0 =	sld [smem:$0x3F94];
	_ =	swait.ge [sflag:s4], $0x0  }
0x19: {  	s7 =	sld [smem:$0x3F95]  }
0x1a: {  	s8 =	sadd.s32 $0xFFFFE003, lr  }
0x1b: {  	s9 =	sadd.s32 $0xFFFFFEF7, lr;
	s5 =	simm.s32 $0xFFFFFFFF;
	p2 =	slt.u32 s8, $0xFFFFF086  }
0x1c: {  	p1 =	slt.u32 s9, $0xF7A;
	s5 =	simm.s32 @!p2 $0x0  }
0x1d: {  	s5 =	simm.s32 @p1 $0x1;
	p0 =	seq.s32 s7, s2  }
0x1e: {  	s7 =	smul.u32 @!p0 $0xF7A, s2;
	p2 =	seq.s32 @!p0 s5, $0x0  }
0x1f: {  	s9 =	smul.u32 $0xF7A, s1;
	s8 =	simm.s32 @!p0 $0x1BF5;
	p2 =	por !p2, p0  }
0x20: {  	[sflag:s8] =	ssyncset.s32 @!p0 $0xFFFFF086;
	s6 =	sadd.s32 @!p0 s3, s7;
	s7 =	simm.s32 @!p0 $0x108  }
0x21: {  	s3 =	sadd.s32 s3, s9;
	s6 =	sadd.s32 @!p0 $0x88, s6;
	s7 =	simm.s32 @p2 $0x1082  }
0x22: {  	[simem:s7], [sflag:s8] =	dma.local @!p0 [hbm:s6], $0xF7A  }
0x23: {  	s9 =	sor.u32 $0xD0000000, s2;
	s6 =	simm.s32 $0x108;
	_ =	swait.ge @!p0 [sflag:s8], $0x0  }
0x24: {  	s3 =	sadd.s32 $0x88, s3;
	s6 =	simm.s32 @!p1 $0x1082;
	[sflag:s4] =	ssyncset.s32 $0xFFFFF086  }
0x25: {  	[simem:s6], [sflag:s4] =	dma.local [hbm:s3], $0xF7A  }
0x26: {  	[smem:$0x3F95] =	sst s1;
	(tag) =	ssettag s2;
	_ =	strace s9  }
0x27: {  	s1 =	sld [smem:$0x3FA5]  }
0x28: {  	s2 =	sld [smem:$0x3FA6]  }
0x29: {  	s4 =	sld [smem:$0x3FA8]  }
0x2a: {  	p0 =	seq.s32 s5, $0x0;
	s5 =	sld [smem:$0x3FA9]  }
0x2b: {  	s6 =	sld [smem:$0x3FAA]  }
0x2c: {  	s7 =	sld [smem:$0x3FAB]  }
0x2d: {  	s3 =	simm.s32 $0x108;
	s8 =	sld [smem:$0x3FAC]  }
0x2e: {  	s3 =	simm.s32 @!p0 $0x1082;
	s9 =	sld [smem:$0x3FAD]  }
0x2f: {  	lr =	sadd.s32 s0, s3;
	s0 =	sld [smem:$0x3FA4]  }
0x30: {  	s3 =	sld [smem:$0x3FA7]  }
0x31: {  	[smem:$0x3FB0] =	sst s10  }
0x32: {  	s10 =	sld [smem:$0x3FAE];
	_ =	sdelay $0x3  }
0x33: {  	p0 =	seq.s32 s10, $0x1;
	s10 =	sld [smem:$0x3FB0];
	_ =	sdelay $0x3  }
0x34: {  	[smem:$0x3FB0] =	sst s10  }
0x35: {  	s10 =	sld [smem:$0x3FAF];
	_ =	sdelay $0x3  }
0x36: {  	p1 =	seq.s32 s10, $0x1;
	s10 =	sld [smem:$0x3FB0];
	_ =	sdelay $0x3  }
0x37: {  	[smem:$0x3FB0] =	sst s10  }
0x38: {  	s10 =	sld [smem:$0x3FB1]  }
0x39: {  	_ = 	snop;
	(pc) =	sbr.ind lr, $3  }
0x3a: {  	_ = 	snop  }
0x3b: {  	_ = 	snop  }
0x3c: {  	p2 =	seq.s32 s10, $0x1;
	s10 =	sld [smem:$0x3FB0]  }
0x3d: {  	_ =	shalt  }
0x3e: {  	_ =	shalt  }
0x3f: {  	_ =	shalt  }
0x40: {  	_ =	shalt  }
0x41: {  	_ =	shalt  }
0x42: {  	_ =	shalt  }
0x43: {  	_ =	shalt  }
0x44: {  	_ =	shalt  }
0x45: {  	_ =	shalt  }
0x46: {  	_ =	shalt  }
0x47: {  	_ =	shalt  }
0x48: {  	_ =	shalt  }
0x49: {  	_ =	shalt  }
0x4a: {  	_ =	shalt  }
0x4b: {  	_ =	shalt  }
0x4c: {  	_ =	shalt  }
0x4d: {  	_ =	shalt  }
0x4e: {  	_ =	shalt  }
0x4f: {  	_ =	shalt  }
0x50: {  	_ =	shalt  }
0x51: {  	_ =	shalt  }
0x52: {  	_ =	shalt  }
0x53: {  	_ =	shalt  }
0x54: {  	_ =	shalt  }
0x55: {  	_ =	shalt  }
0x56: {  	_ =	shalt  }
0x57: {  	_ =	shalt  }
0x58: {  	_ =	shalt  }
0x59: {  	_ =	shalt  }
0x5a: {  	_ =	shalt  }
0x5b: {  	_ =	shalt  }
0x5c: {  	_ =	shalt  }
0x5d: {  	_ =	shalt  }
0x5e: {  	_ =	shalt  }
0x5f: {  	_ =	shalt  }
0x60: {  	_ =	shalt  }
0x61: {  	_ =	shalt  }
0x62: {  	_ =	shalt  }
0x63: {  	_ =	shalt  }
0x64: {  	_ =	shalt  }
0x65: {  	_ =	shalt  }
0x66: {  	_ =	shalt  }
0x67: {  	_ =	shalt  }
0x68: {  	_ =	shalt  }
0x69: {  	_ =	shalt  }
0x6a: {  	_ =	shalt  }
0x6b: {  	_ =	shalt  }
0x6c: {  	_ =	shalt  }
0x6d: {  	_ =	shalt  }
0x6e: {  	_ =	shalt  }
0x6f: {  	_ =	shalt  }
0x70: {  	_ =	shalt  }
0x71: {  	_ =	shalt  }
0x72: {  	_ =	shalt  }
0x73: {  	_ =	shalt  }
0x74: {  	_ =	shalt  }
0x75: {  	_ =	shalt  }
0x76: {  	_ =	shalt  }
0x77: {  	_ =	shalt  }
0x78: {  	_ =	shalt  }
0x79: {  	_ =	shalt  }
0x7a: {  	_ =	shalt  }
0x7b: {  	_ =	shalt  }
0x7c: {  	_ =	shalt  }
0x7d: {  	_ =	shalt  }
0x7e: {  	_ =	shalt  }
0x7f: {  	_ =	shalt  }
0x80: {  	_ =	shalt  }
0x81: {  	_ =	shalt  }
0x82: {  	_ =	shalt  }
0x83: {  	_ =	shalt  }
0x84: {  	_ =	shalt  }
0x85: {  	_ =	shalt  }
0x86: {  	_ =	shalt  }
0x87: {  	_ =	shalt  }
.Lfunc_end0:
.L_simem_size_0:
called_computation.2_lowered:
.L_overlay_start_0:
0x88: {  	s2 =	sld [smem:$0x3FD9]  }
0x89: {  	s3 =	sld [smem:$0x3FFE];
	_ =	sdelay $0x1  }
0x8a: {  	s1 =	srdreg.scid  }
0x8b: {  	s0 =	sand.u32 $0x1, s1  }
0x8c: {  	s17 =	sshll.u32 s0, $0xA;
	s2 =	sadd.s32 s3, s2  }
0x8d: {  	s2 =	sadd.s32 s2, s17  }
0x8e: {  	[smem:$0x3FBC] =	sst s2  }
0x8f: {  	_ = 	snop  }
0x90: {  	s2 =	sld [smem:$0x3FC7]  }
0x91: {  	s18 =	sld [smem:$0x3FC6]  }
0x92: {  	s4 =	sld [smem:$0x3FD0];
	(tm) =	ssettm $0x1  }
0x93: {  	s5 =	sld [smem:$0x3FFB];
	_ =	sdelay $0x3  }
0x94: {  	_ =	strace s5  }
0x95: {  	s5 =	sld [smem:$0x3FFC];
	_ =	sdelay $0x3  }
0x96: {  	_ =	strace s5  }
0x97: {  	s5 =	sld [smem:$0x3FFD];
	_ =	sdelay $0x3  }
0x98: {  	_ =	strace s5  }
0x99: {  	_ =	strace $0x8FFFFFFF  }
0x9a: {  	s19 =	sld [smem:$0x3FDB];
	_ =	sdelay $0x1  }
0x9b: {  	s6 =	simm.s32 $_scs_section_size  }
0x9c: {  	s7 =	simm.s32 $_size__tile_overlayer_lowered;
	s8 =	simm.s32 $_tile_overlayer_lowered  }
0x9d: {  	s22 =	simm.s32 $0x1BFF;
	s21 =	sshll.u32 s8, $0x1;
	s5 =	sadd.s32 s6, s19  }
0x9e: {  	s9 =	simm.s32 $0x0;
	s20 =	sshll.u32 s7, $0x1;
	s7 =	sadd.s32 s21, s5  }
0x9f: {  	[timem:s9], [sflag:s22] =	dma.local [hbm:s7], s20  }
0xa0: {  	_ =	swait.ge [sflag:s22], s20  }
0xa1: {  	s6 =	ssub.s32 $0x0, s20;
	[sflag:s22] =	ssyncset.done $0x0  }
0xa2: {  	[sflag:s22] =	ssyncadd.s32 s6;
	_ =	sdelay $0x1  }
0xa3: {  	s23 =	simm.s32 $0x1B8B  }
0xa4: {  	_ =	swait.ge [sflag:s23], $0x1  }
0xa5: {  	[sflag:s23] =	ssyncset.done $0x0  }
0xa6: {  	s25 =	simm.s32 $0x1B8E;
	s24 =	sld [smem:$0x3FFE];
	[sflag:s23] =	ssyncadd.s32 $0xFFFFFFFF  }
0xa7: {  	s26 =	simm.s32 $execute0_lowered;
	[smem:$0x3FD2] =	sst s25  }
0xa8: {  	s7 =	sshll.u32 s26, $0x1;
	_ =	strace $0x8000004C;
	[dreg:$0x1] =	wrdreg $0xFFFFFFFF  }
0xa9: {  	s28 =	simm.s32 $_size_execute0_lowered;
	s5 =	sadd.s32 s5, s7;
	[dreg:$0x0] =	wrdreg $0x0  }
0xaa: {  	s7 =	sshll.u32 s28, $0x1;
	[dreg:$0x2] =	wrdreg s5  }
0xab: {  	[dreg:$0x3] =	wrdreg s7  }
0xac: {  	[dreg:$0x4] =	wrdreg $0xC0  }
0xad: {  	_ =	task [dreg:s9], $0x5FFFF  }
0xae: {  	[dreg:$0x1] =	wrdreg $0xFFFFFFFF  }
0xaf: {  	[dreg:$0x0] =	wrdreg $0x60  }
0xb0: {  	[dreg:$0x2] =	wrdreg s24  }
0xb1: {  	[dreg:$0x3] =	wrdreg s2  }
0xb2: {  	[dreg:$0x4] =	wrdreg s18  }
0xb3: {  	[dreg:$0x5] =	wrdreg s4  }
0xb4: {  	[dreg:$0x6] =	wrdreg $0xBC800  }
0xb5: {  	[dreg:$0x7] =	wrdreg $0x9  }
0xb6: {  	_ =	task.clear_ibuf [dreg:s9], $0x8FFFF;
	_ =	strace $0x9000004C  }
0xb7: {  	s29 =	simm.s32 $0x9;
	_ =	strace $0x8000004E  }
0xb8: {  	_ =	swait.ge [sflag:s29], $0x1  }
0xb9: {  	[sflag:s29] =	ssyncadd.s32 $0xFFFFFFFF  }
0xba: {  	_ =	strace $0x9000004E  }
0xbb: {  	_ =	sfence  }
0xbc: {  	s30 =	sld [smem:$0x0];
	_ =	sdelay $0x2  }
0xbd: {  	s31 =	sshll.u32 s1, $0xD;
	s1 =	sshrl.u32 s1, $0x2  }
0xbe: {  	s3 =	sand.u32 $0x4000, s31;
	s1 =	sadd.s32 s1, s30  }
0xbf: {  	s0 =	sor.u32 s3, s0;
	s1 =	sshll.u32 s1, $0x11  }
0xc0: {  	s0 =	sor.u32 s1, s0  }
0xc1: {  	s0 =	sadd.s32 $0x8F2B, s0  }
0xc2: {  	[sflag:s0] =	ssyncadd.remote.s32 $0x1  }
0xc3: {  	_ =	sfence.sel $0xFFFF  }
0xc4: {  	[dreg:$0x0] =	wrdreg $0xFFFFFFFF;
	(pc) =	sbr.abs _section_cstart, $3  }
0xc5: {  	[dreg:$0x1] =	wrdreg $0xFFFFFFFF  }
0xc6: {  	_ =	task.clear_ibuf [dreg:s9], $0x2FFFF;
	_ =	strace $0x9FFFFFFF  }
0xc7: {  	(tm) =	ssettm $0x7FFFFFFF  }
tec
execute0_lowered:
.L_overlay_start_1:
0x0: {  	(tag) =	ssettag $0x1  }
0x1: {  	s3 =	rddreg [dreg:$0x0];
	s1 =	simm.s32 $0x0;
	s0 =	srdreg.scid  }
0x2: {  	s22 =	stileid.u32;
	[smem:$0x7FF] =	sst s1  }
0x3: {  	s2 =	sand.u32 $0x1, s0;
	s8 =	sadd.s32 $0x8400, s3;
	s9 =	smul.u32 $0x14000, s22  }
0x4: {  	s0 =	sadd.s32 $0xF8800, s3;
	s5 =	ssub.s32 $0x2, s2;
	s7 =	smul.u32 $0x3C0000, s2  }
0x5: {  	s4 =	sadd.s32 $0x1B8800, s3;
	s10 =	smul.u32 $0x3, s2;
	s6 =	sshrl.u32 s5, $0x1  }
0x6: {  	p0 =	seq.s32 s2, $0x1;
	s12 =	smul.u32 $0x300000, s2;
	s6 =	ssub.s32 s5, s6  }
0x7: {  	s23 =	sadd.s32 s9, s7;
	s11 =	sshrl.u32 s7, $0x3;
	s14 =	sadd.s32 $0x1, s10  }
0x8: {  	s7 =	sadd.s32 $0x280000, s7;
	s10 =	sshll.u32 s10, $0x14;
	s5 =	sshrl.u32 s23, $0x3  }
0x9: {  	s2 =	sadd.s32 s8, s11;
	s11 =	sshll.u32 s22, $0x10;
	s16 =	smul.u32 $0x140000, s14  }
0xa: {  	s14 =	sshll.u32 s14, $0x14;
	s10 =	sadd.s32 $0x200000, s10;
	s5 =	sadd.s32 s8, s5  }
0xb: {  	s24 =	sor.u32 s11, s12;
	s13 =	sor.u32 $0x4000, s11;
	s18 =	sor.u32 $0x8000, s11  }
0xc: {  	s20 =	sor.u32 $0xC000, s11;
	s23 =	sor.u32 s11, s14;
	s11 =	sor.u32 s11, s10  }
0xd: {  	[dreg:$0x6] =	wrdreg s5;
	s15 =	sshrl.u32 s24, $0x3;
	s25 =	sor.u32 s12, s13  }
0xe: {  	s19 =	sor.u32 s12, s18;
	s21 =	sshrl.u32 s16, $0x3;
	s12 =	sor.u32 s12, s20  }
0xf: {  	s16 =	sadd.s32 s9, s16;
	s9 =	sadd.s32 s9, s7;
	s7 =	sshrl.u32 s7, $0x3  }
0x10: {  	s17 =	sadd.s32 s0, s15;
	s26 =	sshrl.u32 s25, $0x3;
	s5 =	sadd.s32 s8, s21  }
0x11: {  	s16 =	sshrl.u32 s16, $0x3;
	s21 =	sor.u32 s13, s14;
	s9 =	sshrl.u32 s9, $0x3  }
0x12: {  	s7 =	sadd.s32 s8, s7;
	s15 =	sadd.s32 s4, s15;
	[dreg:$0x7] =	wrdreg s17  }
0x13: {  	s13 =	sor.u32 s13, s10;
	s16 =	sadd.s32 s8, s16;
	[dreg:$0xb] =	wrdreg s15  }
0x14: {  	s25 =	sshrl.u32 s19, $0x3;
	s8 =	sadd.s32 s8, s9;
	[dreg:$0x8] =	wrdreg s16  }
0x15: {  	s12 =	sshrl.u32 s12, $0x3;
	s24 =	sadd.s32 s0, s26;
	[dreg:$0x9] =	wrdreg s8  }
0x16: {  	s9 =	sor.u32 s20, s14;
	s26 =	sadd.s32 s4, s26;
	[dreg:$0xa] =	wrdreg s24  }
0x17: {  	s17 =	sadd.s32 s0, s25;
	s19 =	sadd.s32 s4, s25;
	[dreg:$0xc] =	wrdreg s26  }
0x18: {  	s8 =	sor.u32 s18, s14;
	s14 =	sor.u32 s18, s10;
	[dreg:$0xd] =	wrdreg s17  }
0x19: {  	s10 =	sor.u32 s20, s10;
	[dreg:$0xe] =	wrdreg s19;
	s20 =	sadd.s32 s0, s12  }
0x1a: {  	s23 =	sshrl.u32 s23, $0x3;
	s12 =	sadd.s32 s4, s12;
	[dreg:$0xf] =	wrdreg s20  }
0x1b: {  	s24 =	sshrl.u32 s21, $0x3;
	s16 =	sadd.s32 s0, s23;
	[dreg:$0x10] =	wrdreg s12  }
0x1c: {  	s9 =	sshrl.u32 s9, $0x3;
	[dreg:$0x11] =	wrdreg s16;
	s12 =	sadd.s32 s4, s23  }
0x1d: {  	s16 =	sadd.s32 s0, s9;
	s17 =	sadd.s32 s4, s9;
	s9 =	rddreg [dreg:$0x3]  }
0x1e: {  	s25 =	sadd.s32 s0, s24;
	[dreg:$0x12] =	wrdreg s12  }
0x1f: {  	s26 =	sadd.s32 s4, s24;
	[dreg:$0x13] =	wrdreg s25  }
0x20: {  	[dreg:$0x14] =	wrdreg s26  }
0x21: {  	[dreg:$0x17] =	wrdreg s16  }
0x22: {  	s18 =	sshrl.u32 s11, $0x3;
	[dreg:$0x18] =	wrdreg s17  }
0x23: {  	s19 =	sshrl.u32 s13, $0x3;
	s21 =	sadd.s32 s0, s18;
	s12 =	rddreg [dreg:$0x1]  }
0x24: {  	s23 =	sadd.s32 s0, s19;
	[dreg:$0x19] =	wrdreg s21  }
0x25: {  	s28 =	simm.s32 $0x1C00;
	s29 =	simm.s32 $0xB800;
	[dreg:$0x1a] =	wrdreg s23  }
0x26: {  	s8 =	sshrl.u32 s8, $0x3;
	s13 =	sadd.s32 s4, s19;
	s26 =	rddreg [dreg:$0x2]  }
0x27: {  	s30 =	simm.s32 $0x80;
	s15 =	sadd.s32 s0, s8;
	[dreg:$0x1e] =	wrdreg s13  }
0x28: {  	s20 =	sshrl.u32 s14, $0x3;
	s8 =	sadd.s32 s4, s8;
	[dreg:$0x15] =	wrdreg s15  }
0x29: {  	s10 =	sshrl.u32 s10, $0x3;
	s24 =	sadd.s32 s0, s20;
	[dreg:$0x16] =	wrdreg s8  }
0x2a: {  	s31 =	simm.s32 $0xBC00;
	s0 =	sadd.s32 s0, s10;
	[dreg:$0x1b] =	wrdreg s24  }
0x2b: {  	s6 =	smax.u32 s6, $0x1;
	s25 =	sadd.s32 s4, s18;
	[dreg:$0x1c] =	wrdreg s0  }
0x2c: {  	s19 =	sshll.u32 s22, $0x6;
	s14 =	sadd.s32 s4, s20;
	[dreg:$0x1d] =	wrdreg s25  }
0x2d: {  	s13 =	sadd.s32 $0xF8400, s3;
	s4 =	sadd.s32 s4, s10;
	[dreg:$0x1f] =	wrdreg s14  }
0x2e: {  	s17 =	smul.u32 $0x50000, s22;
	s10 =	simm.s32 $0x3;
	s0 =	rddreg [dreg:$0x4]  }
0x2f: {  	s15 =	smul.u32 $0x380, s22;
	[smem:$0x7EE] =	sst s4;
	s9 =	smov.u32 @p0 s13  }
0x30: {  	s4 =	sadd.s32 $0x4600, s3;
	s21 =	sadd.s32 s12, s19;
	s8 =	sadd.s32 s26, s19  }
0x31: {  	s12 =	simm.s32 $0x2;
	_ =	strace $0x8000004D;
	[smem:$0x7F1] =	sst s21  }
0x32: {  	s14 =	simm.s32 $0x1C80;
	s13 =	simm.s32 $0x3480;
	[smem:$0x7F2] =	sst s8  }
0x33: {  	s22 =	sshrl.u32 s17, $0x2;
	[smem:$0x7F4] =	sst s6;
	s6 =	simm.s32 $0xBB80  }
0x34: {  	[smem:$0x7F7] =	sst s19;
	s23 =	sadd.s32 s9, s19;
	s19 =	simm.s32 $0xBA00  }
0x35: {  	s9 =	simm.s32 $0x1;
	s21 =	simm.s32 $0x4;
	s17 =	simm.s32 $0xB980  }
0x36: {  	s16 =	sadd.s32 s15, s3;
	s3 =	sadd.s32 s22, s0;
	[smem:$0x7FC] =	sst s23  }
0x37: {  	s8 =	simm.s32 $0x0;
	s6 =	simm.s32 @!p0 $0xB980;
	[smem:$0x7F3] =	sst s3  }
0x38: {  	s24 =	sadd.s32 $0x10, s23;
	s25 =	sadd.s32 $0x20, s23;
	[smem:$0x7F9] =	sst s6  }
0x39: {  	s26 =	sadd.s32 $0x30, s23;
	s23 =	simm.s32 $0x1880;
	[smem:$0x7FA] =	sst s24  }
0x3a: {  	s15 =	simm.s32 $0xB880;
	s3 =	simm.s32 $0xBA00;
	[smem:$0x7FB] =	sst s25  }
0x3b: {  	s18 =	sadd.s32 $0x4C00, s16;
	[smem:$0x7FD] =	sst s26;
	s3 =	simm.s32 @!p0 $0xB800  }
0x3c: {  	s20 =	sadd.s32 $0xE00, s16;
	[smem:$0x7F5] =	sst s3;
	s3 =	simm.s32 $0xBA80  }
0x3d: {  	s26 =	simm.s32 $0x5;
	[smem:$0x7EF] =	sst s18;
	s3 =	simm.s32 @!p0 $0xB880  }
0x3e: {  	s6 =	simm.s32 $0x7800;
	[smem:$0x7F6] =	sst s3;
	s3 =	simm.s32 $0xBB00  }
0x3f: {  	s25 =	simm.s32 $0x3400;
	[smem:$0x7F0] =	sst s20;
	s3 =	simm.s32 @!p0 $0xB900  }
0x40: {  	s16 =	simm.s32 $0xB900;
	[smem:$0x7F8] =	sst s3;
	s3 =	simm.s32 $0x3800  }
.LBB2_1:
0x41: {  	s11 =	sld [smem:$0x7EF];
	_ =	sdelay $0x2  }
0x42: {  	[tilespmem:s1], [sflag:$0x5] =	stream.linear.gather [hbm4b:s11+s1], $0x1900, $0x38;
	[tilespmem:$0x1FC80] =	vst v63  }
0x43: {  	_ =	swait.ge [sflag:s26], $0x1900  }
0x44: {  	s20 =	sld [smem:$0x7F0]  }
0x45: {  	[sflag:s26] =	ssyncset.done $0x0  }
0x46: {  	[sflag:s26] =	ssyncadd.s32 $0xFFFFE700  }
0x47: {  	[tilespmem:s28], [sflag:$0x5] =	stream.linear.gather [hbm4b:s20+s1], $0x1900, $0x38;
	[tilespmem:$0x1FC80] =	vst v63  }
0x48: {  	_ =	swait.ge [sflag:s26], $0x1900  }
0x49: {  	s22 =	sld [smem:$0x7F1]  }
0x4a: {  	[sflag:s26] =	ssyncset.done $0x0  }
0x4b: {  	[sflag:s26] =	ssyncadd.s32 $0xFFFFE700  }
0x4c: {  	[tilespmem:s29], [sflag:$0x5] =	stream.linear.gather [hbm4b:s22+s1], $0x200, $0x38;
	[tilespmem:$0x1FC80] =	vst v63  }
0x4d: {  	_ =	swait.ge [sflag:s26], $0x200  }
0x4e: {  	s24 =	sld [smem:$0x7F2]  }
0x4f: {  	[sflag:s26] =	ssyncset.done $0x0  }
0x50: {  	[sflag:s26] =	ssyncadd.s32 $0xFFFFFE00  }
0x51: {  	[tilespmem:s19], [sflag:$0x5] =	stream.linear.gather [hbm4b:s24+s1], $0x200, $0x38;
	[tilespmem:$0x1FC80] =	vst v63  }
0x52: {  	_ =	swait.ge [sflag:s26], $0x200  }
0x53: {  	s18 =	sld [smem:$0x7F5]  }
0x54: {  	[sflag:s26] =	ssyncset.done $0x0  }
0x55: {  	[sflag:s26] =	ssyncadd.s32 $0xFFFFFE00  }
0x56: {  	[tilespmem:s31], [sflag:$0x5] =	stream.indirect.gather [hbm4b:s4+s30], $0x1, s18, s30, $0xb8;
	[tilespmem:$0x1FC80] =	vst v63  }
0x57: {  	_ =	swait.ge [sflag:s26], $0x80  }
0x58: {  	s20 =	sld [smem:$0x7FC]  }
0x59: {  	[sflag:s26] =	ssyncset.done $0x0  }
0x5a: {  	[sflag:s26] =	ssyncadd.s32 $0xFFFFFF80  }
0x5b: {  	[hbm4b:s20+s1] =	stream.linear.scatter [tilespmem:s31], [sflag:$0x5], $0x80, $0x38;
	[tilespmem:$0x1FC80] =	vst v63  }
0x5c: {  	_ =	swait.ge [sflag:s26], $0x80  }
0x5d: {  	s22 =	sld [smem:$0x7F6]  }
0x5e: {  	[sflag:s26] =	ssyncset.done $0x0  }
0x5f: {  	[sflag:s26] =	ssyncadd.s32 $0xFFFFFF80  }
0x60: {  	[tilespmem:s31], [sflag:$0x5] =	stream.indirect.gather [hbm4b:s4+s30], $0x1, s22, s30, $0xb8;
	[tilespmem:$0x1FC80] =	vst v63  }
0x61: {  	_ =	swait.ge [sflag:s26], $0x80  }
0x62: {  	s24 =	sld [smem:$0x7FA]  }
0x63: {  	[sflag:s26] =	ssyncset.done $0x0  }
0x64: {  	[sflag:s26] =	ssyncadd.s32 $0xFFFFFF80  }
0x65: {  	[hbm4b:s24+s1] =	stream.linear.scatter [tilespmem:s31], [sflag:$0x5], $0x80, $0x38;
	[tilespmem:$0x1FC80] =	vst v63  }
0x66: {  	_ =	swait.ge [sflag:s26], $0x80  }
0x67: {  	s18 =	sld [smem:$0x7F8]  }
0x68: {  	[sflag:s26] =	ssyncset.done $0x0  }
0x69: {  	[sflag:s26] =	ssyncadd.s32 $0xFFFFFF80  }
0x6a: {  	[tilespmem:s31], [sflag:$0x5] =	stream.indirect.gather [hbm4b:s4+s30], $0x1, s18, s30, $0xb8;
	[tilespmem:$0x1FC80] =	vst v63  }
0x6b: {  	_ =	swait.ge [sflag:s26], $0x80  }
0x6c: {  	s20 =	sld [smem:$0x7FB]  }
0x6d: {  	[sflag:s26] =	ssyncset.done $0x0  }
0x6e: {  	[sflag:s26] =	ssyncadd.s32 $0xFFFFFF80  }
0x6f: {  	[hbm4b:s20+s1] =	stream.linear.scatter [tilespmem:s31], [sflag:$0x5], $0x80, $0x38;
	[tilespmem:$0x1FC80] =	vst v63  }
0x70: {  	_ =	swait.ge [sflag:s26], $0x80  }
0x71: {  	s22 =	sld [smem:$0x7F9]  }
0x72: {  	[sflag:s26] =	ssyncset.done $0x0  }
0x73: {  	[sflag:s26] =	ssyncadd.s32 $0xFFFFFF80  }
0x74: {  	[tilespmem:s31], [sflag:$0x5] =	stream.indirect.gather [hbm4b:s4+s30], $0x1, s22, s30, $0xb8;
	[tilespmem:$0x1FC80] =	vst v63  }
0x75: {  	_ =	swait.ge [sflag:s26], $0x80  }
0x76: {  	s24 =	sld [smem:$0x7FD]  }
0x77: {  	[sflag:s26] =	ssyncset.done $0x0  }
0x78: {  	[sflag:s26] =	ssyncadd.s32 $0xFFFFFF80  }
0x79: {  	[hbm4b:s24+s1] =	stream.linear.scatter [tilespmem:s31], [sflag:$0x5], $0x80, $0x38;
	[tilespmem:$0x1FC80] =	vst v63  }
0x7a: {  	_ =	swait.ge [sflag:s26], $0x80  }
0x7b: {  	s18 =	sld [smem:$0x7F7]  }
0x7c: {  	[sflag:s26] =	ssyncset.done $0x0;
	s20 =	sld [smem:$0x7F3]  }
0x7d: {  	[sflag:s26] =	ssyncadd.s32 $0xFFFFFF80  }
0x7e: {  	[tilespmem:s3], [sflag:$0x1] =	stream.indirect.gather [hbm4b:s2+s30], $0x80, s1, s30, $0xb8;
	[tilespmem:$0x1FC80] =	vst v63  }
0x7f: {  	s22 =	rddreg [dreg:$0x6];
	s18 =	sor.u32 $0x1C05, s18;
	s20 =	sshrl.u32 s20, $0x3  }
0x80: {  	[spmem:s20], [sflag:s18] =	dma.local [hbm:s22], $0x2800  }
0x81: {  	_ =	swait.ge [sflag:s26], $0x2800  }
0x82: {  	[sflag:s26] =	ssyncset.done $0x0  }
0x83: {  	[sflag:s26] =	ssyncadd.s32 $0xFFFFD800  }
0x84: {  	[bflag:$0x0] =	sbarrier.arrive $0xFFFF  }
0x85: {  	[tilespmem:s6], [sflag:$0x2] =	stream.indirect.gather [hbm4b:s2+s30], $0x80, s30, s30, $0xb8;
	[tilespmem:$0x1FC80] =	vst v63  }
0x86: {  	_ =	swait.ge [sflag:s9], $0x4000  }
0x87: {  	[sflag:s9] =	ssyncset.done $0x0  }
0x88: {  	[sflag:s9] =	ssyncadd.s32 $0xFFFFC000  }
0x89: {  	[spmem:s0] =	stream.indirect.scatter.add.f32 [tilespmem:s3], [sflag:$0x3], $0x80, s28, s30, $0xb8;
	[tilespmem:$0x1FC80] =	vst v63  }
0x8a: {  	_ =	swait.ge [sflag:s10], $0x4000  }
0x8b: {  	[sflag:s10] =	ssyncset.done $0x0  }
0x8c: {  	s24 =	simm.s32 $0x100;
	[sflag:s10] =	ssyncadd.s32 $0xFFFFC000  }
0x8d: {  	[tilespmem:s3], [sflag:$0x1] =	stream.indirect.gather [hbm4b:s2+s30], $0x80, s24, s30, $0xb8;
	[tilespmem:$0x1FC80] =	vst v63  }
0x8e: {  	_ =	swait.ge [sflag:s12], $0x4000  }
0x8f: {  	[sflag:s12] =	ssyncset.done $0x0  }
0x90: {  	[sflag:s12] =	ssyncadd.s32 $0xFFFFC000  }
0x91: {  	[spmem:s0] =	stream.indirect.scatter.add.f32 [tilespmem:s6], [sflag:$0x4], $0x80, s14, s30, $0xb8;
	[tilespmem:$0x1FC80] =	vst v63  }
0x92: {  	_ =	swait.ge [sflag:s21], $0x4000  }
0x93: {  	[sflag:s21] =	ssyncset.done $0x0  }
0x94: {  	s22 =	simm.s32 $0x180;
	[sflag:s21] =	ssyncadd.s32 $0xFFFFC000  }
0x95: {  	[tilespmem:s6], [sflag:$0x2] =	stream.indirect.gather [hbm4b:s2+s30], $0x80, s22, s30, $0xb8;
	[tilespmem:$0x1FC80] =	vst v63  }
0x96: {  	_ =	swait.ge [sflag:s9], $0x4000  }
0x97: {  	[sflag:s9] =	ssyncset.done $0x0  }
0x98: {  	s11 =	simm.s32 $0x1D00;
	[sflag:s9] =	ssyncadd.s32 $0xFFFFC000  }
0x99: {  	[spmem:s0] =	stream.indirect.scatter.add.f32 [tilespmem:s3], [sflag:$0x3], $0x80, s11, s30, $0xb8;
	[tilespmem:$0x1FC80] =	vst v63  }
0x9a: {  	_ =	swait.ge [sflag:s10], $0x4000  }
0x9b: {  	[sflag:s10] =	ssyncset.done $0x0  }
0x9c: {  	s24 =	simm.s32 $0x200;
	[sflag:s10] =	ssyncadd.s32 $0xFFFFC000  }
0x9d: {  	[tilespmem:s3], [sflag:$0x1] =	stream.indirect.gather [hbm4b:s2+s30], $0x80, s24, s30, $0xb8;
	[tilespmem:$0x1FC80] =	vst v63  }
0x9e: {  	_ =	swait.ge [sflag:s12], $0x4000  }
0x9f: {  	[sflag:s12] =	ssyncset.done $0x0  }
0xa0: {  	s22 =	simm.s32 $0xFFFFA800;
	s24 =	simm.s32 $0x1D80;
	[sflag:s12] =	ssyncadd.s32 $0xFFFFC000  }
.LBB2_2:
0xa1: {  	[spmem:s0] =	stream.indirect.scatter.add.f32 [tilespmem:s6], [sflag:$0x4], $0x80, s24, s30, $0xb8;
	[tilespmem:$0x1FC80] =	vst v63  }
0xa2: {  	s24 =	smov.u32 s22  }
0xa3: {  	p0 =	sne.s32 s22, $0xFFFFFC00;
	s22 =	sadd.s32 $0x400, s22;
	_ =	swait.ge [sflag:s21], $0x4000  }
0xa4: {  	s24 =	sshra.s32 s24, $0x2;
	[sflag:s21] =	ssyncset.done $0x0  }
0xa5: {  	s11 =	sadd.s32 $0x1880, s24;
	[sflag:s21] =	ssyncadd.s32 $0xFFFFC000  }
0xa6: {  	[tilespmem:s6], [sflag:$0x2] =	stream.indirect.gather [hbm4b:s2+s30], $0x80, s11, s30, $0xb8;
	[tilespmem:$0x1FC80] =	vst v63  }
0xa7: {  	_ =	swait.ge [sflag:s9], $0x4000  }
0xa8: {  	[sflag:s9] =	ssyncset.done $0x0  }
0xa9: {  	s11 =	sadd.s32 $0x3400, s24;
	[sflag:s9] =	ssyncadd.s32 $0xFFFFC000  }
0xaa: {  	[spmem:s0] =	stream.indirect.scatter.add.f32 [tilespmem:s3], [sflag:$0x3], $0x80, s11, s30, $0xb8;
	[tilespmem:$0x1FC80] =	vst v63  }
0xab: {  	_ =	swait.ge [sflag:s10], $0x4000  }
0xac: {  	[sflag:s10] =	ssyncset.done $0x0  }
.Ltmp0:
0xad: {  	s11 =	sadd.s32 $0x1900, s24;
	[sflag:s10] =	ssyncadd.s32 $0xFFFFC000;
	(pc) =	sbr.rel @p0 .LBB2_2-.Ltmp0, $4  }
0xae: {  	[tilespmem:s3], [sflag:$0x1] =	stream.indirect.gather [hbm4b:s2+s30], $0x80, s11, s30, $0xb8;
	[tilespmem:$0x1FC80] =	vst v63  }
0xaf: {  	_ =	swait.ge [sflag:s12], $0x4000  }
0xb0: {  	[sflag:s12] =	ssyncset.done $0x0  }
0xb1: {  	s24 =	sadd.s32 $0x3480, s24;
	[sflag:s12] =	ssyncadd.s32 $0xFFFFC000  }
0xb2: {  	[spmem:s0] =	stream.indirect.scatter.add.f32 [tilespmem:s6], [sflag:$0x4], $0x80, s24, s30, $0xb8;
	[tilespmem:$0x1FC80] =	vst v63  }
0xb3: {  	_ =	swait.ge [sflag:s21], $0x4000  }
0xb4: {  	[sflag:s21] =	ssyncset.done $0x0  }
0xb5: {  	[sflag:s21] =	ssyncadd.s32 $0xFFFFC000  }
0xb6: {  	[tilespmem:s6], [sflag:$0x2] =	stream.indirect.gather [hbm4b:s2+s30], $0x80, s23, s30, $0xb8;
	[tilespmem:$0x1FC80] =	vst v63  }
0xb7: {  	_ =	swait.ge [sflag:s9], $0x4000  }
0xb8: {  	[sflag:s9] =	ssyncset.done $0x0  }
0xb9: {  	[sflag:s9] =	ssyncadd.s32 $0xFFFFC000  }
0xba: {  	[spmem:s0] =	stream.indirect.scatter.add.f32 [tilespmem:s3], [sflag:$0x3], $0x80, s25, s30, $0xb8;
	[tilespmem:$0x1FC80] =	vst v63  }
0xbb: {  	_ =	swait.ge [sflag:s10], $0x4000  }
0xbc: {  	[sflag:s10] =	ssyncset.done $0x0  }
0xbd: {  	[sflag:s10] =	ssyncadd.s32 $0xFFFFC000  }
0xbe: {  	_ =	swait.ge [sflag:s12], $0x4000  }
0xbf: {  	[sflag:s12] =	ssyncset.done $0x0  }
0xc0: {  	[sflag:s12] =	ssyncadd.s32 $0xFFFFC000  }
0xc1: {  	[spmem:s0] =	stream.indirect.scatter.add.f32 [tilespmem:s6], [sflag:$0x4], $0x80, s13, s30, $0xb8;
	[tilespmem:$0x1FC80] =	vst v63  }
0xc2: {  	_ =	swait.ge [sflag:s21], $0x4000  }
0xc3: {  	[sflag:s21] =	ssyncset.done $0x0  }
0xc4: {  	[sflag:s21] =	ssyncadd.s32 $0xFFFFC000  }
0xc5: {  	[bflag:$0x0] =	sbarrier.arrive $0xFFFF  }
0xc6: {  	[tilespmem:s3], [sflag:$0x5] =	stream.indirect.gather [spmem:s0], $0x80, s29, s30, $0xb8;
	[tilespmem:$0x1FC80] =	vst v63  }
0xc7: {  	_ =	swait.ge [sflag:s26], $0x4000  }
0xc8: {  	[sflag:s26] =	ssyncset.done $0x0  }
0xc9: {  	s11 =	rddreg [dreg:$0x7];
	[sflag:s26] =	ssyncadd.s32 $0xFFFFC000  }
0xca: {  	[hbm4b:s11+s1] =	stream.linear.scatter [tilespmem:s3], [sflag:$0x5], $0x4000, $0x38;
	[tilespmem:$0x1FC80] =	vst v63  }
0xcb: {  	_ =	swait.ge [sflag:s26], $0x4000  }
0xcc: {  	[sflag:s26] =	ssyncset.done $0x0  }
0xcd: {  	[sflag:s26] =	ssyncadd.s32 $0xFFFFC000  }
0xce: {  	[tilespmem:s6], [sflag:$0x5] =	stream.indirect.gather [spmem:s0], $0x80, s15, s30, $0xb8;
	[tilespmem:$0x1FC80] =	vst v63  }
0xcf: {  	_ =	swait.ge [sflag:s26], $0x4000  }
0xd0: {  	[sflag:s26] =	ssyncset.done $0x0  }
0xd1: {  	s24 =	rddreg [dreg:$0xa];
	[sflag:s26] =	ssyncadd.s32 $0xFFFFC000  }
0xd2: {  	[hbm4b:s24+s1] =	stream.linear.scatter [tilespmem:s6], [sflag:$0x5], $0x4000, $0x38;
	[tilespmem:$0x1FC80] =	vst v63  }
0xd3: {  	_ =	swait.ge [sflag:s26], $0x4000  }
0xd4: {  	[sflag:s26] =	ssyncset.done $0x0  }
0xd5: {  	[sflag:s26] =	ssyncadd.s32 $0xFFFFC000  }
0xd6: {  	[tilespmem:s3], [sflag:$0x5] =	stream.indirect.gather [spmem:s0], $0x80, s16, s30, $0xb8;
	[tilespmem:$0x1FC80] =	vst v63  }
0xd7: {  	_ =	swait.ge [sflag:s26], $0x4000  }
0xd8: {  	[sflag:s26] =	ssyncset.done $0x0  }
0xd9: {  	s22 =	rddreg [dreg:$0xd];
	[sflag:s26] =	ssyncadd.s32 $0xFFFFC000  }
0xda: {  	[hbm4b:s22+s1] =	stream.linear.scatter [tilespmem:s3], [sflag:$0x5], $0x4000, $0x38;
	[tilespmem:$0x1FC80] =	vst v63  }
0xdb: {  	_ =	swait.ge [sflag:s26], $0x4000  }
0xdc: {  	[sflag:s26] =	ssyncset.done $0x0  }
0xdd: {  	[sflag:s26] =	ssyncadd.s32 $0xFFFFC000  }
0xde: {  	[tilespmem:s6], [sflag:$0x5] =	stream.indirect.gather [spmem:s0], $0x80, s17, s30, $0xb8;
	[tilespmem:$0x1FC80] =	vst v63  }
0xdf: {  	_ =	swait.ge [sflag:s26], $0x4000  }
0xe0: {  	[sflag:s26] =	ssyncset.done $0x0  }
0xe1: {  	s24 =	rddreg [dreg:$0xf];
	[sflag:s26] =	ssyncadd.s32 $0xFFFFC000  }
0xe2: {  	[hbm4b:s24+s1] =	stream.linear.scatter [tilespmem:s6], [sflag:$0x5], $0x4000, $0x38;
	[tilespmem:$0x1FC80] =	vst v63  }
0xe3: {  	_ =	swait.ge [sflag:s26], $0x4000  }
0xe4: {  	[sflag:s26] =	ssyncset.done $0x0  }
0xe5: {  	[sflag:s26] =	ssyncadd.s32 $0xFFFFC000  }
0xe6: {  	[tilespmem:s3], [sflag:$0x5] =	stream.indirect.gather [spmem:s0], $0x80, s19, s30, $0xb8;
	[tilespmem:$0x1FC80] =	vst v63  }
0xe7: {  	_ =	swait.ge [sflag:s26], $0x4000  }
0xe8: {  	[sflag:s26] =	ssyncset.done $0x0  }
0xe9: {  	s22 =	rddreg [dreg:$0xb];
	[sflag:s26] =	ssyncadd.s32 $0xFFFFC000  }
0xea: {  	[hbm4b:s22+s1] =	stream.linear.scatter [tilespmem:s3], [sflag:$0x5], $0x4000, $0x38;
	[tilespmem:$0x1FC80] =	vst v63  }
0xeb: {  	_ =	swait.ge [sflag:s26], $0x4000  }
0xec: {  	[sflag:s26] =	ssyncset.done $0x0  }
0xed: {  	s24 =	simm.s32 $0xBA80;
	[sflag:s26] =	ssyncadd.s32 $0xFFFFC000  }
0xee: {  	[tilespmem:s6], [sflag:$0x5] =	stream.indirect.gather [spmem:s0], $0x80, s24, s30, $0xb8;
	[tilespmem:$0x1FC80] =	vst v63  }
0xef: {  	_ =	swait.ge [sflag:s26], $0x4000  }
0xf0: {  	[sflag:s26] =	ssyncset.done $0x0  }
0xf1: {  	s22 =	rddreg [dreg:$0xc];
	[sflag:s26] =	ssyncadd.s32 $0xFFFFC000  }
0xf2: {  	[hbm4b:s22+s1] =	stream.linear.scatter [tilespmem:s6], [sflag:$0x5], $0x4000, $0x38;
	[tilespmem:$0x1FC80] =	vst v63  }
0xf3: {  	_ =	swait.ge [sflag:s26], $0x4000  }
0xf4: {  	[sflag:s26] =	ssyncset.done $0x0  }
0xf5: {  	s24 =	simm.s32 $0xBB00;
	[sflag:s26] =	ssyncadd.s32 $0xFFFFC000  }
0xf6: {  	[tilespmem:s3], [sflag:$0x5] =	stream.indirect.gather [spmem:s0], $0x80, s24, s30, $0xb8;
	[tilespmem:$0x1FC80] =	vst v63  }
0xf7: {  	_ =	swait.ge [sflag:s26], $0x4000  }
0xf8: {  	[sflag:s26] =	ssyncset.done $0x0  }
0xf9: {  	s22 =	rddreg [dreg:$0xe];
	[sflag:s26] =	ssyncadd.s32 $0xFFFFC000  }
0xfa: {  	[hbm4b:s22+s1] =	stream.linear.scatter [tilespmem:s3], [sflag:$0x5], $0x4000, $0x38;
	[tilespmem:$0x1FC80] =	vst v63  }
0xfb: {  	_ =	swait.ge [sflag:s26], $0x4000  }
0xfc: {  	[sflag:s26] =	ssyncset.done $0x0  }
0xfd: {  	s24 =	simm.s32 $0xBB80;
	[sflag:s26] =	ssyncadd.s32 $0xFFFFC000  }
0xfe: {  	[tilespmem:s6], [sflag:$0x5] =	stream.indirect.gather [spmem:s0], $0x80, s24, s30, $0xb8;
	[tilespmem:$0x1FC80] =	vst v63  }
0xff: {  	_ =	swait.ge [sflag:s26], $0x4000  }
0x100: {  	[sflag:s26] =	ssyncset.done $0x0  }
0x101: {  	s22 =	rddreg [dreg:$0x10];
	[sflag:s26] =	ssyncadd.s32 $0xFFFFC000  }
0x102: {  	[hbm4b:s22+s1] =	stream.linear.scatter [tilespmem:s6], [sflag:$0x5], $0x4000, $0x38;
	[tilespmem:$0x1FC80] =	vst v63  }
0x103: {  	_ =	swait.ge [sflag:s26], $0x4000  }
0x104: {  	[sflag:s26] =	ssyncset.done $0x0  }
0x105: {  	[sflag:s26] =	ssyncadd.s32 $0xFFFFC000  }
0x106: {  	[bflag:$0x0] =	sbarrier.arrive $0xFFFF  }
0x107: {  	[tilespmem:s3], [sflag:$0x1] =	stream.indirect.gather [hbm4b:s5+s30], $0x80, s1, s30, $0xb8;
	[tilespmem:$0x1FC80] =	vst v63  }
0x108: {  	s24 =	rddreg [dreg:$0x8]  }
0x109: {  	[spmem:s20], [sflag:s18] =	dma.local [hbm:s24], $0x2800  }
0x10a: {  	_ =	swait.ge [sflag:s26], $0x2800  }
0x10b: {  	[sflag:s26] =	ssyncset.done $0x0  }
0x10c: {  	[sflag:s26] =	ssyncadd.s32 $0xFFFFD800  }
0x10d: {  	[bflag:$0x0] =	sbarrier.arrive $0xFFFF  }
0x10e: {  	[tilespmem:s6], [sflag:$0x2] =	stream.indirect.gather [hbm4b:s5+s30], $0x80, s30, s30, $0xb8;
	[tilespmem:$0x1FC80] =	vst v63  }
0x10f: {  	_ =	swait.ge [sflag:s9], $0x4000  }
0x110: {  	[sflag:s9] =	ssyncset.done $0x0  }
0x111: {  	[sflag:s9] =	ssyncadd.s32 $0xFFFFC000  }
0x112: {  	[spmem:s0] =	stream.indirect.scatter.add.f32 [tilespmem:s3], [sflag:$0x3], $0x80, s28, s30, $0xb8;
	[tilespmem:$0x1FC80] =	vst v63  }
0x113: {  	_ =	swait.ge [sflag:s10], $0x4000  }
0x114: {  	[sflag:s10] =	ssyncset.done $0x0  }
0x115: {  	s22 =	simm.s32 $0x100;
	[sflag:s10] =	ssyncadd.s32 $0xFFFFC000  }
0x116: {  	[tilespmem:s3], [sflag:$0x1] =	stream.indirect.gather [hbm4b:s5+s30], $0x80, s22, s30, $0xb8;
	[tilespmem:$0x1FC80] =	vst v63  }
0x117: {  	_ =	swait.ge [sflag:s12], $0x4000  }
0x118: {  	[sflag:s12] =	ssyncset.done $0x0  }
0x119: {  	[sflag:s12] =	ssyncadd.s32 $0xFFFFC000  }
0x11a: {  	[spmem:s0] =	stream.indirect.scatter.add.f32 [tilespmem:s6], [sflag:$0x4], $0x80, s14, s30, $0xb8;
	[tilespmem:$0x1FC80] =	vst v63  }
0x11b: {  	_ =	swait.ge [sflag:s21], $0x4000  }
0x11c: {  	[sflag:s21] =	ssyncset.done $0x0  }
0x11d: {  	s24 =	simm.s32 $0x180;
	[sflag:s21] =	ssyncadd.s32 $0xFFFFC000  }
0x11e: {  	[tilespmem:s6], [sflag:$0x2] =	stream.indirect.gather [hbm4b:s5+s30], $0x80, s24, s30, $0xb8;
	[tilespmem:$0x1FC80] =	vst v63  }
0x11f: {  	_ =	swait.ge [sflag:s9], $0x4000  }
0x120: {  	[sflag:s9] =	ssyncset.done $0x0  }
0x121: {  	s22 =	simm.s32 $0x1D00;
	[sflag:s9] =	ssyncadd.s32 $0xFFFFC000  }
0x122: {  	[spmem:s0] =	stream.indirect.scatter.add.f32 [tilespmem:s3], [sflag:$0x3], $0x80, s22, s30, $0xb8;
	[tilespmem:$0x1FC80] =	vst v63  }
0x123: {  	_ =	swait.ge [sflag:s10], $0x4000  }
0x124: {  	[sflag:s10] =	ssyncset.done $0x0  }
0x125: {  	s24 =	simm.s32 $0x200;
	[sflag:s10] =	ssyncadd.s32 $0xFFFFC000  }
0x126: {  	[tilespmem:s3], [sflag:$0x1] =	stream.indirect.gather [hbm4b:s5+s30], $0x80, s24, s30, $0xb8;
	[tilespmem:$0x1FC80] =	vst v63  }
0x127: {  	_ =	swait.ge [sflag:s12], $0x4000  }
0x128: {  	[sflag:s12] =	ssyncset.done $0x0  }
0x129: {  	s22 =	simm.s32 $0xFFFFA800;
	s24 =	simm.s32 $0x1D80;
	[sflag:s12] =	ssyncadd.s32 $0xFFFFC000  }
.LBB2_4:
0x12a: {  	[spmem:s0] =	stream.indirect.scatter.add.f32 [tilespmem:s6], [sflag:$0x4], $0x80, s24, s30, $0xb8;
	[tilespmem:$0x1FC80] =	vst v63  }
0x12b: {  	s11 =	smov.u32 s22  }
0x12c: {  	p0 =	sne.s32 s22, $0xFFFFFC00;
	s22 =	sadd.s32 $0x400, s22;
	_ =	swait.ge [sflag:s21], $0x4000  }
0x12d: {  	s11 =	sshra.s32 s11, $0x2;
	[sflag:s21] =	ssyncset.done $0x0  }
0x12e: {  	s24 =	sadd.s32 $0x1880, s11;
	[sflag:s21] =	ssyncadd.s32 $0xFFFFC000  }
0x12f: {  	[tilespmem:s6], [sflag:$0x2] =	stream.indirect.gather [hbm4b:s5+s30], $0x80, s24, s30, $0xb8;
	[tilespmem:$0x1FC80] =	vst v63  }
0x130: {  	_ =	swait.ge [sflag:s9], $0x4000  }
0x131: {  	[sflag:s9] =	ssyncset.done $0x0  }
0x132: {  	s24 =	sadd.s32 $0x3400, s11;
	[sflag:s9] =	ssyncadd.s32 $0xFFFFC000  }
0x133: {  	[spmem:s0] =	stream.indirect.scatter.add.f32 [tilespmem:s3], [sflag:$0x3], $0x80, s24, s30, $0xb8;
	[tilespmem:$0x1FC80] =	vst v63  }
0x134: {  	_ =	swait.ge [sflag:s10], $0x4000  }
0x135: {  	[sflag:s10] =	ssyncset.done $0x0  }
.Ltmp1:
0x136: {  	s24 =	sadd.s32 $0x1900, s11;
	[sflag:s10] =	ssyncadd.s32 $0xFFFFC000;
	(pc) =	sbr.rel @p0 .LBB2_4-.Ltmp1, $4  }
0x137: {  	[tilespmem:s3], [sflag:$0x1] =	stream.indirect.gather [hbm4b:s5+s30], $0x80, s24, s30, $0xb8;
	[tilespmem:$0x1FC80] =	vst v63  }
0x138: {  	_ =	swait.ge [sflag:s12], $0x4000  }
0x139: {  	[sflag:s12] =	ssyncset.done $0x0  }
0x13a: {  	s24 =	sadd.s32 $0x3480, s11;
	[sflag:s12] =	ssyncadd.s32 $0xFFFFC000  }
0x13b: {  	[spmem:s0] =	stream.indirect.scatter.add.f32 [tilespmem:s6], [sflag:$0x4], $0x80, s24, s30, $0xb8;
	[tilespmem:$0x1FC80] =	vst v63  }
0x13c: {  	_ =	swait.ge [sflag:s21], $0x4000  }
0x13d: {  	[sflag:s21] =	ssyncset.done $0x0  }
0x13e: {  	[sflag:s21] =	ssyncadd.s32 $0xFFFFC000  }
0x13f: {  	[tilespmem:s6], [sflag:$0x2] =	stream.indirect.gather [hbm4b:s5+s30], $0x80, s23, s30, $0xb8;
	[tilespmem:$0x1FC80] =	vst v63  }
0x140: {  	_ =	swait.ge [sflag:s9], $0x4000  }
0x141: {  	[sflag:s9] =	ssyncset.done $0x0  }
0x142: {  	[sflag:s9] =	ssyncadd.s32 $0xFFFFC000  }
0x143: {  	[spmem:s0] =	stream.indirect.scatter.add.f32 [tilespmem:s3], [sflag:$0x3], $0x80, s25, s30, $0xb8;
	[tilespmem:$0x1FC80] =	vst v63  }
0x144: {  	_ =	swait.ge [sflag:s10], $0x4000  }
0x145: {  	[sflag:s10] =	ssyncset.done $0x0  }
0x146: {  	[sflag:s10] =	ssyncadd.s32 $0xFFFFC000  }
0x147: {  	_ =	swait.ge [sflag:s12], $0x4000  }
0x148: {  	[sflag:s12] =	ssyncset.done $0x0  }
0x149: {  	[sflag:s12] =	ssyncadd.s32 $0xFFFFC000  }
0x14a: {  	[spmem:s0] =	stream.indirect.scatter.add.f32 [tilespmem:s6], [sflag:$0x4], $0x80, s13, s30, $0xb8;
	[tilespmem:$0x1FC80] =	vst v63  }
0x14b: {  	_ =	swait.ge [sflag:s21], $0x4000  }
0x14c: {  	[sflag:s21] =	ssyncset.done $0x0  }
0x14d: {  	[sflag:s21] =	ssyncadd.s32 $0xFFFFC000  }
0x14e: {  	[bflag:$0x0] =	sbarrier.arrive $0xFFFF  }
0x14f: {  	[tilespmem:s3], [sflag:$0x5] =	stream.indirect.gather [spmem:s0], $0x80, s29, s30, $0xb8;
	[tilespmem:$0x1FC80] =	vst v63  }
0x150: {  	_ =	swait.ge [sflag:s26], $0x4000  }
0x151: {  	[sflag:s26] =	ssyncset.done $0x0  }
0x152: {  	s11 =	rddreg [dreg:$0x11];
	[sflag:s26] =	ssyncadd.s32 $0xFFFFC000  }
0x153: {  	[hbm4b:s11+s1] =	stream.linear.scatter [tilespmem:s3], [sflag:$0x5], $0x4000, $0x38;
	[tilespmem:$0x1FC80] =	vst v63  }
0x154: {  	_ =	swait.ge [sflag:s26], $0x4000  }
0x155: {  	[sflag:s26] =	ssyncset.done $0x0  }
0x156: {  	[sflag:s26] =	ssyncadd.s32 $0xFFFFC000  }
0x157: {  	[tilespmem:s6], [sflag:$0x5] =	stream.indirect.gather [spmem:s0], $0x80, s15, s30, $0xb8;
	[tilespmem:$0x1FC80] =	vst v63  }
0x158: {  	_ =	swait.ge [sflag:s26], $0x4000  }
0x159: {  	[sflag:s26] =	ssyncset.done $0x0  }
0x15a: {  	s24 =	rddreg [dreg:$0x13];
	[sflag:s26] =	ssyncadd.s32 $0xFFFFC000  }
0x15b: {  	[hbm4b:s24+s1] =	stream.linear.scatter [tilespmem:s6], [sflag:$0x5], $0x4000, $0x38;
	[tilespmem:$0x1FC80] =	vst v63  }
0x15c: {  	_ =	swait.ge [sflag:s26], $0x4000  }
0x15d: {  	[sflag:s26] =	ssyncset.done $0x0  }
0x15e: {  	[sflag:s26] =	ssyncadd.s32 $0xFFFFC000  }
0x15f: {  	[tilespmem:s3], [sflag:$0x5] =	stream.indirect.gather [spmem:s0], $0x80, s16, s30, $0xb8;
	[tilespmem:$0x1FC80] =	vst v63  }
0x160: {  	_ =	swait.ge [sflag:s26], $0x4000  }
0x161: {  	[sflag:s26] =	ssyncset.done $0x0  }
0x162: {  	s22 =	rddreg [dreg:$0x15];
	[sflag:s26] =	ssyncadd.s32 $0xFFFFC000  }
0x163: {  	[hbm4b:s22+s1] =	stream.linear.scatter [tilespmem:s3], [sflag:$0x5], $0x4000, $0x38;
	[tilespmem:$0x1FC80] =	vst v63  }
0x164: {  	_ =	swait.ge [sflag:s26], $0x4000  }
0x165: {  	[sflag:s26] =	ssyncset.done $0x0  }
0x166: {  	[sflag:s26] =	ssyncadd.s32 $0xFFFFC000  }
0x167: {  	[tilespmem:s6], [sflag:$0x5] =	stream.indirect.gather [spmem:s0], $0x80, s17, s30, $0xb8;
	[tilespmem:$0x1FC80] =	vst v63  }
0x168: {  	_ =	swait.ge [sflag:s26], $0x4000  }
0x169: {  	[sflag:s26] =	ssyncset.done $0x0  }
0x16a: {  	s24 =	rddreg [dreg:$0x17];
	[sflag:s26] =	ssyncadd.s32 $0xFFFFC000  }
0x16b: {  	[hbm4b:s24+s1] =	stream.linear.scatter [tilespmem:s6], [sflag:$0x5], $0x4000, $0x38;
	[tilespmem:$0x1FC80] =	vst v63  }
0x16c: {  	_ =	swait.ge [sflag:s26], $0x4000  }
0x16d: {  	[sflag:s26] =	ssyncset.done $0x0  }
0x16e: {  	[sflag:s26] =	ssyncadd.s32 $0xFFFFC000  }
0x16f: {  	[tilespmem:s3], [sflag:$0x5] =	stream.indirect.gather [spmem:s0], $0x80, s19, s30, $0xb8;
	[tilespmem:$0x1FC80] =	vst v63  }
0x170: {  	_ =	swait.ge [sflag:s26], $0x4000  }
0x171: {  	[sflag:s26] =	ssyncset.done $0x0  }
0x172: {  	s22 =	rddreg [dreg:$0x12];
	[sflag:s26] =	ssyncadd.s32 $0xFFFFC000  }
0x173: {  	[hbm4b:s22+s1] =	stream.linear.scatter [tilespmem:s3], [sflag:$0x5], $0x4000, $0x38;
	[tilespmem:$0x1FC80] =	vst v63  }
0x174: {  	_ =	swait.ge [sflag:s26], $0x4000  }
0x175: {  	[sflag:s26] =	ssyncset.done $0x0  }
0x176: {  	s24 =	simm.s32 $0xBA80;
	[sflag:s26] =	ssyncadd.s32 $0xFFFFC000  }
0x177: {  	[tilespmem:s6], [sflag:$0x5] =	stream.indirect.gather [spmem:s0], $0x80, s24, s30, $0xb8;
	[tilespmem:$0x1FC80] =	vst v63  }
0x178: {  	_ =	swait.ge [sflag:s26], $0x4000  }
0x179: {  	[sflag:s26] =	ssyncset.done $0x0  }
0x17a: {  	s22 =	rddreg [dreg:$0x14];
	[sflag:s26] =	ssyncadd.s32 $0xFFFFC000  }
0x17b: {  	[hbm4b:s22+s1] =	stream.linear.scatter [tilespmem:s6], [sflag:$0x5], $0x4000, $0x38;
	[tilespmem:$0x1FC80] =	vst v63  }
0x17c: {  	_ =	swait.ge [sflag:s26], $0x4000  }
0x17d: {  	[sflag:s26] =	ssyncset.done $0x0  }
0x17e: {  	s24 =	simm.s32 $0xBB00;
	[sflag:s26] =	ssyncadd.s32 $0xFFFFC000  }
0x17f: {  	[tilespmem:s3], [sflag:$0x5] =	stream.indirect.gather [spmem:s0], $0x80, s24, s30, $0xb8;
	[tilespmem:$0x1FC80] =	vst v63  }
0x180: {  	_ =	swait.ge [sflag:s26], $0x4000  }
0x181: {  	[sflag:s26] =	ssyncset.done $0x0  }
0x182: {  	s22 =	rddreg [dreg:$0x16];
	[sflag:s26] =	ssyncadd.s32 $0xFFFFC000  }
0x183: {  	[hbm4b:s22+s1] =	stream.linear.scatter [tilespmem:s3], [sflag:$0x5], $0x4000, $0x38;
	[tilespmem:$0x1FC80] =	vst v63  }
0x184: {  	_ =	swait.ge [sflag:s26], $0x4000  }
0x185: {  	[sflag:s26] =	ssyncset.done $0x0  }
0x186: {  	s24 =	simm.s32 $0xBB80;
	[sflag:s26] =	ssyncadd.s32 $0xFFFFC000  }
0x187: {  	[tilespmem:s6], [sflag:$0x5] =	stream.indirect.gather [spmem:s0], $0x80, s24, s30, $0xb8;
	[tilespmem:$0x1FC80] =	vst v63  }
0x188: {  	_ =	swait.ge [sflag:s26], $0x4000  }
0x189: {  	[sflag:s26] =	ssyncset.done $0x0  }
0x18a: {  	s22 =	rddreg [dreg:$0x18];
	[sflag:s26] =	ssyncadd.s32 $0xFFFFC000  }
0x18b: {  	[hbm4b:s22+s1] =	stream.linear.scatter [tilespmem:s6], [sflag:$0x5], $0x4000, $0x38;
	[tilespmem:$0x1FC80] =	vst v63  }
0x18c: {  	_ =	swait.ge [sflag:s26], $0x4000  }
0x18d: {  	[sflag:s26] =	ssyncset.done $0x0  }
0x18e: {  	[sflag:s26] =	ssyncadd.s32 $0xFFFFC000  }
0x18f: {  	[bflag:$0x0] =	sbarrier.arrive $0xFFFF  }
0x190: {  	[tilespmem:s3], [sflag:$0x1] =	stream.indirect.gather [hbm4b:s7+s30], $0x80, s1, s30, $0xb8;
	[tilespmem:$0x1FC80] =	vst v63  }
0x191: {  	s24 =	rddreg [dreg:$0x9]  }
0x192: {  	[spmem:s20], [sflag:s18] =	dma.local [hbm:s24], $0x2800  }
0x193: {  	_ =	swait.ge [sflag:s26], $0x2800  }
0x194: {  	[sflag:s26] =	ssyncset.done $0x0  }
0x195: {  	[sflag:s26] =	ssyncadd.s32 $0xFFFFD800  }
0x196: {  	[bflag:$0x0] =	sbarrier.arrive $0xFFFF  }
0x197: {  	[tilespmem:s6], [sflag:$0x2] =	stream.indirect.gather [hbm4b:s7+s30], $0x80, s30, s30, $0xb8;
	[tilespmem:$0x1FC80] =	vst v63  }
0x198: {  	_ =	swait.ge [sflag:s9], $0x4000  }
0x199: {  	[sflag:s9] =	ssyncset.done $0x0  }
0x19a: {  	[sflag:s9] =	ssyncadd.s32 $0xFFFFC000  }
0x19b: {  	[spmem:s0] =	stream.indirect.scatter.add.f32 [tilespmem:s3], [sflag:$0x3], $0x80, s28, s30, $0xb8;
	[tilespmem:$0x1FC80] =	vst v63  }
0x19c: {  	_ =	swait.ge [sflag:s10], $0x4000  }
0x19d: {  	[sflag:s10] =	ssyncset.done $0x0  }
0x19e: {  	s18 =	simm.s32 $0x100;
	[sflag:s10] =	ssyncadd.s32 $0xFFFFC000  }
0x19f: {  	[tilespmem:s3], [sflag:$0x1] =	stream.indirect.gather [hbm4b:s7+s30], $0x80, s18, s30, $0xb8;
	[tilespmem:$0x1FC80] =	vst v63  }
0x1a0: {  	_ =	swait.ge [sflag:s12], $0x4000  }
0x1a1: {  	[sflag:s12] =	ssyncset.done $0x0  }
0x1a2: {  	[sflag:s12] =	ssyncadd.s32 $0xFFFFC000  }
0x1a3: {  	[spmem:s0] =	stream.indirect.scatter.add.f32 [tilespmem:s6], [sflag:$0x4], $0x80, s14, s30, $0xb8;
	[tilespmem:$0x1FC80] =	vst v63  }
0x1a4: {  	_ =	swait.ge [sflag:s21], $0x4000  }
0x1a5: {  	[sflag:s21] =	ssyncset.done $0x0  }
0x1a6: {  	s20 =	simm.s32 $0x180;
	[sflag:s21] =	ssyncadd.s32 $0xFFFFC000  }
0x1a7: {  	[tilespmem:s6], [sflag:$0x2] =	stream.indirect.gather [hbm4b:s7+s30], $0x80, s20, s30, $0xb8;
	[tilespmem:$0x1FC80] =	vst v63  }
0x1a8: {  	_ =	swait.ge [sflag:s9], $0x4000  }
0x1a9: {  	[sflag:s9] =	ssyncset.done $0x0  }
0x1aa: {  	s22 =	simm.s32 $0x1D00;
	[sflag:s9] =	ssyncadd.s32 $0xFFFFC000  }
0x1ab: {  	[spmem:s0] =	stream.indirect.scatter.add.f32 [tilespmem:s3], [sflag:$0x3], $0x80, s22, s30, $0xb8;
	[tilespmem:$0x1FC80] =	vst v63  }
0x1ac: {  	_ =	swait.ge [sflag:s10], $0x4000  }
0x1ad: {  	[sflag:s10] =	ssyncset.done $0x0  }
0x1ae: {  	s24 =	simm.s32 $0x200;
	[sflag:s10] =	ssyncadd.s32 $0xFFFFC000  }
0x1af: {  	[tilespmem:s3], [sflag:$0x1] =	stream.indirect.gather [hbm4b:s7+s30], $0x80, s24, s30, $0xb8;
	[tilespmem:$0x1FC80] =	vst v63  }
0x1b0: {  	_ =	swait.ge [sflag:s12], $0x4000  }
0x1b1: {  	[sflag:s12] =	ssyncset.done $0x0  }
0x1b2: {  	s18 =	simm.s32 $0xFFFFA800;
	s20 =	simm.s32 $0x1D80;
	[sflag:s12] =	ssyncadd.s32 $0xFFFFC000  }
.LBB2_6:
0x1b3: {  	[spmem:s0] =	stream.indirect.scatter.add.f32 [tilespmem:s6], [sflag:$0x4], $0x80, s20, s30, $0xb8;
	[tilespmem:$0x1FC80] =	vst v63  }
0x1b4: {  	s11 =	smov.u32 s18  }
0x1b5: {  	p0 =	sne.s32 s18, $0xFFFFFC00;
	s18 =	sadd.s32 $0x400, s18;
	_ =	swait.ge [sflag:s21], $0x4000  }
0x1b6: {  	s11 =	sshra.s32 s11, $0x2;
	[sflag:s21] =	ssyncset.done $0x0  }
0x1b7: {  	s20 =	sadd.s32 $0x1880, s11;
	[sflag:s21] =	ssyncadd.s32 $0xFFFFC000  }
0x1b8: {  	[tilespmem:s6], [sflag:$0x2] =	stream.indirect.gather [hbm4b:s7+s30], $0x80, s20, s30, $0xb8;
	[tilespmem:$0x1FC80] =	vst v63  }
0x1b9: {  	_ =	swait.ge [sflag:s9], $0x4000  }
0x1ba: {  	[sflag:s9] =	ssyncset.done $0x0  }
0x1bb: {  	s20 =	sadd.s32 $0x3400, s11;
	[sflag:s9] =	ssyncadd.s32 $0xFFFFC000  }
0x1bc: {  	[spmem:s0] =	stream.indirect.scatter.add.f32 [tilespmem:s3], [sflag:$0x3], $0x80, s20, s30, $0xb8;
	[tilespmem:$0x1FC80] =	vst v63  }
0x1bd: {  	_ =	swait.ge [sflag:s10], $0x4000  }
0x1be: {  	[sflag:s10] =	ssyncset.done $0x0  }
.Ltmp2:
0x1bf: {  	s20 =	sadd.s32 $0x1900, s11;
	[sflag:s10] =	ssyncadd.s32 $0xFFFFC000;
	(pc) =	sbr.rel @p0 .LBB2_6-.Ltmp2, $4  }
0x1c0: {  	[tilespmem:s3], [sflag:$0x1] =	stream.indirect.gather [hbm4b:s7+s30], $0x80, s20, s30, $0xb8;
	[tilespmem:$0x1FC80] =	vst v63  }
0x1c1: {  	_ =	swait.ge [sflag:s12], $0x4000  }
0x1c2: {  	[sflag:s12] =	ssyncset.done $0x0  }
0x1c3: {  	s20 =	sadd.s32 $0x3480, s11;
	[sflag:s12] =	ssyncadd.s32 $0xFFFFC000  }
0x1c4: {  	[spmem:s0] =	stream.indirect.scatter.add.f32 [tilespmem:s6], [sflag:$0x4], $0x80, s20, s30, $0xb8;
	[tilespmem:$0x1FC80] =	vst v63  }
0x1c5: {  	_ =	swait.ge [sflag:s21], $0x4000  }
0x1c6: {  	[sflag:s21] =	ssyncset.done $0x0  }
0x1c7: {  	[sflag:s21] =	ssyncadd.s32 $0xFFFFC000  }
0x1c8: {  	[tilespmem:s6], [sflag:$0x2] =	stream.indirect.gather [hbm4b:s7+s30], $0x80, s23, s30, $0xb8;
	[tilespmem:$0x1FC80] =	vst v63  }
0x1c9: {  	_ =	swait.ge [sflag:s9], $0x4000  }
0x1ca: {  	[sflag:s9] =	ssyncset.done $0x0  }
0x1cb: {  	[sflag:s9] =	ssyncadd.s32 $0xFFFFC000  }
0x1cc: {  	[spmem:s0] =	stream.indirect.scatter.add.f32 [tilespmem:s3], [sflag:$0x3], $0x80, s25, s30, $0xb8;
	[tilespmem:$0x1FC80] =	vst v63  }
0x1cd: {  	_ =	swait.ge [sflag:s10], $0x4000  }
0x1ce: {  	[sflag:s10] =	ssyncset.done $0x0  }
0x1cf: {  	[sflag:s10] =	ssyncadd.s32 $0xFFFFC000  }
0x1d0: {  	_ =	swait.ge [sflag:s12], $0x4000  }
0x1d1: {  	[sflag:s12] =	ssyncset.done $0x0  }
0x1d2: {  	[sflag:s12] =	ssyncadd.s32 $0xFFFFC000  }
0x1d3: {  	[spmem:s0] =	stream.indirect.scatter.add.f32 [tilespmem:s6], [sflag:$0x4], $0x80, s13, s30, $0xb8;
	[tilespmem:$0x1FC80] =	vst v63  }
0x1d4: {  	_ =	swait.ge [sflag:s21], $0x4000  }
0x1d5: {  	[sflag:s21] =	ssyncset.done $0x0  }
0x1d6: {  	[sflag:s21] =	ssyncadd.s32 $0xFFFFC000  }
0x1d7: {  	[bflag:$0x0] =	sbarrier.arrive $0xFFFF  }
0x1d8: {  	[tilespmem:s3], [sflag:$0x5] =	stream.indirect.gather [spmem:s0], $0x80, s29, s30, $0xb8;
	[tilespmem:$0x1FC80] =	vst v63  }
0x1d9: {  	_ =	swait.ge [sflag:s26], $0x4000  }
0x1da: {  	[sflag:s26] =	ssyncset.done $0x0  }
0x1db: {  	s11 =	rddreg [dreg:$0x19];
	[sflag:s26] =	ssyncadd.s32 $0xFFFFC000  }
0x1dc: {  	[hbm4b:s11+s1] =	stream.linear.scatter [tilespmem:s3], [sflag:$0x5], $0x4000, $0x38;
	[tilespmem:$0x1FC80] =	vst v63  }
0x1dd: {  	_ =	swait.ge [sflag:s26], $0x4000  }
0x1de: {  	[sflag:s26] =	ssyncset.done $0x0  }
0x1df: {  	[sflag:s26] =	ssyncadd.s32 $0xFFFFC000  }
0x1e0: {  	[tilespmem:s6], [sflag:$0x5] =	stream.indirect.gather [spmem:s0], $0x80, s15, s30, $0xb8;
	[tilespmem:$0x1FC80] =	vst v63  }
0x1e1: {  	_ =	swait.ge [sflag:s26], $0x4000  }
0x1e2: {  	[sflag:s26] =	ssyncset.done $0x0  }
0x1e3: {  	s20 =	rddreg [dreg:$0x1a];
	[sflag:s26] =	ssyncadd.s32 $0xFFFFC000  }
0x1e4: {  	[hbm4b:s20+s1] =	stream.linear.scatter [tilespmem:s6], [sflag:$0x5], $0x4000, $0x38;
	[tilespmem:$0x1FC80] =	vst v63  }
0x1e5: {  	_ =	swait.ge [sflag:s26], $0x4000  }
0x1e6: {  	[sflag:s26] =	ssyncset.done $0x0  }
0x1e7: {  	[sflag:s26] =	ssyncadd.s32 $0xFFFFC000  }
0x1e8: {  	[tilespmem:s3], [sflag:$0x5] =	stream.indirect.gather [spmem:s0], $0x80, s16, s30, $0xb8;
	[tilespmem:$0x1FC80] =	vst v63  }
0x1e9: {  	_ =	swait.ge [sflag:s26], $0x4000  }
0x1ea: {  	[sflag:s26] =	ssyncset.done $0x0  }
0x1eb: {  	s22 =	rddreg [dreg:$0x1b];
	[sflag:s26] =	ssyncadd.s32 $0xFFFFC000  }
0x1ec: {  	[hbm4b:s22+s1] =	stream.linear.scatter [tilespmem:s3], [sflag:$0x5], $0x4000, $0x38;
	[tilespmem:$0x1FC80] =	vst v63  }
0x1ed: {  	_ =	swait.ge [sflag:s26], $0x4000  }
0x1ee: {  	[sflag:s26] =	ssyncset.done $0x0  }
0x1ef: {  	[sflag:s26] =	ssyncadd.s32 $0xFFFFC000  }
0x1f0: {  	[tilespmem:s6], [sflag:$0x5] =	stream.indirect.gather [spmem:s0], $0x80, s17, s30, $0xb8;
	[tilespmem:$0x1FC80] =	vst v63  }
0x1f1: {  	_ =	swait.ge [sflag:s26], $0x4000  }
0x1f2: {  	[sflag:s26] =	ssyncset.done $0x0  }
0x1f3: {  	s24 =	rddreg [dreg:$0x1c];
	[sflag:s26] =	ssyncadd.s32 $0xFFFFC000  }
0x1f4: {  	[hbm4b:s24+s1] =	stream.linear.scatter [tilespmem:s6], [sflag:$0x5], $0x4000, $0x38;
	[tilespmem:$0x1FC80] =	vst v63  }
0x1f5: {  	_ =	swait.ge [sflag:s26], $0x4000  }
0x1f6: {  	[sflag:s26] =	ssyncset.done $0x0  }
0x1f7: {  	[sflag:s26] =	ssyncadd.s32 $0xFFFFC000  }
0x1f8: {  	[tilespmem:s3], [sflag:$0x5] =	stream.indirect.gather [spmem:s0], $0x80, s19, s30, $0xb8;
	[tilespmem:$0x1FC80] =	vst v63  }
0x1f9: {  	_ =	swait.ge [sflag:s26], $0x4000  }
0x1fa: {  	[sflag:s26] =	ssyncset.done $0x0  }
0x1fb: {  	s18 =	rddreg [dreg:$0x1d];
	[sflag:s26] =	ssyncadd.s32 $0xFFFFC000  }
0x1fc: {  	[hbm4b:s18+s1] =	stream.linear.scatter [tilespmem:s3], [sflag:$0x5], $0x4000, $0x38;
	[tilespmem:$0x1FC80] =	vst v63  }
0x1fd: {  	_ =	swait.ge [sflag:s26], $0x4000  }
0x1fe: {  	[sflag:s26] =	ssyncset.done $0x0  }
0x1ff: {  	s20 =	simm.s32 $0xBA80;
	[sflag:s26] =	ssyncadd.s32 $0xFFFFC000  }
0x200: {  	[tilespmem:s6], [sflag:$0x5] =	stream.indirect.gather [spmem:s0], $0x80, s20, s30, $0xb8;
	[tilespmem:$0x1FC80] =	vst v63  }
0x201: {  	_ =	swait.ge [sflag:s26], $0x4000  }
0x202: {  	[sflag:s26] =	ssyncset.done $0x0  }
0x203: {  	s22 =	rddreg [dreg:$0x1e];
	[sflag:s26] =	ssyncadd.s32 $0xFFFFC000  }
0x204: {  	[hbm4b:s22+s1] =	stream.linear.scatter [tilespmem:s6], [sflag:$0x5], $0x4000, $0x38;
	[tilespmem:$0x1FC80] =	vst v63  }
0x205: {  	_ =	swait.ge [sflag:s26], $0x4000  }
0x206: {  	[sflag:s26] =	ssyncset.done $0x0  }
0x207: {  	s24 =	simm.s32 $0xBB00;
	[sflag:s26] =	ssyncadd.s32 $0xFFFFC000  }
0x208: {  	[tilespmem:s3], [sflag:$0x5] =	stream.indirect.gather [spmem:s0], $0x80, s24, s30, $0xb8;
	[tilespmem:$0x1FC80] =	vst v63  }
0x209: {  	_ =	swait.ge [sflag:s26], $0x4000  }
0x20a: {  	[sflag:s26] =	ssyncset.done $0x0  }
0x20b: {  	s18 =	rddreg [dreg:$0x1f];
	[sflag:s26] =	ssyncadd.s32 $0xFFFFC000  }
0x20c: {  	[hbm4b:s18+s1] =	stream.linear.scatter [tilespmem:s3], [sflag:$0x5], $0x4000, $0x38;
	[tilespmem:$0x1FC80] =	vst v63  }
0x20d: {  	_ =	swait.ge [sflag:s26], $0x4000  }
0x20e: {  	[sflag:s26] =	ssyncset.done $0x0  }
0x20f: {  	s20 =	simm.s32 $0xBB80;
	[sflag:s26] =	ssyncadd.s32 $0xFFFFC000  }
0x210: {  	[tilespmem:s6], [sflag:$0x5] =	stream.indirect.gather [spmem:s0], $0x80, s20, s30, $0xb8;
	[tilespmem:$0x1FC80] =	vst v63  }
0x211: {  	_ =	swait.ge [sflag:s26], $0x4000  }
0x212: {  	s22 =	sld [smem:$0x7EE]  }
0x213: {  	[sflag:s26] =	ssyncset.done $0x0  }
0x214: {  	[sflag:s26] =	ssyncadd.s32 $0xFFFFC000  }
0x215: {  	[hbm4b:s22+s1] =	stream.linear.scatter [tilespmem:s6], [sflag:$0x5], $0x4000, $0x38;
	[tilespmem:$0x1FC80] =	vst v63  }
0x216: {  	_ =	swait.ge [sflag:s26], $0x4000  }
0x217: {  	s24 =	sld [smem:$0x7F4];
	_ =	sdelay $0x1  }
0x218: {  	s8 =	sadd.s32 $0x1, s8  }
0x219: {  	p0 =	sne.s32 s8, s24  }
.Ltmp3:
0x21a: {  	_ = 	snop;
	(pc) =	sbr.rel @p0 .LBB2_1-.Ltmp3, $3  }
0x21b: {  	[sflag:s26] =	ssyncset.done $0x0  }
0x21c: {  	[sflag:s26] =	ssyncadd.s32 $0xFFFFC000  }
0x21d: {  	[bflag:$0x0] =	sbarrier.arrive $0xFFFF;
	_ =	sdelay $0x1  }
0x21e: {  	_ =	sfence.sel $0x180000  }
0x21f: {  	[bflag:$0x0] =	sbarrier.arrive $0xFFFF  }
0x220: {  	_ =	strace $0x9000004D  }
0x221: {  	s0 =	stileid.u32;
	[bflag:$0x2] =	sbarrier.arrive $0xFFFF  }
0x222: {  	p0 =	sne.s32 s0, $0x0;
	s0 =	rddreg [dreg:$0x5]  }
0x223: {  	s0 =	sadd.s32 @!p0 $0x100000, s0  }
0x224: {  	[sflag:s0] =	ssyncadd.tile.s32 @!p0 $0x1;
	_ =	shalt  }
.Lfunc_end2:
_tile_overlayer_lowered:
.L_overlay_start_2:
0x225: {  	(tag) =	ssettag $0x2  }
0x226: {  	s0 =	rddreg [dreg:$0x0];
	s2 =	stileid.u32  }
0x227: {  	s1 =	rddreg [dreg:$0x1];
	p0 =	sne.s32 s2, $0x0  }
0x228: {  	s3 =	rddreg [dreg:$0x2];
	[bflag:$0x3] =	sbarrier.arrive $0xFFFF;
	s2 =	simm.s32 @!p0 $0x1C05  }
0x229: {  	[timem:s3], [sflag:s2] =	dma.local @!p0 [hbm:s0], s1  }
0x22a: {  	s0 =	simm.s32 @!p0 $0x5  }
0x22b: {  	_ =	swait.ge @!p0 [sflag:s0], s1  }
0x22c: {  	s1 =	ssub.s32 @!p0 $0x0, s1;
	[sflag:s0] =	ssyncset.done @!p0 $0x0  }
0x22d: {  	[sflag:s0] =	ssyncadd.s32 @!p0 s1  }
0x22e: {  	[bflag:$0x3] =	sbarrier.arrive $0xFFFF  }
0x22f: {  	_ =	shalt  }

// kernel: kernel.8.cloned.1.call-start
scs
__scs_entry_jumppad:
0x0: {  	(pc) =	sbr.rel $0x88, $3  }
0x1: {  	(tag) =	ssettag $0x0;
	lr =	simm.s32 $0x1  }
0x2: {  	[smem:$0x3F95] =	sst lr;
	_ =	strace $0xD0000000  }
0x3: {  	_ = 	snop  }
0x4: {  	_ = 	snop  }
0x5: {  	_ = 	snop  }
0x6: {  	_ = 	snop  }
0x7: {  	_ = 	snop  }
__scs_overlays_trampoline_lowered:
0x8: {  	[smem:$0x3FA4] =	sst s0  }
0x9: {  	[smem:$0x3FA5] =	sst s1  }
0xa: {  	[smem:$0x3FA6] =	sst s2  }
0xb: {  	[smem:$0x3FA7] =	sst s3  }
0xc: {  	[smem:$0x3FA8] =	sst s4  }
0xd: {  	[smem:$0x3FA9] =	sst s5  }
0xe: {  	[smem:$0x3FAA] =	sst s6  }
0xf: {  	[smem:$0x3FAB] =	sst s7  }
0x10: {  	[smem:$0x3FAC] =	sst s8  }
0x11: {  	[smem:$0x3FAD] =	sst s9;
	s0 =	simm.s32 @!p0 $0x0  }
0x12: {  	s1 =	sld [smem:$0x3F93];
	s0 =	simm.s32 @p0 $0x1  }
0x13: {  	[smem:$0x3FAE] =	sst s0;
	s0 =	simm.s32 @!p1 $0x0  }
0x14: {  	s2 =	sld [smem:$0x3F92];
	s0 =	simm.s32 @p1 $0x1  }
0x15: {  	[smem:$0x3FAF] =	sst s0;
	s0 =	simm.s32 @!p2 $0x0  }
0x16: {  	s3 =	sld [smem:$0x3FDB];
	s0 =	simm.s32 @p2 $0x1  }
0x17: {  	s4 =	simm.s32 $0x1BF5;
	[smem:$0x3FB1] =	sst s0  }
0x18: {  	s0 =	sld [smem:$0x3F94];
	_ =	swait.ge [sflag:s4], $0x0  }
0x19: {  	s7 =	sld [smem:$0x3F95]  }
0x1a: {  	s8 =	sadd.s32 $0xFFFFE003, lr  }
0x1b: {  	s9 =	sadd.s32 $0xFFFFFEF7, lr;
	s5 =	simm.s32 $0xFFFFFFFF;
	p2 =	slt.u32 s8, $0xFFFFF086  }
0x1c: {  	p1 =	slt.u32 s9, $0xF7A;
	s5 =	simm.s32 @!p2 $0x0  }
0x1d: {  	s5 =	simm.s32 @p1 $0x1;
	p0 =	seq.s32 s7, s2  }
0x1e: {  	s7 =	smul.u32 @!p0 $0xF7A, s2;
	p2 =	seq.s32 @!p0 s5, $0x0  }
0x1f: {  	s9 =	smul.u32 $0xF7A, s1;
	s8 =	simm.s32 @!p0 $0x1BF5;
	p2 =	por !p2, p0  }
0x20: {  	[sflag:s8] =	ssyncset.s32 @!p0 $0xFFFFF086;
	s6 =	sadd.s32 @!p0 s3, s7;
	s7 =	simm.s32 @!p0 $0x108  }
0x21: {  	s3 =	sadd.s32 s3, s9;
	s6 =	sadd.s32 @!p0 $0x88, s6;
	s7 =	simm.s32 @p2 $0x1082  }
0x22: {  	[simem:s7], [sflag:s8] =	dma.local @!p0 [hbm:s6], $0xF7A  }
0x23: {  	s9 =	sor.u32 $0xD0000000, s2;
	s6 =	simm.s32 $0x108;
	_ =	swait.ge @!p0 [sflag:s8], $0x0  }
0x24: {  	s3 =	sadd.s32 $0x88, s3;
	s6 =	simm.s32 @!p1 $0x1082;
	[sflag:s4] =	ssyncset.s32 $0xFFFFF086  }
0x25: {  	[simem:s6], [sflag:s4] =	dma.local [hbm:s3], $0xF7A  }
0x26: {  	[smem:$0x3F95] =	sst s1;
	(tag) =	ssettag s2;
	_ =	strace s9  }
0x27: {  	s1 =	sld [smem:$0x3FA5]  }
0x28: {  	s2 =	sld [smem:$0x3FA6]  }
0x29: {  	s4 =	sld [smem:$0x3FA8]  }
0x2a: {  	p0 =	seq.s32 s5, $0x0;
	s5 =	sld [smem:$0x3FA9]  }
0x2b: {  	s6 =	sld [smem:$0x3FAA]  }
0x2c: {  	s7 =	sld [smem:$0x3FAB]  }
0x2d: {  	s3 =	simm.s32 $0x108;
	s8 =	sld [smem:$0x3FAC]  }
0x2e: {  	s3 =	simm.s32 @!p0 $0x1082;
	s9 =	sld [smem:$0x3FAD]  }
0x2f: {  	lr =	sadd.s32 s0, s3;
	s0 =	sld [smem:$0x3FA4]  }
0x30: {  	s3 =	sld [smem:$0x3FA7]  }
0x31: {  	[smem:$0x3FB0] =	sst s10  }
0x32: {  	s10 =	sld [smem:$0x3FAE];
	_ =	sdelay $0x3  }
0x33: {  	p0 =	seq.s32 s10, $0x1;
	s10 =	sld [smem:$0x3FB0];
	_ =	sdelay $0x3  }
0x34: {  	[smem:$0x3FB0] =	sst s10  }
0x35: {  	s10 =	sld [smem:$0x3FAF];
	_ =	sdelay $0x3  }
0x36: {  	p1 =	seq.s32 s10, $0x1;
	s10 =	sld [smem:$0x3FB0];
	_ =	sdelay $0x3  }
0x37: {  	[smem:$0x3FB0] =	sst s10  }
0x38: {  	s10 =	sld [smem:$0x3FB1]  }
0x39: {  	_ = 	snop;
	(pc) =	sbr.ind lr, $3  }
0x3a: {  	_ = 	snop  }
0x3b: {  	_ = 	snop  }
0x3c: {  	p2 =	seq.s32 s10, $0x1;
	s10 =	sld [smem:$0x3FB0]  }
0x3d: {  	_ =	shalt  }
0x3e: {  	_ =	shalt  }
0x3f: {  	_ =	shalt  }
0x40: {  	_ =	shalt  }
0x41: {  	_ =	shalt  }
0x42: {  	_ =	shalt  }
0x43: {  	_ =	shalt  }
0x44: {  	_ =	shalt  }
0x45: {  	_ =	shalt  }
0x46: {  	_ =	shalt  }
0x47: {  	_ =	shalt  }
0x48: {  	_ =	shalt  }
0x49: {  	_ =	shalt  }
0x4a: {  	_ =	shalt  }
0x4b: {  	_ =	shalt  }
0x4c: {  	_ =	shalt  }
0x4d: {  	_ =	shalt  }
0x4e: {  	_ =	shalt  }
0x4f: {  	_ =	shalt  }
0x50: {  	_ =	shalt  }
0x51: {  	_ =	shalt  }
0x52: {  	_ =	shalt  }
0x53: {  	_ =	shalt  }
0x54: {  	_ =	shalt  }
0x55: {  	_ =	shalt  }
0x56: {  	_ =	shalt  }
0x57: {  	_ =	shalt  }
0x58: {  	_ =	shalt  }
0x59: {  	_ =	shalt  }
0x5a: {  	_ =	shalt  }
0x5b: {  	_ =	shalt  }
0x5c: {  	_ =	shalt  }
0x5d: {  	_ =	shalt  }
0x5e: {  	_ =	shalt  }
0x5f: {  	_ =	shalt  }
0x60: {  	_ =	shalt  }
0x61: {  	_ =	shalt  }
0x62: {  	_ =	shalt  }
0x63: {  	_ =	shalt  }
0x64: {  	_ =	shalt  }
0x65: {  	_ =	shalt  }
0x66: {  	_ =	shalt  }
0x67: {  	_ =	shalt  }
0x68: {  	_ =	shalt  }
0x69: {  	_ =	shalt  }
0x6a: {  	_ =	shalt  }
0x6b: {  	_ =	shalt  }
0x6c: {  	_ =	shalt  }
0x6d: {  	_ =	shalt  }
0x6e: {  	_ =	shalt  }
0x6f: {  	_ =	shalt  }
0x70: {  	_ =	shalt  }
0x71: {  	_ =	shalt  }
0x72: {  	_ =	shalt  }
0x73: {  	_ =	shalt  }
0x74: {  	_ =	shalt  }
0x75: {  	_ =	shalt  }
0x76: {  	_ =	shalt  }
0x77: {  	_ =	shalt  }
0x78: {  	_ =	shalt  }
0x79: {  	_ =	shalt  }
0x7a: {  	_ =	shalt  }
0x7b: {  	_ =	shalt  }
0x7c: {  	_ =	shalt  }
0x7d: {  	_ =	shalt  }
0x7e: {  	_ =	shalt  }
0x7f: {  	_ =	shalt  }
0x80: {  	_ =	shalt  }
0x81: {  	_ =	shalt  }
0x82: {  	_ =	shalt  }
0x83: {  	_ =	shalt  }
0x84: {  	_ =	shalt  }
0x85: {  	_ =	shalt  }
0x86: {  	_ =	shalt  }
0x87: {  	_ =	shalt  }
.Lfunc_end0:
.L_simem_size_0:
called_computation_lowered:
.L_overlay_start_0:
0x88: {  	s2 =	sld [smem:$0x3FD9]  }
0x89: {  	s3 =	sld [smem:$0x3FFE];
	_ =	sdelay $0x1  }
0x8a: {  	s1 =	srdreg.scid  }
0x8b: {  	s0 =	sand.u32 $0x1, s1  }
0x8c: {  	s16 =	sshll.u32 s0, $0xA;
	s2 =	sadd.s32 s3, s2  }
0x8d: {  	s2 =	sadd.s32 s2, s16  }
0x8e: {  	[smem:$0x3FBC] =	sst s2  }
0x8f: {  	_ = 	snop  }
0x90: {  	(tm) =	ssettm $0x1  }
0x91: {  	s17 =	sld [smem:$0x3FFB];
	_ =	sdelay $0x3  }
0x92: {  	_ =	strace s17  }
0x93: {  	s2 =	sld [smem:$0x3FFC];
	_ =	sdelay $0x3  }
0x94: {  	_ =	strace s2  }
0x95: {  	s2 =	sld [smem:$0x3FFD];
	_ =	sdelay $0x3  }
0x96: {  	_ =	strace s2  }
0x97: {  	_ =	strace $0x8FFFFFFF  }
0x98: {  	s18 =	sld [smem:$0x3FDB];
	_ =	sdelay $0x1  }
0x99: {  	s19 =	simm.s32 $_scs_section_size  }
0x9a: {  	s4 =	simm.s32 $_size__tile_overlayer_lowered;
	s5 =	simm.s32 $_tile_overlayer_lowered  }
0x9b: {  	s22 =	simm.s32 $0x1BFF;
	s21 =	sshll.u32 s5, $0x1;
	s2 =	sadd.s32 s19, s18  }
0x9c: {  	s6 =	simm.s32 $0x0;
	s20 =	sshll.u32 s4, $0x1;
	s4 =	sadd.s32 s21, s2  }
0x9d: {  	[timem:s6], [sflag:s22] =	dma.local [hbm:s4], s20  }
0x9e: {  	_ =	swait.ge [sflag:s22], s20  }
0x9f: {  	s3 =	ssub.s32 $0x0, s20;
	[sflag:s22] =	ssyncset.done $0x0  }
0xa0: {  	[sflag:s22] =	ssyncadd.s32 s3;
	_ =	sdelay $0x1  }
0xa1: {  	s23 =	simm.s32 $0x1B8B  }
0xa2: {  	_ =	swait.ge [sflag:s23], $0x1  }
0xa3: {  	[sflag:s23] =	ssyncset.done $0x0  }
0xa4: {  	s25 =	simm.s32 $0x1B8E;
	s24 =	sld [smem:$0x3FFE];
	[sflag:s23] =	ssyncadd.s32 $0xFFFFFFFF  }
0xa5: {  	s26 =	simm.s32 $execute0_lowered;
	[smem:$0x3FD2] =	sst s25  }
0xa6: {  	s4 =	sshll.u32 s26, $0x1;
	_ =	strace $0x80000046;
	[dreg:$0x1] =	wrdreg $0xFFFFFFFF  }
0xa7: {  	s28 =	simm.s32 $_size_execute0_lowered;
	s2 =	sadd.s32 s2, s4;
	[dreg:$0x0] =	wrdreg $0x0  }
0xa8: {  	s4 =	sshll.u32 s28, $0x1;
	[dreg:$0x2] =	wrdreg s2  }
0xa9: {  	[dreg:$0x3] =	wrdreg s4  }
0xaa: {  	[dreg:$0x4] =	wrdreg $0xC0  }
0xab: {  	_ =	task [dreg:s6], $0x5FFFF  }
0xac: {  	[dreg:$0x1] =	wrdreg $0xFFFFFFFF  }
0xad: {  	[dreg:$0x0] =	wrdreg $0x60  }
0xae: {  	[dreg:$0x2] =	wrdreg s24  }
0xaf: {  	[dreg:$0x3] =	wrdreg $0x21000  }
0xb0: {  	[dreg:$0x4] =	wrdreg $0x9  }
0xb1: {  	_ =	task.clear_ibuf [dreg:s6], $0x5FFFF;
	_ =	strace $0x90000046  }
0xb2: {  	s29 =	simm.s32 $0x9;
	_ =	strace $0x80000048  }
0xb3: {  	_ =	swait.ge [sflag:s29], $0x1  }
0xb4: {  	[sflag:s29] =	ssyncadd.s32 $0xFFFFFFFF  }
0xb5: {  	_ =	strace $0x90000048  }
0xb6: {  	_ =	sfence  }
0xb7: {  	s30 =	sld [smem:$0x0];
	_ =	sdelay $0x2  }
0xb8: {  	s31 =	sshll.u32 s1, $0xD;
	s1 =	sshrl.u32 s1, $0x2  }
0xb9: {  	s3 =	sand.u32 $0x4000, s31;
	s1 =	sadd.s32 s1, s30  }
0xba: {  	s0 =	sor.u32 s3, s0;
	s1 =	sshll.u32 s1, $0x11  }
0xbb: {  	s0 =	sor.u32 s1, s0  }
0xbc: {  	s0 =	sadd.s32 $0x8F2B, s0  }
0xbd: {  	[sflag:s0] =	ssyncadd.remote.s32 $0x1  }
0xbe: {  	_ =	sfence.sel $0xFFFF  }
0xbf: {  	[dreg:$0x0] =	wrdreg $0xFFFFFFFF;
	(pc) =	sbr.abs _section_cstart, $3  }
0xc0: {  	[dreg:$0x1] =	wrdreg $0xFFFFFFFF  }
0xc1: {  	_ =	task.clear_ibuf [dreg:s6], $0x2FFFF;
	_ =	strace $0x9FFFFFFF  }
0xc2: {  	(tm) =	ssettm $0x7FFFFFFF  }
0xc3: {  	_ =	shalt  }
tec
execute0_lowered:
.L_overlay_start_1:
0x0: {  	(tag) =	ssettag $0x1  }
0x1: {  	s4 =	rddreg [dreg:$0x0]  }
0x2: {  	s2 =	rddreg [dreg:$0x1]  }
0x3: {  	s0 =	rddreg [dreg:$0x2]  }
0x4: {  	s1 =	stileid.u32;
	s5 =	srdreg.scid  }
0x5: {  	s3 =	simm.s32 $0x0;
	s10 =	simm.s32 $0x80;
	s6 =	smul.u32 $0x280, s1  }
0x6: {  	s11 =	sand.u32 $0x1, s5;
	[smem:$0x7FF] =	sst s3;
	s31 =	smul.u32 $0x380, s1  }
0x7: {  	s7 =	ssub.s32 $0x2, s11;
	_ =	strace $0x80000047;
	p0 =	sne.s32 s11, $0x0  }
0x8: {  	s11 =	simm.s32 $0x0;
	s8 =	sshrl.u32 s6, $0x3;
	s9 =	sshrl.u32 s7, $0x1  }
0x9: {  	s5 =	sadd.s32 s31, s4;
	s8 =	sadd.s32 s8, s4;
	s7 =	ssub.s32 s7, s9  }
0xa: {  	s4 =	sadd.s32 s6, s2;
	s5 =	sadd.s32 $0xE00, s5;
	s9 =	simm.s32 $0x1  }
0xb: {  	v0 =	vimm.f32 $1.000000000e+00;
	s6 =	sadd.s32 $0x4600, s8;
	s7 =	smax.u32 s7, $0x1;
	s8 =	simm.s32 $0x1C00  }
.LBB2_1:
0xc: {  	[tilespmem:$0x1C00] =	vst v0  }
0xd: {  	[tilespmem:$0x1C10] =	vst v0  }
0xe: {  	[tilespmem:$0x1C20] =	vst v0  }
0xf: {  	[tilespmem:$0x1C30] =	vst v0  }
0x10: {  	[tilespmem:$0x1C40] =	vst v0  }
0x11: {  	[tilespmem:$0x1C50] =	vst v0  }
0x12: {  	[tilespmem:$0x1C60] =	vst v0  }
0x13: {  	[tilespmem:$0x1C70] =	vst v0  }
0x14: {  	[tilespmem:$0x1C80] =	vst v0  }
0x15: {  	[tilespmem:$0x1C90] =	vst v0  }
0x16: {  	[tilespmem:$0x1CA0] =	vst v0  }
0x17: {  	[tilespmem:$0x1CB0] =	vst v0  }
0x18: {  	[tilespmem:$0x1CC0] =	vst v0  }
0x19: {  	[tilespmem:$0x1CD0] =	vst v0  }
0x1a: {  	[tilespmem:$0x1CE0] =	vst v0  }
0x1b: {  	[tilespmem:$0x1CF0] =	vst v0  }
0x1c: {  	[tilespmem:$0x1D00] =	vst v0  }
0x1d: {  	[tilespmem:$0x1D10] =	vst v0  }
0x1e: {  	[tilespmem:$0x1D20] =	vst v0  }
0x1f: {  	[tilespmem:$0x1D30] =	vst v0  }
0x20: {  	[tilespmem:$0x1D40] =	vst v0  }
0x21: {  	[tilespmem:$0x1D50] =	vst v0  }
0x22: {  	[tilespmem:$0x1D60] =	vst v0  }
0x23: {  	[tilespmem:$0x1D70] =	vst v0  }
0x24: {  	[tilespmem:$0x1D80] =	vst v0  }
0x25: {  	[tilespmem:$0x1D90] =	vst v0  }
0x26: {  	[tilespmem:$0x1DA0] =	vst v0  }
0x27: {  	[tilespmem:$0x1DB0] =	vst v0  }
0x28: {  	[tilespmem:$0x1DC0] =	vst v0  }
0x29: {  	[tilespmem:$0x1DD0] =	vst v0  }
0x2a: {  	[tilespmem:$0x1DE0] =	vst v0  }
0x2b: {  	[tilespmem:$0x1DF0] =	vst v0  }
0x2c: {  	[tilespmem:$0x1E00] =	vst v0  }
0x2d: {  	[tilespmem:$0x1E10] =	vst v0  }
0x2e: {  	[tilespmem:$0x1E20] =	vst v0  }
0x2f: {  	[tilespmem:$0x1E30] =	vst v0  }
0x30: {  	[tilespmem:$0x1E40] =	vst v0  }
0x31: {  	[tilespmem:$0x1E50] =	vst v0  }
0x32: {  	[tilespmem:$0x1E60] =	vst v0  }
0x33: {  	[tilespmem:$0x1E70] =	vst v0  }
0x34: {  	[spmem:s4] =	stream.linear.scatter [tilespmem:s8], [sflag:$0x1], $0x280, $0x38;
	[tilespmem:$0x2380] =	vst v63  }
0x35: {  	_ =	swait.ge [sflag:s9], $0x280  }
0x36: {  	[sflag:s9] =	ssyncset.done $0x0  }
0x37: {  	[sflag:s9] =	ssyncadd.s32 $0xFFFFFD80  }
0x38: {  	[tilespmem:s3], [sflag:$0x1] =	stream.linear.gather [hbm4b:s5+s3], $0x1900, $0x38;
	[tilespmem:$0x2380] =	vst v63  }
0x39: {  	_ =	swait.ge [sflag:s9], $0x1900  }
0x3a: {  	[sflag:s9] =	ssyncset.done $0x0  }
0x3b: {  	[sflag:s9] =	ssyncadd.s32 $0xFFFFE700  }
0x3c: {  	s12 =	simm.s32 $0x0;
	[bflag:$0x0] =	sbarrier.arrive $0xFFFF  }
0x3d: {  	[spmem:s2] =	stream.indirect.scatter.add.f32 [tilespmem:s8], [sflag:$0x1], $0x1, s12, s10, $0xb8;
	[tilespmem:$0x2380] =	vst v63  }
0x3e: {  	_ =	swait.ge [sflag:s9], $0x80  }
0x3f: {  	s12 =	simm.s32 $0x200;
	[sflag:s9] =	ssyncset.done $0x0  }
.LBB2_2:
0x40: {  	s13 =	sshra.s32 s12, $0x2;
	[sflag:s9] =	ssyncadd.s32 $0xFFFFFF80;
	p1 =	sne.s32 s12, $0x6200  }
0x41: {  	[spmem:s2] =	stream.indirect.scatter.add.f32 [tilespmem:s8], [sflag:$0x1], $0x1, s13, s10, $0xb8;
	[tilespmem:$0x2380] =	vst v63  }
.Ltmp0:
0x42: {  	_ = 	snop;
	(pc) =	sbr.rel @p1 .LBB2_2-.Ltmp0, $4  }
0x43: {  	_ = 	snop  }
0x44: {  	s12 =	sadd.s32 $0x200, s12  }
0x45: {  	_ =	swait.ge [sflag:s9], $0x80  }
0x46: {  	[sflag:s9] =	ssyncset.done $0x0  }
0x47: {  	[sflag:s9] =	ssyncadd.s32 $0xFFFFFF80  }
0x48: {  	s12 =	simm.s32 @!p0 $0x1E80;
	s13 =	simm.s32 @!p0 $0x1;
	[bflag:$0x0] =	sbarrier.arrive $0xFFFF  }
0x49: {  	[tilespmem:s12], [sflag:$0x1] =	stream.linear.gather @!p0 [spmem:s4], $0x280, $0x38;
	[tilespmem:$0x2380] =	vst v63  }
0x4a: {  	s11 =	sadd.s32 $0x1, s11;
	_ =	swait.ge @!p0 [sflag:s13], $0x280  }
0x4b: {  	p1 =	sne.s32 s11, s7;
	[sflag:s13] =	ssyncset.done @!p0 $0x0  }
.Ltmp1:
0x4c: {  	s14 =	simm.s32 @!p0 $0x0;
	[sflag:s13] =	ssyncadd.s32 @!p0 $0xFFFFFD80;
	(pc) =	sbr.rel @p1 .LBB2_1-.Ltmp1, $4  }
0x4d: {  	[hbm4b:s6+s14] =	stream.linear.scatter @!p0 [tilespmem:s12], [sflag:$0x1], $0x280, $0x38;
	[tilespmem:$0x2380] =	vst v63  }
0x4e: {  	_ =	swait.ge @!p0 [sflag:s13], $0x280  }
0x4f: {  	[sflag:s13] =	ssyncset.done @!p0 $0x0  }
0x50: {  	[sflag:s13] =	ssyncadd.s32 @!p0 $0xFFFFFD80  }
0x51: {  	_ =	sfence.sel $0x180000  }
0x52: {  	[bflag:$0x0] =	sbarrier.arrive $0xFFFF  }
0x53: {  	p0 =	sne.s32 s1, $0x0;
	_ =	strace $0x90000047  }
0x54: {  	s0 =	sadd.s32 @!p0 $0x100000, s0;
	[bflag:$0x2] =	sbarrier.arrive $0xFFFF  }
0x55: {  	[sflag:s0] =	ssyncadd.tile.s32 @!p0 $0x1;
	_ =	shalt  }
.Lfunc_end2:
_tile_overlayer_lowered:
.L_overlay_start_2:
0x56: {  	(tag) =	ssettag $0x2  }
0x57: {  	s0 =	rddreg [dreg:$0x0];
	s2 =	stileid.u32  }
0x58: {  	s1 =	rddreg [dreg:$0x1];
	p0 =	sne.s32 s2, $0x0  }
0x59: {  	s3 =	rddreg [dreg:$0x2];
	[bflag:$0x3] =	sbarrier.arrive $0xFFFF;
	s2 =	simm.s32 @!p0 $0x1C01  }
0x5a: {  	[timem:s3], [sflag:s2] =	dma.local @!p0 [hbm:s0], s1  }
0x5b: {  	s0 =	simm.s32 @!p0 $0x1  }
0x5c: {  	_ =	swait.ge @!p0 [sflag:s0], s1  }
0x5d: {  	s1 =	ssub.s32 @!p0 $0x0, s1;
	[sflag:s0] =	ssyncset.done @!p0 $0x0  }
0x5e: {  	[sflag:s0] =	ssyncadd.s32 @!p0 s1  }
0x5f: {  	[bflag:$0x3] =	sbarrier.arrive $0xFFFF  }
0x60: {  	_ =	shalt  }

</sc_bundles>
